<compile_context>
chip_gen: v7x
topology: tpu7x:2x2x1
jax: 0.10.2.dev20260603
libtpu: 0.0.44.dev20260713+nightly
codegen_flags: <defaults>
</compile_context>

<pallas_src>
import functools

import jax
import jax.numpy as jnp
from jax import lax
from jax.experimental import pallas as pl
from jax.experimental.pallas import tpu as pltpu
from jax.experimental.pallas import tpu_sc as plsc

_N = 10000
_E = 160000
_DIN = 256
_DH = 128
_DOUT = 256
_NP = 10240
_HALF = _DH // 2
_CH = 80
_NCK = 125
_RPT = _NP // 16
_RB = 1024
_GRID = _NP // _RB

_sc_mesh = plsc.VectorSubcoreMesh(core_axis_name="c", subcore_axis_name="s")


def _deg_body(dst_hbm, out_hbm, dstv, hist):
    c = lax.axis_index("c")
    s = lax.axis_index("s")
    pltpu.sync_copy(dst_hbm.at[s], dstv)

    def zb(i, carry):
        hist[pl.ds(i * 16, 16)] = jnp.zeros((16,), jnp.float32)
        return carry

    lax.fori_loop(0, _NP // 16, zb, 0)
    ones = jnp.full((16,), 1.0, jnp.float32)

    def hb(i, carry):
        for k in range(_CH // 16):
            idx = dstv[i, pl.ds(k * 16, 16)]
            plsc.addupdate_scatter(hist, [idx], ones)
        return carry

    lax.fori_loop(c * 62, 62 + c * 63, hb, 0)
    wid = c * 16 + s
    pltpu.sync_copy(hist, out_hbm.at[wid])


_deg_kernel = functools.partial(
    pl.kernel,
    out_type=jax.ShapeDtypeStruct((32, _NP), jnp.float32),
    mesh=_sc_mesh,
    compiler_params=pltpu.CompilerParams(needs_layout_passes=False),
    scratch_types=[
        pltpu.VMEM((_NCK, _CH), jnp.int32),
        pltpu.VMEM((_NP,), jnp.float32),
    ],
)(_deg_body)


def _agg_body(z_hbm, dinv_hbm, bb_hbm, src_hbm, dst_hbm, out_hbm,
              srcv, dstv, b0, b1, zbuf, dinv_v, bbv, zs, acc, sems):
    c = lax.axis_index("c")
    s = lax.axis_index("s")
    base = s * _RPT
    pltpu.sync_copy(src_hbm.at[s], srcv)
    pltpu.sync_copy(dst_hbm.at[s], dstv)
    pltpu.sync_copy(dinv_hbm.at[pl.ds(base, _RPT)], dinv_v)
    pltpu.sync_copy(bb_hbm.at[c], bbv)

    def zb(i, carry):
        for k in range(_HALF // 16):
            zbuf[i, pl.ds(k * 16, 16)] = jnp.zeros((16,), jnp.float32)
        return carry

    lax.fori_loop(0, _CH, zb, 0)
    for k in range(_RPT // _CH):
        pltpu.sync_copy(z_hbm.at[c, pl.ds(base + k * _CH, _CH)],
                        zs.at[pl.ds(base + k * _CH, _CH)])
        pltpu.sync_copy(zbuf, acc.at[pl.ds(base + k * _CH, _CH)])
    plsc.subcore_barrier()

    def start(k, buf, sem):
        pltpu.async_copy(zs.at[srcv.at[k]], buf, sem)

    def wait(buf, sem):
        pltpu.make_async_copy(z_hbm.at[0, pl.ds(0, _CH)], buf, sem).wait()

    def scat(k, buf):
        pltpu.sync_copy(buf, acc.at[dstv.at[k]], add=True)

    def agg_pass():
        start(0, b0, sems.at[0])
        start(1, b1, sems.at[1])

        def body(j, carry):
            k = j * 2
            wait(b0, sems.at[0])
            scat(k, b0)

            @pl.when(k + 2 < _NCK)
            def _():
                start(k + 2, b0, sems.at[0])

            wait(b1, sems.at[1])
            scat(k + 1, b1)

            @pl.when(k + 3 < _NCK)
            def _():
                start(k + 3, b1, sems.at[1])

            return carry

        lax.fori_loop(0, (_NCK - 1) // 2, body, 0)
        wait(b0, sems.at[0])
        scat(_NCK - 1, b0)

    def epi(q, final):
        rb = base + q * _CH
        pltpu.sync_copy(acc.at[pl.ds(rb, _CH)], b0)
        pltpu.sync_copy(zs.at[pl.ds(rb, _CH)], b1)

        def rowfn(r, carry):
            db = dinv_v[q * _CH + r]
            for g in range(_HALF // 16):
                zv = b1[r, pl.ds(g * 16, 16)]
                av = b0[r, pl.ds(g * 16, 16)]
                if final:
                    b1[r, pl.ds(g * 16, 16)] = db * (zv + av)
                else:
                    bv = bbv[pl.ds(g * 16, 16)]
                    t = db * (zv + av) + bv
                    b1[r, pl.ds(g * 16, 16)] = db * jnp.maximum(t, 0.0)
            return carry

        lax.fori_loop(0, _CH, rowfn, 0)
        if final:
            pltpu.sync_copy(b1, out_hbm.at[c, pl.ds(rb, _CH)])
        else:
            pltpu.sync_copy(b1, zs.at[pl.ds(rb, _CH)])
            pltpu.sync_copy(zbuf, acc.at[pl.ds(rb, _CH)])

    agg_pass()
    plsc.subcore_barrier()
    for q in range(_RPT // _CH):
        epi(q, final=False)
    plsc.subcore_barrier()

    agg_pass()
    plsc.subcore_barrier()

    for q in range(_RPT // _CH):
        epi(q, final=True)


_agg_kernel = functools.partial(
    pl.kernel,
    out_type=jax.ShapeDtypeStruct((2, _NP, _HALF), jnp.float32),
    mesh=_sc_mesh,
    compiler_params=pltpu.CompilerParams(use_tc_tiling_on_sc=False),
    scratch_types=[
        pltpu.VMEM((_NCK, _CH), jnp.int32),
        pltpu.VMEM((_NCK, _CH), jnp.int32),
        pltpu.VMEM((_CH, _HALF), jnp.float32),
        pltpu.VMEM((_CH, _HALF), jnp.float32),
        pltpu.VMEM((_CH, _HALF), jnp.float32),
        pltpu.VMEM((_RPT, 16), jnp.float32),
        pltpu.VMEM((_HALF,), jnp.float32),
        pltpu.VMEM_SHARED((_NP, _HALF), jnp.float32),
        pltpu.VMEM_SHARED((_NP, _HALF), jnp.float32),
        pltpu.SemaphoreType.DMA((2,)),
    ],
)(_agg_body)


def _mm1_body(x_ref, w_ref, cnt_ref, z_ref, dinv_ref):
    i = pl.program_id(0)
    rows = i * _RB + lax.broadcasted_iota(jnp.int32, (_RB, 1), 0)
    valid = rows < _N
    xb = jnp.where(valid, x_ref[...], 0.0)
    h = jnp.dot(xb, w_ref[...], preferred_element_type=jnp.float32)
    deg = 1.0 + jnp.sum(cnt_ref[...], axis=0)[:, None]
    dinv = lax.rsqrt(deg)
    z = jnp.where(valid, h * dinv, 0.0)
    z_ref[0] = z[:, :_HALF]
    z_ref[1] = z[:, _HALF:]
    dinv_ref[...] = jnp.broadcast_to(dinv, (_RB, 16))


def _mm1(x, W1, cnt):
    return pl.pallas_call(
        _mm1_body,
        grid=(_GRID,),
        in_specs=[
            pl.BlockSpec((_RB, _DIN), lambda i: (i, 0)),
            pl.BlockSpec((_DIN, _DH), lambda i: (0, 0)),
            pl.BlockSpec((32, _RB), lambda i: (0, i)),
        ],
        out_specs=[
            pl.BlockSpec((2, _RB, _HALF), lambda i: (0, i, 0)),
            pl.BlockSpec((_RB, 16), lambda i: (i, 0)),
        ],
        out_shape=[
            jax.ShapeDtypeStruct((2, _NP, _HALF), jnp.float32),
            jax.ShapeDtypeStruct((_NP, 16), jnp.float32),
        ],
    )(x, W1, cnt)


def _mm2_body(sf_ref, w_ref, b_ref, o_ref):
    agg = jnp.concatenate([sf_ref[0], sf_ref[1]], axis=1)
    o_ref[...] = jnp.dot(agg, w_ref[...], preferred_element_type=jnp.float32) + b_ref[...]


def _mm2(sf, W2, b2):
    return pl.pallas_call(
        _mm2_body,
        grid=(_GRID,),
        in_specs=[
            pl.BlockSpec((2, _RB, _HALF), lambda i: (0, i, 0)),
            pl.BlockSpec((_DH, _DOUT), lambda i: (0, 0)),
            pl.BlockSpec((1, _DOUT), lambda i: (0, 0)),
        ],
        out_specs=pl.BlockSpec((_RB, _DOUT), lambda i: (i, 0)),
        out_shape=jax.ShapeDtypeStruct((_N, _DOUT), jnp.float32),
    )(sf, W2, b2)


def kernel(x, edge_index, W1, b1, W2, b2):
    ei = edge_index.astype(jnp.int32).reshape(2, 16, _NCK, _CH)
    srcr, dstr = ei[0], ei[1]

    cnt = _deg_kernel(dstr)
    z1, dinv = _mm1(x, W1, cnt)
    sf = _agg_kernel(z1, dinv, b1.reshape(2, _HALF), srcr, dstr)
    return _mm2(sf, W2, b2.reshape(1, _DOUT))

# --- scband reference (transcript-rebuilt; emitter-appended) ---
"""Pipeline reference for scband-gcn2-84954453115002 (READ-ONLY COPY).

The authoritative reference and input builder live on the scoring server;
editing this copy changes nothing except your own understanding.
"""

import jax, jax.numpy as jnp
import numpy as np

N_NODES = 10000
N_EDGES = 160000
D_IN = 256
D_HID = 128
D_OUT = 256


def setup_inputs(seed: int = 0) -> dict:
    key = jax.random.key(seed)
    k1, k2, k3, k4, k5, k6 = jax.random.split(key, 6)
    x = jax.random.normal(k1, (N_NODES, D_IN), dtype=jnp.float32)
    edge_index = jax.random.randint(k2, (2, N_EDGES), 0, N_NODES, dtype=jnp.int64)
    # GCNConv linear weights (glorot-ish) and zero biases, matching PyG GCNConv
    W1 = jax.random.normal(k3, (D_IN, D_HID), dtype=jnp.float32) * (1.0 / np.sqrt(D_IN))
    b1 = jnp.zeros((D_HID,), dtype=jnp.float32)
    W2 = jax.random.normal(k4, (D_HID, D_OUT), dtype=jnp.float32) * (1.0 / np.sqrt(D_HID))
    b2 = jnp.zeros((D_OUT,), dtype=jnp.float32)
    return {"x": x, "edge_index": edge_index, "W1": W1, "b1": b1, "W2": W2, "b2": b2}


def _gcn_conv(x, src, dst, ew, W, b, num_nodes):
    # x' = W x ; out_i = sum_j norm_ij * x'_j ; symmetric normalization with self-loops
    deg = jnp.zeros((num_nodes,), dtype=x.dtype).at[dst].add(ew)
    dinv = jnp.where(deg > 0, 1.0 / jnp.sqrt(deg), 0.0)
    norm = dinv[src] * ew * dinv[dst]
    h = x @ W
    msgs = h[src] * norm[:, None]
    out = jnp.zeros((num_nodes, h.shape[1]), dtype=x.dtype).at[dst].add(msgs)
    return out + b


def reference(x, edge_index, W1, b1, W2, b2):
    num_nodes = x.shape[0]
    # add self-loops once (shared by both convs, edge_weight=None -> ones)
    loop = jnp.arange(num_nodes, dtype=edge_index.dtype)
    src = jnp.concatenate([edge_index[0], loop])
    dst = jnp.concatenate([edge_index[1], loop])
    ew = jnp.ones((src.shape[0],), dtype=x.dtype)
    h = _gcn_conv(x, src, dst, ew, W1, b1, num_nodes)
    h = jax.nn.relu(h)
    # dropout is identity in eval mode (training=False)
    out = _gcn_conv(h, src, dst, ew, W2, b2, num_nodes)
    return out

if __name__ == "__main__":
    import jax
    _d = setup_inputs()
    print(jax.jit(kernel)(*tuple(_d.values())))

</pallas_src>

<mosaic_0001>
#map = affine_map<(d0, d1) -> (0, 0, 0)>
#map1 = affine_map<(d0, d1) -> (0, 0)>
module attributes {stable_mosaic.version = 14 : i64} {
  func.func @_deg_body(%arg0: i32, %arg1: i32, %arg2: memref<16x125x80xi32, #tpu.memory_space<hbm>>, %arg3: memref<32x10240xf32, #tpu.memory_space<hbm>>, %arg4: memref<125x80xi32, #tpu.memory_space<vmem>>, %arg5: memref<10240xf32, #tpu.memory_space<vmem>>) attributes {dimension_semantics = [#tpu.dimension_semantics<core_parallel>, #tpu.dimension_semantics<subcore_parallel>], iteration_bounds = array<i64: 2, 16>, scalar_prefetch = 0 : i64, scratch_operands = 2 : i64, tpu.core_type = #tpu.core_type<sc_vector_subcore>, window_params = [{transform_indices = #map}, {transform_indices = #map1}]} {
    "tpu.region"() ({
      %run_scoped3A = tpu.sem_alloc : memref<!tpu.dma_semaphore, #tpu.memory_space<semaphore_mem>>
      %dma_start3A = arith.constant 0 : i32
      %dma_start3A_21 = arith.constant 0 : i32
      %dma_start3A_22 = tpu.memref_slice %arg2[%arg1, %dma_start3A, %dma_start3A_21] : memref<16x125x80xi32, #tpu.memory_space<hbm>> -> memref<1x125x80xi32, #tpu.memory_space<hbm>>
      %dma_start3A_23 = tpu.memref_squeeze %dma_start3A_22 : memref<1x125x80xi32, #tpu.memory_space<hbm>> -> memref<125x80xi32, #tpu.memory_space<hbm>>
      %dma_start3A_24 = arith.constant 0 : i32
      %dma_start3A_25 = arith.constant 0 : i32
      %dma_start3A_26 = tpu.memref_slice %arg2[%arg1, %dma_start3A_24, %dma_start3A_25] : memref<16x125x80xi32, #tpu.memory_space<hbm>> -> memref<1x125x80xi32, #tpu.memory_space<hbm>>
      %dma_start3A_27 = tpu.memref_squeeze %dma_start3A_26 : memref<1x125x80xi32, #tpu.memory_space<hbm>> -> memref<125x80xi32, #tpu.memory_space<hbm>>
      tpu.enqueue_dma source(%dma_start3A_27 : memref<125x80xi32, #tpu.memory_space<hbm>>) target(%arg4 : memref<125x80xi32, #tpu.memory_space<vmem>>) target_semaphore(%run_scoped3A : memref<!tpu.dma_semaphore, #tpu.memory_space<semaphore_mem>>)
      %dma_wait3A = arith.constant 0 : i32
      %dma_wait3A_28 = arith.constant 0 : i32
      %dma_wait3A_29 = tpu.memref_slice %arg2[%arg1, %dma_wait3A, %dma_wait3A_28] : memref<16x125x80xi32, #tpu.memory_space<hbm>> -> memref<1x125x80xi32, #tpu.memory_space<hbm>>
      %dma_wait3A_30 = tpu.memref_squeeze %dma_wait3A_29 : memref<1x125x80xi32, #tpu.memory_space<hbm>> -> memref<125x80xi32, #tpu.memory_space<hbm>>
      %dma_wait3A_31 = arith.constant 0 : i32
      %dma_wait3A_32 = arith.constant 0 : i32
      %dma_wait3A_33 = tpu.memref_slice %arg2[%arg1, %dma_wait3A_31, %dma_wait3A_32] : memref<16x125x80xi32, #tpu.memory_space<hbm>> -> memref<1x125x80xi32, #tpu.memory_space<hbm>>
      %dma_wait3A_34 = tpu.memref_squeeze %dma_wait3A_33 : memref<1x125x80xi32, #tpu.memory_space<hbm>> -> memref<125x80xi32, #tpu.memory_space<hbm>>
      tpu.wait_dma2 semaphore(%run_scoped3A : memref<!tpu.dma_semaphore, #tpu.memory_space<semaphore_mem>>) src(%dma_wait3A_34 : memref<125x80xi32, #tpu.memory_space<hbm>>) dst(%arg4 : memref<125x80xi32, #tpu.memory_space<vmem>>)
      tpu.yield
    }) : () -> ()
    %scan3A = arith.constant 0 : i32
    %scan3A_0 = arith.constant 0 : i32
    %scan3A_1 = arith.constant 640 : i32
    %scan3A_2 = arith.addi %scan3A_0, %scan3A_1 : i32
    %scan3A_3 = arith.constant 1 : i32
    scf.for %scan3A_21 = %scan3A_0 to %scan3A_2 step %scan3A_3  : i32 {
      %broadcast_in_dim3A_22 = arith.constant 0.000000e+00 : f32
      %broadcast_in_dim3A_23 = vector.broadcast %broadcast_in_dim3A_22 : f32 to vector<16xf32>
      %mul3A_24 = arith.constant 16 : i32
      %mul3A_25 = arith.muli %scan3A_21, %mul3A_24 : i32
      %swap3A = arith.index_cast %mul3A_25 : i32 to index
      %swap3A_26 = tpu.vector_load %arg5[%swap3A] {strides = array<i32>} : memref<10240xf32, #tpu.memory_space<vmem>>, vector<16xf32>,
      tpu.vector_store %arg5[%swap3A], %broadcast_in_dim3A_23 {strides = array<i32>} : memref<10240xf32, #tpu.memory_space<vmem>>, vector<16xf32>,
    }
    %scan3A_4 = arith.constant 640 : i32
    %broadcast_in_dim3A = arith.constant 1.000000e+00 : f32
    %broadcast_in_dim3A_5 = vector.broadcast %broadcast_in_dim3A : f32 to vector<16xf32>
    %mul3A = arith.constant 62 : i32
    %mul3A_6 = arith.muli %arg0, %mul3A : i32
    %mul3A_7 = arith.constant 63 : i32
    %mul3A_8 = arith.muli %arg0, %mul3A_7 : i32
    %add3A = arith.constant 62 : i32
    %add3A_9 = arith.addi %add3A, %mul3A_8 : i32
    %while3A = arith.constant 0 : i32
    %while3A_10 = arith.subi %add3A_9, %mul3A_6 : i32
    %while3A_11 = arith.addi %mul3A_6, %while3A_10 : i32
    %while3A_12 = arith.constant 1 : i32
    %while3A_13 = arith.divsi %while3A_10, %while3A_12 : i32
    %while3A_14 = arith.muli %while3A_13, %while3A_12 : i32
    %while3A_15 = arith.addi %mul3A_6, %while3A_14 : i32
    %while3A_16 = arith.constant 1 : i32
    scf.for %while3A_21 = %mul3A_6 to %while3A_15 step %while3A_16  : i32 {
      %get3A = arith.index_cast %while3A_21 : i32 to index
      %get3A_22 = arith.constant 0 : index
      %get3A_23 = tpu.vector_load %arg4[%get3A, %get3A_22] {strides = array<i32>} : memref<125x80xi32, #tpu.memory_space<vmem>>, vector<16xi32>,
      tpu.vector_store_idx %arg5[%get3A_23], %broadcast_in_dim3A_5 {add = true} : memref<10240xf32, #tpu.memory_space<vmem>>[vector<16xi32>], vector<16xf32>,
      %get3A_24 = arith.index_cast %while3A_21 : i32 to index
      %get3A_25 = arith.constant 16 : index
      %get3A_26 = tpu.vector_load %arg4[%get3A_24, %get3A_25] {strides = array<i32>} : memref<125x80xi32, #tpu.memory_space<vmem>>, vector<16xi32>,
      tpu.vector_store_idx %arg5[%get3A_26], %broadcast_in_dim3A_5 {add = true} : memref<10240xf32, #tpu.memory_space<vmem>>[vector<16xi32>], vector<16xf32>,
      %get3A_27 = arith.index_cast %while3A_21 : i32 to index
      %get3A_28 = arith.constant 32 : index
      %get3A_29 = tpu.vector_load %arg4[%get3A_27, %get3A_28] {strides = array<i32>} : memref<125x80xi32, #tpu.memory_space<vmem>>, vector<16xi32>,
      tpu.vector_store_idx %arg5[%get3A_29], %broadcast_in_dim3A_5 {add = true} : memref<10240xf32, #tpu.memory_space<vmem>>[vector<16xi32>], vector<16xf32>,
      %get3A_30 = arith.index_cast %while3A_21 : i32 to index
      %get3A_31 = arith.constant 48 : index
      %get3A_32 = tpu.vector_load %arg4[%get3A_30, %get3A_31] {strides = array<i32>} : memref<125x80xi32, #tpu.memory_space<vmem>>, vector<16xi32>,
      tpu.vector_store_idx %arg5[%get3A_32], %broadcast_in_dim3A_5 {add = true} : memref<10240xf32, #tpu.memory_space<vmem>>[vector<16xi32>], vector<16xf32>,
      %get3A_33 = arith.index_cast %while3A_21 : i32 to index
      %get3A_34 = arith.constant 64 : index
      %get3A_35 = tpu.vector_load %arg4[%get3A_33, %get3A_34] {strides = array<i32>} : memref<125x80xi32, #tpu.memory_space<vmem>>, vector<16xi32>,
      tpu.vector_store_idx %arg5[%get3A_35], %broadcast_in_dim3A_5 {add = true} : memref<10240xf32, #tpu.memory_space<vmem>>[vector<16xi32>], vector<16xf32>,
    }
    %while3A_17 = arith.constant 1 : i32
    scf.for %while3A_21 = %while3A_15 to %while3A_11 step %while3A_17  : i32 {
      %get3A = arith.index_cast %while3A_21 : i32 to index
      %get3A_22 = arith.constant 0 : index
      %get3A_23 = tpu.vector_load %arg4[%get3A, %get3A_22] {strides = array<i32>} : memref<125x80xi32, #tpu.memory_space<vmem>>, vector<16xi32>,
      tpu.vector_store_idx %arg5[%get3A_23], %broadcast_in_dim3A_5 {add = true} : memref<10240xf32, #tpu.memory_space<vmem>>[vector<16xi32>], vector<16xf32>,
      %get3A_24 = arith.index_cast %while3A_21 : i32 to index
      %get3A_25 = arith.constant 16 : index
      %get3A_26 = tpu.vector_load %arg4[%get3A_24, %get3A_25] {strides = array<i32>} : memref<125x80xi32, #tpu.memory_space<vmem>>, vector<16xi32>,
      tpu.vector_store_idx %arg5[%get3A_26], %broadcast_in_dim3A_5 {add = true} : memref<10240xf32, #tpu.memory_space<vmem>>[vector<16xi32>], vector<16xf32>,
      %get3A_27 = arith.index_cast %while3A_21 : i32 to index
      %get3A_28 = arith.constant 32 : index
      %get3A_29 = tpu.vector_load %arg4[%get3A_27, %get3A_28] {strides = array<i32>} : memref<125x80xi32, #tpu.memory_space<vmem>>, vector<16xi32>,
      tpu.vector_store_idx %arg5[%get3A_29], %broadcast_in_dim3A_5 {add = true} : memref<10240xf32, #tpu.memory_space<vmem>>[vector<16xi32>], vector<16xf32>,
      %get3A_30 = arith.index_cast %while3A_21 : i32 to index
      %get3A_31 = arith.constant 48 : index
      %get3A_32 = tpu.vector_load %arg4[%get3A_30, %get3A_31] {strides = array<i32>} : memref<125x80xi32, #tpu.memory_space<vmem>>, vector<16xi32>,
      tpu.vector_store_idx %arg5[%get3A_32], %broadcast_in_dim3A_5 {add = true} : memref<10240xf32, #tpu.memory_space<vmem>>[vector<16xi32>], vector<16xf32>,
      %get3A_33 = arith.index_cast %while3A_21 : i32 to index
      %get3A_34 = arith.constant 64 : index
      %get3A_35 = tpu.vector_load %arg4[%get3A_33, %get3A_34] {strides = array<i32>} : memref<125x80xi32, #tpu.memory_space<vmem>>, vector<16xi32>,
      tpu.vector_store_idx %arg5[%get3A_35], %broadcast_in_dim3A_5 {add = true} : memref<10240xf32, #tpu.memory_space<vmem>>[vector<16xi32>], vector<16xf32>,
    }
    %mul3A_18 = arith.constant 16 : i32
    %mul3A_19 = arith.muli %arg0, %mul3A_18 : i32
    %add3A_20 = arith.addi %mul3A_19, %arg1 : i32
    "tpu.region"() ({
      %run_scoped3A = tpu.sem_alloc : memref<!tpu.dma_semaphore, #tpu.memory_space<semaphore_mem>>
      %dma_start3A = arith.constant 0 : i32
      %dma_start3A_21 = tpu.memref_slice %arg3[%add3A_20, %dma_start3A] : memref<32x10240xf32, #tpu.memory_space<hbm>> -> memref<1x10240xf32, #tpu.memory_space<hbm>>
      %dma_start3A_22 = tpu.memref_squeeze %dma_start3A_21 : memref<1x10240xf32, #tpu.memory_space<hbm>> -> memref<10240xf32, #tpu.memory_space<hbm>>
      %dma_start3A_23 = arith.constant 0 : i32
      %dma_start3A_24 = tpu.memref_slice %arg3[%add3A_20, %dma_start3A_23] : memref<32x10240xf32, #tpu.memory_space<hbm>> -> memref<1x10240xf32, #tpu.memory_space<hbm>>
      %dma_start3A_25 = tpu.memref_squeeze %dma_start3A_24 : memref<1x10240xf32, #tpu.memory_space<hbm>> -> memref<10240xf32, #tpu.memory_space<hbm>>
      tpu.enqueue_dma source(%arg5 : memref<10240xf32, #tpu.memory_space<vmem>>) target(%dma_start3A_25 : memref<10240xf32, #tpu.memory_space<hbm>>) target_semaphore(%run_scoped3A : memref<!tpu.dma_semaphore, #tpu.memory_space<semaphore_mem>>)
      %dma_wait3A = arith.constant 0 : i32
      %dma_wait3A_26 = tpu.memref_slice %arg3[%add3A_20, %dma_wait3A] : memref<32x10240xf32, #tpu.memory_space<hbm>> -> memref<1x10240xf32, #tpu.memory_space<hbm>>
      %dma_wait3A_27 = tpu.memref_squeeze %dma_wait3A_26 : memref<1x10240xf32, #tpu.memory_space<hbm>> -> memref<10240xf32, #tpu.memory_space<hbm>>
      %dma_wait3A_28 = arith.constant 0 : i32
      %dma_wait3A_29 = tpu.memref_slice %arg3[%add3A_20, %dma_wait3A_28] : memref<32x10240xf32, #tpu.memory_space<hbm>> -> memref<1x10240xf32, #tpu.memory_space<hbm>>
      %dma_wait3A_30 = tpu.memref_squeeze %dma_wait3A_29 : memref<1x10240xf32, #tpu.memory_space<hbm>> -> memref<10240xf32, #tpu.memory_space<hbm>>
      tpu.wait_dma2 semaphore(%run_scoped3A : memref<!tpu.dma_semaphore, #tpu.memory_space<semaphore_mem>>) src(%arg5 : memref<10240xf32, #tpu.memory_space<vmem>>) dst(%dma_wait3A_30 : memref<10240xf32, #tpu.memory_space<hbm>>)
      tpu.yield
    }) : () -> ()
    return
  }
}

#map = affine_map<(d0, d1) -> (0, 0, 0)>
#map1 = affine_map<(d0, d1) -> (0, 0)>
module attributes {stable_mosaic.version = 14 : i64} {
  func.func @_agg_body(%arg0: i32, %arg1: i32, %arg2: memref<2x10240x64xf32, #tpu.memory_space<hbm>>, %arg3: memref<10240x16xf32, #tpu.memory_space<hbm>>, %arg4: memref<2x64xf32, #tpu.memory_space<hbm>>, %arg5: memref<16x125x80xi32, #tpu.memory_space<hbm>>, %arg6: memref<16x125x80xi32, #tpu.memory_space<hbm>>, %arg7: memref<2x10240x64xf32, #tpu.memory_space<hbm>>, %arg8: memref<125x80xi32, #tpu.memory_space<vmem>>, %arg9: memref<125x80xi32, #tpu.memory_space<vmem>>, %arg10: memref<80x64xf32, #tpu.memory_space<vmem>>, %arg11: memref<80x64xf32, #tpu.memory_space<vmem>>, %arg12: memref<80x64xf32, #tpu.memory_space<vmem>>, %arg13: memref<640x16xf32, #tpu.memory_space<vmem>>, %arg14: memref<64xf32, #tpu.memory_space<vmem>>, %arg15: memref<10240x64xf32, #tpu.memory_space<vmem_shared>>, %arg16: memref<10240x64xf32, #tpu.memory_space<vmem_shared>>, %arg17: memref<2x!tpu.dma_semaphore, #tpu.memory_space<semaphore_mem>>) attributes {dimension_semantics = [#tpu.dimension_semantics<core_parallel>, #tpu.dimension_semantics<subcore_parallel>], iteration_bounds = array<i64: 2, 16>, scalar_prefetch = 0 : i64, scratch_operands = 10 : i64, tpu.core_type = #tpu.core_type<sc_vector_subcore>, window_params = [{transform_indices = #map}, {transform_indices = #map1}, {transform_indices = #map1}, {transform_indices = #map}, {transform_indices = #map}, {transform_indices = #map}]} {
    %mul3A = arith.constant 640 : i32
    %mul3A_0 = arith.muli %arg1, %mul3A : i32
    "tpu.region"() ({
      %run_scoped3A_259 = tpu.sem_alloc : memref<!tpu.dma_semaphore, #tpu.memory_space<semaphore_mem>>
      %dma_start3A_260 = arith.constant 0 : i32
      %dma_start3A_261 = arith.constant 0 : i32
      %dma_start3A_262 = tpu.memref_slice %arg5[%arg1, %dma_start3A_260, %dma_start3A_261] : memref<16x125x80xi32, #tpu.memory_space<hbm>> -> memref<1x125x80xi32, #tpu.memory_space<hbm>>
      %dma_start3A_263 = tpu.memref_squeeze %dma_start3A_262 : memref<1x125x80xi32, #tpu.memory_space<hbm>> -> memref<125x80xi32, #tpu.memory_space<hbm>>
      %dma_start3A_264 = arith.constant 0 : i32
      %dma_start3A_265 = arith.constant 0 : i32
      %dma_start3A_266 = tpu.memref_slice %arg5[%arg1, %dma_start3A_264, %dma_start3A_265] : memref<16x125x80xi32, #tpu.memory_space<hbm>> -> memref<1x125x80xi32, #tpu.memory_space<hbm>>
      %dma_start3A_267 = tpu.memref_squeeze %dma_start3A_266 : memref<1x125x80xi32, #tpu.memory_space<hbm>> -> memref<125x80xi32, #tpu.memory_space<hbm>>
      tpu.enqueue_dma source(%dma_start3A_267 : memref<125x80xi32, #tpu.memory_space<hbm>>) target(%arg8 : memref<125x80xi32, #tpu.memory_space<vmem>>) target_semaphore(%run_scoped3A_259 : memref<!tpu.dma_semaphore, #tpu.memory_space<semaphore_mem>>)
      %dma_wait3A_268 = arith.constant 0 : i32
      %dma_wait3A_269 = arith.constant 0 : i32
      %dma_wait3A_270 = tpu.memref_slice %arg5[%arg1, %dma_wait3A_268, %dma_wait3A_269] : memref<16x125x80xi32, #tpu.memory_space<hbm>> -> memref<1x125x80xi32, #tpu.memory_space<hbm>>
      %dma_wait3A_271 = tpu.memref_squeeze %dma_wait3A_270 : memref<1x125x80xi32, #tpu.memory_space<hbm>> -> memref<125x80xi32, #tpu.memory_space<hbm>>
      %dma_wait3A_272 = arith.constant 0 : i32
      %dma_wait3A_273 = arith.constant 0 : i32
      %dma_wait3A_274 = tpu.memref_slice %arg5[%arg1, %dma_wait3A_272, %dma_wait3A_273] : memref<16x125x80xi32, #tpu.memory_space<hbm>> -> memref<1x125x80xi32, #tpu.memory_space<hbm>>
      %dma_wait3A_275 = tpu.memref_squeeze %dma_wait3A_274 : memref<1x125x80xi32, #tpu.memory_space<hbm>> -> memref<125x80xi32, #tpu.memory_space<hbm>>
      tpu.wait_dma2 semaphore(%run_scoped3A_259 : memref<!tpu.dma_semaphore, #tpu.memory_space<semaphore_mem>>) src(%dma_wait3A_275 : memref<125x80xi32, #tpu.memory_space<hbm>>) dst(%arg8 : memref<125x80xi32, #tpu.memory_space<vmem>>)
      tpu.yield
    }) : () -> ()
    "tpu.region"() ({
      %run_scoped3A_259 = tpu.sem_alloc : memref<!tpu.dma_semaphore, #tpu.memory_space<semaphore_mem>>
      %dma_start3A_260 = arith.constant 0 : i32
      %dma_start3A_261 = arith.constant 0 : i32
      %dma_start3A_262 = tpu.memref_slice %arg6[%arg1, %dma_start3A_260, %dma_start3A_261] : memref<16x125x80xi32, #tpu.memory_space<hbm>> -> memref<1x125x80xi32, #tpu.memory_space<hbm>>
      %dma_start3A_263 = tpu.memref_squeeze %dma_start3A_262 : memref<1x125x80xi32, #tpu.memory_space<hbm>> -> memref<125x80xi32, #tpu.memory_space<hbm>>
      %dma_start3A_264 = arith.constant 0 : i32
      %dma_start3A_265 = arith.constant 0 : i32
      %dma_start3A_266 = tpu.memref_slice %arg6[%arg1, %dma_start3A_264, %dma_start3A_265] : memref<16x125x80xi32, #tpu.memory_space<hbm>> -> memref<1x125x80xi32, #tpu.memory_space<hbm>>
      %dma_start3A_267 = tpu.memref_squeeze %dma_start3A_266 : memref<1x125x80xi32, #tpu.memory_space<hbm>> -> memref<125x80xi32, #tpu.memory_space<hbm>>
      tpu.enqueue_dma source(%dma_start3A_267 : memref<125x80xi32, #tpu.memory_space<hbm>>) target(%arg9 : memref<125x80xi32, #tpu.memory_space<vmem>>) target_semaphore(%run_scoped3A_259 : memref<!tpu.dma_semaphore, #tpu.memory_space<semaphore_mem>>)
      %dma_wait3A_268 = arith.constant 0 : i32
      %dma_wait3A_269 = arith.constant 0 : i32
      %dma_wait3A_270 = tpu.memref_slice %arg6[%arg1, %dma_wait3A_268, %dma_wait3A_269] : memref<16x125x80xi32, #tpu.memory_space<hbm>> -> memref<1x125x80xi32, #tpu.memory_space<hbm>>
      %dma_wait3A_271 = tpu.memref_squeeze %dma_wait3A_270 : memref<1x125x80xi32, #tpu.memory_space<hbm>> -> memref<125x80xi32, #tpu.memory_space<hbm>>
      %dma_wait3A_272 = arith.constant 0 : i32
      %dma_wait3A_273 = arith.constant 0 : i32
      %dma_wait3A_274 = tpu.memref_slice %arg6[%arg1, %dma_wait3A_272, %dma_wait3A_273] : memref<16x125x80xi32, #tpu.memory_space<hbm>> -> memref<1x125x80xi32, #tpu.memory_space<hbm>>
      %dma_wait3A_275 = tpu.memref_squeeze %dma_wait3A_274 : memref<1x125x80xi32, #tpu.memory_space<hbm>> -> memref<125x80xi32, #tpu.memory_space<hbm>>
      tpu.wait_dma2 semaphore(%run_scoped3A_259 : memref<!tpu.dma_semaphore, #tpu.memory_space<semaphore_mem>>) src(%dma_wait3A_275 : memref<125x80xi32, #tpu.memory_space<hbm>>) dst(%arg9 : memref<125x80xi32, #tpu.memory_space<vmem>>)
      tpu.yield
    }) : () -> ()
    "tpu.region"() ({
      %run_scoped3A_259 = tpu.sem_alloc : memref<!tpu.dma_semaphore, #tpu.memory_space<semaphore_mem>>
      %dma_start3A_260 = arith.constant 0 : i32
      %dma_start3A_261 = tpu.memref_slice %arg3[%mul3A_0, %dma_start3A_260] : memref<10240x16xf32, #tpu.memory_space<hbm>> -> memref<640x16xf32, #tpu.memory_space<hbm>>
      %dma_start3A_262 = arith.constant 0 : i32
      %dma_start3A_263 = tpu.memref_slice %arg3[%mul3A_0, %dma_start3A_262] : memref<10240x16xf32, #tpu.memory_space<hbm>> -> memref<640x16xf32, #tpu.memory_space<hbm>>
      tpu.enqueue_dma source(%dma_start3A_263 : memref<640x16xf32, #tpu.memory_space<hbm>>) target(%arg13 : memref<640x16xf32, #tpu.memory_space<vmem>>) target_semaphore(%run_scoped3A_259 : memref<!tpu.dma_semaphore, #tpu.memory_space<semaphore_mem>>)
      %dma_wait3A_264 = arith.constant 0 : i32
      %dma_wait3A_265 = tpu.memref_slice %arg3[%mul3A_0, %dma_wait3A_264] : memref<10240x16xf32, #tpu.memory_space<hbm>> -> memref<640x16xf32, #tpu.memory_space<hbm>>
      %dma_wait3A_266 = arith.constant 0 : i32
      %dma_wait3A_267 = tpu.memref_slice %arg3[%mul3A_0, %dma_wait3A_266] : memref<10240x16xf32, #tpu.memory_space<hbm>> -> memref<640x16xf32, #tpu.memory_space<hbm>>
      tpu.wait_dma2 semaphore(%run_scoped3A_259 : memref<!tpu.dma_semaphore, #tpu.memory_space<semaphore_mem>>) src(%dma_wait3A_267 : memref<640x16xf32, #tpu.memory_space<hbm>>) dst(%arg13 : memref<640x16xf32, #tpu.memory_space<vmem>>)
      tpu.yield
    }) : () -> ()
    "tpu.region"() ({
      %run_scoped3A_259 = tpu.sem_alloc : memref<!tpu.dma_semaphore, #tpu.memory_space<semaphore_mem>>
      %dma_start3A_260 = arith.constant 0 : i32
      %dma_start3A_261 = tpu.memref_slice %arg4[%arg0, %dma_start3A_260] : memref<2x64xf32, #tpu.memory_space<hbm>> -> memref<1x64xf32, #tpu.memory_space<hbm>>
      %dma_start3A_262 = tpu.memref_squeeze %dma_start3A_261 : memref<1x64xf32, #tpu.memory_space<hbm>> -> memref<64xf32, #tpu.memory_space<hbm>>
      %dma_start3A_263 = arith.constant 0 : i32
      %dma_start3A_264 = tpu.memref_slice %arg4[%arg0, %dma_start3A_263] : memref<2x64xf32, #tpu.memory_space<hbm>> -> memref<1x64xf32, #tpu.memory_space<hbm>>
      %dma_start3A_265 = tpu.memref_squeeze %dma_start3A_264 : memref<1x64xf32, #tpu.memory_space<hbm>> -> memref<64xf32, #tpu.memory_space<hbm>>
      tpu.enqueue_dma source(%dma_start3A_265 : memref<64xf32, #tpu.memory_space<hbm>>) target(%arg14 : memref<64xf32, #tpu.memory_space<vmem>>) target_semaphore(%run_scoped3A_259 : memref<!tpu.dma_semaphore, #tpu.memory_space<semaphore_mem>>)
      %dma_wait3A_266 = arith.constant 0 : i32
      %dma_wait3A_267 = tpu.memref_slice %arg4[%arg0, %dma_wait3A_266] : memref<2x64xf32, #tpu.memory_space<hbm>> -> memref<1x64xf32, #tpu.memory_space<hbm>>
      %dma_wait3A_268 = tpu.memref_squeeze %dma_wait3A_267 : memref<1x64xf32, #tpu.memory_space<hbm>> -> memref<64xf32, #tpu.memory_space<hbm>>
      %dma_wait3A_269 = arith.constant 0 : i32
      %dma_wait3A_270 = tpu.memref_slice %arg4[%arg0, %dma_wait3A_269] : memref<2x64xf32, #tpu.memory_space<hbm>> -> memref<1x64xf32, #tpu.memory_space<hbm>>
      %dma_wait3A_271 = tpu.memref_squeeze %dma_wait3A_270 : memref<1x64xf32, #tpu.memory_space<hbm>> -> memref<64xf32, #tpu.memory_space<hbm>>
      tpu.wait_dma2 semaphore(%run_scoped3A_259 : memref<!tpu.dma_semaphore, #tpu.memory_space<semaphore_mem>>) src(%dma_wait3A_271 : memref<64xf32, #tpu.memory_space<hbm>>) dst(%arg14 : memref<64xf32, #tpu.memory_space<vmem>>)
      tpu.yield
    }) : () -> ()
    %scan3A = arith.constant 0 : i32
    %scan3A_1 = arith.constant 0 : i32
    %scan3A_2 = arith.constant 80 : i32
    %scan3A_3 = arith.addi %scan3A_1, %scan3A_2 : i32
    %scan3A_4 = arith.constant 1 : i32
    scf.for %scan3A_259 = %scan3A_1 to %scan3A_3 step %scan3A_4  : i32 {
      %broadcast_in_dim3A = arith.constant 0.000000e+00 : f32
      %broadcast_in_dim3A_260 = vector.broadcast %broadcast_in_dim3A : f32 to vector<16xf32>
      %swap3A = arith.index_cast %scan3A_259 : i32 to index
      %swap3A_261 = arith.constant 0 : index
      %swap3A_262 = tpu.vector_load %arg12[%swap3A, %swap3A_261] {strides = array<i32>} : memref<80x64xf32, #tpu.memory_space<vmem>>, vector<1x16xf32>,
      %swap3A_263 = vector.shape_cast %swap3A_262 : vector<1x16xf32> to vector<16xf32>
      %swap3A_264 = vector.shape_cast %broadcast_in_dim3A_260 : vector<16xf32> to vector<1x16xf32>
      tpu.vector_store %arg12[%swap3A, %swap3A_261], %swap3A_264 {strides = array<i32>} : memref<80x64xf32, #tpu.memory_space<vmem>>, vector<1x16xf32>,
      %broadcast_in_dim3A_265 = arith.constant 0.000000e+00 : f32
      %broadcast_in_dim3A_266 = vector.broadcast %broadcast_in_dim3A_265 : f32 to vector<16xf32>
      %swap3A_267 = arith.index_cast %scan3A_259 : i32 to index
      %swap3A_268 = arith.constant 16 : index
      %swap3A_269 = tpu.vector_load %arg12[%swap3A_267, %swap3A_268] {strides = array<i32>} : memref<80x64xf32, #tpu.memory_space<vmem>>, vector<1x16xf32>,
      %swap3A_270 = vector.shape_cast %swap3A_269 : vector<1x16xf32> to vector<16xf32>
      %swap3A_271 = vector.shape_cast %broadcast_in_dim3A_266 : vector<16xf32> to vector<1x16xf32>
      tpu.vector_store %arg12[%swap3A_267, %swap3A_268], %swap3A_271 {strides = array<i32>} : memref<80x64xf32, #tpu.memory_space<vmem>>, vector<1x16xf32>,
      %broadcast_in_dim3A_272 = arith.constant 0.000000e+00 : f32
      %broadcast_in_dim3A_273 = vector.broadcast %broadcast_in_dim3A_272 : f32 to vector<16xf32>
      %swap3A_274 = arith.index_cast %scan3A_259 : i32 to index
      %swap3A_275 = arith.constant 32 : index
      %swap3A_276 = tpu.vector_load %arg12[%swap3A_274, %swap3A_275] {strides = array<i32>} : memref<80x64xf32, #tpu.memory_space<vmem>>, vector<1x16xf32>,
      %swap3A_277 = vector.shape_cast %swap3A_276 : vector<1x16xf32> to vector<16xf32>
      %swap3A_278 = vector.shape_cast %broadcast_in_dim3A_273 : vector<16xf32> to vector<1x16xf32>
      tpu.vector_store %arg12[%swap3A_274, %swap3A_275], %swap3A_278 {strides = array<i32>} : memref<80x64xf32, #tpu.memory_space<vmem>>, vector<1x16xf32>,
      %broadcast_in_dim3A_279 = arith.constant 0.000000e+00 : f32
      %broadcast_in_dim3A_280 = vector.broadcast %broadcast_in_dim3A_279 : f32 to vector<16xf32>
      %swap3A_281 = arith.index_cast %scan3A_259 : i32 to index
      %swap3A_282 = arith.constant 48 : index
      %swap3A_283 = tpu.vector_load %arg12[%swap3A_281, %swap3A_282] {strides = array<i32>} : memref<80x64xf32, #tpu.memory_space<vmem>>, vector<1x16xf32>,
      %swap3A_284 = vector.shape_cast %swap3A_283 : vector<1x16xf32> to vector<16xf32>
      %swap3A_285 = vector.shape_cast %broadcast_in_dim3A_280 : vector<16xf32> to vector<1x16xf32>
      tpu.vector_store %arg12[%swap3A_281, %swap3A_282], %swap3A_285 {strides = array<i32>} : memref<80x64xf32, #tpu.memory_space<vmem>>, vector<1x16xf32>,
    }
    %scan3A_5 = arith.constant 80 : i32
    %add3A = arith.constant 0 : i32
    %add3A_6 = arith.addi %mul3A_0, %add3A : i32
    %add3A_7 = arith.constant 0 : i32
    %add3A_8 = arith.addi %mul3A_0, %add3A_7 : i32
    "tpu.region"() ({
      %run_scoped3A_259 = tpu.sem_alloc : memref<!tpu.dma_semaphore, #tpu.memory_space<semaphore_mem>>
      %dma_start3A_260 = arith.constant 0 : i32
      %dma_start3A_261 = tpu.memref_slice %arg15[%add3A_8, %dma_start3A_260] : memref<10240x64xf32, #tpu.memory_space<vmem_shared>> -> memref<80x64xf32, #tpu.memory_space<vmem_shared>>
      %dma_start3A_262 = arith.constant 0 : i32
      %dma_start3A_263 = tpu.memref_slice %arg2[%arg0, %add3A_6, %dma_start3A_262] : memref<2x10240x64xf32, #tpu.memory_space<hbm>> -> memref<1x80x64xf32, #tpu.memory_space<hbm>>
      %dma_start3A_264 = tpu.memref_squeeze %dma_start3A_263 : memref<1x80x64xf32, #tpu.memory_space<hbm>> -> memref<80x64xf32, #tpu.memory_space<hbm>>
      tpu.enqueue_dma source(%dma_start3A_264 : memref<80x64xf32, #tpu.memory_space<hbm>>) target(%dma_start3A_261 : memref<80x64xf32, #tpu.memory_space<vmem_shared>>) target_semaphore(%run_scoped3A_259 : memref<!tpu.dma_semaphore, #tpu.memory_space<semaphore_mem>>)
      %dma_wait3A_265 = arith.constant 0 : i32
      %dma_wait3A_266 = tpu.memref_slice %arg15[%add3A_8, %dma_wait3A_265] : memref<10240x64xf32, #tpu.memory_space<vmem_shared>> -> memref<80x64xf32, #tpu.memory_space<vmem_shared>>
      %dma_wait3A_267 = arith.constant 0 : i32
      %dma_wait3A_268 = tpu.memref_slice %arg2[%arg0, %add3A_6, %dma_wait3A_267] : memref<2x10240x64xf32, #tpu.memory_space<hbm>> -> memref<1x80x64xf32, #tpu.memory_space<hbm>>
      %dma_wait3A_269 = tpu.memref_squeeze %dma_wait3A_268 : memref<1x80x64xf32, #tpu.memory_space<hbm>> -> memref<80x64xf32, #tpu.memory_space<hbm>>
      tpu.wait_dma2 semaphore(%run_scoped3A_259 : memref<!tpu.dma_semaphore, #tpu.memory_space<semaphore_mem>>) src(%dma_wait3A_269 : memref<80x64xf32, #tpu.memory_space<hbm>>) dst(%dma_wait3A_266 : memref<80x64xf32, #tpu.memory_space<vmem_shared>>)
      tpu.yield
    }) : () -> ()
    %add3A_9 = arith.constant 0 : i32
    %add3A_10 = arith.addi %mul3A_0, %add3A_9 : i32
    "tpu.region"() ({
      %run_scoped3A_259 = tpu.sem_alloc : memref<!tpu.dma_semaphore, #tpu.memory_space<semaphore_mem>>
      %dma_start3A_260 = arith.constant 0 : i32
      %dma_start3A_261 = tpu.memref_slice %arg16[%add3A_10, %dma_start3A_260] : memref<10240x64xf32, #tpu.memory_space<vmem_shared>> -> memref<80x64xf32, #tpu.memory_space<vmem_shared>>
      %dma_start3A_262 = arith.constant 0 : i32
      %dma_start3A_263 = tpu.memref_slice %arg16[%add3A_10, %dma_start3A_262] : memref<10240x64xf32, #tpu.memory_space<vmem_shared>> -> memref<80x64xf32, #tpu.memory_space<vmem_shared>>
      tpu.enqueue_dma source(%arg12 : memref<80x64xf32, #tpu.memory_space<vmem>>) target(%dma_start3A_263 : memref<80x64xf32, #tpu.memory_space<vmem_shared>>) target_semaphore(%run_scoped3A_259 : memref<!tpu.dma_semaphore, #tpu.memory_space<semaphore_mem>>)
      %dma_wait3A_264 = arith.constant 0 : i32
      %dma_wait3A_265 = tpu.memref_slice %arg16[%add3A_10, %dma_wait3A_264] : memref<10240x64xf32, #tpu.memory_space<vmem_shared>> -> memref<80x64xf32, #tpu.memory_space<vmem_shared>>
      %dma_wait3A_266 = arith.constant 0 : i32
      %dma_wait3A_267 = tpu.memref_slice %arg16[%add3A_10, %dma_wait3A_266] : memref<10240x64xf32, #tpu.memory_space<vmem_shared>> -> memref<80x64xf32, #tpu.memory_space<vmem_shared>>
      tpu.wait_dma2 semaphore(%run_scoped3A_259 : memref<!tpu.dma_semaphore, #tpu.memory_space<semaphore_mem>>) src(%arg12 : memref<80x64xf32, #tpu.memory_space<vmem>>) dst(%dma_wait3A_267 : memref<80x64xf32, #tpu.memory_space<vmem_shared>>)
      tpu.yield
    }) : () -> ()
    %add3A_11 = arith.constant 80 : i32
    %add3A_12 = arith.addi %mul3A_0, %add3A_11 : i32
    %add3A_13 = arith.constant 80 : i32
    %add3A_14 = arith.addi %mul3A_0, %add3A_13 : i32
    "tpu.region"() ({
      %run_scoped3A_259 = tpu.sem_alloc : memref<!tpu.dma_semaphore, #tpu.memory_space<semaphore_mem>>
      %dma_start3A_260 = arith.constant 0 : i32
      %dma_start3A_261 = tpu.memref_slice %arg15[%add3A_14, %dma_start3A_260] : memref<10240x64xf32, #tpu.memory_space<vmem_shared>> -> memref<80x64xf32, #tpu.memory_space<vmem_shared>>
      %dma_start3A_262 = arith.constant 0 : i32
      %dma_start3A_263 = tpu.memref_slice %arg2[%arg0, %add3A_12, %dma_start3A_262] : memref<2x10240x64xf32, #tpu.memory_space<hbm>> -> memref<1x80x64xf32, #tpu.memory_space<hbm>>
      %dma_start3A_264 = tpu.memref_squeeze %dma_start3A_263 : memref<1x80x64xf32, #tpu.memory_space<hbm>> -> memref<80x64xf32, #tpu.memory_space<hbm>>
      tpu.enqueue_dma source(%dma_start3A_264 : memref<80x64xf32, #tpu.memory_space<hbm>>) target(%dma_start3A_261 : memref<80x64xf32, #tpu.memory_space<vmem_shared>>) target_semaphore(%run_scoped3A_259 : memref<!tpu.dma_semaphore, #tpu.memory_space<semaphore_mem>>)
      %dma_wait3A_265 = arith.constant 0 : i32
      %dma_wait3A_266 = tpu.memref_slice %arg15[%add3A_14, %dma_wait3A_265] : memref<10240x64xf32, #tpu.memory_space<vmem_shared>> -> memref<80x64xf32, #tpu.memory_space<vmem_shared>>
      %dma_wait3A_267 = arith.constant 0 : i32
      %dma_wait3A_268 = tpu.memref_slice %arg2[%arg0, %add3A_12, %dma_wait3A_267] : memref<2x10240x64xf32, #tpu.memory_space<hbm>> -> memref<1x80x64xf32, #tpu.memory_space<hbm>>
      %dma_wait3A_269 = tpu.memref_squeeze %dma_wait3A_268 : memref<1x80x64xf32, #tpu.memory_space<hbm>> -> memref<80x64xf32, #tpu.memory_space<hbm>>
      tpu.wait_dma2 semaphore(%run_scoped3A_259 : memref<!tpu.dma_semaphore, #tpu.memory_space<semaphore_mem>>) src(%dma_wait3A_269 : memref<80x64xf32, #tpu.memory_space<hbm>>) dst(%dma_wait3A_266 : memref<80x64xf32, #tpu.memory_space<vmem_shared>>)
      tpu.yield
    }) : () -> ()
    %add3A_15 = arith.constant 80 : i32
    %add3A_16 = arith.addi %mul3A_0, %add3A_15 : i32
    "tpu.region"() ({
      %run_scoped3A_259 = tpu.sem_alloc : memref<!tpu.dma_semaphore, #tpu.memory_space<semaphore_mem>>
      %dma_start3A_260 = arith.constant 0 : i32
      %dma_start3A_261 = tpu.memref_slice %arg16[%add3A_16, %dma_start3A_260] : memref<10240x64xf32, #tpu.memory_space<vmem_shared>> -> memref<80x64xf32, #tpu.memory_space<vmem_shared>>
      %dma_start3A_262 = arith.constant 0 : i32
      %dma_start3A_263 = tpu.memref_slice %arg16[%add3A_16, %dma_start3A_262] : memref<10240x64xf32, #tpu.memory_space<vmem_shared>> -> memref<80x64xf32, #tpu.memory_space<vmem_shared>>
      tpu.enqueue_dma source(%arg12 : memref<80x64xf32, #tpu.memory_space<vmem>>) target(%dma_start3A_263 : memref<80x64xf32, #tpu.memory_space<vmem_shared>>) target_semaphore(%run_scoped3A_259 : memref<!tpu.dma_semaphore, #tpu.memory_space<semaphore_mem>>)
      %dma_wait3A_264 = arith.constant 0 : i32
      %dma_wait3A_265 = tpu.memref_slice %arg16[%add3A_16, %dma_wait3A_264] : memref<10240x64xf32, #tpu.memory_space<vmem_shared>> -> memref<80x64xf32, #tpu.memory_space<vmem_shared>>
      %dma_wait3A_266 = arith.constant 0 : i32
      %dma_wait3A_267 = tpu.memref_slice %arg16[%add3A_16, %dma_wait3A_266] : memref<10240x64xf32, #tpu.memory_space<vmem_shared>> -> memref<80x64xf32, #tpu.memory_space<vmem_shared>>
      tpu.wait_dma2 semaphore(%run_scoped3A_259 : memref<!tpu.dma_semaphore, #tpu.memory_space<semaphore_mem>>) src(%arg12 : memref<80x64xf32, #tpu.memory_space<vmem>>) dst(%dma_wait3A_267 : memref<80x64xf32, #tpu.memory_space<vmem_shared>>)
      tpu.yield
    }) : () -> ()
    %add3A_17 = arith.constant 160 : i32
    %add3A_18 = arith.addi %mul3A_0, %add3A_17 : i32
    %add3A_19 = arith.constant 160 : i32
    %add3A_20 = arith.addi %mul3A_0, %add3A_19 : i32
    "tpu.region"() ({
      %run_scoped3A_259 = tpu.sem_alloc : memref<!tpu.dma_semaphore, #tpu.memory_space<semaphore_mem>>
      %dma_start3A_260 = arith.constant 0 : i32
      %dma_start3A_261 = tpu.memref_slice %arg15[%add3A_20, %dma_start3A_260] : memref<10240x64xf32, #tpu.memory_space<vmem_shared>> -> memref<80x64xf32, #tpu.memory_space<vmem_shared>>
      %dma_start3A_262 = arith.constant 0 : i32
      %dma_start3A_263 = tpu.memref_slice %arg2[%arg0, %add3A_18, %dma_start3A_262] : memref<2x10240x64xf32, #tpu.memory_space<hbm>> -> memref<1x80x64xf32, #tpu.memory_space<hbm>>
      %dma_start3A_264 = tpu.memref_squeeze %dma_start3A_263 : memref<1x80x64xf32, #tpu.memory_space<hbm>> -> memref<80x64xf32, #tpu.memory_space<hbm>>
      tpu.enqueue_dma source(%dma_start3A_264 : memref<80x64xf32, #tpu.memory_space<hbm>>) target(%dma_start3A_261 : memref<80x64xf32, #tpu.memory_space<vmem_shared>>) target_semaphore(%run_scoped3A_259 : memref<!tpu.dma_semaphore, #tpu.memory_space<semaphore_mem>>)
      %dma_wait3A_265 = arith.constant 0 : i32
      %dma_wait3A_266 = tpu.memref_slice %arg15[%add3A_20, %dma_wait3A_265] : memref<10240x64xf32, #tpu.memory_space<vmem_shared>> -> memref<80x64xf32, #tpu.memory_space<vmem_shared>>
      %dma_wait3A_267 = arith.constant 0 : i32
      %dma_wait3A_268 = tpu.memref_slice %arg2[%arg0, %add3A_18, %dma_wait3A_267] : memref<2x10240x64xf32, #tpu.memory_space<hbm>> -> memref<1x80x64xf32, #tpu.memory_space<hbm>>
      %dma_wait3A_269 = tpu.memref_squeeze %dma_wait3A_268 : memref<1x80x64xf32, #tpu.memory_space<hbm>> -> memref<80x64xf32, #tpu.memory_space<hbm>>
      tpu.wait_dma2 semaphore(%run_scoped3A_259 : memref<!tpu.dma_semaphore, #tpu.memory_space<semaphore_mem>>) src(%dma_wait3A_269 : memref<80x64xf32, #tpu.memory_space<hbm>>) dst(%dma_wait3A_266 : memref<80x64xf32, #tpu.memory_space<vmem_shared>>)
      tpu.yield
    }) : () -> ()
    %add3A_21 = arith.constant 160 : i32
    %add3A_22 = arith.addi %mul3A_0, %add3A_21 : i32
    "tpu.region"() ({
      %run_scoped3A_259 = tpu.sem_alloc : memref<!tpu.dma_semaphore, #tpu.memory_space<semaphore_mem>>
      %dma_start3A_260 = arith.constant 0 : i32
      %dma_start3A_261 = tpu.memref_slice %arg16[%add3A_22, %dma_start3A_260] : memref<10240x64xf32, #tpu.memory_space<vmem_shared>> -> memref<80x64xf32, #tpu.memory_space<vmem_shared>>
      %dma_start3A_262 = arith.constant 0 : i32
      %dma_start3A_263 = tpu.memref_slice %arg16[%add3A_22, %dma_start3A_262] : memref<10240x64xf32, #tpu.memory_space<vmem_shared>> -> memref<80x64xf32, #tpu.memory_space<vmem_shared>>
      tpu.enqueue_dma source(%arg12 : memref<80x64xf32, #tpu.memory_space<vmem>>) target(%dma_start3A_263 : memref<80x64xf32, #tpu.memory_space<vmem_shared>>) target_semaphore(%run_scoped3A_259 : memref<!tpu.dma_semaphore, #tpu.memory_space<semaphore_mem>>)
      %dma_wait3A_264 = arith.constant 0 : i32
      %dma_wait3A_265 = tpu.memref_slice %arg16[%add3A_22, %dma_wait3A_264] : memref<10240x64xf32, #tpu.memory_space<vmem_shared>> -> memref<80x64xf32, #tpu.memory_space<vmem_shared>>
      %dma_wait3A_266 = arith.constant 0 : i32
      %dma_wait3A_267 = tpu.memref_slice %arg16[%add3A_22, %dma_wait3A_266] : memref<10240x64xf32, #tpu.memory_space<vmem_shared>> -> memref<80x64xf32, #tpu.memory_space<vmem_shared>>
      tpu.wait_dma2 semaphore(%run_scoped3A_259 : memref<!tpu.dma_semaphore, #tpu.memory_space<semaphore_mem>>) src(%arg12 : memref<80x64xf32, #tpu.memory_space<vmem>>) dst(%dma_wait3A_267 : memref<80x64xf32, #tpu.memory_space<vmem_shared>>)
      tpu.yield
    }) : () -> ()
    %add3A_23 = arith.constant 240 : i32
    %add3A_24 = arith.addi %mul3A_0, %add3A_23 : i32
    %add3A_25 = arith.constant 240 : i32
    %add3A_26 = arith.addi %mul3A_0, %add3A_25 : i32
    "tpu.region"() ({
      %run_scoped3A_259 = tpu.sem_alloc : memref<!tpu.dma_semaphore, #tpu.memory_space<semaphore_mem>>
      %dma_start3A_260 = arith.constant 0 : i32
      %dma_start3A_261 = tpu.memref_slice %arg15[%add3A_26, %dma_start3A_260] : memref<10240x64xf32, #tpu.memory_space<vmem_shared>> -> memref<80x64xf32, #tpu.memory_space<vmem_shared>>
      %dma_start3A_262 = arith.constant 0 : i32
      %dma_start3A_263 = tpu.memref_slice %arg2[%arg0, %add3A_24, %dma_start3A_262] : memref<2x10240x64xf32, #tpu.memory_space<hbm>> -> memref<1x80x64xf32, #tpu.memory_space<hbm>>
      %dma_start3A_264 = tpu.memref_squeeze %dma_start3A_263 : memref<1x80x64xf32, #tpu.memory_space<hbm>> -> memref<80x64xf32, #tpu.memory_space<hbm>>
      tpu.enqueue_dma source(%dma_start3A_264 : memref<80x64xf32, #tpu.memory_space<hbm>>) target(%dma_start3A_261 : memref<80x64xf32, #tpu.memory_space<vmem_shared>>) target_semaphore(%run_scoped3A_259 : memref<!tpu.dma_semaphore, #tpu.memory_space<semaphore_mem>>)
      %dma_wait3A_265 = arith.constant 0 : i32
      %dma_wait3A_266 = tpu.memref_slice %arg15[%add3A_26, %dma_wait3A_265] : memref<10240x64xf32, #tpu.memory_space<vmem_shared>> -> memref<80x64xf32, #tpu.memory_space<vmem_shared>>
      %dma_wait3A_267 = arith.constant 0 : i32
      %dma_wait3A_268 = tpu.memref_slice %arg2[%arg0, %add3A_24, %dma_wait3A_267] : memref<2x10240x64xf32, #tpu.memory_space<hbm>> -> memref<1x80x64xf32, #tpu.memory_space<hbm>>
      %dma_wait3A_269 = tpu.memref_squeeze %dma_wait3A_268 : memref<1x80x64xf32, #tpu.memory_space<hbm>> -> memref<80x64xf32, #tpu.memory_space<hbm>>
      tpu.wait_dma2 semaphore(%run_scoped3A_259 : memref<!tpu.dma_semaphore, #tpu.memory_space<semaphore_mem>>) src(%dma_wait3A_269 : memref<80x64xf32, #tpu.memory_space<hbm>>) dst(%dma_wait3A_266 : memref<80x64xf32, #tpu.memory_space<vmem_shared>>)
      tpu.yield
    }) : () -> ()
    %add3A_27 = arith.constant 240 : i32
    %add3A_28 = arith.addi %mul3A_0, %add3A_27 : i32
    "tpu.region"() ({
      %run_scoped3A_259 = tpu.sem_alloc : memref<!tpu.dma_semaphore, #tpu.memory_space<semaphore_mem>>
      %dma_start3A_260 = arith.constant 0 : i32
      %dma_start3A_261 = tpu.memref_slice %arg16[%add3A_28, %dma_start3A_260] : memref<10240x64xf32, #tpu.memory_space<vmem_shared>> -> memref<80x64xf32, #tpu.memory_space<vmem_shared>>
      %dma_start3A_262 = arith.constant 0 : i32
      %dma_start3A_263 = tpu.memref_slice %arg16[%add3A_28, %dma_start3A_262] : memref<10240x64xf32, #tpu.memory_space<vmem_shared>> -> memref<80x64xf32, #tpu.memory_space<vmem_shared>>
      tpu.enqueue_dma source(%arg12 : memref<80x64xf32, #tpu.memory_space<vmem>>) target(%dma_start3A_263 : memref<80x64xf32, #tpu.memory_space<vmem_shared>>) target_semaphore(%run_scoped3A_259 : memref<!tpu.dma_semaphore, #tpu.memory_space<semaphore_mem>>)
      %dma_wait3A_264 = arith.constant 0 : i32
      %dma_wait3A_265 = tpu.memref_slice %arg16[%add3A_28, %dma_wait3A_264] : memref<10240x64xf32, #tpu.memory_space<vmem_shared>> -> memref<80x64xf32, #tpu.memory_space<vmem_shared>>
      %dma_wait3A_266 = arith.constant 0 : i32
      %dma_wait3A_267 = tpu.memref_slice %arg16[%add3A_28, %dma_wait3A_266] : memref<10240x64xf32, #tpu.memory_space<vmem_shared>> -> memref<80x64xf32, #tpu.memory_space<vmem_shared>>
      tpu.wait_dma2 semaphore(%run_scoped3A_259 : memref<!tpu.dma_semaphore, #tpu.memory_space<semaphore_mem>>) src(%arg12 : memref<80x64xf32, #tpu.memory_space<vmem>>) dst(%dma_wait3A_267 : memref<80x64xf32, #tpu.memory_space<vmem_shared>>)
      tpu.yield
    }) : () -> ()
    %add3A_29 = arith.constant 320 : i32
    %add3A_30 = arith.addi %mul3A_0, %add3A_29 : i32
    %add3A_31 = arith.constant 320 : i32
    %add3A_32 = arith.addi %mul3A_0, %add3A_31 : i32
    "tpu.region"() ({
      %run_scoped3A_259 = tpu.sem_alloc : memref<!tpu.dma_semaphore, #tpu.memory_space<semaphore_mem>>
      %dma_start3A_260 = arith.constant 0 : i32
      %dma_start3A_261 = tpu.memref_slice %arg15[%add3A_32, %dma_start3A_260] : memref<10240x64xf32, #tpu.memory_space<vmem_shared>> -> memref<80x64xf32, #tpu.memory_space<vmem_shared>>
      %dma_start3A_262 = arith.constant 0 : i32
      %dma_start3A_263 = tpu.memref_slice %arg2[%arg0, %add3A_30, %dma_start3A_262] : memref<2x10240x64xf32, #tpu.memory_space<hbm>> -> memref<1x80x64xf32, #tpu.memory_space<hbm>>
      %dma_start3A_264 = tpu.memref_squeeze %dma_start3A_263 : memref<1x80x64xf32, #tpu.memory_space<hbm>> -> memref<80x64xf32, #tpu.memory_space<hbm>>
      tpu.enqueue_dma source(%dma_start3A_264 : memref<80x64xf32, #tpu.memory_space<hbm>>) target(%dma_start3A_261 : memref<80x64xf32, #tpu.memory_space<vmem_shared>>) target_semaphore(%run_scoped3A_259 : memref<!tpu.dma_semaphore, #tpu.memory_space<semaphore_mem>>)
      %dma_wait3A_265 = arith.constant 0 : i32
      %dma_wait3A_266 = tpu.memref_slice %arg15[%add3A_32, %dma_wait3A_265] : memref<10240x64xf32, #tpu.memory_space<vmem_shared>> -> memref<80x64xf32, #tpu.memory_space<vmem_shared>>
      %dma_wait3A_267 = arith.constant 0 : i32
      %dma_wait3A_268 = tpu.memref_slice %arg2[%arg0, %add3A_30, %dma_wait3A_267] : memref<2x10240x64xf32, #tpu.memory_space<hbm>> -> memref<1x80x64xf32, #tpu.memory_space<hbm>>
      %dma_wait3A_269 = tpu.memref_squeeze %dma_wait3A_268 : memref<1x80x64xf32, #tpu.memory_space<hbm>> -> memref<80x64xf32, #tpu.memory_space<hbm>>
      tpu.wait_dma2 semaphore(%run_scoped3A_259 : memref<!tpu.dma_semaphore, #tpu.memory_space<semaphore_mem>>) src(%dma_wait3A_269 : memref<80x64xf32, #tpu.memory_space<hbm>>) dst(%dma_wait3A_266 : memref<80x64xf32, #tpu.memory_space<vmem_shared>>)
      tpu.yield
    }) : () -> ()
    %add3A_33 = arith.constant 320 : i32
    %add3A_34 = arith.addi %mul3A_0, %add3A_33 : i32
    "tpu.region"() ({
      %run_scoped3A_259 = tpu.sem_alloc : memref<!tpu.dma_semaphore, #tpu.memory_space<semaphore_mem>>
      %dma_start3A_260 = arith.constant 0 : i32
      %dma_start3A_261 = tpu.memref_slice %arg16[%add3A_34, %dma_start3A_260] : memref<10240x64xf32, #tpu.memory_space<vmem_shared>> -> memref<80x64xf32, #tpu.memory_space<vmem_shared>>
      %dma_start3A_262 = arith.constant 0 : i32
      %dma_start3A_263 = tpu.memref_slice %arg16[%add3A_34, %dma_start3A_262] : memref<10240x64xf32, #tpu.memory_space<vmem_shared>> -> memref<80x64xf32, #tpu.memory_space<vmem_shared>>
      tpu.enqueue_dma source(%arg12 : memref<80x64xf32, #tpu.memory_space<vmem>>) target(%dma_start3A_263 : memref<80x64xf32, #tpu.memory_space<vmem_shared>>) target_semaphore(%run_scoped3A_259 : memref<!tpu.dma_semaphore, #tpu.memory_space<semaphore_mem>>)
      %dma_wait3A_264 = arith.constant 0 : i32
      %dma_wait3A_265 = tpu.memref_slice %arg16[%add3A_34, %dma_wait3A_264] : memref<10240x64xf32, #tpu.memory_space<vmem_shared>> -> memref<80x64xf32, #tpu.memory_space<vmem_shared>>
      %dma_wait3A_266 = arith.constant 0 : i32
      %dma_wait3A_267 = tpu.memref_slice %arg16[%add3A_34, %dma_wait3A_266] : memref<10240x64xf32, #tpu.memory_space<vmem_shared>> -> memref<80x64xf32, #tpu.memory_space<vmem_shared>>
      tpu.wait_dma2 semaphore(%run_scoped3A_259 : memref<!tpu.dma_semaphore, #tpu.memory_space<semaphore_mem>>) src(%arg12 : memref<80x64xf32, #tpu.memory_space<vmem>>) dst(%dma_wait3A_267 : memref<80x64xf32, #tpu.memory_space<vmem_shared>>)
      tpu.yield
    }) : () -> ()
    %add3A_35 = arith.constant 400 : i32
    %add3A_36 = arith.addi %mul3A_0, %add3A_35 : i32
    %add3A_37 = arith.constant 400 : i32
    %add3A_38 = arith.addi %mul3A_0, %add3A_37 : i32
    "tpu.region"() ({
      %run_scoped3A_259 = tpu.sem_alloc : memref<!tpu.dma_semaphore, #tpu.memory_space<semaphore_mem>>
      %dma_start3A_260 = arith.constant 0 : i32
      %dma_start3A_261 = tpu.memref_slice %arg15[%add3A_38, %dma_start3A_260] : memref<10240x64xf32, #tpu.memory_space<vmem_shared>> -> memref<80x64xf32, #tpu.memory_space<vmem_shared>>
      %dma_start3A_262 = arith.constant 0 : i32
      %dma_start3A_263 = tpu.memref_slice %arg2[%arg0, %add3A_36, %dma_start3A_262] : memref<2x10240x64xf32, #tpu.memory_space<hbm>> -> memref<1x80x64xf32, #tpu.memory_space<hbm>>
      %dma_start3A_264 = tpu.memref_squeeze %dma_start3A_263 : memref<1x80x64xf32, #tpu.memory_space<hbm>> -> memref<80x64xf32, #tpu.memory_space<hbm>>
      tpu.enqueue_dma source(%dma_start3A_264 : memref<80x64xf32, #tpu.memory_space<hbm>>) target(%dma_start3A_261 : memref<80x64xf32, #tpu.memory_space<vmem_shared>>) target_semaphore(%run_scoped3A_259 : memref<!tpu.dma_semaphore, #tpu.memory_space<semaphore_mem>>)
      %dma_wait3A_265 = arith.constant 0 : i32
      %dma_wait3A_266 = tpu.memref_slice %arg15[%add3A_38, %dma_wait3A_265] : memref<10240x64xf32, #tpu.memory_space<vmem_shared>> -> memref<80x64xf32, #tpu.memory_space<vmem_shared>>
      %dma_wait3A_267 = arith.constant 0 : i32
      %dma_wait3A_268 = tpu.memref_slice %arg2[%arg0, %add3A_36, %dma_wait3A_267] : memref<2x10240x64xf32, #tpu.memory_space<hbm>> -> memref<1x80x64xf32, #tpu.memory_space<hbm>>
      %dma_wait3A_269 = tpu.memref_squeeze %dma_wait3A_268 : memref<1x80x64xf32, #tpu.memory_space<hbm>> -> memref<80x64xf32, #tpu.memory_space<hbm>>
      tpu.wait_dma2 semaphore(%run_scoped3A_259 : memref<!tpu.dma_semaphore, #tpu.memory_space<semaphore_mem>>) src(%dma_wait3A_269 : memref<80x64xf32, #tpu.memory_space<hbm>>) dst(%dma_wait3A_266 : memref<80x64xf32, #tpu.memory_space<vmem_shared>>)
      tpu.yield
    }) : () -> ()
    %add3A_39 = arith.constant 400 : i32
    %add3A_40 = arith.addi %mul3A_0, %add3A_39 : i32
    "tpu.region"() ({
      %run_scoped3A_259 = tpu.sem_alloc : memref<!tpu.dma_semaphore, #tpu.memory_space<semaphore_mem>>
      %dma_start3A_260 = arith.constant 0 : i32
      %dma_start3A_261 = tpu.memref_slice %arg16[%add3A_40, %dma_start3A_260] : memref<10240x64xf32, #tpu.memory_space<vmem_shared>> -> memref<80x64xf32, #tpu.memory_space<vmem_shared>>
      %dma_start3A_262 = arith.constant 0 : i32
      %dma_start3A_263 = tpu.memref_slice %arg16[%add3A_40, %dma_start3A_262] : memref<10240x64xf32, #tpu.memory_space<vmem_shared>> -> memref<80x64xf32, #tpu.memory_space<vmem_shared>>
      tpu.enqueue_dma source(%arg12 : memref<80x64xf32, #tpu.memory_space<vmem>>) target(%dma_start3A_263 : memref<80x64xf32, #tpu.memory_space<vmem_shared>>) target_semaphore(%run_scoped3A_259 : memref<!tpu.dma_semaphore, #tpu.memory_space<semaphore_mem>>)
      %dma_wait3A_264 = arith.constant 0 : i32
      %dma_wait3A_265 = tpu.memref_slice %arg16[%add3A_40, %dma_wait3A_264] : memref<10240x64xf32, #tpu.memory_space<vmem_shared>> -> memref<80x64xf32, #tpu.memory_space<vmem_shared>>
      %dma_wait3A_266 = arith.constant 0 : i32
      %dma_wait3A_267 = tpu.memref_slice %arg16[%add3A_40, %dma_wait3A_266] : memref<10240x64xf32, #tpu.memory_space<vmem_shared>> -> memref<80x64xf32, #tpu.memory_space<vmem_shared>>
      tpu.wait_dma2 semaphore(%run_scoped3A_259 : memref<!tpu.dma_semaphore, #tpu.memory_space<semaphore_mem>>) src(%arg12 : memref<80x64xf32, #tpu.memory_space<vmem>>) dst(%dma_wait3A_267 : memref<80x64xf32, #tpu.memory_space<vmem_shared>>)
      tpu.yield
    }) : () -> ()
    %add3A_41 = arith.constant 480 : i32
    %add3A_42 = arith.addi %mul3A_0, %add3A_41 : i32
    %add3A_43 = arith.constant 480 : i32
    %add3A_44 = arith.addi %mul3A_0, %add3A_43 : i32
    "tpu.region"() ({
      %run_scoped3A_259 = tpu.sem_alloc : memref<!tpu.dma_semaphore, #tpu.memory_space<semaphore_mem>>
      %dma_start3A_260 = arith.constant 0 : i32
      %dma_start3A_261 = tpu.memref_slice %arg15[%add3A_44, %dma_start3A_260] : memref<10240x64xf32, #tpu.memory_space<vmem_shared>> -> memref<80x64xf32, #tpu.memory_space<vmem_shared>>
      %dma_start3A_262 = arith.constant 0 : i32
      %dma_start3A_263 = tpu.memref_slice %arg2[%arg0, %add3A_42, %dma_start3A_262] : memref<2x10240x64xf32, #tpu.memory_space<hbm>> -> memref<1x80x64xf32, #tpu.memory_space<hbm>>
      %dma_start3A_264 = tpu.memref_squeeze %dma_start3A_263 : memref<1x80x64xf32, #tpu.memory_space<hbm>> -> memref<80x64xf32, #tpu.memory_space<hbm>>
      tpu.enqueue_dma source(%dma_start3A_264 : memref<80x64xf32, #tpu.memory_space<hbm>>) target(%dma_start3A_261 : memref<80x64xf32, #tpu.memory_space<vmem_shared>>) target_semaphore(%run_scoped3A_259 : memref<!tpu.dma_semaphore, #tpu.memory_space<semaphore_mem>>)
      %dma_wait3A_265 = arith.constant 0 : i32
      %dma_wait3A_266 = tpu.memref_slice %arg15[%add3A_44, %dma_wait3A_265] : memref<10240x64xf32, #tpu.memory_space<vmem_shared>> -> memref<80x64xf32, #tpu.memory_space<vmem_shared>>
      %dma_wait3A_267 = arith.constant 0 : i32
      %dma_wait3A_268 = tpu.memref_slice %arg2[%arg0, %add3A_42, %dma_wait3A_267] : memref<2x10240x64xf32, #tpu.memory_space<hbm>> -> memref<1x80x64xf32, #tpu.memory_space<hbm>>
      %dma_wait3A_269 = tpu.memref_squeeze %dma_wait3A_268 : memref<1x80x64xf32, #tpu.memory_space<hbm>> -> memref<80x64xf32, #tpu.memory_space<hbm>>
      tpu.wait_dma2 semaphore(%run_scoped3A_259 : memref<!tpu.dma_semaphore, #tpu.memory_space<semaphore_mem>>) src(%dma_wait3A_269 : memref<80x64xf32, #tpu.memory_space<hbm>>) dst(%dma_wait3A_266 : memref<80x64xf32, #tpu.memory_space<vmem_shared>>)
      tpu.yield
    }) : () -> ()
    %add3A_45 = arith.constant 480 : i32
    %add3A_46 = arith.addi %mul3A_0, %add3A_45 : i32
    "tpu.region"() ({
      %run_scoped3A_259 = tpu.sem_alloc : memref<!tpu.dma_semaphore, #tpu.memory_space<semaphore_mem>>
      %dma_start3A_260 = arith.constant 0 : i32
      %dma_start3A_261 = tpu.memref_slice %arg16[%add3A_46, %dma_start3A_260] : memref<10240x64xf32, #tpu.memory_space<vmem_shared>> -> memref<80x64xf32, #tpu.memory_space<vmem_shared>>
      %dma_start3A_262 = arith.constant 0 : i32
      %dma_start3A_263 = tpu.memref_slice %arg16[%add3A_46, %dma_start3A_262] : memref<10240x64xf32, #tpu.memory_space<vmem_shared>> -> memref<80x64xf32, #tpu.memory_space<vmem_shared>>
      tpu.enqueue_dma source(%arg12 : memref<80x64xf32, #tpu.memory_space<vmem>>) target(%dma_start3A_263 : memref<80x64xf32, #tpu.memory_space<vmem_shared>>) target_semaphore(%run_scoped3A_259 : memref<!tpu.dma_semaphore, #tpu.memory_space<semaphore_mem>>)
      %dma_wait3A_264 = arith.constant 0 : i32
      %dma_wait3A_265 = tpu.memref_slice %arg16[%add3A_46, %dma_wait3A_264] : memref<10240x64xf32, #tpu.memory_space<vmem_shared>> -> memref<80x64xf32, #tpu.memory_space<vmem_shared>>
      %dma_wait3A_266 = arith.constant 0 : i32
      %dma_wait3A_267 = tpu.memref_slice %arg16[%add3A_46, %dma_wait3A_266] : memref<10240x64xf32, #tpu.memory_space<vmem_shared>> -> memref<80x64xf32, #tpu.memory_space<vmem_shared>>
      tpu.wait_dma2 semaphore(%run_scoped3A_259 : memref<!tpu.dma_semaphore, #tpu.memory_space<semaphore_mem>>) src(%arg12 : memref<80x64xf32, #tpu.memory_space<vmem>>) dst(%dma_wait3A_267 : memref<80x64xf32, #tpu.memory_space<vmem_shared>>)
      tpu.yield
    }) : () -> ()
    %add3A_47 = arith.constant 560 : i32
    %add3A_48 = arith.addi %mul3A_0, %add3A_47 : i32
    %add3A_49 = arith.constant 560 : i32
    %add3A_50 = arith.addi %mul3A_0, %add3A_49 : i32
    "tpu.region"() ({
      %run_scoped3A_259 = tpu.sem_alloc : memref<!tpu.dma_semaphore, #tpu.memory_space<semaphore_mem>>
      %dma_start3A_260 = arith.constant 0 : i32
      %dma_start3A_261 = tpu.memref_slice %arg15[%add3A_50, %dma_start3A_260] : memref<10240x64xf32, #tpu.memory_space<vmem_shared>> -> memref<80x64xf32, #tpu.memory_space<vmem_shared>>
      %dma_start3A_262 = arith.constant 0 : i32
      %dma_start3A_263 = tpu.memref_slice %arg2[%arg0, %add3A_48, %dma_start3A_262] : memref<2x10240x64xf32, #tpu.memory_space<hbm>> -> memref<1x80x64xf32, #tpu.memory_space<hbm>>
      %dma_start3A_264 = tpu.memref_squeeze %dma_start3A_263 : memref<1x80x64xf32, #tpu.memory_space<hbm>> -> memref<80x64xf32, #tpu.memory_space<hbm>>
      tpu.enqueue_dma source(%dma_start3A_264 : memref<80x64xf32, #tpu.memory_space<hbm>>) target(%dma_start3A_261 : memref<80x64xf32, #tpu.memory_space<vmem_shared>>) target_semaphore(%run_scoped3A_259 : memref<!tpu.dma_semaphore, #tpu.memory_space<semaphore_mem>>)
      %dma_wait3A_265 = arith.constant 0 : i32
      %dma_wait3A_266 = tpu.memref_slice %arg15[%add3A_50, %dma_wait3A_265] : memref<10240x64xf32, #tpu.memory_space<vmem_shared>> -> memref<80x64xf32, #tpu.memory_space<vmem_shared>>
      %dma_wait3A_267 = arith.constant 0 : i32
      %dma_wait3A_268 = tpu.memref_slice %arg2[%arg0, %add3A_48, %dma_wait3A_267] : memref<2x10240x64xf32, #tpu.memory_space<hbm>> -> memref<1x80x64xf32, #tpu.memory_space<hbm>>
      %dma_wait3A_269 = tpu.memref_squeeze %dma_wait3A_268 : memref<1x80x64xf32, #tpu.memory_space<hbm>> -> memref<80x64xf32, #tpu.memory_space<hbm>>
      tpu.wait_dma2 semaphore(%run_scoped3A_259 : memref<!tpu.dma_semaphore, #tpu.memory_space<semaphore_mem>>) src(%dma_wait3A_269 : memref<80x64xf32, #tpu.memory_space<hbm>>) dst(%dma_wait3A_266 : memref<80x64xf32, #tpu.memory_space<vmem_shared>>)
      tpu.yield
    }) : () -> ()
    %add3A_51 = arith.constant 560 : i32
    %add3A_52 = arith.addi %mul3A_0, %add3A_51 : i32
    "tpu.region"() ({
      %run_scoped3A_259 = tpu.sem_alloc : memref<!tpu.dma_semaphore, #tpu.memory_space<semaphore_mem>>
      %dma_start3A_260 = arith.constant 0 : i32
      %dma_start3A_261 = tpu.memref_slice %arg16[%add3A_52, %dma_start3A_260] : memref<10240x64xf32, #tpu.memory_space<vmem_shared>> -> memref<80x64xf32, #tpu.memory_space<vmem_shared>>
      %dma_start3A_262 = arith.constant 0 : i32
      %dma_start3A_263 = tpu.memref_slice %arg16[%add3A_52, %dma_start3A_262] : memref<10240x64xf32, #tpu.memory_space<vmem_shared>> -> memref<80x64xf32, #tpu.memory_space<vmem_shared>>
      tpu.enqueue_dma source(%arg12 : memref<80x64xf32, #tpu.memory_space<vmem>>) target(%dma_start3A_263 : memref<80x64xf32, #tpu.memory_space<vmem_shared>>) target_semaphore(%run_scoped3A_259 : memref<!tpu.dma_semaphore, #tpu.memory_space<semaphore_mem>>)
      %dma_wait3A_264 = arith.constant 0 : i32
      %dma_wait3A_265 = tpu.memref_slice %arg16[%add3A_52, %dma_wait3A_264] : memref<10240x64xf32, #tpu.memory_space<vmem_shared>> -> memref<80x64xf32, #tpu.memory_space<vmem_shared>>
      %dma_wait3A_266 = arith.constant 0 : i32
      %dma_wait3A_267 = tpu.memref_slice %arg16[%add3A_52, %dma_wait3A_266] : memref<10240x64xf32, #tpu.memory_space<vmem_shared>> -> memref<80x64xf32, #tpu.memory_space<vmem_shared>>
      tpu.wait_dma2 semaphore(%run_scoped3A_259 : memref<!tpu.dma_semaphore, #tpu.memory_space<semaphore_mem>>) src(%arg12 : memref<80x64xf32, #tpu.memory_space<vmem>>) dst(%dma_wait3A_267 : memref<80x64xf32, #tpu.memory_space<vmem_shared>>)
      tpu.yield
    }) : () -> ()
    %barrier3A = arith.constant 0 : index
    tpu.barrier barrier_id(%barrier3A)
    %dma_start3A = arith.constant 0 : i32
    %dma_start3A_53 = arith.constant 0 : i32
    %dma_start3A_54 = arith.constant 0 : i32
    %dma_start3A_55 = tpu.memref_slice %arg8[%dma_start3A, %dma_start3A_54] : memref<125x80xi32, #tpu.memory_space<vmem>> -> memref<1x80xi32, #tpu.memory_space<vmem>>
    %dma_start3A_56 = tpu.memref_squeeze %dma_start3A_55 : memref<1x80xi32, #tpu.memory_space<vmem>> -> memref<80xi32, #tpu.memory_space<vmem>>
    %dma_start3A_57 = arith.constant 0 : i32
    %dma_start3A_58 = arith.constant 0 : i32
    %dma_start3A_59 = tpu.memref_slice %arg15[%dma_start3A_57, %dma_start3A_58] : memref<10240x64xf32, #tpu.memory_space<vmem_shared>> -> memref<10240x64xf32, #tpu.memory_space<vmem_shared>>
    %dma_start3A_60 = tpu.memref_slice %arg17[%dma_start3A_53] : memref<2x!tpu.dma_semaphore, #tpu.memory_space<semaphore_mem>> -> memref<1x!tpu.dma_semaphore, #tpu.memory_space<semaphore_mem>>
    %dma_start3A_61 = tpu.memref_squeeze %dma_start3A_60 : memref<1x!tpu.dma_semaphore, #tpu.memory_space<semaphore_mem>> -> memref<!tpu.dma_semaphore, #tpu.memory_space<semaphore_mem>>
    tpu.enqueue_indirect_dma source(%dma_start3A_59 : memref<10240x64xf32, #tpu.memory_space<vmem_shared>>) target(%arg10 : memref<80x64xf32, #tpu.memory_space<vmem>>) offsets(%dma_start3A_56 : memref<80xi32, #tpu.memory_space<vmem>>) semaphore(%dma_start3A_61 : memref<!tpu.dma_semaphore, #tpu.memory_space<semaphore_mem>>)
    %dma_start3A_62 = arith.constant 1 : i32
    %dma_start3A_63 = arith.constant 1 : i32
    %dma_start3A_64 = arith.constant 0 : i32
    %dma_start3A_65 = tpu.memref_slice %arg8[%dma_start3A_62, %dma_start3A_64] : memref<125x80xi32, #tpu.memory_space<vmem>> -> memref<1x80xi32, #tpu.memory_space<vmem>>
    %dma_start3A_66 = tpu.memref_squeeze %dma_start3A_65 : memref<1x80xi32, #tpu.memory_space<vmem>> -> memref<80xi32, #tpu.memory_space<vmem>>
    %dma_start3A_67 = arith.constant 0 : i32
    %dma_start3A_68 = arith.constant 0 : i32
    %dma_start3A_69 = tpu.memref_slice %arg15[%dma_start3A_67, %dma_start3A_68] : memref<10240x64xf32, #tpu.memory_space<vmem_shared>> -> memref<10240x64xf32, #tpu.memory_space<vmem_shared>>
    %dma_start3A_70 = tpu.memref_slice %arg17[%dma_start3A_63] : memref<2x!tpu.dma_semaphore, #tpu.memory_space<semaphore_mem>> -> memref<1x!tpu.dma_semaphore, #tpu.memory_space<semaphore_mem>>
    %dma_start3A_71 = tpu.memref_squeeze %dma_start3A_70 : memref<1x!tpu.dma_semaphore, #tpu.memory_space<semaphore_mem>> -> memref<!tpu.dma_semaphore, #tpu.memory_space<semaphore_mem>>
    tpu.enqueue_indirect_dma source(%dma_start3A_69 : memref<10240x64xf32, #tpu.memory_space<vmem_shared>>) target(%arg11 : memref<80x64xf32, #tpu.memory_space<vmem>>) offsets(%dma_start3A_66 : memref<80xi32, #tpu.memory_space<vmem>>) semaphore(%dma_start3A_71 : memref<!tpu.dma_semaphore, #tpu.memory_space<semaphore_mem>>)
    %scan3A_72 = arith.constant 0 : i32
    %scan3A_73 = arith.constant 0 : i32
    %scan3A_74 = arith.constant 62 : i32
    %scan3A_75 = arith.addi %scan3A_73, %scan3A_74 : i32
    %scan3A_76 = arith.constant 1 : i32
    scf.for %scan3A_259 = %scan3A_73 to %scan3A_75 step %scan3A_76  : i32 {
      %mul3A_260 = arith.constant 2 : i32
      %mul3A_261 = arith.muli %scan3A_259, %mul3A_260 : i32
      %dma_wait3A_262 = arith.constant 0 : i32
      %dma_wait3A_263 = arith.constant 0 : i32
      %dma_wait3A_264 = arith.constant 0 : i32
      %dma_wait3A_265 = arith.constant 0 : i32
      %dma_wait3A_266 = tpu.memref_slice %arg2[%dma_wait3A_262, %dma_wait3A_264, %dma_wait3A_265] : memref<2x10240x64xf32, #tpu.memory_space<hbm>> -> memref<1x80x64xf32, #tpu.memory_space<hbm>>
      %dma_wait3A_267 = tpu.memref_squeeze %dma_wait3A_266 : memref<1x80x64xf32, #tpu.memory_space<hbm>> -> memref<80x64xf32, #tpu.memory_space<hbm>>
      %dma_wait3A_268 = tpu.memref_slice %arg17[%dma_wait3A_263] : memref<2x!tpu.dma_semaphore, #tpu.memory_space<semaphore_mem>> -> memref<1x!tpu.dma_semaphore, #tpu.memory_space<semaphore_mem>>
      %dma_wait3A_269 = tpu.memref_squeeze %dma_wait3A_268 : memref<1x!tpu.dma_semaphore, #tpu.memory_space<semaphore_mem>> -> memref<!tpu.dma_semaphore, #tpu.memory_space<semaphore_mem>>
      %dma_wait3A_270 = arith.constant 0 : i32
      %dma_wait3A_271 = arith.constant 0 : i32
      %dma_wait3A_272 = tpu.memref_slice %arg2[%dma_wait3A_262, %dma_wait3A_270, %dma_wait3A_271] : memref<2x10240x64xf32, #tpu.memory_space<hbm>> -> memref<1x80x64xf32, #tpu.memory_space<hbm>>
      %dma_wait3A_273 = tpu.memref_squeeze %dma_wait3A_272 : memref<1x80x64xf32, #tpu.memory_space<hbm>> -> memref<80x64xf32, #tpu.memory_space<hbm>>
      tpu.wait_dma2 semaphore(%dma_wait3A_269 : memref<!tpu.dma_semaphore, #tpu.memory_space<semaphore_mem>>) src(%dma_wait3A_273 : memref<80x64xf32, #tpu.memory_space<hbm>>) dst(%arg10 : memref<80x64xf32, #tpu.memory_space<vmem>>)
      "tpu.region"() ({
        %run_scoped3A_299 = tpu.sem_alloc : memref<!tpu.dma_semaphore, #tpu.memory_space<semaphore_mem>>
        %dma_start3A_300 = arith.constant 0 : i32
        %dma_start3A_301 = tpu.memref_slice %arg9[%mul3A_261, %dma_start3A_300] : memref<125x80xi32, #tpu.memory_space<vmem>> -> memref<1x80xi32, #tpu.memory_space<vmem>>
        %dma_start3A_302 = tpu.memref_squeeze %dma_start3A_301 : memref<1x80xi32, #tpu.memory_space<vmem>> -> memref<80xi32, #tpu.memory_space<vmem>>
        %dma_start3A_303 = arith.constant 0 : i32
        %dma_start3A_304 = arith.constant 0 : i32
        %dma_start3A_305 = tpu.memref_slice %arg16[%dma_start3A_303, %dma_start3A_304] : memref<10240x64xf32, #tpu.memory_space<vmem_shared>> -> memref<10240x64xf32, #tpu.memory_space<vmem_shared>>
        tpu.enqueue_indirect_dma source(%arg10 : memref<80x64xf32, #tpu.memory_space<vmem>>) target(%dma_start3A_305 : memref<10240x64xf32, #tpu.memory_space<vmem_shared>>) offsets(%dma_start3A_302 : memref<80xi32, #tpu.memory_space<vmem>>) semaphore(%run_scoped3A_299 : memref<!tpu.dma_semaphore, #tpu.memory_space<semaphore_mem>>) {add = true}
        %dma_wait3A_306 = arith.constant 0 : i32
        %dma_wait3A_307 = tpu.memref_slice %arg9[%mul3A_261, %dma_wait3A_306] : memref<125x80xi32, #tpu.memory_space<vmem>> -> memref<1x80xi32, #tpu.memory_space<vmem>>
        %dma_wait3A_308 = tpu.memref_squeeze %dma_wait3A_307 : memref<1x80xi32, #tpu.memory_space<vmem>> -> memref<80xi32, #tpu.memory_space<vmem>>
        %dma_wait3A_309 = arith.constant 0 : i32
        %dma_wait3A_310 = arith.constant 0 : i32
        %dma_wait3A_311 = tpu.memref_slice %arg16[%dma_wait3A_309, %dma_wait3A_310] : memref<10240x64xf32, #tpu.memory_space<vmem_shared>> -> memref<10240x64xf32, #tpu.memory_space<vmem_shared>>
        tpu.wait_indirect_dma semaphore(%run_scoped3A_299 : memref<!tpu.dma_semaphore, #tpu.memory_space<semaphore_mem>>) src(%arg10 : memref<80x64xf32, #tpu.memory_space<vmem>>) dst(%dma_wait3A_311 : memref<10240x64xf32, #tpu.memory_space<vmem_shared>>)
        tpu.yield
      }) : () -> ()
      %add3A_274 = arith.constant 2 : i32
      %add3A_275 = arith.addi %mul3A_261, %add3A_274 : i32
      %lt3A = arith.constant 125 : i32
      %lt3A_276 = arith.cmpi slt, %add3A_275, %lt3A : i32
      %convert_element_type3A = arith.extui %lt3A_276 : i1 to i32
      %cond3A = arith.constant 0 : i32
      %cond3A_277 = arith.cmpi ne, %convert_element_type3A, %cond3A : i32
      scf.if %cond3A_277 {
        %add3A_299 = arith.constant 2 : i32
        %add3A_300 = arith.addi %mul3A_261, %add3A_299 : i32
        %dma_start3A_301 = arith.constant 0 : i32
        %dma_start3A_302 = arith.constant 0 : i32
        %dma_start3A_303 = tpu.memref_slice %arg8[%add3A_300, %dma_start3A_302] : memref<125x80xi32, #tpu.memory_space<vmem>> -> memref<1x80xi32, #tpu.memory_space<vmem>>
        %dma_start3A_304 = tpu.memref_squeeze %dma_start3A_303 : memref<1x80xi32, #tpu.memory_space<vmem>> -> memref<80xi32, #tpu.memory_space<vmem>>
        %dma_start3A_305 = arith.constant 0 : i32
        %dma_start3A_306 = arith.constant 0 : i32
        %dma_start3A_307 = tpu.memref_slice %arg15[%dma_start3A_305, %dma_start3A_306] : memref<10240x64xf32, #tpu.memory_space<vmem_shared>> -> memref<10240x64xf32, #tpu.memory_space<vmem_shared>>
        %dma_start3A_308 = tpu.memref_slice %arg17[%dma_start3A_301] : memref<2x!tpu.dma_semaphore, #tpu.memory_space<semaphore_mem>> -> memref<1x!tpu.dma_semaphore, #tpu.memory_space<semaphore_mem>>
        %dma_start3A_309 = tpu.memref_squeeze %dma_start3A_308 : memref<1x!tpu.dma_semaphore, #tpu.memory_space<semaphore_mem>> -> memref<!tpu.dma_semaphore, #tpu.memory_space<semaphore_mem>>
        tpu.enqueue_indirect_dma source(%dma_start3A_307 : memref<10240x64xf32, #tpu.memory_space<vmem_shared>>) target(%arg10 : memref<80x64xf32, #tpu.memory_space<vmem>>) offsets(%dma_start3A_304 : memref<80xi32, #tpu.memory_space<vmem>>) semaphore(%dma_start3A_309 : memref<!tpu.dma_semaphore, #tpu.memory_space<semaphore_mem>>)
      } else {
      }
      %dma_wait3A_278 = arith.constant 0 : i32
      %dma_wait3A_279 = arith.constant 1 : i32
      %dma_wait3A_280 = arith.constant 0 : i32
      %dma_wait3A_281 = arith.constant 0 : i32
      %dma_wait3A_282 = tpu.memref_slice %arg2[%dma_wait3A_278, %dma_wait3A_280, %dma_wait3A_281] : memref<2x10240x64xf32, #tpu.memory_space<hbm>> -> memref<1x80x64xf32, #tpu.memory_space<hbm>>
      %dma_wait3A_283 = tpu.memref_squeeze %dma_wait3A_282 : memref<1x80x64xf32, #tpu.memory_space<hbm>> -> memref<80x64xf32, #tpu.memory_space<hbm>>
      %dma_wait3A_284 = tpu.memref_slice %arg17[%dma_wait3A_279] : memref<2x!tpu.dma_semaphore, #tpu.memory_space<semaphore_mem>> -> memref<1x!tpu.dma_semaphore, #tpu.memory_space<semaphore_mem>>
      %dma_wait3A_285 = tpu.memref_squeeze %dma_wait3A_284 : memref<1x!tpu.dma_semaphore, #tpu.memory_space<semaphore_mem>> -> memref<!tpu.dma_semaphore, #tpu.memory_space<semaphore_mem>>
      %dma_wait3A_286 = arith.constant 0 : i32
      %dma_wait3A_287 = arith.constant 0 : i32
      %dma_wait3A_288 = tpu.memref_slice %arg2[%dma_wait3A_278, %dma_wait3A_286, %dma_wait3A_287] : memref<2x10240x64xf32, #tpu.memory_space<hbm>> -> memref<1x80x64xf32, #tpu.memory_space<hbm>>
      %dma_wait3A_289 = tpu.memref_squeeze %dma_wait3A_288 : memref<1x80x64xf32, #tpu.memory_space<hbm>> -> memref<80x64xf32, #tpu.memory_space<hbm>>
      tpu.wait_dma2 semaphore(%dma_wait3A_285 : memref<!tpu.dma_semaphore, #tpu.memory_space<semaphore_mem>>) src(%dma_wait3A_289 : memref<80x64xf32, #tpu.memory_space<hbm>>) dst(%arg11 : memref<80x64xf32, #tpu.memory_space<vmem>>)
      %add3A_290 = arith.constant 1 : i32
      %add3A_291 = arith.addi %mul3A_261, %add3A_290 : i32
      "tpu.region"() ({
        %run_scoped3A_299 = tpu.sem_alloc : memref<!tpu.dma_semaphore, #tpu.memory_space<semaphore_mem>>
        %dma_start3A_300 = arith.constant 0 : i32
        %dma_start3A_301 = tpu.memref_slice %arg9[%add3A_291, %dma_start3A_300] : memref<125x80xi32, #tpu.memory_space<vmem>> -> memref<1x80xi32, #tpu.memory_space<vmem>>
        %dma_start3A_302 = tpu.memref_squeeze %dma_start3A_301 : memref<1x80xi32, #tpu.memory_space<vmem>> -> memref<80xi32, #tpu.memory_space<vmem>>
        %dma_start3A_303 = arith.constant 0 : i32
        %dma_start3A_304 = arith.constant 0 : i32
        %dma_start3A_305 = tpu.memref_slice %arg16[%dma_start3A_303, %dma_start3A_304] : memref<10240x64xf32, #tpu.memory_space<vmem_shared>> -> memref<10240x64xf32, #tpu.memory_space<vmem_shared>>
        tpu.enqueue_indirect_dma source(%arg11 : memref<80x64xf32, #tpu.memory_space<vmem>>) target(%dma_start3A_305 : memref<10240x64xf32, #tpu.memory_space<vmem_shared>>) offsets(%dma_start3A_302 : memref<80xi32, #tpu.memory_space<vmem>>) semaphore(%run_scoped3A_299 : memref<!tpu.dma_semaphore, #tpu.memory_space<semaphore_mem>>) {add = true}
        %dma_wait3A_306 = arith.constant 0 : i32
        %dma_wait3A_307 = tpu.memref_slice %arg9[%add3A_291, %dma_wait3A_306] : memref<125x80xi32, #tpu.memory_space<vmem>> -> memref<1x80xi32, #tpu.memory_space<vmem>>
        %dma_wait3A_308 = tpu.memref_squeeze %dma_wait3A_307 : memref<1x80xi32, #tpu.memory_space<vmem>> -> memref<80xi32, #tpu.memory_space<vmem>>
        %dma_wait3A_309 = arith.constant 0 : i32
        %dma_wait3A_310 = arith.constant 0 : i32
        %dma_wait3A_311 = tpu.memref_slice %arg16[%dma_wait3A_309, %dma_wait3A_310] : memref<10240x64xf32, #tpu.memory_space<vmem_shared>> -> memref<10240x64xf32, #tpu.memory_space<vmem_shared>>
        tpu.wait_indirect_dma semaphore(%run_scoped3A_299 : memref<!tpu.dma_semaphore, #tpu.memory_space<semaphore_mem>>) src(%arg11 : memref<80x64xf32, #tpu.memory_space<vmem>>) dst(%dma_wait3A_311 : memref<10240x64xf32, #tpu.memory_space<vmem_shared>>)
        tpu.yield
      }) : () -> ()
      %add3A_292 = arith.constant 3 : i32
      %add3A_293 = arith.addi %mul3A_261, %add3A_292 : i32
      %lt3A_294 = arith.constant 125 : i32
      %lt3A_295 = arith.cmpi slt, %add3A_293, %lt3A_294 : i32
      %convert_element_type3A_296 = arith.extui %lt3A_295 : i1 to i32
      %cond3A_297 = arith.constant 0 : i32
      %cond3A_298 = arith.cmpi ne, %convert_element_type3A_296, %cond3A_297 : i32
      scf.if %cond3A_298 {
        %add3A_299 = arith.constant 3 : i32
        %add3A_300 = arith.addi %mul3A_261, %add3A_299 : i32
        %dma_start3A_301 = arith.constant 1 : i32
        %dma_start3A_302 = arith.constant 0 : i32
        %dma_start3A_303 = tpu.memref_slice %arg8[%add3A_300, %dma_start3A_302] : memref<125x80xi32, #tpu.memory_space<vmem>> -> memref<1x80xi32, #tpu.memory_space<vmem>>
        %dma_start3A_304 = tpu.memref_squeeze %dma_start3A_303 : memref<1x80xi32, #tpu.memory_space<vmem>> -> memref<80xi32, #tpu.memory_space<vmem>>
        %dma_start3A_305 = arith.constant 0 : i32
        %dma_start3A_306 = arith.constant 0 : i32
        %dma_start3A_307 = tpu.memref_slice %arg15[%dma_start3A_305, %dma_start3A_306] : memref<10240x64xf32, #tpu.memory_space<vmem_shared>> -> memref<10240x64xf32, #tpu.memory_space<vmem_shared>>
        %dma_start3A_308 = tpu.memref_slice %arg17[%dma_start3A_301] : memref<2x!tpu.dma_semaphore, #tpu.memory_space<semaphore_mem>> -> memref<1x!tpu.dma_semaphore, #tpu.memory_space<semaphore_mem>>
        %dma_start3A_309 = tpu.memref_squeeze %dma_start3A_308 : memref<1x!tpu.dma_semaphore, #tpu.memory_space<semaphore_mem>> -> memref<!tpu.dma_semaphore, #tpu.memory_space<semaphore_mem>>
        tpu.enqueue_indirect_dma source(%dma_start3A_307 : memref<10240x64xf32, #tpu.memory_space<vmem_shared>>) target(%arg11 : memref<80x64xf32, #tpu.memory_space<vmem>>) offsets(%dma_start3A_304 : memref<80xi32, #tpu.memory_space<vmem>>) semaphore(%dma_start3A_309 : memref<!tpu.dma_semaphore, #tpu.memory_space<semaphore_mem>>)
      } else {
      }
    }
    %scan3A_77 = arith.constant 62 : i32
    %dma_wait3A = arith.constant 0 : i32
    %dma_wait3A_78 = arith.constant 0 : i32
    %dma_wait3A_79 = arith.constant 0 : i32
    %dma_wait3A_80 = arith.constant 0 : i32
    %dma_wait3A_81 = tpu.memref_slice %arg2[%dma_wait3A, %dma_wait3A_79, %dma_wait3A_80] : memref<2x10240x64xf32, #tpu.memory_space<hbm>> -> memref<1x80x64xf32, #tpu.memory_space<hbm>>
    %dma_wait3A_82 = tpu.memref_squeeze %dma_wait3A_81 : memref<1x80x64xf32, #tpu.memory_space<hbm>> -> memref<80x64xf32, #tpu.memory_space<hbm>>
    %dma_wait3A_83 = tpu.memref_slice %arg17[%dma_wait3A_78] : memref<2x!tpu.dma_semaphore, #tpu.memory_space<semaphore_mem>> -> memref<1x!tpu.dma_semaphore, #tpu.memory_space<semaphore_mem>>
    %dma_wait3A_84 = tpu.memref_squeeze %dma_wait3A_83 : memref<1x!tpu.dma_semaphore, #tpu.memory_space<semaphore_mem>> -> memref<!tpu.dma_semaphore, #tpu.memory_space<semaphore_mem>>
    %dma_wait3A_85 = arith.constant 0 : i32
    %dma_wait3A_86 = arith.constant 0 : i32
    %dma_wait3A_87 = tpu.memref_slice %arg2[%dma_wait3A, %dma_wait3A_85, %dma_wait3A_86] : memref<2x10240x64xf32, #tpu.memory_space<hbm>> -> memref<1x80x64xf32, #tpu.memory_space<hbm>>
    %dma_wait3A_88 = tpu.memref_squeeze %dma_wait3A_87 : memref<1x80x64xf32, #tpu.memory_space<hbm>> -> memref<80x64xf32, #tpu.memory_space<hbm>>
    tpu.wait_dma2 semaphore(%dma_wait3A_84 : memref<!tpu.dma_semaphore, #tpu.memory_space<semaphore_mem>>) src(%dma_wait3A_88 : memref<80x64xf32, #tpu.memory_space<hbm>>) dst(%arg10 : memref<80x64xf32, #tpu.memory_space<vmem>>)
    %run_scoped3A = arith.constant 124 : i32
    "tpu.region"() ({
      %run_scoped3A_259 = tpu.sem_alloc : memref<!tpu.dma_semaphore, #tpu.memory_space<semaphore_mem>>
      %dma_start3A_260 = arith.constant 0 : i32
      %dma_start3A_261 = tpu.memref_slice %arg9[%run_scoped3A, %dma_start3A_260] : memref<125x80xi32, #tpu.memory_space<vmem>> -> memref<1x80xi32, #tpu.memory_space<vmem>>
      %dma_start3A_262 = tpu.memref_squeeze %dma_start3A_261 : memref<1x80xi32, #tpu.memory_space<vmem>> -> memref<80xi32, #tpu.memory_space<vmem>>
      %dma_start3A_263 = arith.constant 0 : i32
      %dma_start3A_264 = arith.constant 0 : i32
      %dma_start3A_265 = tpu.memref_slice %arg16[%dma_start3A_263, %dma_start3A_264] : memref<10240x64xf32, #tpu.memory_space<vmem_shared>> -> memref<10240x64xf32, #tpu.memory_space<vmem_shared>>
      tpu.enqueue_indirect_dma source(%arg10 : memref<80x64xf32, #tpu.memory_space<vmem>>) target(%dma_start3A_265 : memref<10240x64xf32, #tpu.memory_space<vmem_shared>>) offsets(%dma_start3A_262 : memref<80xi32, #tpu.memory_space<vmem>>) semaphore(%run_scoped3A_259 : memref<!tpu.dma_semaphore, #tpu.memory_space<semaphore_mem>>) {add = true}
      %dma_wait3A_266 = arith.constant 0 : i32
      %dma_wait3A_267 = tpu.memref_slice %arg9[%run_scoped3A, %dma_wait3A_266] : memref<125x80xi32, #tpu.memory_space<vmem>> -> memref<1x80xi32, #tpu.memory_space<vmem>>
      %dma_wait3A_268 = tpu.memref_squeeze %dma_wait3A_267 : memref<1x80xi32, #tpu.memory_space<vmem>> -> memref<80xi32, #tpu.memory_space<vmem>>
      %dma_wait3A_269 = arith.constant 0 : i32
      %dma_wait3A_270 = arith.constant 0 : i32
      %dma_wait3A_271 = tpu.memref_slice %arg16[%dma_wait3A_269, %dma_wait3A_270] : memref<10240x64xf32, #tpu.memory_space<vmem_shared>> -> memref<10240x64xf32, #tpu.memory_space<vmem_shared>>
      tpu.wait_indirect_dma semaphore(%run_scoped3A_259 : memref<!tpu.dma_semaphore, #tpu.memory_space<semaphore_mem>>) src(%arg10 : memref<80x64xf32, #tpu.memory_space<vmem>>) dst(%dma_wait3A_271 : memref<10240x64xf32, #tpu.memory_space<vmem_shared>>)
      tpu.yield
    }) : () -> ()
    %barrier3A_89 = arith.constant 0 : index
    tpu.barrier barrier_id(%barrier3A_89)
    %add3A_90 = arith.constant 0 : i32
    %add3A_91 = arith.addi %mul3A_0, %add3A_90 : i32
    "tpu.region"() ({
      %run_scoped3A_259 = tpu.sem_alloc : memref<!tpu.dma_semaphore, #tpu.memory_space<semaphore_mem>>
      %dma_start3A_260 = arith.constant 0 : i32
      %dma_start3A_261 = tpu.memref_slice %arg16[%add3A_91, %dma_start3A_260] : memref<10240x64xf32, #tpu.memory_space<vmem_shared>> -> memref<80x64xf32, #tpu.memory_space<vmem_shared>>
      %dma_start3A_262 = arith.constant 0 : i32
      %dma_start3A_263 = tpu.memref_slice %arg16[%add3A_91, %dma_start3A_262] : memref<10240x64xf32, #tpu.memory_space<vmem_shared>> -> memref<80x64xf32, #tpu.memory_space<vmem_shared>>
      tpu.enqueue_dma source(%dma_start3A_263 : memref<80x64xf32, #tpu.memory_space<vmem_shared>>) target(%arg10 : memref<80x64xf32, #tpu.memory_space<vmem>>) target_semaphore(%run_scoped3A_259 : memref<!tpu.dma_semaphore, #tpu.memory_space<semaphore_mem>>)
      %dma_wait3A_264 = arith.constant 0 : i32
      %dma_wait3A_265 = tpu.memref_slice %arg16[%add3A_91, %dma_wait3A_264] : memref<10240x64xf32, #tpu.memory_space<vmem_shared>> -> memref<80x64xf32, #tpu.memory_space<vmem_shared>>
      %dma_wait3A_266 = arith.constant 0 : i32
      %dma_wait3A_267 = tpu.memref_slice %arg16[%add3A_91, %dma_wait3A_266] : memref<10240x64xf32, #tpu.memory_space<vmem_shared>> -> memref<80x64xf32, #tpu.memory_space<vmem_shared>>
      tpu.wait_dma2 semaphore(%run_scoped3A_259 : memref<!tpu.dma_semaphore, #tpu.memory_space<semaphore_mem>>) src(%dma_wait3A_267 : memref<80x64xf32, #tpu.memory_space<vmem_shared>>) dst(%arg10 : memref<80x64xf32, #tpu.memory_space<vmem>>)
      tpu.yield
    }) : () -> ()
    "tpu.region"() ({
      %run_scoped3A_259 = tpu.sem_alloc : memref<!tpu.dma_semaphore, #tpu.memory_space<semaphore_mem>>
      %dma_start3A_260 = arith.constant 0 : i32
      %dma_start3A_261 = tpu.memref_slice %arg15[%add3A_91, %dma_start3A_260] : memref<10240x64xf32, #tpu.memory_space<vmem_shared>> -> memref<80x64xf32, #tpu.memory_space<vmem_shared>>
      %dma_start3A_262 = arith.constant 0 : i32
      %dma_start3A_263 = tpu.memref_slice %arg15[%add3A_91, %dma_start3A_262] : memref<10240x64xf32, #tpu.memory_space<vmem_shared>> -> memref<80x64xf32, #tpu.memory_space<vmem_shared>>
      tpu.enqueue_dma source(%dma_start3A_263 : memref<80x64xf32, #tpu.memory_space<vmem_shared>>) target(%arg11 : memref<80x64xf32, #tpu.memory_space<vmem>>) target_semaphore(%run_scoped3A_259 : memref<!tpu.dma_semaphore, #tpu.memory_space<semaphore_mem>>)
      %dma_wait3A_264 = arith.constant 0 : i32
      %dma_wait3A_265 = tpu.memref_slice %arg15[%add3A_91, %dma_wait3A_264] : memref<10240x64xf32, #tpu.memory_space<vmem_shared>> -> memref<80x64xf32, #tpu.memory_space<vmem_shared>>
      %dma_wait3A_266 = arith.constant 0 : i32
      %dma_wait3A_267 = tpu.memref_slice %arg15[%add3A_91, %dma_wait3A_266] : memref<10240x64xf32, #tpu.memory_space<vmem_shared>> -> memref<80x64xf32, #tpu.memory_space<vmem_shared>>
      tpu.wait_dma2 semaphore(%run_scoped3A_259 : memref<!tpu.dma_semaphore, #tpu.memory_space<semaphore_mem>>) src(%dma_wait3A_267 : memref<80x64xf32, #tpu.memory_space<vmem_shared>>) dst(%arg11 : memref<80x64xf32, #tpu.memory_space<vmem>>)
      tpu.yield
    }) : () -> ()
    %scan3A_92 = arith.constant 0 : i32
    %scan3A_93 = arith.constant 0 : i32
    %scan3A_94 = arith.constant 80 : i32
    %scan3A_95 = arith.addi %scan3A_93, %scan3A_94 : i32
    %scan3A_96 = arith.constant 1 : i32
    scf.for %scan3A_259 = %scan3A_93 to %scan3A_95 step %scan3A_96  : i32 {
      %add3A_260 = arith.constant 0 : i32
      %add3A_261 = arith.addi %add3A_260, %scan3A_259 : i32
      %get3A = arith.index_cast %add3A_261 : i32 to index
      %get3A_262 = arith.constant 0 : index
      %get3A_263 = tpu.vector_load %arg13[%get3A, %get3A_262] {strides = array<i32>} : memref<640x16xf32, #tpu.memory_space<vmem>>, vector<1x16xf32>,
      %get3A_264 = vector.shape_cast %get3A_263 : vector<1x16xf32> to vector<16xf32>
      %get3A_265 = arith.index_cast %scan3A_259 : i32 to index
      %get3A_266 = arith.constant 0 : index
      %get3A_267 = tpu.vector_load %arg11[%get3A_265, %get3A_266] {strides = array<i32>} : memref<80x64xf32, #tpu.memory_space<vmem>>, vector<1x16xf32>,
      %get3A_268 = vector.shape_cast %get3A_267 : vector<1x16xf32> to vector<16xf32>
      %get3A_269 = arith.index_cast %scan3A_259 : i32 to index
      %get3A_270 = arith.constant 0 : index
      %get3A_271 = tpu.vector_load %arg10[%get3A_269, %get3A_270] {strides = array<i32>} : memref<80x64xf32, #tpu.memory_space<vmem>>, vector<1x16xf32>,
      %get3A_272 = vector.shape_cast %get3A_271 : vector<1x16xf32> to vector<16xf32>
      %get3A_273 = arith.constant 0 : index
      %get3A_274 = tpu.vector_load %arg14[%get3A_273] {strides = array<i32>} : memref<64xf32, #tpu.memory_space<vmem>>, vector<16xf32>,
      %get3A_275 = vector.shape_cast %get3A_274 : vector<16xf32> to vector<16xf32>
      %add3A_276 = arith.addf %get3A_268, %get3A_272 : vector<16xf32>
      %mul3A_277 = arith.mulf %get3A_264, %add3A_276 : vector<16xf32>
      %add3A_278 = arith.addf %mul3A_277, %get3A_275 : vector<16xf32>
      %max3A = arith.constant 0.000000e+00 : f32
      %max3A_279 = vector.broadcast %max3A : f32 to vector<16xf32>
      %max3A_280 = arith.maximumf %add3A_278, %max3A_279 : vector<16xf32>
      %mul3A_281 = arith.mulf %get3A_264, %max3A_280 : vector<16xf32>
      %swap3A = arith.index_cast %scan3A_259 : i32 to index
      %swap3A_282 = arith.constant 0 : index
      %swap3A_283 = tpu.vector_load %arg11[%swap3A, %swap3A_282] {strides = array<i32>} : memref<80x64xf32, #tpu.memory_space<vmem>>, vector<1x16xf32>,
      %swap3A_284 = vector.shape_cast %swap3A_283 : vector<1x16xf32> to vector<16xf32>
      %swap3A_285 = vector.shape_cast %mul3A_281 : vector<16xf32> to vector<1x16xf32>
      tpu.vector_store %arg11[%swap3A, %swap3A_282], %swap3A_285 {strides = array<i32>} : memref<80x64xf32, #tpu.memory_space<vmem>>, vector<1x16xf32>,
      %get3A_286 = arith.index_cast %scan3A_259 : i32 to index
      %get3A_287 = arith.constant 16 : index
      %get3A_288 = tpu.vector_load %arg11[%get3A_286, %get3A_287] {strides = array<i32>} : memref<80x64xf32, #tpu.memory_space<vmem>>, vector<1x16xf32>,
      %get3A_289 = vector.shape_cast %get3A_288 : vector<1x16xf32> to vector<16xf32>
      %get3A_290 = arith.index_cast %scan3A_259 : i32 to index
      %get3A_291 = arith.constant 16 : index
      %get3A_292 = tpu.vector_load %arg10[%get3A_290, %get3A_291] {strides = array<i32>} : memref<80x64xf32, #tpu.memory_space<vmem>>, vector<1x16xf32>,
      %get3A_293 = vector.shape_cast %get3A_292 : vector<1x16xf32> to vector<16xf32>
      %get3A_294 = arith.constant 16 : index
      %get3A_295 = tpu.vector_load %arg14[%get3A_294] {strides = array<i32>} : memref<64xf32, #tpu.memory_space<vmem>>, vector<16xf32>,
      %get3A_296 = vector.shape_cast %get3A_295 : vector<16xf32> to vector<16xf32>
      %add3A_297 = arith.addf %get3A_289, %get3A_293 : vector<16xf32>
      %mul3A_298 = arith.mulf %get3A_264, %add3A_297 : vector<16xf32>
      %add3A_299 = arith.addf %mul3A_298, %get3A_296 : vector<16xf32>
      %max3A_300 = arith.constant 0.000000e+00 : f32
      %max3A_301 = vector.broadcast %max3A_300 : f32 to vector<16xf32>
      %max3A_302 = arith.maximumf %add3A_299, %max3A_301 : vector<16xf32>
      %mul3A_303 = arith.mulf %get3A_264, %max3A_302 : vector<16xf32>
      %swap3A_304 = arith.index_cast %scan3A_259 : i32 to index
      %swap3A_305 = arith.constant 16 : index
      %swap3A_306 = tpu.vector_load %arg11[%swap3A_304, %swap3A_305] {strides = array<i32>} : memref<80x64xf32, #tpu.memory_space<vmem>>, vector<1x16xf32>,
      %swap3A_307 = vector.shape_cast %swap3A_306 : vector<1x16xf32> to vector<16xf32>
      %swap3A_308 = vector.shape_cast %mul3A_303 : vector<16xf32> to vector<1x16xf32>
      tpu.vector_store %arg11[%swap3A_304, %swap3A_305], %swap3A_308 {strides = array<i32>} : memref<80x64xf32, #tpu.memory_space<vmem>>, vector<1x16xf32>,
      %get3A_309 = arith.index_cast %scan3A_259 : i32 to index
      %get3A_310 = arith.constant 32 : index
      %get3A_311 = tpu.vector_load %arg11[%get3A_309, %get3A_310] {strides = array<i32>} : memref<80x64xf32, #tpu.memory_space<vmem>>, vector<1x16xf32>,
      %get3A_312 = vector.shape_cast %get3A_311 : vector<1x16xf32> to vector<16xf32>
      %get3A_313 = arith.index_cast %scan3A_259 : i32 to index
      %get3A_314 = arith.constant 32 : index
      %get3A_315 = tpu.vector_load %arg10[%get3A_313, %get3A_314] {strides = array<i32>} : memref<80x64xf32, #tpu.memory_space<vmem>>, vector<1x16xf32>,
      %get3A_316 = vector.shape_cast %get3A_315 : vector<1x16xf32> to vector<16xf32>
      %get3A_317 = arith.constant 32 : index
      %get3A_318 = tpu.vector_load %arg14[%get3A_317] {strides = array<i32>} : memref<64xf32, #tpu.memory_space<vmem>>, vector<16xf32>,
      %get3A_319 = vector.shape_cast %get3A_318 : vector<16xf32> to vector<16xf32>
      %add3A_320 = arith.addf %get3A_312, %get3A_316 : vector<16xf32>
      %mul3A_321 = arith.mulf %get3A_264, %add3A_320 : vector<16xf32>
      %add3A_322 = arith.addf %mul3A_321, %get3A_319 : vector<16xf32>
      %max3A_323 = arith.constant 0.000000e+00 : f32
      %max3A_324 = vector.broadcast %max3A_323 : f32 to vector<16xf32>
      %max3A_325 = arith.maximumf %add3A_322, %max3A_324 : vector<16xf32>
      %mul3A_326 = arith.mulf %get3A_264, %max3A_325 : vector<16xf32>
      %swap3A_327 = arith.index_cast %scan3A_259 : i32 to index
      %swap3A_328 = arith.constant 32 : index
      %swap3A_329 = tpu.vector_load %arg11[%swap3A_327, %swap3A_328] {strides = array<i32>} : memref<80x64xf32, #tpu.memory_space<vmem>>, vector<1x16xf32>,
      %swap3A_330 = vector.shape_cast %swap3A_329 : vector<1x16xf32> to vector<16xf32>
      %swap3A_331 = vector.shape_cast %mul3A_326 : vector<16xf32> to vector<1x16xf32>
      tpu.vector_store %arg11[%swap3A_327, %swap3A_328], %swap3A_331 {strides = array<i32>} : memref<80x64xf32, #tpu.memory_space<vmem>>, vector<1x16xf32>,
      %get3A_332 = arith.index_cast %scan3A_259 : i32 to index
      %get3A_333 = arith.constant 48 : index
      %get3A_334 = tpu.vector_load %arg11[%get3A_332, %get3A_333] {strides = array<i32>} : memref<80x64xf32, #tpu.memory_space<vmem>>, vector<1x16xf32>,
      %get3A_335 = vector.shape_cast %get3A_334 : vector<1x16xf32> to vector<16xf32>
      %get3A_336 = arith.index_cast %scan3A_259 : i32 to index
      %get3A_337 = arith.constant 48 : index
      %get3A_338 = tpu.vector_load %arg10[%get3A_336, %get3A_337] {strides = array<i32>} : memref<80x64xf32, #tpu.memory_space<vmem>>, vector<1x16xf32>,
      %get3A_339 = vector.shape_cast %get3A_338 : vector<1x16xf32> to vector<16xf32>
      %get3A_340 = arith.constant 48 : index
      %get3A_341 = tpu.vector_load %arg14[%get3A_340] {strides = array<i32>} : memref<64xf32, #tpu.memory_space<vmem>>, vector<16xf32>,
      %get3A_342 = vector.shape_cast %get3A_341 : vector<16xf32> to vector<16xf32>
      %add3A_343 = arith.addf %get3A_335, %get3A_339 : vector<16xf32>
      %mul3A_344 = arith.mulf %get3A_264, %add3A_343 : vector<16xf32>
      %add3A_345 = arith.addf %mul3A_344, %get3A_342 : vector<16xf32>
      %max3A_346 = arith.constant 0.000000e+00 : f32
      %max3A_347 = vector.broadcast %max3A_346 : f32 to vector<16xf32>
      %max3A_348 = arith.maximumf %add3A_345, %max3A_347 : vector<16xf32>
      %mul3A_349 = arith.mulf %get3A_264, %max3A_348 : vector<16xf32>
      %swap3A_350 = arith.index_cast %scan3A_259 : i32 to index
      %swap3A_351 = arith.constant 48 : index
      %swap3A_352 = tpu.vector_load %arg11[%swap3A_350, %swap3A_351] {strides = array<i32>} : memref<80x64xf32, #tpu.memory_space<vmem>>, vector<1x16xf32>,
      %swap3A_353 = vector.shape_cast %swap3A_352 : vector<1x16xf32> to vector<16xf32>
      %swap3A_354 = vector.shape_cast %mul3A_349 : vector<16xf32> to vector<1x16xf32>
      tpu.vector_store %arg11[%swap3A_350, %swap3A_351], %swap3A_354 {strides = array<i32>} : memref<80x64xf32, #tpu.memory_space<vmem>>, vector<1x16xf32>,
    }
    %scan3A_97 = arith.constant 80 : i32
    "tpu.region"() ({
      %run_scoped3A_259 = tpu.sem_alloc : memref<!tpu.dma_semaphore, #tpu.memory_space<semaphore_mem>>
      %dma_start3A_260 = arith.constant 0 : i32
      %dma_start3A_261 = tpu.memref_slice %arg15[%add3A_91, %dma_start3A_260] : memref<10240x64xf32, #tpu.memory_space<vmem_shared>> -> memref<80x64xf32, #tpu.memory_space<vmem_shared>>
      %dma_start3A_262 = arith.constant 0 : i32
      %dma_start3A_263 = tpu.memref_slice %arg15[%add3A_91, %dma_start3A_262] : memref<10240x64xf32, #tpu.memory_space<vmem_shared>> -> memref<80x64xf32, #tpu.memory_space<vmem_shared>>
      tpu.enqueue_dma source(%arg11 : memref<80x64xf32, #tpu.memory_space<vmem>>) target(%dma_start3A_263 : memref<80x64xf32, #tpu.memory_space<vmem_shared>>) target_semaphore(%run_scoped3A_259 : memref<!tpu.dma_semaphore, #tpu.memory_space<semaphore_mem>>)
      %dma_wait3A_264 = arith.constant 0 : i32
      %dma_wait3A_265 = tpu.memref_slice %arg15[%add3A_91, %dma_wait3A_264] : memref<10240x64xf32, #tpu.memory_space<vmem_shared>> -> memref<80x64xf32, #tpu.memory_space<vmem_shared>>
      %dma_wait3A_266 = arith.constant 0 : i32
      %dma_wait3A_267 = tpu.memref_slice %arg15[%add3A_91, %dma_wait3A_266] : memref<10240x64xf32, #tpu.memory_space<vmem_shared>> -> memref<80x64xf32, #tpu.memory_space<vmem_shared>>
      tpu.wait_dma2 semaphore(%run_scoped3A_259 : memref<!tpu.dma_semaphore, #tpu.memory_space<semaphore_mem>>) src(%arg11 : memref<80x64xf32, #tpu.memory_space<vmem>>) dst(%dma_wait3A_267 : memref<80x64xf32, #tpu.memory_space<vmem_shared>>)
      tpu.yield
    }) : () -> ()
    "tpu.region"() ({
      %run_scoped3A_259 = tpu.sem_alloc : memref<!tpu.dma_semaphore, #tpu.memory_space<semaphore_mem>>
      %dma_start3A_260 = arith.constant 0 : i32
      %dma_start3A_261 = tpu.memref_slice %arg16[%add3A_91, %dma_start3A_260] : memref<10240x64xf32, #tpu.memory_space<vmem_shared>> -> memref<80x64xf32, #tpu.memory_space<vmem_shared>>
      %dma_start3A_262 = arith.constant 0 : i32
      %dma_start3A_263 = tpu.memref_slice %arg16[%add3A_91, %dma_start3A_262] : memref<10240x64xf32, #tpu.memory_space<vmem_shared>> -> memref<80x64xf32, #tpu.memory_space<vmem_shared>>
      tpu.enqueue_dma source(%arg12 : memref<80x64xf32, #tpu.memory_space<vmem>>) target(%dma_start3A_263 : memref<80x64xf32, #tpu.memory_space<vmem_shared>>) target_semaphore(%run_scoped3A_259 : memref<!tpu.dma_semaphore, #tpu.memory_space<semaphore_mem>>)
      %dma_wait3A_264 = arith.constant 0 : i32
      %dma_wait3A_265 = tpu.memref_slice %arg16[%add3A_91, %dma_wait3A_264] : memref<10240x64xf32, #tpu.memory_space<vmem_shared>> -> memref<80x64xf32, #tpu.memory_space<vmem_shared>>
      %dma_wait3A_266 = arith.constant 0 : i32
      %dma_wait3A_267 = tpu.memref_slice %arg16[%add3A_91, %dma_wait3A_266] : memref<10240x64xf32, #tpu.memory_space<vmem_shared>> -> memref<80x64xf32, #tpu.memory_space<vmem_shared>>
      tpu.wait_dma2 semaphore(%run_scoped3A_259 : memref<!tpu.dma_semaphore, #tpu.memory_space<semaphore_mem>>) src(%arg12 : memref<80x64xf32, #tpu.memory_space<vmem>>) dst(%dma_wait3A_267 : memref<80x64xf32, #tpu.memory_space<vmem_shared>>)
      tpu.yield
    }) : () -> ()
    %add3A_98 = arith.constant 80 : i32
    %add3A_99 = arith.addi %mul3A_0, %add3A_98 : i32
    "tpu.region"() ({
      %run_scoped3A_259 = tpu.sem_alloc : memref<!tpu.dma_semaphore, #tpu.memory_space<semaphore_mem>>
      %dma_start3A_260 = arith.constant 0 : i32
      %dma_start3A_261 = tpu.memref_slice %arg16[%add3A_99, %dma_start3A_260] : memref<10240x64xf32, #tpu.memory_space<vmem_shared>> -> memref<80x64xf32, #tpu.memory_space<vmem_shared>>
      %dma_start3A_262 = arith.constant 0 : i32
      %dma_start3A_263 = tpu.memref_slice %arg16[%add3A_99, %dma_start3A_262] : memref<10240x64xf32, #tpu.memory_space<vmem_shared>> -> memref<80x64xf32, #tpu.memory_space<vmem_shared>>
      tpu.enqueue_dma source(%dma_start3A_263 : memref<80x64xf32, #tpu.memory_space<vmem_shared>>) target(%arg10 : memref<80x64xf32, #tpu.memory_space<vmem>>) target_semaphore(%run_scoped3A_259 : memref<!tpu.dma_semaphore, #tpu.memory_space<semaphore_mem>>)
      %dma_wait3A_264 = arith.constant 0 : i32
      %dma_wait3A_265 = tpu.memref_slice %arg16[%add3A_99, %dma_wait3A_264] : memref<10240x64xf32, #tpu.memory_space<vmem_shared>> -> memref<80x64xf32, #tpu.memory_space<vmem_shared>>
      %dma_wait3A_266 = arith.constant 0 : i32
      %dma_wait3A_267 = tpu.memref_slice %arg16[%add3A_99, %dma_wait3A_266] : memref<10240x64xf32, #tpu.memory_space<vmem_shared>> -> memref<80x64xf32, #tpu.memory_space<vmem_shared>>
      tpu.wait_dma2 semaphore(%run_scoped3A_259 : memref<!tpu.dma_semaphore, #tpu.memory_space<semaphore_mem>>) src(%dma_wait3A_267 : memref<80x64xf32, #tpu.memory_space<vmem_shared>>) dst(%arg10 : memref<80x64xf32, #tpu.memory_space<vmem>>)
      tpu.yield
    }) : () -> ()
    "tpu.region"() ({
      %run_scoped3A_259 = tpu.sem_alloc : memref<!tpu.dma_semaphore, #tpu.memory_space<semaphore_mem>>
      %dma_start3A_260 = arith.constant 0 : i32
      %dma_start3A_261 = tpu.memref_slice %arg15[%add3A_99, %dma_start3A_260] : memref<10240x64xf32, #tpu.memory_space<vmem_shared>> -> memref<80x64xf32, #tpu.memory_space<vmem_shared>>
      %dma_start3A_262 = arith.constant 0 : i32
      %dma_start3A_263 = tpu.memref_slice %arg15[%add3A_99, %dma_start3A_262] : memref<10240x64xf32, #tpu.memory_space<vmem_shared>> -> memref<80x64xf32, #tpu.memory_space<vmem_shared>>
      tpu.enqueue_dma source(%dma_start3A_263 : memref<80x64xf32, #tpu.memory_space<vmem_shared>>) target(%arg11 : memref<80x64xf32, #tpu.memory_space<vmem>>) target_semaphore(%run_scoped3A_259 : memref<!tpu.dma_semaphore, #tpu.memory_space<semaphore_mem>>)
      %dma_wait3A_264 = arith.constant 0 : i32
      %dma_wait3A_265 = tpu.memref_slice %arg15[%add3A_99, %dma_wait3A_264] : memref<10240x64xf32, #tpu.memory_space<vmem_shared>> -> memref<80x64xf32, #tpu.memory_space<vmem_shared>>
      %dma_wait3A_266 = arith.constant 0 : i32
      %dma_wait3A_267 = tpu.memref_slice %arg15[%add3A_99, %dma_wait3A_266] : memref<10240x64xf32, #tpu.memory_space<vmem_shared>> -> memref<80x64xf32, #tpu.memory_space<vmem_shared>>
      tpu.wait_dma2 semaphore(%run_scoped3A_259 : memref<!tpu.dma_semaphore, #tpu.memory_space<semaphore_mem>>) src(%dma_wait3A_267 : memref<80x64xf32, #tpu.memory_space<vmem_shared>>) dst(%arg11 : memref<80x64xf32, #tpu.memory_space<vmem>>)
      tpu.yield
    }) : () -> ()
    %scan3A_100 = arith.constant 0 : i32
    %scan3A_101 = arith.constant 0 : i32
    %scan3A_102 = arith.constant 80 : i32
    %scan3A_103 = arith.addi %scan3A_101, %scan3A_102 : i32
    %scan3A_104 = arith.constant 1 : i32
    scf.for %scan3A_259 = %scan3A_101 to %scan3A_103 step %scan3A_104  : i32 {
      %add3A_260 = arith.constant 80 : i32
      %add3A_261 = arith.addi %add3A_260, %scan3A_259 : i32
      %get3A = arith.index_cast %add3A_261 : i32 to index
      %get3A_262 = arith.constant 0 : index
      %get3A_263 = tpu.vector_load %arg13[%get3A, %get3A_262] {strides = array<i32>} : memref<640x16xf32, #tpu.memory_space<vmem>>, vector<1x16xf32>,
      %get3A_264 = vector.shape_cast %get3A_263 : vector<1x16xf32> to vector<16xf32>
      %get3A_265 = arith.index_cast %scan3A_259 : i32 to index
      %get3A_266 = arith.constant 0 : index
      %get3A_267 = tpu.vector_load %arg11[%get3A_265, %get3A_266] {strides = array<i32>} : memref<80x64xf32, #tpu.memory_space<vmem>>, vector<1x16xf32>,
      %get3A_268 = vector.shape_cast %get3A_267 : vector<1x16xf32> to vector<16xf32>
      %get3A_269 = arith.index_cast %scan3A_259 : i32 to index
      %get3A_270 = arith.constant 0 : index
      %get3A_271 = tpu.vector_load %arg10[%get3A_269, %get3A_270] {strides = array<i32>} : memref<80x64xf32, #tpu.memory_space<vmem>>, vector<1x16xf32>,
      %get3A_272 = vector.shape_cast %get3A_271 : vector<1x16xf32> to vector<16xf32>
      %get3A_273 = arith.constant 0 : index
      %get3A_274 = tpu.vector_load %arg14[%get3A_273] {strides = array<i32>} : memref<64xf32, #tpu.memory_space<vmem>>, vector<16xf32>,
      %get3A_275 = vector.shape_cast %get3A_274 : vector<16xf32> to vector<16xf32>
      %add3A_276 = arith.addf %get3A_268, %get3A_272 : vector<16xf32>
      %mul3A_277 = arith.mulf %get3A_264, %add3A_276 : vector<16xf32>
      %add3A_278 = arith.addf %mul3A_277, %get3A_275 : vector<16xf32>
      %max3A = arith.constant 0.000000e+00 : f32
      %max3A_279 = vector.broadcast %max3A : f32 to vector<16xf32>
      %max3A_280 = arith.maximumf %add3A_278, %max3A_279 : vector<16xf32>
      %mul3A_281 = arith.mulf %get3A_264, %max3A_280 : vector<16xf32>
      %swap3A = arith.index_cast %scan3A_259 : i32 to index
      %swap3A_282 = arith.constant 0 : index
      %swap3A_283 = tpu.vector_load %arg11[%swap3A, %swap3A_282] {strides = array<i32>} : memref<80x64xf32, #tpu.memory_space<vmem>>, vector<1x16xf32>,
      %swap3A_284 = vector.shape_cast %swap3A_283 : vector<1x16xf32> to vector<16xf32>
      %swap3A_285 = vector.shape_cast %mul3A_281 : vector<16xf32> to vector<1x16xf32>
      tpu.vector_store %arg11[%swap3A, %swap3A_282], %swap3A_285 {strides = array<i32>} : memref<80x64xf32, #tpu.memory_space<vmem>>, vector<1x16xf32>,
      %get3A_286 = arith.index_cast %scan3A_259 : i32 to index
      %get3A_287 = arith.constant 16 : index
      %get3A_288 = tpu.vector_load %arg11[%get3A_286, %get3A_287] {strides = array<i32>} : memref<80x64xf32, #tpu.memory_space<vmem>>, vector<1x16xf32>,
      %get3A_289 = vector.shape_cast %get3A_288 : vector<1x16xf32> to vector<16xf32>
      %get3A_290 = arith.index_cast %scan3A_259 : i32 to index
      %get3A_291 = arith.constant 16 : index
      %get3A_292 = tpu.vector_load %arg10[%get3A_290, %get3A_291] {strides = array<i32>} : memref<80x64xf32, #tpu.memory_space<vmem>>, vector<1x16xf32>,
      %get3A_293 = vector.shape_cast %get3A_292 : vector<1x16xf32> to vector<16xf32>
      %get3A_294 = arith.constant 16 : index
      %get3A_295 = tpu.vector_load %arg14[%get3A_294] {strides = array<i32>} : memref<64xf32, #tpu.memory_space<vmem>>, vector<16xf32>,
      %get3A_296 = vector.shape_cast %get3A_295 : vector<16xf32> to vector<16xf32>
      %add3A_297 = arith.addf %get3A_289, %get3A_293 : vector<16xf32>
      %mul3A_298 = arith.mulf %get3A_264, %add3A_297 : vector<16xf32>
      %add3A_299 = arith.addf %mul3A_298, %get3A_296 : vector<16xf32>
      %max3A_300 = arith.constant 0.000000e+00 : f32
      %max3A_301 = vector.broadcast %max3A_300 : f32 to vector<16xf32>
      %max3A_302 = arith.maximumf %add3A_299, %max3A_301 : vector<16xf32>
      %mul3A_303 = arith.mulf %get3A_264, %max3A_302 : vector<16xf32>
      %swap3A_304 = arith.index_cast %scan3A_259 : i32 to index
      %swap3A_305 = arith.constant 16 : index
      %swap3A_306 = tpu.vector_load %arg11[%swap3A_304, %swap3A_305] {strides = array<i32>} : memref<80x64xf32, #tpu.memory_space<vmem>>, vector<1x16xf32>,
      %swap3A_307 = vector.shape_cast %swap3A_306 : vector<1x16xf32> to vector<16xf32>
      %swap3A_308 = vector.shape_cast %mul3A_303 : vector<16xf32> to vector<1x16xf32>
      tpu.vector_store %arg11[%swap3A_304, %swap3A_305], %swap3A_308 {strides = array<i32>} : memref<80x64xf32, #tpu.memory_space<vmem>>, vector<1x16xf32>,
      %get3A_309 = arith.index_cast %scan3A_259 : i32 to index
      %get3A_310 = arith.constant 32 : index
      %get3A_311 = tpu.vector_load %arg11[%get3A_309, %get3A_310] {strides = array<i32>} : memref<80x64xf32, #tpu.memory_space<vmem>>, vector<1x16xf32>,
      %get3A_312 = vector.shape_cast %get3A_311 : vector<1x16xf32> to vector<16xf32>
      %get3A_313 = arith.index_cast %scan3A_259 : i32 to index
      %get3A_314 = arith.constant 32 : index
      %get3A_315 = tpu.vector_load %arg10[%get3A_313, %get3A_314] {strides = array<i32>} : memref<80x64xf32, #tpu.memory_space<vmem>>, vector<1x16xf32>,
      %get3A_316 = vector.shape_cast %get3A_315 : vector<1x16xf32> to vector<16xf32>
      %get3A_317 = arith.constant 32 : index
      %get3A_318 = tpu.vector_load %arg14[%get3A_317] {strides = array<i32>} : memref<64xf32, #tpu.memory_space<vmem>>, vector<16xf32>,
      %get3A_319 = vector.shape_cast %get3A_318 : vector<16xf32> to vector<16xf32>
      %add3A_320 = arith.addf %get3A_312, %get3A_316 : vector<16xf32>
      %mul3A_321 = arith.mulf %get3A_264, %add3A_320 : vector<16xf32>
      %add3A_322 = arith.addf %mul3A_321, %get3A_319 : vector<16xf32>
      %max3A_323 = arith.constant 0.000000e+00 : f32
      %max3A_324 = vector.broadcast %max3A_323 : f32 to vector<16xf32>
      %max3A_325 = arith.maximumf %add3A_322, %max3A_324 : vector<16xf32>
      %mul3A_326 = arith.mulf %get3A_264, %max3A_325 : vector<16xf32>
      %swap3A_327 = arith.index_cast %scan3A_259 : i32 to index
      %swap3A_328 = arith.constant 32 : index
      %swap3A_329 = tpu.vector_load %arg11[%swap3A_327, %swap3A_328] {strides = array<i32>} : memref<80x64xf32, #tpu.memory_space<vmem>>, vector<1x16xf32>,
      %swap3A_330 = vector.shape_cast %swap3A_329 : vector<1x16xf32> to vector<16xf32>
      %swap3A_331 = vector.shape_cast %mul3A_326 : vector<16xf32> to vector<1x16xf32>
      tpu.vector_store %arg11[%swap3A_327, %swap3A_328], %swap3A_331 {strides = array<i32>} : memref<80x64xf32, #tpu.memory_space<vmem>>, vector<1x16xf32>,
      %get3A_332 = arith.index_cast %scan3A_259 : i32 to index
      %get3A_333 = arith.constant 48 : index
      %get3A_334 = tpu.vector_load %arg11[%get3A_332, %get3A_333] {strides = array<i32>} : memref<80x64xf32, #tpu.memory_space<vmem>>, vector<1x16xf32>,
      %get3A_335 = vector.shape_cast %get3A_334 : vector<1x16xf32> to vector<16xf32>
      %get3A_336 = arith.index_cast %scan3A_259 : i32 to index
      %get3A_337 = arith.constant 48 : index
      %get3A_338 = tpu.vector_load %arg10[%get3A_336, %get3A_337] {strides = array<i32>} : memref<80x64xf32, #tpu.memory_space<vmem>>, vector<1x16xf32>,
      %get3A_339 = vector.shape_cast %get3A_338 : vector<1x16xf32> to vector<16xf32>
      %get3A_340 = arith.constant 48 : index
      %get3A_341 = tpu.vector_load %arg14[%get3A_340] {strides = array<i32>} : memref<64xf32, #tpu.memory_space<vmem>>, vector<16xf32>,
      %get3A_342 = vector.shape_cast %get3A_341 : vector<16xf32> to vector<16xf32>
      %add3A_343 = arith.addf %get3A_335, %get3A_339 : vector<16xf32>
      %mul3A_344 = arith.mulf %get3A_264, %add3A_343 : vector<16xf32>
      %add3A_345 = arith.addf %mul3A_344, %get3A_342 : vector<16xf32>
      %max3A_346 = arith.constant 0.000000e+00 : f32
      %max3A_347 = vector.broadcast %max3A_346 : f32 to vector<16xf32>
      %max3A_348 = arith.maximumf %add3A_345, %max3A_347 : vector<16xf32>
      %mul3A_349 = arith.mulf %get3A_264, %max3A_348 : vector<16xf32>
      %swap3A_350 = arith.index_cast %scan3A_259 : i32 to index
      %swap3A_351 = arith.constant 48 : index
      %swap3A_352 = tpu.vector_load %arg11[%swap3A_350, %swap3A_351] {strides = array<i32>} : memref<80x64xf32, #tpu.memory_space<vmem>>, vector<1x16xf32>,
      %swap3A_353 = vector.shape_cast %swap3A_352 : vector<1x16xf32> to vector<16xf32>
      %swap3A_354 = vector.shape_cast %mul3A_349 : vector<16xf32> to vector<1x16xf32>
      tpu.vector_store %arg11[%swap3A_350, %swap3A_351], %swap3A_354 {strides = array<i32>} : memref<80x64xf32, #tpu.memory_space<vmem>>, vector<1x16xf32>,
    }
    %scan3A_105 = arith.constant 80 : i32
    "tpu.region"() ({
      %run_scoped3A_259 = tpu.sem_alloc : memref<!tpu.dma_semaphore, #tpu.memory_space<semaphore_mem>>
      %dma_start3A_260 = arith.constant 0 : i32
      %dma_start3A_261 = tpu.memref_slice %arg15[%add3A_99, %dma_start3A_260] : memref<10240x64xf32, #tpu.memory_space<vmem_shared>> -> memref<80x64xf32, #tpu.memory_space<vmem_shared>>
      %dma_start3A_262 = arith.constant 0 : i32
      %dma_start3A_263 = tpu.memref_slice %arg15[%add3A_99, %dma_start3A_262] : memref<10240x64xf32, #tpu.memory_space<vmem_shared>> -> memref<80x64xf32, #tpu.memory_space<vmem_shared>>
      tpu.enqueue_dma source(%arg11 : memref<80x64xf32, #tpu.memory_space<vmem>>) target(%dma_start3A_263 : memref<80x64xf32, #tpu.memory_space<vmem_shared>>) target_semaphore(%run_scoped3A_259 : memref<!tpu.dma_semaphore, #tpu.memory_space<semaphore_mem>>)
      %dma_wait3A_264 = arith.constant 0 : i32
      %dma_wait3A_265 = tpu.memref_slice %arg15[%add3A_99, %dma_wait3A_264] : memref<10240x64xf32, #tpu.memory_space<vmem_shared>> -> memref<80x64xf32, #tpu.memory_space<vmem_shared>>
      %dma_wait3A_266 = arith.constant 0 : i32
      %dma_wait3A_267 = tpu.memref_slice %arg15[%add3A_99, %dma_wait3A_266] : memref<10240x64xf32, #tpu.memory_space<vmem_shared>> -> memref<80x64xf32, #tpu.memory_space<vmem_shared>>
      tpu.wait_dma2 semaphore(%run_scoped3A_259 : memref<!tpu.dma_semaphore, #tpu.memory_space<semaphore_mem>>) src(%arg11 : memref<80x64xf32, #tpu.memory_space<vmem>>) dst(%dma_wait3A_267 : memref<80x64xf32, #tpu.memory_space<vmem_shared>>)
      tpu.yield
    }) : () -> ()
    "tpu.region"() ({
      %run_scoped3A_259 = tpu.sem_alloc : memref<!tpu.dma_semaphore, #tpu.memory_space<semaphore_mem>>
      %dma_start3A_260 = arith.constant 0 : i32
      %dma_start3A_261 = tpu.memref_slice %arg16[%add3A_99, %dma_start3A_260] : memref<10240x64xf32, #tpu.memory_space<vmem_shared>> -> memref<80x64xf32, #tpu.memory_space<vmem_shared>>
      %dma_start3A_262 = arith.constant 0 : i32
      %dma_start3A_263 = tpu.memref_slice %arg16[%add3A_99, %dma_start3A_262] : memref<10240x64xf32, #tpu.memory_space<vmem_shared>> -> memref<80x64xf32, #tpu.memory_space<vmem_shared>>
      tpu.enqueue_dma source(%arg12 : memref<80x64xf32, #tpu.memory_space<vmem>>) target(%dma_start3A_263 : memref<80x64xf32, #tpu.memory_space<vmem_shared>>) target_semaphore(%run_scoped3A_259 : memref<!tpu.dma_semaphore, #tpu.memory_space<semaphore_mem>>)
      %dma_wait3A_264 = arith.constant 0 : i32
      %dma_wait3A_265 = tpu.memref_slice %arg16[%add3A_99, %dma_wait3A_264] : memref<10240x64xf32, #tpu.memory_space<vmem_shared>> -> memref<80x64xf32, #tpu.memory_space<vmem_shared>>
      %dma_wait3A_266 = arith.constant 0 : i32
      %dma_wait3A_267 = tpu.memref_slice %arg16[%add3A_99, %dma_wait3A_266] : memref<10240x64xf32, #tpu.memory_space<vmem_shared>> -> memref<80x64xf32, #tpu.memory_space<vmem_shared>>
      tpu.wait_dma2 semaphore(%run_scoped3A_259 : memref<!tpu.dma_semaphore, #tpu.memory_space<semaphore_mem>>) src(%arg12 : memref<80x64xf32, #tpu.memory_space<vmem>>) dst(%dma_wait3A_267 : memref<80x64xf32, #tpu.memory_space<vmem_shared>>)
      tpu.yield
    }) : () -> ()
    %add3A_106 = arith.constant 160 : i32
    %add3A_107 = arith.addi %mul3A_0, %add3A_106 : i32
    "tpu.region"() ({
      %run_scoped3A_259 = tpu.sem_alloc : memref<!tpu.dma_semaphore, #tpu.memory_space<semaphore_mem>>
      %dma_start3A_260 = arith.constant 0 : i32
      %dma_start3A_261 = tpu.memref_slice %arg16[%add3A_107, %dma_start3A_260] : memref<10240x64xf32, #tpu.memory_space<vmem_shared>> -> memref<80x64xf32, #tpu.memory_space<vmem_shared>>
      %dma_start3A_262 = arith.constant 0 : i32
      %dma_start3A_263 = tpu.memref_slice %arg16[%add3A_107, %dma_start3A_262] : memref<10240x64xf32, #tpu.memory_space<vmem_shared>> -> memref<80x64xf32, #tpu.memory_space<vmem_shared>>
      tpu.enqueue_dma source(%dma_start3A_263 : memref<80x64xf32, #tpu.memory_space<vmem_shared>>) target(%arg10 : memref<80x64xf32, #tpu.memory_space<vmem>>) target_semaphore(%run_scoped3A_259 : memref<!tpu.dma_semaphore, #tpu.memory_space<semaphore_mem>>)
      %dma_wait3A_264 = arith.constant 0 : i32
      %dma_wait3A_265 = tpu.memref_slice %arg16[%add3A_107, %dma_wait3A_264] : memref<10240x64xf32, #tpu.memory_space<vmem_shared>> -> memref<80x64xf32, #tpu.memory_space<vmem_shared>>
      %dma_wait3A_266 = arith.constant 0 : i32
      %dma_wait3A_267 = tpu.memref_slice %arg16[%add3A_107, %dma_wait3A_266] : memref<10240x64xf32, #tpu.memory_space<vmem_shared>> -> memref<80x64xf32, #tpu.memory_space<vmem_shared>>
      tpu.wait_dma2 semaphore(%run_scoped3A_259 : memref<!tpu.dma_semaphore, #tpu.memory_space<semaphore_mem>>) src(%dma_wait3A_267 : memref<80x64xf32, #tpu.memory_space<vmem_shared>>) dst(%arg10 : memref<80x64xf32, #tpu.memory_space<vmem>>)
      tpu.yield
    }) : () -> ()
    "tpu.region"() ({
      %run_scoped3A_259 = tpu.sem_alloc : memref<!tpu.dma_semaphore, #tpu.memory_space<semaphore_mem>>
      %dma_start3A_260 = arith.constant 0 : i32
      %dma_start3A_261 = tpu.memref_slice %arg15[%add3A_107, %dma_start3A_260] : memref<10240x64xf32, #tpu.memory_space<vmem_shared>> -> memref<80x64xf32, #tpu.memory_space<vmem_shared>>
      %dma_start3A_262 = arith.constant 0 : i32
      %dma_start3A_263 = tpu.memref_slice %arg15[%add3A_107, %dma_start3A_262] : memref<10240x64xf32, #tpu.memory_space<vmem_shared>> -> memref<80x64xf32, #tpu.memory_space<vmem_shared>>
      tpu.enqueue_dma source(%dma_start3A_263 : memref<80x64xf32, #tpu.memory_space<vmem_shared>>) target(%arg11 : memref<80x64xf32, #tpu.memory_space<vmem>>) target_semaphore(%run_scoped3A_259 : memref<!tpu.dma_semaphore, #tpu.memory_space<semaphore_mem>>)
      %dma_wait3A_264 = arith.constant 0 : i32
      %dma_wait3A_265 = tpu.memref_slice %arg15[%add3A_107, %dma_wait3A_264] : memref<10240x64xf32, #tpu.memory_space<vmem_shared>> -> memref<80x64xf32, #tpu.memory_space<vmem_shared>>
      %dma_wait3A_266 = arith.constant 0 : i32
      %dma_wait3A_267 = tpu.memref_slice %arg15[%add3A_107, %dma_wait3A_266] : memref<10240x64xf32, #tpu.memory_space<vmem_shared>> -> memref<80x64xf32, #tpu.memory_space<vmem_shared>>
      tpu.wait_dma2 semaphore(%run_scoped3A_259 : memref<!tpu.dma_semaphore, #tpu.memory_space<semaphore_mem>>) src(%dma_wait3A_267 : memref<80x64xf32, #tpu.memory_space<vmem_shared>>) dst(%arg11 : memref<80x64xf32, #tpu.memory_space<vmem>>)
      tpu.yield
    }) : () -> ()
    %scan3A_108 = arith.constant 0 : i32
    %scan3A_109 = arith.constant 0 : i32
    %scan3A_110 = arith.constant 80 : i32
    %scan3A_111 = arith.addi %scan3A_109, %scan3A_110 : i32
    %scan3A_112 = arith.constant 1 : i32
    scf.for %scan3A_259 = %scan3A_109 to %scan3A_111 step %scan3A_112  : i32 {
      %add3A_260 = arith.constant 160 : i32
      %add3A_261 = arith.addi %add3A_260, %scan3A_259 : i32
      %get3A = arith.index_cast %add3A_261 : i32 to index
      %get3A_262 = arith.constant 0 : index
      %get3A_263 = tpu.vector_load %arg13[%get3A, %get3A_262] {strides = array<i32>} : memref<640x16xf32, #tpu.memory_space<vmem>>, vector<1x16xf32>,
      %get3A_264 = vector.shape_cast %get3A_263 : vector<1x16xf32> to vector<16xf32>
      %get3A_265 = arith.index_cast %scan3A_259 : i32 to index
      %get3A_266 = arith.constant 0 : index
      %get3A_267 = tpu.vector_load %arg11[%get3A_265, %get3A_266] {strides = array<i32>} : memref<80x64xf32, #tpu.memory_space<vmem>>, vector<1x16xf32>,
      %get3A_268 = vector.shape_cast %get3A_267 : vector<1x16xf32> to vector<16xf32>
      %get3A_269 = arith.index_cast %scan3A_259 : i32 to index
      %get3A_270 = arith.constant 0 : index
      %get3A_271 = tpu.vector_load %arg10[%get3A_269, %get3A_270] {strides = array<i32>} : memref<80x64xf32, #tpu.memory_space<vmem>>, vector<1x16xf32>,
      %get3A_272 = vector.shape_cast %get3A_271 : vector<1x16xf32> to vector<16xf32>
      %get3A_273 = arith.constant 0 : index
      %get3A_274 = tpu.vector_load %arg14[%get3A_273] {strides = array<i32>} : memref<64xf32, #tpu.memory_space<vmem>>, vector<16xf32>,
      %get3A_275 = vector.shape_cast %get3A_274 : vector<16xf32> to vector<16xf32>
      %add3A_276 = arith.addf %get3A_268, %get3A_272 : vector<16xf32>
      %mul3A_277 = arith.mulf %get3A_264, %add3A_276 : vector<16xf32>
      %add3A_278 = arith.addf %mul3A_277, %get3A_275 : vector<16xf32>
      %max3A = arith.constant 0.000000e+00 : f32
      %max3A_279 = vector.broadcast %max3A : f32 to vector<16xf32>
      %max3A_280 = arith.maximumf %add3A_278, %max3A_279 : vector<16xf32>
      %mul3A_281 = arith.mulf %get3A_264, %max3A_280 : vector<16xf32>
      %swap3A = arith.index_cast %scan3A_259 : i32 to index
      %swap3A_282 = arith.constant 0 : index
      %swap3A_283 = tpu.vector_load %arg11[%swap3A, %swap3A_282] {strides = array<i32>} : memref<80x64xf32, #tpu.memory_space<vmem>>, vector<1x16xf32>,
      %swap3A_284 = vector.shape_cast %swap3A_283 : vector<1x16xf32> to vector<16xf32>
      %swap3A_285 = vector.shape_cast %mul3A_281 : vector<16xf32> to vector<1x16xf32>
      tpu.vector_store %arg11[%swap3A, %swap3A_282], %swap3A_285 {strides = array<i32>} : memref<80x64xf32, #tpu.memory_space<vmem>>, vector<1x16xf32>,
      %get3A_286 = arith.index_cast %scan3A_259 : i32 to index
      %get3A_287 = arith.constant 16 : index
      %get3A_288 = tpu.vector_load %arg11[%get3A_286, %get3A_287] {strides = array<i32>} : memref<80x64xf32, #tpu.memory_space<vmem>>, vector<1x16xf32>,
      %get3A_289 = vector.shape_cast %get3A_288 : vector<1x16xf32> to vector<16xf32>
      %get3A_290 = arith.index_cast %scan3A_259 : i32 to index
      %get3A_291 = arith.constant 16 : index
      %get3A_292 = tpu.vector_load %arg10[%get3A_290, %get3A_291] {strides = array<i32>} : memref<80x64xf32, #tpu.memory_space<vmem>>, vector<1x16xf32>,
      %get3A_293 = vector.shape_cast %get3A_292 : vector<1x16xf32> to vector<16xf32>
      %get3A_294 = arith.constant 16 : index
      %get3A_295 = tpu.vector_load %arg14[%get3A_294] {strides = array<i32>} : memref<64xf32, #tpu.memory_space<vmem>>, vector<16xf32>,
      %get3A_296 = vector.shape_cast %get3A_295 : vector<16xf32> to vector<16xf32>
      %add3A_297 = arith.addf %get3A_289, %get3A_293 : vector<16xf32>
      %mul3A_298 = arith.mulf %get3A_264, %add3A_297 : vector<16xf32>
      %add3A_299 = arith.addf %mul3A_298, %get3A_296 : vector<16xf32>
      %max3A_300 = arith.constant 0.000000e+00 : f32
      %max3A_301 = vector.broadcast %max3A_300 : f32 to vector<16xf32>
      %max3A_302 = arith.maximumf %add3A_299, %max3A_301 : vector<16xf32>
      %mul3A_303 = arith.mulf %get3A_264, %max3A_302 : vector<16xf32>
      %swap3A_304 = arith.index_cast %scan3A_259 : i32 to index
      %swap3A_305 = arith.constant 16 : index
      %swap3A_306 = tpu.vector_load %arg11[%swap3A_304, %swap3A_305] {strides = array<i32>} : memref<80x64xf32, #tpu.memory_space<vmem>>, vector<1x16xf32>,
      %swap3A_307 = vector.shape_cast %swap3A_306 : vector<1x16xf32> to vector<16xf32>
      %swap3A_308 = vector.shape_cast %mul3A_303 : vector<16xf32> to vector<1x16xf32>
      tpu.vector_store %arg11[%swap3A_304, %swap3A_305], %swap3A_308 {strides = array<i32>} : memref<80x64xf32, #tpu.memory_space<vmem>>, vector<1x16xf32>,
      %get3A_309 = arith.index_cast %scan3A_259 : i32 to index
      %get3A_310 = arith.constant 32 : index
      %get3A_311 = tpu.vector_load %arg11[%get3A_309, %get3A_310] {strides = array<i32>} : memref<80x64xf32, #tpu.memory_space<vmem>>, vector<1x16xf32>,
      %get3A_312 = vector.shape_cast %get3A_311 : vector<1x16xf32> to vector<16xf32>
      %get3A_313 = arith.index_cast %scan3A_259 : i32 to index
      %get3A_314 = arith.constant 32 : index
      %get3A_315 = tpu.vector_load %arg10[%get3A_313, %get3A_314] {strides = array<i32>} : memref<80x64xf32, #tpu.memory_space<vmem>>, vector<1x16xf32>,
      %get3A_316 = vector.shape_cast %get3A_315 : vector<1x16xf32> to vector<16xf32>
      %get3A_317 = arith.constant 32 : index
      %get3A_318 = tpu.vector_load %arg14[%get3A_317] {strides = array<i32>} : memref<64xf32, #tpu.memory_space<vmem>>, vector<16xf32>,
      %get3A_319 = vector.shape_cast %get3A_318 : vector<16xf32> to vector<16xf32>
      %add3A_320 = arith.addf %get3A_312, %get3A_316 : vector<16xf32>
      %mul3A_321 = arith.mulf %get3A_264, %add3A_320 : vector<16xf32>
      %add3A_322 = arith.addf %mul3A_321, %get3A_319 : vector<16xf32>
      %max3A_323 = arith.constant 0.000000e+00 : f32
      %max3A_324 = vector.broadcast %max3A_323 : f32 to vector<16xf32>
      %max3A_325 = arith.maximumf %add3A_322, %max3A_324 : vector<16xf32>
      %mul3A_326 = arith.mulf %get3A_264, %max3A_325 : vector<16xf32>
      %swap3A_327 = arith.index_cast %scan3A_259 : i32 to index
      %swap3A_328 = arith.constant 32 : index
      %swap3A_329 = tpu.vector_load %arg11[%swap3A_327, %swap3A_328] {strides = array<i32>} : memref<80x64xf32, #tpu.memory_space<vmem>>, vector<1x16xf32>,
      %swap3A_330 = vector.shape_cast %swap3A_329 : vector<1x16xf32> to vector<16xf32>
      %swap3A_331 = vector.shape_cast %mul3A_326 : vector<16xf32> to vector<1x16xf32>
      tpu.vector_store %arg11[%swap3A_327, %swap3A_328], %swap3A_331 {strides = array<i32>} : memref<80x64xf32, #tpu.memory_space<vmem>>, vector<1x16xf32>,
      %get3A_332 = arith.index_cast %scan3A_259 : i32 to index
      %get3A_333 = arith.constant 48 : index
      %get3A_334 = tpu.vector_load %arg11[%get3A_332, %get3A_333] {strides = array<i32>} : memref<80x64xf32, #tpu.memory_space<vmem>>, vector<1x16xf32>,
      %get3A_335 = vector.shape_cast %get3A_334 : vector<1x16xf32> to vector<16xf32>
      %get3A_336 = arith.index_cast %scan3A_259 : i32 to index
      %get3A_337 = arith.constant 48 : index
      %get3A_338 = tpu.vector_load %arg10[%get3A_336, %get3A_337] {strides = array<i32>} : memref<80x64xf32, #tpu.memory_space<vmem>>, vector<1x16xf32>,
      %get3A_339 = vector.shape_cast %get3A_338 : vector<1x16xf32> to vector<16xf32>
      %get3A_340 = arith.constant 48 : index
      %get3A_341 = tpu.vector_load %arg14[%get3A_340] {strides = array<i32>} : memref<64xf32, #tpu.memory_space<vmem>>, vector<16xf32>,
      %get3A_342 = vector.shape_cast %get3A_341 : vector<16xf32> to vector<16xf32>
      %add3A_343 = arith.addf %get3A_335, %get3A_339 : vector<16xf32>
      %mul3A_344 = arith.mulf %get3A_264, %add3A_343 : vector<16xf32>
      %add3A_345 = arith.addf %mul3A_344, %get3A_342 : vector<16xf32>
      %max3A_346 = arith.constant 0.000000e+00 : f32
      %max3A_347 = vector.broadcast %max3A_346 : f32 to vector<16xf32>
      %max3A_348 = arith.maximumf %add3A_345, %max3A_347 : vector<16xf32>
      %mul3A_349 = arith.mulf %get3A_264, %max3A_348 : vector<16xf32>
      %swap3A_350 = arith.index_cast %scan3A_259 : i32 to index
      %swap3A_351 = arith.constant 48 : index
      %swap3A_352 = tpu.vector_load %arg11[%swap3A_350, %swap3A_351] {strides = array<i32>} : memref<80x64xf32, #tpu.memory_space<vmem>>, vector<1x16xf32>,
      %swap3A_353 = vector.shape_cast %swap3A_352 : vector<1x16xf32> to vector<16xf32>
      %swap3A_354 = vector.shape_cast %mul3A_349 : vector<16xf32> to vector<1x16xf32>
      tpu.vector_store %arg11[%swap3A_350, %swap3A_351], %swap3A_354 {strides = array<i32>} : memref<80x64xf32, #tpu.memory_space<vmem>>, vector<1x16xf32>,
    }
    %scan3A_113 = arith.constant 80 : i32
    "tpu.region"() ({
      %run_scoped3A_259 = tpu.sem_alloc : memref<!tpu.dma_semaphore, #tpu.memory_space<semaphore_mem>>
      %dma_start3A_260 = arith.constant 0 : i32
      %dma_start3A_261 = tpu.memref_slice %arg15[%add3A_107, %dma_start3A_260] : memref<10240x64xf32, #tpu.memory_space<vmem_shared>> -> memref<80x64xf32, #tpu.memory_space<vmem_shared>>
      %dma_start3A_262 = arith.constant 0 : i32
      %dma_start3A_263 = tpu.memref_slice %arg15[%add3A_107, %dma_start3A_262] : memref<10240x64xf32, #tpu.memory_space<vmem_shared>> -> memref<80x64xf32, #tpu.memory_space<vmem_shared>>
      tpu.enqueue_dma source(%arg11 : memref<80x64xf32, #tpu.memory_space<vmem>>) target(%dma_start3A_263 : memref<80x64xf32, #tpu.memory_space<vmem_shared>>) target_semaphore(%run_scoped3A_259 : memref<!tpu.dma_semaphore, #tpu.memory_space<semaphore_mem>>)
      %dma_wait3A_264 = arith.constant 0 : i32
      %dma_wait3A_265 = tpu.memref_slice %arg15[%add3A_107, %dma_wait3A_264] : memref<10240x64xf32, #tpu.memory_space<vmem_shared>> -> memref<80x64xf32, #tpu.memory_space<vmem_shared>>
      %dma_wait3A_266 = arith.constant 0 : i32
      %dma_wait3A_267 = tpu.memref_slice %arg15[%add3A_107, %dma_wait3A_266] : memref<10240x64xf32, #tpu.memory_space<vmem_shared>> -> memref<80x64xf32, #tpu.memory_space<vmem_shared>>
      tpu.wait_dma2 semaphore(%run_scoped3A_259 : memref<!tpu.dma_semaphore, #tpu.memory_space<semaphore_mem>>) src(%arg11 : memref<80x64xf32, #tpu.memory_space<vmem>>) dst(%dma_wait3A_267 : memref<80x64xf32, #tpu.memory_space<vmem_shared>>)
      tpu.yield
    }) : () -> ()
    "tpu.region"() ({
      %run_scoped3A_259 = tpu.sem_alloc : memref<!tpu.dma_semaphore, #tpu.memory_space<semaphore_mem>>
      %dma_start3A_260 = arith.constant 0 : i32
      %dma_start3A_261 = tpu.memref_slice %arg16[%add3A_107, %dma_start3A_260] : memref<10240x64xf32, #tpu.memory_space<vmem_shared>> -> memref<80x64xf32, #tpu.memory_space<vmem_shared>>
      %dma_start3A_262 = arith.constant 0 : i32
      %dma_start3A_263 = tpu.memref_slice %arg16[%add3A_107, %dma_start3A_262] : memref<10240x64xf32, #tpu.memory_space<vmem_shared>> -> memref<80x64xf32, #tpu.memory_space<vmem_shared>>
      tpu.enqueue_dma source(%arg12 : memref<80x64xf32, #tpu.memory_space<vmem>>) target(%dma_start3A_263 : memref<80x64xf32, #tpu.memory_space<vmem_shared>>) target_semaphore(%run_scoped3A_259 : memref<!tpu.dma_semaphore, #tpu.memory_space<semaphore_mem>>)
      %dma_wait3A_264 = arith.constant 0 : i32
      %dma_wait3A_265 = tpu.memref_slice %arg16[%add3A_107, %dma_wait3A_264] : memref<10240x64xf32, #tpu.memory_space<vmem_shared>> -> memref<80x64xf32, #tpu.memory_space<vmem_shared>>
      %dma_wait3A_266 = arith.constant 0 : i32
      %dma_wait3A_267 = tpu.memref_slice %arg16[%add3A_107, %dma_wait3A_266] : memref<10240x64xf32, #tpu.memory_space<vmem_shared>> -> memref<80x64xf32, #tpu.memory_space<vmem_shared>>
      tpu.wait_dma2 semaphore(%run_scoped3A_259 : memref<!tpu.dma_semaphore, #tpu.memory_space<semaphore_mem>>) src(%arg12 : memref<80x64xf32, #tpu.memory_space<vmem>>) dst(%dma_wait3A_267 : memref<80x64xf32, #tpu.memory_space<vmem_shared>>)
      tpu.yield
    }) : () -> ()
    %add3A_114 = arith.constant 240 : i32
    %add3A_115 = arith.addi %mul3A_0, %add3A_114 : i32
    "tpu.region"() ({
      %run_scoped3A_259 = tpu.sem_alloc : memref<!tpu.dma_semaphore, #tpu.memory_space<semaphore_mem>>
      %dma_start3A_260 = arith.constant 0 : i32
      %dma_start3A_261 = tpu.memref_slice %arg16[%add3A_115, %dma_start3A_260] : memref<10240x64xf32, #tpu.memory_space<vmem_shared>> -> memref<80x64xf32, #tpu.memory_space<vmem_shared>>
      %dma_start3A_262 = arith.constant 0 : i32
      %dma_start3A_263 = tpu.memref_slice %arg16[%add3A_115, %dma_start3A_262] : memref<10240x64xf32, #tpu.memory_space<vmem_shared>> -> memref<80x64xf32, #tpu.memory_space<vmem_shared>>
      tpu.enqueue_dma source(%dma_start3A_263 : memref<80x64xf32, #tpu.memory_space<vmem_shared>>) target(%arg10 : memref<80x64xf32, #tpu.memory_space<vmem>>) target_semaphore(%run_scoped3A_259 : memref<!tpu.dma_semaphore, #tpu.memory_space<semaphore_mem>>)
      %dma_wait3A_264 = arith.constant 0 : i32
      %dma_wait3A_265 = tpu.memref_slice %arg16[%add3A_115, %dma_wait3A_264] : memref<10240x64xf32, #tpu.memory_space<vmem_shared>> -> memref<80x64xf32, #tpu.memory_space<vmem_shared>>
      %dma_wait3A_266 = arith.constant 0 : i32
      %dma_wait3A_267 = tpu.memref_slice %arg16[%add3A_115, %dma_wait3A_266] : memref<10240x64xf32, #tpu.memory_space<vmem_shared>> -> memref<80x64xf32, #tpu.memory_space<vmem_shared>>
      tpu.wait_dma2 semaphore(%run_scoped3A_259 : memref<!tpu.dma_semaphore, #tpu.memory_space<semaphore_mem>>) src(%dma_wait3A_267 : memref<80x64xf32, #tpu.memory_space<vmem_shared>>) dst(%arg10 : memref<80x64xf32, #tpu.memory_space<vmem>>)
      tpu.yield
    }) : () -> ()
    "tpu.region"() ({
      %run_scoped3A_259 = tpu.sem_alloc : memref<!tpu.dma_semaphore, #tpu.memory_space<semaphore_mem>>
      %dma_start3A_260 = arith.constant 0 : i32
      %dma_start3A_261 = tpu.memref_slice %arg15[%add3A_115, %dma_start3A_260] : memref<10240x64xf32, #tpu.memory_space<vmem_shared>> -> memref<80x64xf32, #tpu.memory_space<vmem_shared>>
      %dma_start3A_262 = arith.constant 0 : i32
      %dma_start3A_263 = tpu.memref_slice %arg15[%add3A_115, %dma_start3A_262] : memref<10240x64xf32, #tpu.memory_space<vmem_shared>> -> memref<80x64xf32, #tpu.memory_space<vmem_shared>>
      tpu.enqueue_dma source(%dma_start3A_263 : memref<80x64xf32, #tpu.memory_space<vmem_shared>>) target(%arg11 : memref<80x64xf32, #tpu.memory_space<vmem>>) target_semaphore(%run_scoped3A_259 : memref<!tpu.dma_semaphore, #tpu.memory_space<semaphore_mem>>)
      %dma_wait3A_264 = arith.constant 0 : i32
      %dma_wait3A_265 = tpu.memref_slice %arg15[%add3A_115, %dma_wait3A_264] : memref<10240x64xf32, #tpu.memory_space<vmem_shared>> -> memref<80x64xf32, #tpu.memory_space<vmem_shared>>
      %dma_wait3A_266 = arith.constant 0 : i32
      %dma_wait3A_267 = tpu.memref_slice %arg15[%add3A_115, %dma_wait3A_266] : memref<10240x64xf32, #tpu.memory_space<vmem_shared>> -> memref<80x64xf32, #tpu.memory_space<vmem_shared>>
      tpu.wait_dma2 semaphore(%run_scoped3A_259 : memref<!tpu.dma_semaphore, #tpu.memory_space<semaphore_mem>>) src(%dma_wait3A_267 : memref<80x64xf32, #tpu.memory_space<vmem_shared>>) dst(%arg11 : memref<80x64xf32, #tpu.memory_space<vmem>>)
      tpu.yield
    }) : () -> ()
    %scan3A_116 = arith.constant 0 : i32
    %scan3A_117 = arith.constant 0 : i32
    %scan3A_118 = arith.constant 80 : i32
    %scan3A_119 = arith.addi %scan3A_117, %scan3A_118 : i32
    %scan3A_120 = arith.constant 1 : i32
    scf.for %scan3A_259 = %scan3A_117 to %scan3A_119 step %scan3A_120  : i32 {
      %add3A_260 = arith.constant 240 : i32
      %add3A_261 = arith.addi %add3A_260, %scan3A_259 : i32
      %get3A = arith.index_cast %add3A_261 : i32 to index
      %get3A_262 = arith.constant 0 : index
      %get3A_263 = tpu.vector_load %arg13[%get3A, %get3A_262] {strides = array<i32>} : memref<640x16xf32, #tpu.memory_space<vmem>>, vector<1x16xf32>,
      %get3A_264 = vector.shape_cast %get3A_263 : vector<1x16xf32> to vector<16xf32>
      %get3A_265 = arith.index_cast %scan3A_259 : i32 to index
      %get3A_266 = arith.constant 0 : index
      %get3A_267 = tpu.vector_load %arg11[%get3A_265, %get3A_266] {strides = array<i32>} : memref<80x64xf32, #tpu.memory_space<vmem>>, vector<1x16xf32>,
      %get3A_268 = vector.shape_cast %get3A_267 : vector<1x16xf32> to vector<16xf32>
      %get3A_269 = arith.index_cast %scan3A_259 : i32 to index
      %get3A_270 = arith.constant 0 : index
      %get3A_271 = tpu.vector_load %arg10[%get3A_269, %get3A_270] {strides = array<i32>} : memref<80x64xf32, #tpu.memory_space<vmem>>, vector<1x16xf32>,
      %get3A_272 = vector.shape_cast %get3A_271 : vector<1x16xf32> to vector<16xf32>
      %get3A_273 = arith.constant 0 : index
      %get3A_274 = tpu.vector_load %arg14[%get3A_273] {strides = array<i32>} : memref<64xf32, #tpu.memory_space<vmem>>, vector<16xf32>,
      %get3A_275 = vector.shape_cast %get3A_274 : vector<16xf32> to vector<16xf32>
      %add3A_276 = arith.addf %get3A_268, %get3A_272 : vector<16xf32>
      %mul3A_277 = arith.mulf %get3A_264, %add3A_276 : vector<16xf32>
      %add3A_278 = arith.addf %mul3A_277, %get3A_275 : vector<16xf32>
      %max3A = arith.constant 0.000000e+00 : f32
      %max3A_279 = vector.broadcast %max3A : f32 to vector<16xf32>
      %max3A_280 = arith.maximumf %add3A_278, %max3A_279 : vector<16xf32>
      %mul3A_281 = arith.mulf %get3A_264, %max3A_280 : vector<16xf32>
      %swap3A = arith.index_cast %scan3A_259 : i32 to index
      %swap3A_282 = arith.constant 0 : index
      %swap3A_283 = tpu.vector_load %arg11[%swap3A, %swap3A_282] {strides = array<i32>} : memref<80x64xf32, #tpu.memory_space<vmem>>, vector<1x16xf32>,
      %swap3A_284 = vector.shape_cast %swap3A_283 : vector<1x16xf32> to vector<16xf32>
      %swap3A_285 = vector.shape_cast %mul3A_281 : vector<16xf32> to vector<1x16xf32>
      tpu.vector_store %arg11[%swap3A, %swap3A_282], %swap3A_285 {strides = array<i32>} : memref<80x64xf32, #tpu.memory_space<vmem>>, vector<1x16xf32>,
      %get3A_286 = arith.index_cast %scan3A_259 : i32 to index
      %get3A_287 = arith.constant 16 : index
      %get3A_288 = tpu.vector_load %arg11[%get3A_286, %get3A_287] {strides = array<i32>} : memref<80x64xf32, #tpu.memory_space<vmem>>, vector<1x16xf32>,
      %get3A_289 = vector.shape_cast %get3A_288 : vector<1x16xf32> to vector<16xf32>
      %get3A_290 = arith.index_cast %scan3A_259 : i32 to index
      %get3A_291 = arith.constant 16 : index
      %get3A_292 = tpu.vector_load %arg10[%get3A_290, %get3A_291] {strides = array<i32>} : memref<80x64xf32, #tpu.memory_space<vmem>>, vector<1x16xf32>,
      %get3A_293 = vector.shape_cast %get3A_292 : vector<1x16xf32> to vector<16xf32>
      %get3A_294 = arith.constant 16 : index
      %get3A_295 = tpu.vector_load %arg14[%get3A_294] {strides = array<i32>} : memref<64xf32, #tpu.memory_space<vmem>>, vector<16xf32>,
      %get3A_296 = vector.shape_cast %get3A_295 : vector<16xf32> to vector<16xf32>
      %add3A_297 = arith.addf %get3A_289, %get3A_293 : vector<16xf32>
      %mul3A_298 = arith.mulf %get3A_264, %add3A_297 : vector<16xf32>
      %add3A_299 = arith.addf %mul3A_298, %get3A_296 : vector<16xf32>
      %max3A_300 = arith.constant 0.000000e+00 : f32
      %max3A_301 = vector.broadcast %max3A_300 : f32 to vector<16xf32>
      %max3A_302 = arith.maximumf %add3A_299, %max3A_301 : vector<16xf32>
      %mul3A_303 = arith.mulf %get3A_264, %max3A_302 : vector<16xf32>
      %swap3A_304 = arith.index_cast %scan3A_259 : i32 to index
      %swap3A_305 = arith.constant 16 : index
      %swap3A_306 = tpu.vector_load %arg11[%swap3A_304, %swap3A_305] {strides = array<i32>} : memref<80x64xf32, #tpu.memory_space<vmem>>, vector<1x16xf32>,
      %swap3A_307 = vector.shape_cast %swap3A_306 : vector<1x16xf32> to vector<16xf32>
      %swap3A_308 = vector.shape_cast %mul3A_303 : vector<16xf32> to vector<1x16xf32>
      tpu.vector_store %arg11[%swap3A_304, %swap3A_305], %swap3A_308 {strides = array<i32>} : memref<80x64xf32, #tpu.memory_space<vmem>>, vector<1x16xf32>,
      %get3A_309 = arith.index_cast %scan3A_259 : i32 to index
      %get3A_310 = arith.constant 32 : index
      %get3A_311 = tpu.vector_load %arg11[%get3A_309, %get3A_310] {strides = array<i32>} : memref<80x64xf32, #tpu.memory_space<vmem>>, vector<1x16xf32>,
      %get3A_312 = vector.shape_cast %get3A_311 : vector<1x16xf32> to vector<16xf32>
      %get3A_313 = arith.index_cast %scan3A_259 : i32 to index
      %get3A_314 = arith.constant 32 : index
      %get3A_315 = tpu.vector_load %arg10[%get3A_313, %get3A_314] {strides = array<i32>} : memref<80x64xf32, #tpu.memory_space<vmem>>, vector<1x16xf32>,
      %get3A_316 = vector.shape_cast %get3A_315 : vector<1x16xf32> to vector<16xf32>
      %get3A_317 = arith.constant 32 : index
      %get3A_318 = tpu.vector_load %arg14[%get3A_317] {strides = array<i32>} : memref<64xf32, #tpu.memory_space<vmem>>, vector<16xf32>,
      %get3A_319 = vector.shape_cast %get3A_318 : vector<16xf32> to vector<16xf32>
      %add3A_320 = arith.addf %get3A_312, %get3A_316 : vector<16xf32>
      %mul3A_321 = arith.mulf %get3A_264, %add3A_320 : vector<16xf32>
      %add3A_322 = arith.addf %mul3A_321, %get3A_319 : vector<16xf32>
      %max3A_323 = arith.constant 0.000000e+00 : f32
      %max3A_324 = vector.broadcast %max3A_323 : f32 to vector<16xf32>
      %max3A_325 = arith.maximumf %add3A_322, %max3A_324 : vector<16xf32>
      %mul3A_326 = arith.mulf %get3A_264, %max3A_325 : vector<16xf32>
      %swap3A_327 = arith.index_cast %scan3A_259 : i32 to index
      %swap3A_328 = arith.constant 32 : index
      %swap3A_329 = tpu.vector_load %arg11[%swap3A_327, %swap3A_328] {strides = array<i32>} : memref<80x64xf32, #tpu.memory_space<vmem>>, vector<1x16xf32>,
      %swap3A_330 = vector.shape_cast %swap3A_329 : vector<1x16xf32> to vector<16xf32>
      %swap3A_331 = vector.shape_cast %mul3A_326 : vector<16xf32> to vector<1x16xf32>
      tpu.vector_store %arg11[%swap3A_327, %swap3A_328], %swap3A_331 {strides = array<i32>} : memref<80x64xf32, #tpu.memory_space<vmem>>, vector<1x16xf32>,
      %get3A_332 = arith.index_cast %scan3A_259 : i32 to index
      %get3A_333 = arith.constant 48 : index
      %get3A_334 = tpu.vector_load %arg11[%get3A_332, %get3A_333] {strides = array<i32>} : memref<80x64xf32, #tpu.memory_space<vmem>>, vector<1x16xf32>,
      %get3A_335 = vector.shape_cast %get3A_334 : vector<1x16xf32> to vector<16xf32>
      %get3A_336 = arith.index_cast %scan3A_259 : i32 to index
      %get3A_337 = arith.constant 48 : index
      %get3A_338 = tpu.vector_load %arg10[%get3A_336, %get3A_337] {strides = array<i32>} : memref<80x64xf32, #tpu.memory_space<vmem>>, vector<1x16xf32>,
      %get3A_339 = vector.shape_cast %get3A_338 : vector<1x16xf32> to vector<16xf32>
      %get3A_340 = arith.constant 48 : index
      %get3A_341 = tpu.vector_load %arg14[%get3A_340] {strides = array<i32>} : memref<64xf32, #tpu.memory_space<vmem>>, vector<16xf32>,
      %get3A_342 = vector.shape_cast %get3A_341 : vector<16xf32> to vector<16xf32>
      %add3A_343 = arith.addf %get3A_335, %get3A_339 : vector<16xf32>
      %mul3A_344 = arith.mulf %get3A_264, %add3A_343 : vector<16xf32>
      %add3A_345 = arith.addf %mul3A_344, %get3A_342 : vector<16xf32>
      %max3A_346 = arith.constant 0.000000e+00 : f32
      %max3A_347 = vector.broadcast %max3A_346 : f32 to vector<16xf32>
      %max3A_348 = arith.maximumf %add3A_345, %max3A_347 : vector<16xf32>
      %mul3A_349 = arith.mulf %get3A_264, %max3A_348 : vector<16xf32>
      %swap3A_350 = arith.index_cast %scan3A_259 : i32 to index
      %swap3A_351 = arith.constant 48 : index
      %swap3A_352 = tpu.vector_load %arg11[%swap3A_350, %swap3A_351] {strides = array<i32>} : memref<80x64xf32, #tpu.memory_space<vmem>>, vector<1x16xf32>,
      %swap3A_353 = vector.shape_cast %swap3A_352 : vector<1x16xf32> to vector<16xf32>
      %swap3A_354 = vector.shape_cast %mul3A_349 : vector<16xf32> to vector<1x16xf32>
      tpu.vector_store %arg11[%swap3A_350, %swap3A_351], %swap3A_354 {strides = array<i32>} : memref<80x64xf32, #tpu.memory_space<vmem>>, vector<1x16xf32>,
    }
    %scan3A_121 = arith.constant 80 : i32
    "tpu.region"() ({
      %run_scoped3A_259 = tpu.sem_alloc : memref<!tpu.dma_semaphore, #tpu.memory_space<semaphore_mem>>
      %dma_start3A_260 = arith.constant 0 : i32
      %dma_start3A_261 = tpu.memref_slice %arg15[%add3A_115, %dma_start3A_260] : memref<10240x64xf32, #tpu.memory_space<vmem_shared>> -> memref<80x64xf32, #tpu.memory_space<vmem_shared>>
      %dma_start3A_262 = arith.constant 0 : i32
      %dma_start3A_263 = tpu.memref_slice %arg15[%add3A_115, %dma_start3A_262] : memref<10240x64xf32, #tpu.memory_space<vmem_shared>> -> memref<80x64xf32, #tpu.memory_space<vmem_shared>>
      tpu.enqueue_dma source(%arg11 : memref<80x64xf32, #tpu.memory_space<vmem>>) target(%dma_start3A_263 : memref<80x64xf32, #tpu.memory_space<vmem_shared>>) target_semaphore(%run_scoped3A_259 : memref<!tpu.dma_semaphore, #tpu.memory_space<semaphore_mem>>)
      %dma_wait3A_264 = arith.constant 0 : i32
      %dma_wait3A_265 = tpu.memref_slice %arg15[%add3A_115, %dma_wait3A_264] : memref<10240x64xf32, #tpu.memory_space<vmem_shared>> -> memref<80x64xf32, #tpu.memory_space<vmem_shared>>
      %dma_wait3A_266 = arith.constant 0 : i32
      %dma_wait3A_267 = tpu.memref_slice %arg15[%add3A_115, %dma_wait3A_266] : memref<10240x64xf32, #tpu.memory_space<vmem_shared>> -> memref<80x64xf32, #tpu.memory_space<vmem_shared>>
      tpu.wait_dma2 semaphore(%run_scoped3A_259 : memref<!tpu.dma_semaphore, #tpu.memory_space<semaphore_mem>>) src(%arg11 : memref<80x64xf32, #tpu.memory_space<vmem>>) dst(%dma_wait3A_267 : memref<80x64xf32, #tpu.memory_space<vmem_shared>>)
      tpu.yield
    }) : () -> ()
    "tpu.region"() ({
      %run_scoped3A_259 = tpu.sem_alloc : memref<!tpu.dma_semaphore, #tpu.memory_space<semaphore_mem>>
      %dma_start3A_260 = arith.constant 0 : i32
      %dma_start3A_261 = tpu.memref_slice %arg16[%add3A_115, %dma_start3A_260] : memref<10240x64xf32, #tpu.memory_space<vmem_shared>> -> memref<80x64xf32, #tpu.memory_space<vmem_shared>>
      %dma_start3A_262 = arith.constant 0 : i32
      %dma_start3A_263 = tpu.memref_slice %arg16[%add3A_115, %dma_start3A_262] : memref<10240x64xf32, #tpu.memory_space<vmem_shared>> -> memref<80x64xf32, #tpu.memory_space<vmem_shared>>
      tpu.enqueue_dma source(%arg12 : memref<80x64xf32, #tpu.memory_space<vmem>>) target(%dma_start3A_263 : memref<80x64xf32, #tpu.memory_space<vmem_shared>>) target_semaphore(%run_scoped3A_259 : memref<!tpu.dma_semaphore, #tpu.memory_space<semaphore_mem>>)
      %dma_wait3A_264 = arith.constant 0 : i32
      %dma_wait3A_265 = tpu.memref_slice %arg16[%add3A_115, %dma_wait3A_264] : memref<10240x64xf32, #tpu.memory_space<vmem_shared>> -> memref<80x64xf32, #tpu.memory_space<vmem_shared>>
      %dma_wait3A_266 = arith.constant 0 : i32
      %dma_wait3A_267 = tpu.memref_slice %arg16[%add3A_115, %dma_wait3A_266] : memref<10240x64xf32, #tpu.memory_space<vmem_shared>> -> memref<80x64xf32, #tpu.memory_space<vmem_shared>>
      tpu.wait_dma2 semaphore(%run_scoped3A_259 : memref<!tpu.dma_semaphore, #tpu.memory_space<semaphore_mem>>) src(%arg12 : memref<80x64xf32, #tpu.memory_space<vmem>>) dst(%dma_wait3A_267 : memref<80x64xf32, #tpu.memory_space<vmem_shared>>)
      tpu.yield
    }) : () -> ()
    %add3A_122 = arith.constant 320 : i32
    %add3A_123 = arith.addi %mul3A_0, %add3A_122 : i32
    "tpu.region"() ({
      %run_scoped3A_259 = tpu.sem_alloc : memref<!tpu.dma_semaphore, #tpu.memory_space<semaphore_mem>>
      %dma_start3A_260 = arith.constant 0 : i32
      %dma_start3A_261 = tpu.memref_slice %arg16[%add3A_123, %dma_start3A_260] : memref<10240x64xf32, #tpu.memory_space<vmem_shared>> -> memref<80x64xf32, #tpu.memory_space<vmem_shared>>
      %dma_start3A_262 = arith.constant 0 : i32
      %dma_start3A_263 = tpu.memref_slice %arg16[%add3A_123, %dma_start3A_262] : memref<10240x64xf32, #tpu.memory_space<vmem_shared>> -> memref<80x64xf32, #tpu.memory_space<vmem_shared>>
      tpu.enqueue_dma source(%dma_start3A_263 : memref<80x64xf32, #tpu.memory_space<vmem_shared>>) target(%arg10 : memref<80x64xf32, #tpu.memory_space<vmem>>) target_semaphore(%run_scoped3A_259 : memref<!tpu.dma_semaphore, #tpu.memory_space<semaphore_mem>>)
      %dma_wait3A_264 = arith.constant 0 : i32
      %dma_wait3A_265 = tpu.memref_slice %arg16[%add3A_123, %dma_wait3A_264] : memref<10240x64xf32, #tpu.memory_space<vmem_shared>> -> memref<80x64xf32, #tpu.memory_space<vmem_shared>>
      %dma_wait3A_266 = arith.constant 0 : i32
      %dma_wait3A_267 = tpu.memref_slice %arg16[%add3A_123, %dma_wait3A_266] : memref<10240x64xf32, #tpu.memory_space<vmem_shared>> -> memref<80x64xf32, #tpu.memory_space<vmem_shared>>
      tpu.wait_dma2 semaphore(%run_scoped3A_259 : memref<!tpu.dma_semaphore, #tpu.memory_space<semaphore_mem>>) src(%dma_wait3A_267 : memref<80x64xf32, #tpu.memory_space<vmem_shared>>) dst(%arg10 : memref<80x64xf32, #tpu.memory_space<vmem>>)
      tpu.yield
    }) : () -> ()
    "tpu.region"() ({
      %run_scoped3A_259 = tpu.sem_alloc : memref<!tpu.dma_semaphore, #tpu.memory_space<semaphore_mem>>
      %dma_start3A_260 = arith.constant 0 : i32
      %dma_start3A_261 = tpu.memref_slice %arg15[%add3A_123, %dma_start3A_260] : memref<10240x64xf32, #tpu.memory_space<vmem_shared>> -> memref<80x64xf32, #tpu.memory_space<vmem_shared>>
      %dma_start3A_262 = arith.constant 0 : i32
      %dma_start3A_263 = tpu.memref_slice %arg15[%add3A_123, %dma_start3A_262] : memref<10240x64xf32, #tpu.memory_space<vmem_shared>> -> memref<80x64xf32, #tpu.memory_space<vmem_shared>>
      tpu.enqueue_dma source(%dma_start3A_263 : memref<80x64xf32, #tpu.memory_space<vmem_shared>>) target(%arg11 : memref<80x64xf32, #tpu.memory_space<vmem>>) target_semaphore(%run_scoped3A_259 : memref<!tpu.dma_semaphore, #tpu.memory_space<semaphore_mem>>)
      %dma_wait3A_264 = arith.constant 0 : i32
      %dma_wait3A_265 = tpu.memref_slice %arg15[%add3A_123, %dma_wait3A_264] : memref<10240x64xf32, #tpu.memory_space<vmem_shared>> -> memref<80x64xf32, #tpu.memory_space<vmem_shared>>
      %dma_wait3A_266 = arith.constant 0 : i32
      %dma_wait3A_267 = tpu.memref_slice %arg15[%add3A_123, %dma_wait3A_266] : memref<10240x64xf32, #tpu.memory_space<vmem_shared>> -> memref<80x64xf32, #tpu.memory_space<vmem_shared>>
      tpu.wait_dma2 semaphore(%run_scoped3A_259 : memref<!tpu.dma_semaphore, #tpu.memory_space<semaphore_mem>>) src(%dma_wait3A_267 : memref<80x64xf32, #tpu.memory_space<vmem_shared>>) dst(%arg11 : memref<80x64xf32, #tpu.memory_space<vmem>>)
      tpu.yield
    }) : () -> ()
    %scan3A_124 = arith.constant 0 : i32
    %scan3A_125 = arith.constant 0 : i32
    %scan3A_126 = arith.constant 80 : i32
    %scan3A_127 = arith.addi %scan3A_125, %scan3A_126 : i32
    %scan3A_128 = arith.constant 1 : i32
    scf.for %scan3A_259 = %scan3A_125 to %scan3A_127 step %scan3A_128  : i32 {
      %add3A_260 = arith.constant 320 : i32
      %add3A_261 = arith.addi %add3A_260, %scan3A_259 : i32
      %get3A = arith.index_cast %add3A_261 : i32 to index
      %get3A_262 = arith.constant 0 : index
      %get3A_263 = tpu.vector_load %arg13[%get3A, %get3A_262] {strides = array<i32>} : memref<640x16xf32, #tpu.memory_space<vmem>>, vector<1x16xf32>,
      %get3A_264 = vector.shape_cast %get3A_263 : vector<1x16xf32> to vector<16xf32>
      %get3A_265 = arith.index_cast %scan3A_259 : i32 to index
      %get3A_266 = arith.constant 0 : index
      %get3A_267 = tpu.vector_load %arg11[%get3A_265, %get3A_266] {strides = array<i32>} : memref<80x64xf32, #tpu.memory_space<vmem>>, vector<1x16xf32>,
      %get3A_268 = vector.shape_cast %get3A_267 : vector<1x16xf32> to vector<16xf32>
      %get3A_269 = arith.index_cast %scan3A_259 : i32 to index
      %get3A_270 = arith.constant 0 : index
      %get3A_271 = tpu.vector_load %arg10[%get3A_269, %get3A_270] {strides = array<i32>} : memref<80x64xf32, #tpu.memory_space<vmem>>, vector<1x16xf32>,
      %get3A_272 = vector.shape_cast %get3A_271 : vector<1x16xf32> to vector<16xf32>
      %get3A_273 = arith.constant 0 : index
      %get3A_274 = tpu.vector_load %arg14[%get3A_273] {strides = array<i32>} : memref<64xf32, #tpu.memory_space<vmem>>, vector<16xf32>,
      %get3A_275 = vector.shape_cast %get3A_274 : vector<16xf32> to vector<16xf32>
      %add3A_276 = arith.addf %get3A_268, %get3A_272 : vector<16xf32>
      %mul3A_277 = arith.mulf %get3A_264, %add3A_276 : vector<16xf32>
      %add3A_278 = arith.addf %mul3A_277, %get3A_275 : vector<16xf32>
      %max3A = arith.constant 0.000000e+00 : f32
      %max3A_279 = vector.broadcast %max3A : f32 to vector<16xf32>
      %max3A_280 = arith.maximumf %add3A_278, %max3A_279 : vector<16xf32>
      %mul3A_281 = arith.mulf %get3A_264, %max3A_280 : vector<16xf32>
      %swap3A = arith.index_cast %scan3A_259 : i32 to index
      %swap3A_282 = arith.constant 0 : index
      %swap3A_283 = tpu.vector_load %arg11[%swap3A, %swap3A_282] {strides = array<i32>} : memref<80x64xf32, #tpu.memory_space<vmem>>, vector<1x16xf32>,
      %swap3A_284 = vector.shape_cast %swap3A_283 : vector<1x16xf32> to vector<16xf32>
      %swap3A_285 = vector.shape_cast %mul3A_281 : vector<16xf32> to vector<1x16xf32>
      tpu.vector_store %arg11[%swap3A, %swap3A_282], %swap3A_285 {strides = array<i32>} : memref<80x64xf32, #tpu.memory_space<vmem>>, vector<1x16xf32>,
      %get3A_286 = arith.index_cast %scan3A_259 : i32 to index
      %get3A_287 = arith.constant 16 : index
      %get3A_288 = tpu.vector_load %arg11[%get3A_286, %get3A_287] {strides = array<i32>} : memref<80x64xf32, #tpu.memory_space<vmem>>, vector<1x16xf32>,
      %get3A_289 = vector.shape_cast %get3A_288 : vector<1x16xf32> to vector<16xf32>
      %get3A_290 = arith.index_cast %scan3A_259 : i32 to index
      %get3A_291 = arith.constant 16 : index
      %get3A_292 = tpu.vector_load %arg10[%get3A_290, %get3A_291] {strides = array<i32>} : memref<80x64xf32, #tpu.memory_space<vmem>>, vector<1x16xf32>,
      %get3A_293 = vector.shape_cast %get3A_292 : vector<1x16xf32> to vector<16xf32>
      %get3A_294 = arith.constant 16 : index
      %get3A_295 = tpu.vector_load %arg14[%get3A_294] {strides = array<i32>} : memref<64xf32, #tpu.memory_space<vmem>>, vector<16xf32>,
      %get3A_296 = vector.shape_cast %get3A_295 : vector<16xf32> to vector<16xf32>
      %add3A_297 = arith.addf %get3A_289, %get3A_293 : vector<16xf32>
      %mul3A_298 = arith.mulf %get3A_264, %add3A_297 : vector<16xf32>
      %add3A_299 = arith.addf %mul3A_298, %get3A_296 : vector<16xf32>
      %max3A_300 = arith.constant 0.000000e+00 : f32
      %max3A_301 = vector.broadcast %max3A_300 : f32 to vector<16xf32>
      %max3A_302 = arith.maximumf %add3A_299, %max3A_301 : vector<16xf32>
      %mul3A_303 = arith.mulf %get3A_264, %max3A_302 : vector<16xf32>
      %swap3A_304 = arith.index_cast %scan3A_259 : i32 to index
      %swap3A_305 = arith.constant 16 : index
      %swap3A_306 = tpu.vector_load %arg11[%swap3A_304, %swap3A_305] {strides = array<i32>} : memref<80x64xf32, #tpu.memory_space<vmem>>, vector<1x16xf32>,
      %swap3A_307 = vector.shape_cast %swap3A_306 : vector<1x16xf32> to vector<16xf32>
      %swap3A_308 = vector.shape_cast %mul3A_303 : vector<16xf32> to vector<1x16xf32>
      tpu.vector_store %arg11[%swap3A_304, %swap3A_305], %swap3A_308 {strides = array<i32>} : memref<80x64xf32, #tpu.memory_space<vmem>>, vector<1x16xf32>,
      %get3A_309 = arith.index_cast %scan3A_259 : i32 to index
      %get3A_310 = arith.constant 32 : index
      %get3A_311 = tpu.vector_load %arg11[%get3A_309, %get3A_310] {strides = array<i32>} : memref<80x64xf32, #tpu.memory_space<vmem>>, vector<1x16xf32>,
      %get3A_312 = vector.shape_cast %get3A_311 : vector<1x16xf32> to vector<16xf32>
      %get3A_313 = arith.index_cast %scan3A_259 : i32 to index
      %get3A_314 = arith.constant 32 : index
      %get3A_315 = tpu.vector_load %arg10[%get3A_313, %get3A_314] {strides = array<i32>} : memref<80x64xf32, #tpu.memory_space<vmem>>, vector<1x16xf32>,
      %get3A_316 = vector.shape_cast %get3A_315 : vector<1x16xf32> to vector<16xf32>
      %get3A_317 = arith.constant 32 : index
      %get3A_318 = tpu.vector_load %arg14[%get3A_317] {strides = array<i32>} : memref<64xf32, #tpu.memory_space<vmem>>, vector<16xf32>,
      %get3A_319 = vector.shape_cast %get3A_318 : vector<16xf32> to vector<16xf32>
      %add3A_320 = arith.addf %get3A_312, %get3A_316 : vector<16xf32>
      %mul3A_321 = arith.mulf %get3A_264, %add3A_320 : vector<16xf32>
      %add3A_322 = arith.addf %mul3A_321, %get3A_319 : vector<16xf32>
      %max3A_323 = arith.constant 0.000000e+00 : f32
      %max3A_324 = vector.broadcast %max3A_323 : f32 to vector<16xf32>
      %max3A_325 = arith.maximumf %add3A_322, %max3A_324 : vector<16xf32>
      %mul3A_326 = arith.mulf %get3A_264, %max3A_325 : vector<16xf32>
      %swap3A_327 = arith.index_cast %scan3A_259 : i32 to index
      %swap3A_328 = arith.constant 32 : index
      %swap3A_329 = tpu.vector_load %arg11[%swap3A_327, %swap3A_328] {strides = array<i32>} : memref<80x64xf32, #tpu.memory_space<vmem>>, vector<1x16xf32>,
      %swap3A_330 = vector.shape_cast %swap3A_329 : vector<1x16xf32> to vector<16xf32>
      %swap3A_331 = vector.shape_cast %mul3A_326 : vector<16xf32> to vector<1x16xf32>
      tpu.vector_store %arg11[%swap3A_327, %swap3A_328], %swap3A_331 {strides = array<i32>} : memref<80x64xf32, #tpu.memory_space<vmem>>, vector<1x16xf32>,
      %get3A_332 = arith.index_cast %scan3A_259 : i32 to index
      %get3A_333 = arith.constant 48 : index
      %get3A_334 = tpu.vector_load %arg11[%get3A_332, %get3A_333] {strides = array<i32>} : memref<80x64xf32, #tpu.memory_space<vmem>>, vector<1x16xf32>,
      %get3A_335 = vector.shape_cast %get3A_334 : vector<1x16xf32> to vector<16xf32>
      %get3A_336 = arith.index_cast %scan3A_259 : i32 to index
      %get3A_337 = arith.constant 48 : index
      %get3A_338 = tpu.vector_load %arg10[%get3A_336, %get3A_337] {strides = array<i32>} : memref<80x64xf32, #tpu.memory_space<vmem>>, vector<1x16xf32>,
      %get3A_339 = vector.shape_cast %get3A_338 : vector<1x16xf32> to vector<16xf32>
      %get3A_340 = arith.constant 48 : index
      %get3A_341 = tpu.vector_load %arg14[%get3A_340] {strides = array<i32>} : memref<64xf32, #tpu.memory_space<vmem>>, vector<16xf32>,
      %get3A_342 = vector.shape_cast %get3A_341 : vector<16xf32> to vector<16xf32>
      %add3A_343 = arith.addf %get3A_335, %get3A_339 : vector<16xf32>
      %mul3A_344 = arith.mulf %get3A_264, %add3A_343 : vector<16xf32>
      %add3A_345 = arith.addf %mul3A_344, %get3A_342 : vector<16xf32>
      %max3A_346 = arith.constant 0.000000e+00 : f32
      %max3A_347 = vector.broadcast %max3A_346 : f32 to vector<16xf32>
      %max3A_348 = arith.maximumf %add3A_345, %max3A_347 : vector<16xf32>
      %mul3A_349 = arith.mulf %get3A_264, %max3A_348 : vector<16xf32>
      %swap3A_350 = arith.index_cast %scan3A_259 : i32 to index
      %swap3A_351 = arith.constant 48 : index
      %swap3A_352 = tpu.vector_load %arg11[%swap3A_350, %swap3A_351] {strides = array<i32>} : memref<80x64xf32, #tpu.memory_space<vmem>>, vector<1x16xf32>,
      %swap3A_353 = vector.shape_cast %swap3A_352 : vector<1x16xf32> to vector<16xf32>
      %swap3A_354 = vector.shape_cast %mul3A_349 : vector<16xf32> to vector<1x16xf32>
      tpu.vector_store %arg11[%swap3A_350, %swap3A_351], %swap3A_354 {strides = array<i32>} : memref<80x64xf32, #tpu.memory_space<vmem>>, vector<1x16xf32>,
    }
    %scan3A_129 = arith.constant 80 : i32
    "tpu.region"() ({
      %run_scoped3A_259 = tpu.sem_alloc : memref<!tpu.dma_semaphore, #tpu.memory_space<semaphore_mem>>
      %dma_start3A_260 = arith.constant 0 : i32
      %dma_start3A_261 = tpu.memref_slice %arg15[%add3A_123, %dma_start3A_260] : memref<10240x64xf32, #tpu.memory_space<vmem_shared>> -> memref<80x64xf32, #tpu.memory_space<vmem_shared>>
      %dma_start3A_262 = arith.constant 0 : i32
      %dma_start3A_263 = tpu.memref_slice %arg15[%add3A_123, %dma_start3A_262] : memref<10240x64xf32, #tpu.memory_space<vmem_shared>> -> memref<80x64xf32, #tpu.memory_space<vmem_shared>>
      tpu.enqueue_dma source(%arg11 : memref<80x64xf32, #tpu.memory_space<vmem>>) target(%dma_start3A_263 : memref<80x64xf32, #tpu.memory_space<vmem_shared>>) target_semaphore(%run_scoped3A_259 : memref<!tpu.dma_semaphore, #tpu.memory_space<semaphore_mem>>)
      %dma_wait3A_264 = arith.constant 0 : i32
      %dma_wait3A_265 = tpu.memref_slice %arg15[%add3A_123, %dma_wait3A_264] : memref<10240x64xf32, #tpu.memory_space<vmem_shared>> -> memref<80x64xf32, #tpu.memory_space<vmem_shared>>
      %dma_wait3A_266 = arith.constant 0 : i32
      %dma_wait3A_267 = tpu.memref_slice %arg15[%add3A_123, %dma_wait3A_266] : memref<10240x64xf32, #tpu.memory_space<vmem_shared>> -> memref<80x64xf32, #tpu.memory_space<vmem_shared>>
      tpu.wait_dma2 semaphore(%run_scoped3A_259 : memref<!tpu.dma_semaphore, #tpu.memory_space<semaphore_mem>>) src(%arg11 : memref<80x64xf32, #tpu.memory_space<vmem>>) dst(%dma_wait3A_267 : memref<80x64xf32, #tpu.memory_space<vmem_shared>>)
      tpu.yield
    }) : () -> ()
    "tpu.region"() ({
      %run_scoped3A_259 = tpu.sem_alloc : memref<!tpu.dma_semaphore, #tpu.memory_space<semaphore_mem>>
      %dma_start3A_260 = arith.constant 0 : i32
      %dma_start3A_261 = tpu.memref_slice %arg16[%add3A_123, %dma_start3A_260] : memref<10240x64xf32, #tpu.memory_space<vmem_shared>> -> memref<80x64xf32, #tpu.memory_space<vmem_shared>>
      %dma_start3A_262 = arith.constant 0 : i32
      %dma_start3A_263 = tpu.memref_slice %arg16[%add3A_123, %dma_start3A_262] : memref<10240x64xf32, #tpu.memory_space<vmem_shared>> -> memref<80x64xf32, #tpu.memory_space<vmem_shared>>
      tpu.enqueue_dma source(%arg12 : memref<80x64xf32, #tpu.memory_space<vmem>>) target(%dma_start3A_263 : memref<80x64xf32, #tpu.memory_space<vmem_shared>>) target_semaphore(%run_scoped3A_259 : memref<!tpu.dma_semaphore, #tpu.memory_space<semaphore_mem>>)
      %dma_wait3A_264 = arith.constant 0 : i32
      %dma_wait3A_265 = tpu.memref_slice %arg16[%add3A_123, %dma_wait3A_264] : memref<10240x64xf32, #tpu.memory_space<vmem_shared>> -> memref<80x64xf32, #tpu.memory_space<vmem_shared>>
      %dma_wait3A_266 = arith.constant 0 : i32
      %dma_wait3A_267 = tpu.memref_slice %arg16[%add3A_123, %dma_wait3A_266] : memref<10240x64xf32, #tpu.memory_space<vmem_shared>> -> memref<80x64xf32, #tpu.memory_space<vmem_shared>>
      tpu.wait_dma2 semaphore(%run_scoped3A_259 : memref<!tpu.dma_semaphore, #tpu.memory_space<semaphore_mem>>) src(%arg12 : memref<80x64xf32, #tpu.memory_space<vmem>>) dst(%dma_wait3A_267 : memref<80x64xf32, #tpu.memory_space<vmem_shared>>)
      tpu.yield
    }) : () -> ()
    %add3A_130 = arith.constant 400 : i32
    %add3A_131 = arith.addi %mul3A_0, %add3A_130 : i32
    "tpu.region"() ({
      %run_scoped3A_259 = tpu.sem_alloc : memref<!tpu.dma_semaphore, #tpu.memory_space<semaphore_mem>>
      %dma_start3A_260 = arith.constant 0 : i32
      %dma_start3A_261 = tpu.memref_slice %arg16[%add3A_131, %dma_start3A_260] : memref<10240x64xf32, #tpu.memory_space<vmem_shared>> -> memref<80x64xf32, #tpu.memory_space<vmem_shared>>
      %dma_start3A_262 = arith.constant 0 : i32
      %dma_start3A_263 = tpu.memref_slice %arg16[%add3A_131, %dma_start3A_262] : memref<10240x64xf32, #tpu.memory_space<vmem_shared>> -> memref<80x64xf32, #tpu.memory_space<vmem_shared>>
      tpu.enqueue_dma source(%dma_start3A_263 : memref<80x64xf32, #tpu.memory_space<vmem_shared>>) target(%arg10 : memref<80x64xf32, #tpu.memory_space<vmem>>) target_semaphore(%run_scoped3A_259 : memref<!tpu.dma_semaphore, #tpu.memory_space<semaphore_mem>>)
      %dma_wait3A_264 = arith.constant 0 : i32
      %dma_wait3A_265 = tpu.memref_slice %arg16[%add3A_131, %dma_wait3A_264] : memref<10240x64xf32, #tpu.memory_space<vmem_shared>> -> memref<80x64xf32, #tpu.memory_space<vmem_shared>>
      %dma_wait3A_266 = arith.constant 0 : i32
      %dma_wait3A_267 = tpu.memref_slice %arg16[%add3A_131, %dma_wait3A_266] : memref<10240x64xf32, #tpu.memory_space<vmem_shared>> -> memref<80x64xf32, #tpu.memory_space<vmem_shared>>
      tpu.wait_dma2 semaphore(%run_scoped3A_259 : memref<!tpu.dma_semaphore, #tpu.memory_space<semaphore_mem>>) src(%dma_wait3A_267 : memref<80x64xf32, #tpu.memory_space<vmem_shared>>) dst(%arg10 : memref<80x64xf32, #tpu.memory_space<vmem>>)
      tpu.yield
    }) : () -> ()
    "tpu.region"() ({
      %run_scoped3A_259 = tpu.sem_alloc : memref<!tpu.dma_semaphore, #tpu.memory_space<semaphore_mem>>
      %dma_start3A_260 = arith.constant 0 : i32
      %dma_start3A_261 = tpu.memref_slice %arg15[%add3A_131, %dma_start3A_260] : memref<10240x64xf32, #tpu.memory_space<vmem_shared>> -> memref<80x64xf32, #tpu.memory_space<vmem_shared>>
      %dma_start3A_262 = arith.constant 0 : i32
      %dma_start3A_263 = tpu.memref_slice %arg15[%add3A_131, %dma_start3A_262] : memref<10240x64xf32, #tpu.memory_space<vmem_shared>> -> memref<80x64xf32, #tpu.memory_space<vmem_shared>>
      tpu.enqueue_dma source(%dma_start3A_263 : memref<80x64xf32, #tpu.memory_space<vmem_shared>>) target(%arg11 : memref<80x64xf32, #tpu.memory_space<vmem>>) target_semaphore(%run_scoped3A_259 : memref<!tpu.dma_semaphore, #tpu.memory_space<semaphore_mem>>)
      %dma_wait3A_264 = arith.constant 0 : i32
      %dma_wait3A_265 = tpu.memref_slice %arg15[%add3A_131, %dma_wait3A_264] : memref<10240x64xf32, #tpu.memory_space<vmem_shared>> -> memref<80x64xf32, #tpu.memory_space<vmem_shared>>
      %dma_wait3A_266 = arith.constant 0 : i32
      %dma_wait3A_267 = tpu.memref_slice %arg15[%add3A_131, %dma_wait3A_266] : memref<10240x64xf32, #tpu.memory_space<vmem_shared>> -> memref<80x64xf32, #tpu.memory_space<vmem_shared>>
      tpu.wait_dma2 semaphore(%run_scoped3A_259 : memref<!tpu.dma_semaphore, #tpu.memory_space<semaphore_mem>>) src(%dma_wait3A_267 : memref<80x64xf32, #tpu.memory_space<vmem_shared>>) dst(%arg11 : memref<80x64xf32, #tpu.memory_space<vmem>>)
      tpu.yield
    }) : () -> ()
    %scan3A_132 = arith.constant 0 : i32
    %scan3A_133 = arith.constant 0 : i32
    %scan3A_134 = arith.constant 80 : i32
    %scan3A_135 = arith.addi %scan3A_133, %scan3A_134 : i32
    %scan3A_136 = arith.constant 1 : i32
    scf.for %scan3A_259 = %scan3A_133 to %scan3A_135 step %scan3A_136  : i32 {
      %add3A_260 = arith.constant 400 : i32
      %add3A_261 = arith.addi %add3A_260, %scan3A_259 : i32
      %get3A = arith.index_cast %add3A_261 : i32 to index
      %get3A_262 = arith.constant 0 : index
      %get3A_263 = tpu.vector_load %arg13[%get3A, %get3A_262] {strides = array<i32>} : memref<640x16xf32, #tpu.memory_space<vmem>>, vector<1x16xf32>,
      %get3A_264 = vector.shape_cast %get3A_263 : vector<1x16xf32> to vector<16xf32>
      %get3A_265 = arith.index_cast %scan3A_259 : i32 to index
      %get3A_266 = arith.constant 0 : index
      %get3A_267 = tpu.vector_load %arg11[%get3A_265, %get3A_266] {strides = array<i32>} : memref<80x64xf32, #tpu.memory_space<vmem>>, vector<1x16xf32>,
      %get3A_268 = vector.shape_cast %get3A_267 : vector<1x16xf32> to vector<16xf32>
      %get3A_269 = arith.index_cast %scan3A_259 : i32 to index
      %get3A_270 = arith.constant 0 : index
      %get3A_271 = tpu.vector_load %arg10[%get3A_269, %get3A_270] {strides = array<i32>} : memref<80x64xf32, #tpu.memory_space<vmem>>, vector<1x16xf32>,
      %get3A_272 = vector.shape_cast %get3A_271 : vector<1x16xf32> to vector<16xf32>
      %get3A_273 = arith.constant 0 : index
      %get3A_274 = tpu.vector_load %arg14[%get3A_273] {strides = array<i32>} : memref<64xf32, #tpu.memory_space<vmem>>, vector<16xf32>,
      %get3A_275 = vector.shape_cast %get3A_274 : vector<16xf32> to vector<16xf32>
      %add3A_276 = arith.addf %get3A_268, %get3A_272 : vector<16xf32>
      %mul3A_277 = arith.mulf %get3A_264, %add3A_276 : vector<16xf32>
      %add3A_278 = arith.addf %mul3A_277, %get3A_275 : vector<16xf32>
      %max3A = arith.constant 0.000000e+00 : f32
      %max3A_279 = vector.broadcast %max3A : f32 to vector<16xf32>
      %max3A_280 = arith.maximumf %add3A_278, %max3A_279 : vector<16xf32>
      %mul3A_281 = arith.mulf %get3A_264, %max3A_280 : vector<16xf32>
      %swap3A = arith.index_cast %scan3A_259 : i32 to index
      %swap3A_282 = arith.constant 0 : index
      %swap3A_283 = tpu.vector_load %arg11[%swap3A, %swap3A_282] {strides = array<i32>} : memref<80x64xf32, #tpu.memory_space<vmem>>, vector<1x16xf32>,
      %swap3A_284 = vector.shape_cast %swap3A_283 : vector<1x16xf32> to vector<16xf32>
      %swap3A_285 = vector.shape_cast %mul3A_281 : vector<16xf32> to vector<1x16xf32>
      tpu.vector_store %arg11[%swap3A, %swap3A_282], %swap3A_285 {strides = array<i32>} : memref<80x64xf32, #tpu.memory_space<vmem>>, vector<1x16xf32>,
      %get3A_286 = arith.index_cast %scan3A_259 : i32 to index
      %get3A_287 = arith.constant 16 : index
      %get3A_288 = tpu.vector_load %arg11[%get3A_286, %get3A_287] {strides = array<i32>} : memref<80x64xf32, #tpu.memory_space<vmem>>, vector<1x16xf32>,
      %get3A_289 = vector.shape_cast %get3A_288 : vector<1x16xf32> to vector<16xf32>
      %get3A_290 = arith.index_cast %scan3A_259 : i32 to index
      %get3A_291 = arith.constant 16 : index
      %get3A_292 = tpu.vector_load %arg10[%get3A_290, %get3A_291] {strides = array<i32>} : memref<80x64xf32, #tpu.memory_space<vmem>>, vector<1x16xf32>,
      %get3A_293 = vector.shape_cast %get3A_292 : vector<1x16xf32> to vector<16xf32>
      %get3A_294 = arith.constant 16 : index
      %get3A_295 = tpu.vector_load %arg14[%get3A_294] {strides = array<i32>} : memref<64xf32, #tpu.memory_space<vmem>>, vector<16xf32>,
      %get3A_296 = vector.shape_cast %get3A_295 : vector<16xf32> to vector<16xf32>
      %add3A_297 = arith.addf %get3A_289, %get3A_293 : vector<16xf32>
      %mul3A_298 = arith.mulf %get3A_264, %add3A_297 : vector<16xf32>
      %add3A_299 = arith.addf %mul3A_298, %get3A_296 : vector<16xf32>
      %max3A_300 = arith.constant 0.000000e+00 : f32
      %max3A_301 = vector.broadcast %max3A_300 : f32 to vector<16xf32>
      %max3A_302 = arith.maximumf %add3A_299, %max3A_301 : vector<16xf32>
      %mul3A_303 = arith.mulf %get3A_264, %max3A_302 : vector<16xf32>
      %swap3A_304 = arith.index_cast %scan3A_259 : i32 to index
      %swap3A_305 = arith.constant 16 : index
      %swap3A_306 = tpu.vector_load %arg11[%swap3A_304, %swap3A_305] {strides = array<i32>} : memref<80x64xf32, #tpu.memory_space<vmem>>, vector<1x16xf32>,
      %swap3A_307 = vector.shape_cast %swap3A_306 : vector<1x16xf32> to vector<16xf32>
      %swap3A_308 = vector.shape_cast %mul3A_303 : vector<16xf32> to vector<1x16xf32>
      tpu.vector_store %arg11[%swap3A_304, %swap3A_305], %swap3A_308 {strides = array<i32>} : memref<80x64xf32, #tpu.memory_space<vmem>>, vector<1x16xf32>,
      %get3A_309 = arith.index_cast %scan3A_259 : i32 to index
      %get3A_310 = arith.constant 32 : index
      %get3A_311 = tpu.vector_load %arg11[%get3A_309, %get3A_310] {strides = array<i32>} : memref<80x64xf32, #tpu.memory_space<vmem>>, vector<1x16xf32>,
      %get3A_312 = vector.shape_cast %get3A_311 : vector<1x16xf32> to vector<16xf32>
      %get3A_313 = arith.index_cast %scan3A_259 : i32 to index
      %get3A_314 = arith.constant 32 : index
      %get3A_315 = tpu.vector_load %arg10[%get3A_313, %get3A_314] {strides = array<i32>} : memref<80x64xf32, #tpu.memory_space<vmem>>, vector<1x16xf32>,
      %get3A_316 = vector.shape_cast %get3A_315 : vector<1x16xf32> to vector<16xf32>
      %get3A_317 = arith.constant 32 : index
      %get3A_318 = tpu.vector_load %arg14[%get3A_317] {strides = array<i32>} : memref<64xf32, #tpu.memory_space<vmem>>, vector<16xf32>,
      %get3A_319 = vector.shape_cast %get3A_318 : vector<16xf32> to vector<16xf32>
      %add3A_320 = arith.addf %get3A_312, %get3A_316 : vector<16xf32>
      %mul3A_321 = arith.mulf %get3A_264, %add3A_320 : vector<16xf32>
      %add3A_322 = arith.addf %mul3A_321, %get3A_319 : vector<16xf32>
      %max3A_323 = arith.constant 0.000000e+00 : f32
      %max3A_324 = vector.broadcast %max3A_323 : f32 to vector<16xf32>
      %max3A_325 = arith.maximumf %add3A_322, %max3A_324 : vector<16xf32>
      %mul3A_326 = arith.mulf %get3A_264, %max3A_325 : vector<16xf32>
      %swap3A_327 = arith.index_cast %scan3A_259 : i32 to index
      %swap3A_328 = arith.constant 32 : index
      %swap3A_329 = tpu.vector_load %arg11[%swap3A_327, %swap3A_328] {strides = array<i32>} : memref<80x64xf32, #tpu.memory_space<vmem>>, vector<1x16xf32>,
      %swap3A_330 = vector.shape_cast %swap3A_329 : vector<1x16xf32> to vector<16xf32>
      %swap3A_331 = vector.shape_cast %mul3A_326 : vector<16xf32> to vector<1x16xf32>
      tpu.vector_store %arg11[%swap3A_327, %swap3A_328], %swap3A_331 {strides = array<i32>} : memref<80x64xf32, #tpu.memory_space<vmem>>, vector<1x16xf32>,
      %get3A_332 = arith.index_cast %scan3A_259 : i32 to index
      %get3A_333 = arith.constant 48 : index
      %get3A_334 = tpu.vector_load %arg11[%get3A_332, %get3A_333] {strides = array<i32>} : memref<80x64xf32, #tpu.memory_space<vmem>>, vector<1x16xf32>,
      %get3A_335 = vector.shape_cast %get3A_334 : vector<1x16xf32> to vector<16xf32>
      %get3A_336 = arith.index_cast %scan3A_259 : i32 to index
      %get3A_337 = arith.constant 48 : index
      %get3A_338 = tpu.vector_load %arg10[%get3A_336, %get3A_337] {strides = array<i32>} : memref<80x64xf32, #tpu.memory_space<vmem>>, vector<1x16xf32>,
      %get3A_339 = vector.shape_cast %get3A_338 : vector<1x16xf32> to vector<16xf32>
      %get3A_340 = arith.constant 48 : index
      %get3A_341 = tpu.vector_load %arg14[%get3A_340] {strides = array<i32>} : memref<64xf32, #tpu.memory_space<vmem>>, vector<16xf32>,
      %get3A_342 = vector.shape_cast %get3A_341 : vector<16xf32> to vector<16xf32>
      %add3A_343 = arith.addf %get3A_335, %get3A_339 : vector<16xf32>
      %mul3A_344 = arith.mulf %get3A_264, %add3A_343 : vector<16xf32>
      %add3A_345 = arith.addf %mul3A_344, %get3A_342 : vector<16xf32>
      %max3A_346 = arith.constant 0.000000e+00 : f32
      %max3A_347 = vector.broadcast %max3A_346 : f32 to vector<16xf32>
      %max3A_348 = arith.maximumf %add3A_345, %max3A_347 : vector<16xf32>
      %mul3A_349 = arith.mulf %get3A_264, %max3A_348 : vector<16xf32>
      %swap3A_350 = arith.index_cast %scan3A_259 : i32 to index
      %swap3A_351 = arith.constant 48 : index
      %swap3A_352 = tpu.vector_load %arg11[%swap3A_350, %swap3A_351] {strides = array<i32>} : memref<80x64xf32, #tpu.memory_space<vmem>>, vector<1x16xf32>,
      %swap3A_353 = vector.shape_cast %swap3A_352 : vector<1x16xf32> to vector<16xf32>
      %swap3A_354 = vector.shape_cast %mul3A_349 : vector<16xf32> to vector<1x16xf32>
      tpu.vector_store %arg11[%swap3A_350, %swap3A_351], %swap3A_354 {strides = array<i32>} : memref<80x64xf32, #tpu.memory_space<vmem>>, vector<1x16xf32>,
    }
    %scan3A_137 = arith.constant 80 : i32
    "tpu.region"() ({
      %run_scoped3A_259 = tpu.sem_alloc : memref<!tpu.dma_semaphore, #tpu.memory_space<semaphore_mem>>
      %dma_start3A_260 = arith.constant 0 : i32
      %dma_start3A_261 = tpu.memref_slice %arg15[%add3A_131, %dma_start3A_260] : memref<10240x64xf32, #tpu.memory_space<vmem_shared>> -> memref<80x64xf32, #tpu.memory_space<vmem_shared>>
      %dma_start3A_262 = arith.constant 0 : i32
      %dma_start3A_263 = tpu.memref_slice %arg15[%add3A_131, %dma_start3A_262] : memref<10240x64xf32, #tpu.memory_space<vmem_shared>> -> memref<80x64xf32, #tpu.memory_space<vmem_shared>>
      tpu.enqueue_dma source(%arg11 : memref<80x64xf32, #tpu.memory_space<vmem>>) target(%dma_start3A_263 : memref<80x64xf32, #tpu.memory_space<vmem_shared>>) target_semaphore(%run_scoped3A_259 : memref<!tpu.dma_semaphore, #tpu.memory_space<semaphore_mem>>)
      %dma_wait3A_264 = arith.constant 0 : i32
      %dma_wait3A_265 = tpu.memref_slice %arg15[%add3A_131, %dma_wait3A_264] : memref<10240x64xf32, #tpu.memory_space<vmem_shared>> -> memref<80x64xf32, #tpu.memory_space<vmem_shared>>
      %dma_wait3A_266 = arith.constant 0 : i32
      %dma_wait3A_267 = tpu.memref_slice %arg15[%add3A_131, %dma_wait3A_266] : memref<10240x64xf32, #tpu.memory_space<vmem_shared>> -> memref<80x64xf32, #tpu.memory_space<vmem_shared>>
      tpu.wait_dma2 semaphore(%run_scoped3A_259 : memref<!tpu.dma_semaphore, #tpu.memory_space<semaphore_mem>>) src(%arg11 : memref<80x64xf32, #tpu.memory_space<vmem>>) dst(%dma_wait3A_267 : memref<80x64xf32, #tpu.memory_space<vmem_shared>>)
      tpu.yield
    }) : () -> ()
    "tpu.region"() ({
      %run_scoped3A_259 = tpu.sem_alloc : memref<!tpu.dma_semaphore, #tpu.memory_space<semaphore_mem>>
      %dma_start3A_260 = arith.constant 0 : i32
      %dma_start3A_261 = tpu.memref_slice %arg16[%add3A_131, %dma_start3A_260] : memref<10240x64xf32, #tpu.memory_space<vmem_shared>> -> memref<80x64xf32, #tpu.memory_space<vmem_shared>>
      %dma_start3A_262 = arith.constant 0 : i32
      %dma_start3A_263 = tpu.memref_slice %arg16[%add3A_131, %dma_start3A_262] : memref<10240x64xf32, #tpu.memory_space<vmem_shared>> -> memref<80x64xf32, #tpu.memory_space<vmem_shared>>
      tpu.enqueue_dma source(%arg12 : memref<80x64xf32, #tpu.memory_space<vmem>>) target(%dma_start3A_263 : memref<80x64xf32, #tpu.memory_space<vmem_shared>>) target_semaphore(%run_scoped3A_259 : memref<!tpu.dma_semaphore, #tpu.memory_space<semaphore_mem>>)
      %dma_wait3A_264 = arith.constant 0 : i32
      %dma_wait3A_265 = tpu.memref_slice %arg16[%add3A_131, %dma_wait3A_264] : memref<10240x64xf32, #tpu.memory_space<vmem_shared>> -> memref<80x64xf32, #tpu.memory_space<vmem_shared>>
      %dma_wait3A_266 = arith.constant 0 : i32
      %dma_wait3A_267 = tpu.memref_slice %arg16[%add3A_131, %dma_wait3A_266] : memref<10240x64xf32, #tpu.memory_space<vmem_shared>> -> memref<80x64xf32, #tpu.memory_space<vmem_shared>>
      tpu.wait_dma2 semaphore(%run_scoped3A_259 : memref<!tpu.dma_semaphore, #tpu.memory_space<semaphore_mem>>) src(%arg12 : memref<80x64xf32, #tpu.memory_space<vmem>>) dst(%dma_wait3A_267 : memref<80x64xf32, #tpu.memory_space<vmem_shared>>)
      tpu.yield
    }) : () -> ()
    %add3A_138 = arith.constant 480 : i32
    %add3A_139 = arith.addi %mul3A_0, %add3A_138 : i32
    "tpu.region"() ({
      %run_scoped3A_259 = tpu.sem_alloc : memref<!tpu.dma_semaphore, #tpu.memory_space<semaphore_mem>>
      %dma_start3A_260 = arith.constant 0 : i32
      %dma_start3A_261 = tpu.memref_slice %arg16[%add3A_139, %dma_start3A_260] : memref<10240x64xf32, #tpu.memory_space<vmem_shared>> -> memref<80x64xf32, #tpu.memory_space<vmem_shared>>
      %dma_start3A_262 = arith.constant 0 : i32
      %dma_start3A_263 = tpu.memref_slice %arg16[%add3A_139, %dma_start3A_262] : memref<10240x64xf32, #tpu.memory_space<vmem_shared>> -> memref<80x64xf32, #tpu.memory_space<vmem_shared>>
      tpu.enqueue_dma source(%dma_start3A_263 : memref<80x64xf32, #tpu.memory_space<vmem_shared>>) target(%arg10 : memref<80x64xf32, #tpu.memory_space<vmem>>) target_semaphore(%run_scoped3A_259 : memref<!tpu.dma_semaphore, #tpu.memory_space<semaphore_mem>>)
      %dma_wait3A_264 = arith.constant 0 : i32
      %dma_wait3A_265 = tpu.memref_slice %arg16[%add3A_139, %dma_wait3A_264] : memref<10240x64xf32, #tpu.memory_space<vmem_shared>> -> memref<80x64xf32, #tpu.memory_space<vmem_shared>>
      %dma_wait3A_266 = arith.constant 0 : i32
      %dma_wait3A_267 = tpu.memref_slice %arg16[%add3A_139, %dma_wait3A_266] : memref<10240x64xf32, #tpu.memory_space<vmem_shared>> -> memref<80x64xf32, #tpu.memory_space<vmem_shared>>
      tpu.wait_dma2 semaphore(%run_scoped3A_259 : memref<!tpu.dma_semaphore, #tpu.memory_space<semaphore_mem>>) src(%dma_wait3A_267 : memref<80x64xf32, #tpu.memory_space<vmem_shared>>) dst(%arg10 : memref<80x64xf32, #tpu.memory_space<vmem>>)
      tpu.yield
    }) : () -> ()
    "tpu.region"() ({
      %run_scoped3A_259 = tpu.sem_alloc : memref<!tpu.dma_semaphore, #tpu.memory_space<semaphore_mem>>
      %dma_start3A_260 = arith.constant 0 : i32
      %dma_start3A_261 = tpu.memref_slice %arg15[%add3A_139, %dma_start3A_260] : memref<10240x64xf32, #tpu.memory_space<vmem_shared>> -> memref<80x64xf32, #tpu.memory_space<vmem_shared>>
      %dma_start3A_262 = arith.constant 0 : i32
      %dma_start3A_263 = tpu.memref_slice %arg15[%add3A_139, %dma_start3A_262] : memref<10240x64xf32, #tpu.memory_space<vmem_shared>> -> memref<80x64xf32, #tpu.memory_space<vmem_shared>>
      tpu.enqueue_dma source(%dma_start3A_263 : memref<80x64xf32, #tpu.memory_space<vmem_shared>>) target(%arg11 : memref<80x64xf32, #tpu.memory_space<vmem>>) target_semaphore(%run_scoped3A_259 : memref<!tpu.dma_semaphore, #tpu.memory_space<semaphore_mem>>)
      %dma_wait3A_264 = arith.constant 0 : i32
      %dma_wait3A_265 = tpu.memref_slice %arg15[%add3A_139, %dma_wait3A_264] : memref<10240x64xf32, #tpu.memory_space<vmem_shared>> -> memref<80x64xf32, #tpu.memory_space<vmem_shared>>
      %dma_wait3A_266 = arith.constant 0 : i32
      %dma_wait3A_267 = tpu.memref_slice %arg15[%add3A_139, %dma_wait3A_266] : memref<10240x64xf32, #tpu.memory_space<vmem_shared>> -> memref<80x64xf32, #tpu.memory_space<vmem_shared>>
      tpu.wait_dma2 semaphore(%run_scoped3A_259 : memref<!tpu.dma_semaphore, #tpu.memory_space<semaphore_mem>>) src(%dma_wait3A_267 : memref<80x64xf32, #tpu.memory_space<vmem_shared>>) dst(%arg11 : memref<80x64xf32, #tpu.memory_space<vmem>>)
      tpu.yield
    }) : () -> ()
    %scan3A_140 = arith.constant 0 : i32
    %scan3A_141 = arith.constant 0 : i32
    %scan3A_142 = arith.constant 80 : i32
    %scan3A_143 = arith.addi %scan3A_141, %scan3A_142 : i32
    %scan3A_144 = arith.constant 1 : i32
    scf.for %scan3A_259 = %scan3A_141 to %scan3A_143 step %scan3A_144  : i32 {
      %add3A_260 = arith.constant 480 : i32
      %add3A_261 = arith.addi %add3A_260, %scan3A_259 : i32
      %get3A = arith.index_cast %add3A_261 : i32 to index
      %get3A_262 = arith.constant 0 : index
      %get3A_263 = tpu.vector_load %arg13[%get3A, %get3A_262] {strides = array<i32>} : memref<640x16xf32, #tpu.memory_space<vmem>>, vector<1x16xf32>,
      %get3A_264 = vector.shape_cast %get3A_263 : vector<1x16xf32> to vector<16xf32>
      %get3A_265 = arith.index_cast %scan3A_259 : i32 to index
      %get3A_266 = arith.constant 0 : index
      %get3A_267 = tpu.vector_load %arg11[%get3A_265, %get3A_266] {strides = array<i32>} : memref<80x64xf32, #tpu.memory_space<vmem>>, vector<1x16xf32>,
      %get3A_268 = vector.shape_cast %get3A_267 : vector<1x16xf32> to vector<16xf32>
      %get3A_269 = arith.index_cast %scan3A_259 : i32 to index
      %get3A_270 = arith.constant 0 : index
      %get3A_271 = tpu.vector_load %arg10[%get3A_269, %get3A_270] {strides = array<i32>} : memref<80x64xf32, #tpu.memory_space<vmem>>, vector<1x16xf32>,
      %get3A_272 = vector.shape_cast %get3A_271 : vector<1x16xf32> to vector<16xf32>
      %get3A_273 = arith.constant 0 : index
      %get3A_274 = tpu.vector_load %arg14[%get3A_273] {strides = array<i32>} : memref<64xf32, #tpu.memory_space<vmem>>, vector<16xf32>,
      %get3A_275 = vector.shape_cast %get3A_274 : vector<16xf32> to vector<16xf32>
      %add3A_276 = arith.addf %get3A_268, %get3A_272 : vector<16xf32>
      %mul3A_277 = arith.mulf %get3A_264, %add3A_276 : vector<16xf32>
      %add3A_278 = arith.addf %mul3A_277, %get3A_275 : vector<16xf32>
      %max3A = arith.constant 0.000000e+00 : f32
      %max3A_279 = vector.broadcast %max3A : f32 to vector<16xf32>
      %max3A_280 = arith.maximumf %add3A_278, %max3A_279 : vector<16xf32>
      %mul3A_281 = arith.mulf %get3A_264, %max3A_280 : vector<16xf32>
      %swap3A = arith.index_cast %scan3A_259 : i32 to index
      %swap3A_282 = arith.constant 0 : index
      %swap3A_283 = tpu.vector_load %arg11[%swap3A, %swap3A_282] {strides = array<i32>} : memref<80x64xf32, #tpu.memory_space<vmem>>, vector<1x16xf32>,
      %swap3A_284 = vector.shape_cast %swap3A_283 : vector<1x16xf32> to vector<16xf32>
      %swap3A_285 = vector.shape_cast %mul3A_281 : vector<16xf32> to vector<1x16xf32>
      tpu.vector_store %arg11[%swap3A, %swap3A_282], %swap3A_285 {strides = array<i32>} : memref<80x64xf32, #tpu.memory_space<vmem>>, vector<1x16xf32>,
      %get3A_286 = arith.index_cast %scan3A_259 : i32 to index
      %get3A_287 = arith.constant 16 : index
      %get3A_288 = tpu.vector_load %arg11[%get3A_286, %get3A_287] {strides = array<i32>} : memref<80x64xf32, #tpu.memory_space<vmem>>, vector<1x16xf32>,
      %get3A_289 = vector.shape_cast %get3A_288 : vector<1x16xf32> to vector<16xf32>
      %get3A_290 = arith.index_cast %scan3A_259 : i32 to index
      %get3A_291 = arith.constant 16 : index
      %get3A_292 = tpu.vector_load %arg10[%get3A_290, %get3A_291] {strides = array<i32>} : memref<80x64xf32, #tpu.memory_space<vmem>>, vector<1x16xf32>,
      %get3A_293 = vector.shape_cast %get3A_292 : vector<1x16xf32> to vector<16xf32>
      %get3A_294 = arith.constant 16 : index
      %get3A_295 = tpu.vector_load %arg14[%get3A_294] {strides = array<i32>} : memref<64xf32, #tpu.memory_space<vmem>>, vector<16xf32>,
      %get3A_296 = vector.shape_cast %get3A_295 : vector<16xf32> to vector<16xf32>
      %add3A_297 = arith.addf %get3A_289, %get3A_293 : vector<16xf32>
      %mul3A_298 = arith.mulf %get3A_264, %add3A_297 : vector<16xf32>
      %add3A_299 = arith.addf %mul3A_298, %get3A_296 : vector<16xf32>
      %max3A_300 = arith.constant 0.000000e+00 : f32
      %max3A_301 = vector.broadcast %max3A_300 : f32 to vector<16xf32>
      %max3A_302 = arith.maximumf %add3A_299, %max3A_301 : vector<16xf32>
      %mul3A_303 = arith.mulf %get3A_264, %max3A_302 : vector<16xf32>
      %swap3A_304 = arith.index_cast %scan3A_259 : i32 to index
      %swap3A_305 = arith.constant 16 : index
      %swap3A_306 = tpu.vector_load %arg11[%swap3A_304, %swap3A_305] {strides = array<i32>} : memref<80x64xf32, #tpu.memory_space<vmem>>, vector<1x16xf32>,
      %swap3A_307 = vector.shape_cast %swap3A_306 : vector<1x16xf32> to vector<16xf32>
      %swap3A_308 = vector.shape_cast %mul3A_303 : vector<16xf32> to vector<1x16xf32>
      tpu.vector_store %arg11[%swap3A_304, %swap3A_305], %swap3A_308 {strides = array<i32>} : memref<80x64xf32, #tpu.memory_space<vmem>>, vector<1x16xf32>,
      %get3A_309 = arith.index_cast %scan3A_259 : i32 to index
      %get3A_310 = arith.constant 32 : index
      %get3A_311 = tpu.vector_load %arg11[%get3A_309, %get3A_310] {strides = array<i32>} : memref<80x64xf32, #tpu.memory_space<vmem>>, vector<1x16xf32>,
      %get3A_312 = vector.shape_cast %get3A_311 : vector<1x16xf32> to vector<16xf32>
      %get3A_313 = arith.index_cast %scan3A_259 : i32 to index
      %get3A_314 = arith.constant 32 : index
      %get3A_315 = tpu.vector_load %arg10[%get3A_313, %get3A_314] {strides = array<i32>} : memref<80x64xf32, #tpu.memory_space<vmem>>, vector<1x16xf32>,
      %get3A_316 = vector.shape_cast %get3A_315 : vector<1x16xf32> to vector<16xf32>
      %get3A_317 = arith.constant 32 : index
      %get3A_318 = tpu.vector_load %arg14[%get3A_317] {strides = array<i32>} : memref<64xf32, #tpu.memory_space<vmem>>, vector<16xf32>,
      %get3A_319 = vector.shape_cast %get3A_318 : vector<16xf32> to vector<16xf32>
      %add3A_320 = arith.addf %get3A_312, %get3A_316 : vector<16xf32>
      %mul3A_321 = arith.mulf %get3A_264, %add3A_320 : vector<16xf32>
      %add3A_322 = arith.addf %mul3A_321, %get3A_319 : vector<16xf32>
      %max3A_323 = arith.constant 0.000000e+00 : f32
      %max3A_324 = vector.broadcast %max3A_323 : f32 to vector<16xf32>
      %max3A_325 = arith.maximumf %add3A_322, %max3A_324 : vector<16xf32>
      %mul3A_326 = arith.mulf %get3A_264, %max3A_325 : vector<16xf32>
      %swap3A_327 = arith.index_cast %scan3A_259 : i32 to index
      %swap3A_328 = arith.constant 32 : index
      %swap3A_329 = tpu.vector_load %arg11[%swap3A_327, %swap3A_328] {strides = array<i32>} : memref<80x64xf32, #tpu.memory_space<vmem>>, vector<1x16xf32>,
      %swap3A_330 = vector.shape_cast %swap3A_329 : vector<1x16xf32> to vector<16xf32>
      %swap3A_331 = vector.shape_cast %mul3A_326 : vector<16xf32> to vector<1x16xf32>
      tpu.vector_store %arg11[%swap3A_327, %swap3A_328], %swap3A_331 {strides = array<i32>} : memref<80x64xf32, #tpu.memory_space<vmem>>, vector<1x16xf32>,
      %get3A_332 = arith.index_cast %scan3A_259 : i32 to index
      %get3A_333 = arith.constant 48 : index
      %get3A_334 = tpu.vector_load %arg11[%get3A_332, %get3A_333] {strides = array<i32>} : memref<80x64xf32, #tpu.memory_space<vmem>>, vector<1x16xf32>,
      %get3A_335 = vector.shape_cast %get3A_334 : vector<1x16xf32> to vector<16xf32>
      %get3A_336 = arith.index_cast %scan3A_259 : i32 to index
      %get3A_337 = arith.constant 48 : index
      %get3A_338 = tpu.vector_load %arg10[%get3A_336, %get3A_337] {strides = array<i32>} : memref<80x64xf32, #tpu.memory_space<vmem>>, vector<1x16xf32>,
      %get3A_339 = vector.shape_cast %get3A_338 : vector<1x16xf32> to vector<16xf32>
      %get3A_340 = arith.constant 48 : index
      %get3A_341 = tpu.vector_load %arg14[%get3A_340] {strides = array<i32>} : memref<64xf32, #tpu.memory_space<vmem>>, vector<16xf32>,
      %get3A_342 = vector.shape_cast %get3A_341 : vector<16xf32> to vector<16xf32>
      %add3A_343 = arith.addf %get3A_335, %get3A_339 : vector<16xf32>
      %mul3A_344 = arith.mulf %get3A_264, %add3A_343 : vector<16xf32>
      %add3A_345 = arith.addf %mul3A_344, %get3A_342 : vector<16xf32>
      %max3A_346 = arith.constant 0.000000e+00 : f32
      %max3A_347 = vector.broadcast %max3A_346 : f32 to vector<16xf32>
      %max3A_348 = arith.maximumf %add3A_345, %max3A_347 : vector<16xf32>
      %mul3A_349 = arith.mulf %get3A_264, %max3A_348 : vector<16xf32>
      %swap3A_350 = arith.index_cast %scan3A_259 : i32 to index
      %swap3A_351 = arith.constant 48 : index
      %swap3A_352 = tpu.vector_load %arg11[%swap3A_350, %swap3A_351] {strides = array<i32>} : memref<80x64xf32, #tpu.memory_space<vmem>>, vector<1x16xf32>,
      %swap3A_353 = vector.shape_cast %swap3A_352 : vector<1x16xf32> to vector<16xf32>
      %swap3A_354 = vector.shape_cast %mul3A_349 : vector<16xf32> to vector<1x16xf32>
      tpu.vector_store %arg11[%swap3A_350, %swap3A_351], %swap3A_354 {strides = array<i32>} : memref<80x64xf32, #tpu.memory_space<vmem>>, vector<1x16xf32>,
    }
    %scan3A_145 = arith.constant 80 : i32
    "tpu.region"() ({
      %run_scoped3A_259 = tpu.sem_alloc : memref<!tpu.dma_semaphore, #tpu.memory_space<semaphore_mem>>
      %dma_start3A_260 = arith.constant 0 : i32
      %dma_start3A_261 = tpu.memref_slice %arg15[%add3A_139, %dma_start3A_260] : memref<10240x64xf32, #tpu.memory_space<vmem_shared>> -> memref<80x64xf32, #tpu.memory_space<vmem_shared>>
      %dma_start3A_262 = arith.constant 0 : i32
      %dma_start3A_263 = tpu.memref_slice %arg15[%add3A_139, %dma_start3A_262] : memref<10240x64xf32, #tpu.memory_space<vmem_shared>> -> memref<80x64xf32, #tpu.memory_space<vmem_shared>>
      tpu.enqueue_dma source(%arg11 : memref<80x64xf32, #tpu.memory_space<vmem>>) target(%dma_start3A_263 : memref<80x64xf32, #tpu.memory_space<vmem_shared>>) target_semaphore(%run_scoped3A_259 : memref<!tpu.dma_semaphore, #tpu.memory_space<semaphore_mem>>)
      %dma_wait3A_264 = arith.constant 0 : i32
      %dma_wait3A_265 = tpu.memref_slice %arg15[%add3A_139, %dma_wait3A_264] : memref<10240x64xf32, #tpu.memory_space<vmem_shared>> -> memref<80x64xf32, #tpu.memory_space<vmem_shared>>
      %dma_wait3A_266 = arith.constant 0 : i32
      %dma_wait3A_267 = tpu.memref_slice %arg15[%add3A_139, %dma_wait3A_266] : memref<10240x64xf32, #tpu.memory_space<vmem_shared>> -> memref<80x64xf32, #tpu.memory_space<vmem_shared>>
      tpu.wait_dma2 semaphore(%run_scoped3A_259 : memref<!tpu.dma_semaphore, #tpu.memory_space<semaphore_mem>>) src(%arg11 : memref<80x64xf32, #tpu.memory_space<vmem>>) dst(%dma_wait3A_267 : memref<80x64xf32, #tpu.memory_space<vmem_shared>>)
      tpu.yield
    }) : () -> ()
    "tpu.region"() ({
      %run_scoped3A_259 = tpu.sem_alloc : memref<!tpu.dma_semaphore, #tpu.memory_space<semaphore_mem>>
      %dma_start3A_260 = arith.constant 0 : i32
      %dma_start3A_261 = tpu.memref_slice %arg16[%add3A_139, %dma_start3A_260] : memref<10240x64xf32, #tpu.memory_space<vmem_shared>> -> memref<80x64xf32, #tpu.memory_space<vmem_shared>>
      %dma_start3A_262 = arith.constant 0 : i32
      %dma_start3A_263 = tpu.memref_slice %arg16[%add3A_139, %dma_start3A_262] : memref<10240x64xf32, #tpu.memory_space<vmem_shared>> -> memref<80x64xf32, #tpu.memory_space<vmem_shared>>
      tpu.enqueue_dma source(%arg12 : memref<80x64xf32, #tpu.memory_space<vmem>>) target(%dma_start3A_263 : memref<80x64xf32, #tpu.memory_space<vmem_shared>>) target_semaphore(%run_scoped3A_259 : memref<!tpu.dma_semaphore, #tpu.memory_space<semaphore_mem>>)
      %dma_wait3A_264 = arith.constant 0 : i32
      %dma_wait3A_265 = tpu.memref_slice %arg16[%add3A_139, %dma_wait3A_264] : memref<10240x64xf32, #tpu.memory_space<vmem_shared>> -> memref<80x64xf32, #tpu.memory_space<vmem_shared>>
      %dma_wait3A_266 = arith.constant 0 : i32
      %dma_wait3A_267 = tpu.memref_slice %arg16[%add3A_139, %dma_wait3A_266] : memref<10240x64xf32, #tpu.memory_space<vmem_shared>> -> memref<80x64xf32, #tpu.memory_space<vmem_shared>>
      tpu.wait_dma2 semaphore(%run_scoped3A_259 : memref<!tpu.dma_semaphore, #tpu.memory_space<semaphore_mem>>) src(%arg12 : memref<80x64xf32, #tpu.memory_space<vmem>>) dst(%dma_wait3A_267 : memref<80x64xf32, #tpu.memory_space<vmem_shared>>)
      tpu.yield
    }) : () -> ()
    %add3A_146 = arith.constant 560 : i32
    %add3A_147 = arith.addi %mul3A_0, %add3A_146 : i32
    "tpu.region"() ({
      %run_scoped3A_259 = tpu.sem_alloc : memref<!tpu.dma_semaphore, #tpu.memory_space<semaphore_mem>>
      %dma_start3A_260 = arith.constant 0 : i32
      %dma_start3A_261 = tpu.memref_slice %arg16[%add3A_147, %dma_start3A_260] : memref<10240x64xf32, #tpu.memory_space<vmem_shared>> -> memref<80x64xf32, #tpu.memory_space<vmem_shared>>
      %dma_start3A_262 = arith.constant 0 : i32
      %dma_start3A_263 = tpu.memref_slice %arg16[%add3A_147, %dma_start3A_262] : memref<10240x64xf32, #tpu.memory_space<vmem_shared>> -> memref<80x64xf32, #tpu.memory_space<vmem_shared>>
      tpu.enqueue_dma source(%dma_start3A_263 : memref<80x64xf32, #tpu.memory_space<vmem_shared>>) target(%arg10 : memref<80x64xf32, #tpu.memory_space<vmem>>) target_semaphore(%run_scoped3A_259 : memref<!tpu.dma_semaphore, #tpu.memory_space<semaphore_mem>>)
      %dma_wait3A_264 = arith.constant 0 : i32
      %dma_wait3A_265 = tpu.memref_slice %arg16[%add3A_147, %dma_wait3A_264] : memref<10240x64xf32, #tpu.memory_space<vmem_shared>> -> memref<80x64xf32, #tpu.memory_space<vmem_shared>>
      %dma_wait3A_266 = arith.constant 0 : i32
      %dma_wait3A_267 = tpu.memref_slice %arg16[%add3A_147, %dma_wait3A_266] : memref<10240x64xf32, #tpu.memory_space<vmem_shared>> -> memref<80x64xf32, #tpu.memory_space<vmem_shared>>
      tpu.wait_dma2 semaphore(%run_scoped3A_259 : memref<!tpu.dma_semaphore, #tpu.memory_space<semaphore_mem>>) src(%dma_wait3A_267 : memref<80x64xf32, #tpu.memory_space<vmem_shared>>) dst(%arg10 : memref<80x64xf32, #tpu.memory_space<vmem>>)
      tpu.yield
    }) : () -> ()
    "tpu.region"() ({
      %run_scoped3A_259 = tpu.sem_alloc : memref<!tpu.dma_semaphore, #tpu.memory_space<semaphore_mem>>
      %dma_start3A_260 = arith.constant 0 : i32
      %dma_start3A_261 = tpu.memref_slice %arg15[%add3A_147, %dma_start3A_260] : memref<10240x64xf32, #tpu.memory_space<vmem_shared>> -> memref<80x64xf32, #tpu.memory_space<vmem_shared>>
      %dma_start3A_262 = arith.constant 0 : i32
      %dma_start3A_263 = tpu.memref_slice %arg15[%add3A_147, %dma_start3A_262] : memref<10240x64xf32, #tpu.memory_space<vmem_shared>> -> memref<80x64xf32, #tpu.memory_space<vmem_shared>>
      tpu.enqueue_dma source(%dma_start3A_263 : memref<80x64xf32, #tpu.memory_space<vmem_shared>>) target(%arg11 : memref<80x64xf32, #tpu.memory_space<vmem>>) target_semaphore(%run_scoped3A_259 : memref<!tpu.dma_semaphore, #tpu.memory_space<semaphore_mem>>)
      %dma_wait3A_264 = arith.constant 0 : i32
      %dma_wait3A_265 = tpu.memref_slice %arg15[%add3A_147, %dma_wait3A_264] : memref<10240x64xf32, #tpu.memory_space<vmem_shared>> -> memref<80x64xf32, #tpu.memory_space<vmem_shared>>
      %dma_wait3A_266 = arith.constant 0 : i32
      %dma_wait3A_267 = tpu.memref_slice %arg15[%add3A_147, %dma_wait3A_266] : memref<10240x64xf32, #tpu.memory_space<vmem_shared>> -> memref<80x64xf32, #tpu.memory_space<vmem_shared>>
      tpu.wait_dma2 semaphore(%run_scoped3A_259 : memref<!tpu.dma_semaphore, #tpu.memory_space<semaphore_mem>>) src(%dma_wait3A_267 : memref<80x64xf32, #tpu.memory_space<vmem_shared>>) dst(%arg11 : memref<80x64xf32, #tpu.memory_space<vmem>>)
      tpu.yield
    }) : () -> ()
    %scan3A_148 = arith.constant 0 : i32
    %scan3A_149 = arith.constant 0 : i32
    %scan3A_150 = arith.constant 80 : i32
    %scan3A_151 = arith.addi %scan3A_149, %scan3A_150 : i32
    %scan3A_152 = arith.constant 1 : i32
    scf.for %scan3A_259 = %scan3A_149 to %scan3A_151 step %scan3A_152  : i32 {
      %add3A_260 = arith.constant 560 : i32
      %add3A_261 = arith.addi %add3A_260, %scan3A_259 : i32
      %get3A = arith.index_cast %add3A_261 : i32 to index
      %get3A_262 = arith.constant 0 : index
      %get3A_263 = tpu.vector_load %arg13[%get3A, %get3A_262] {strides = array<i32>} : memref<640x16xf32, #tpu.memory_space<vmem>>, vector<1x16xf32>,
      %get3A_264 = vector.shape_cast %get3A_263 : vector<1x16xf32> to vector<16xf32>
      %get3A_265 = arith.index_cast %scan3A_259 : i32 to index
      %get3A_266 = arith.constant 0 : index
      %get3A_267 = tpu.vector_load %arg11[%get3A_265, %get3A_266] {strides = array<i32>} : memref<80x64xf32, #tpu.memory_space<vmem>>, vector<1x16xf32>,
      %get3A_268 = vector.shape_cast %get3A_267 : vector<1x16xf32> to vector<16xf32>
      %get3A_269 = arith.index_cast %scan3A_259 : i32 to index
      %get3A_270 = arith.constant 0 : index
      %get3A_271 = tpu.vector_load %arg10[%get3A_269, %get3A_270] {strides = array<i32>} : memref<80x64xf32, #tpu.memory_space<vmem>>, vector<1x16xf32>,
      %get3A_272 = vector.shape_cast %get3A_271 : vector<1x16xf32> to vector<16xf32>
      %get3A_273 = arith.constant 0 : index
      %get3A_274 = tpu.vector_load %arg14[%get3A_273] {strides = array<i32>} : memref<64xf32, #tpu.memory_space<vmem>>, vector<16xf32>,
      %get3A_275 = vector.shape_cast %get3A_274 : vector<16xf32> to vector<16xf32>
      %add3A_276 = arith.addf %get3A_268, %get3A_272 : vector<16xf32>
      %mul3A_277 = arith.mulf %get3A_264, %add3A_276 : vector<16xf32>
      %add3A_278 = arith.addf %mul3A_277, %get3A_275 : vector<16xf32>
      %max3A = arith.constant 0.000000e+00 : f32
      %max3A_279 = vector.broadcast %max3A : f32 to vector<16xf32>
      %max3A_280 = arith.maximumf %add3A_278, %max3A_279 : vector<16xf32>
      %mul3A_281 = arith.mulf %get3A_264, %max3A_280 : vector<16xf32>
      %swap3A = arith.index_cast %scan3A_259 : i32 to index
      %swap3A_282 = arith.constant 0 : index
      %swap3A_283 = tpu.vector_load %arg11[%swap3A, %swap3A_282] {strides = array<i32>} : memref<80x64xf32, #tpu.memory_space<vmem>>, vector<1x16xf32>,
      %swap3A_284 = vector.shape_cast %swap3A_283 : vector<1x16xf32> to vector<16xf32>
      %swap3A_285 = vector.shape_cast %mul3A_281 : vector<16xf32> to vector<1x16xf32>
      tpu.vector_store %arg11[%swap3A, %swap3A_282], %swap3A_285 {strides = array<i32>} : memref<80x64xf32, #tpu.memory_space<vmem>>, vector<1x16xf32>,
      %get3A_286 = arith.index_cast %scan3A_259 : i32 to index
      %get3A_287 = arith.constant 16 : index
      %get3A_288 = tpu.vector_load %arg11[%get3A_286, %get3A_287] {strides = array<i32>} : memref<80x64xf32, #tpu.memory_space<vmem>>, vector<1x16xf32>,
      %get3A_289 = vector.shape_cast %get3A_288 : vector<1x16xf32> to vector<16xf32>
      %get3A_290 = arith.index_cast %scan3A_259 : i32 to index
      %get3A_291 = arith.constant 16 : index
      %get3A_292 = tpu.vector_load %arg10[%get3A_290, %get3A_291] {strides = array<i32>} : memref<80x64xf32, #tpu.memory_space<vmem>>, vector<1x16xf32>,
      %get3A_293 = vector.shape_cast %get3A_292 : vector<1x16xf32> to vector<16xf32>
      %get3A_294 = arith.constant 16 : index
      %get3A_295 = tpu.vector_load %arg14[%get3A_294] {strides = array<i32>} : memref<64xf32, #tpu.memory_space<vmem>>, vector<16xf32>,
      %get3A_296 = vector.shape_cast %get3A_295 : vector<16xf32> to vector<16xf32>
      %add3A_297 = arith.addf %get3A_289, %get3A_293 : vector<16xf32>
      %mul3A_298 = arith.mulf %get3A_264, %add3A_297 : vector<16xf32>
      %add3A_299 = arith.addf %mul3A_298, %get3A_296 : vector<16xf32>
      %max3A_300 = arith.constant 0.000000e+00 : f32
      %max3A_301 = vector.broadcast %max3A_300 : f32 to vector<16xf32>
      %max3A_302 = arith.maximumf %add3A_299, %max3A_301 : vector<16xf32>
      %mul3A_303 = arith.mulf %get3A_264, %max3A_302 : vector<16xf32>
      %swap3A_304 = arith.index_cast %scan3A_259 : i32 to index
      %swap3A_305 = arith.constant 16 : index
      %swap3A_306 = tpu.vector_load %arg11[%swap3A_304, %swap3A_305] {strides = array<i32>} : memref<80x64xf32, #tpu.memory_space<vmem>>, vector<1x16xf32>,
      %swap3A_307 = vector.shape_cast %swap3A_306 : vector<1x16xf32> to vector<16xf32>
      %swap3A_308 = vector.shape_cast %mul3A_303 : vector<16xf32> to vector<1x16xf32>
      tpu.vector_store %arg11[%swap3A_304, %swap3A_305], %swap3A_308 {strides = array<i32>} : memref<80x64xf32, #tpu.memory_space<vmem>>, vector<1x16xf32>,
      %get3A_309 = arith.index_cast %scan3A_259 : i32 to index
      %get3A_310 = arith.constant 32 : index
      %get3A_311 = tpu.vector_load %arg11[%get3A_309, %get3A_310] {strides = array<i32>} : memref<80x64xf32, #tpu.memory_space<vmem>>, vector<1x16xf32>,
      %get3A_312 = vector.shape_cast %get3A_311 : vector<1x16xf32> to vector<16xf32>
      %get3A_313 = arith.index_cast %scan3A_259 : i32 to index
      %get3A_314 = arith.constant 32 : index
      %get3A_315 = tpu.vector_load %arg10[%get3A_313, %get3A_314] {strides = array<i32>} : memref<80x64xf32, #tpu.memory_space<vmem>>, vector<1x16xf32>,
      %get3A_316 = vector.shape_cast %get3A_315 : vector<1x16xf32> to vector<16xf32>
      %get3A_317 = arith.constant 32 : index
      %get3A_318 = tpu.vector_load %arg14[%get3A_317] {strides = array<i32>} : memref<64xf32, #tpu.memory_space<vmem>>, vector<16xf32>,
      %get3A_319 = vector.shape_cast %get3A_318 : vector<16xf32> to vector<16xf32>
      %add3A_320 = arith.addf %get3A_312, %get3A_316 : vector<16xf32>
      %mul3A_321 = arith.mulf %get3A_264, %add3A_320 : vector<16xf32>
      %add3A_322 = arith.addf %mul3A_321, %get3A_319 : vector<16xf32>
      %max3A_323 = arith.constant 0.000000e+00 : f32
      %max3A_324 = vector.broadcast %max3A_323 : f32 to vector<16xf32>
      %max3A_325 = arith.maximumf %add3A_322, %max3A_324 : vector<16xf32>
      %mul3A_326 = arith.mulf %get3A_264, %max3A_325 : vector<16xf32>
      %swap3A_327 = arith.index_cast %scan3A_259 : i32 to index
      %swap3A_328 = arith.constant 32 : index
      %swap3A_329 = tpu.vector_load %arg11[%swap3A_327, %swap3A_328] {strides = array<i32>} : memref<80x64xf32, #tpu.memory_space<vmem>>, vector<1x16xf32>,
      %swap3A_330 = vector.shape_cast %swap3A_329 : vector<1x16xf32> to vector<16xf32>
      %swap3A_331 = vector.shape_cast %mul3A_326 : vector<16xf32> to vector<1x16xf32>
      tpu.vector_store %arg11[%swap3A_327, %swap3A_328], %swap3A_331 {strides = array<i32>} : memref<80x64xf32, #tpu.memory_space<vmem>>, vector<1x16xf32>,
      %get3A_332 = arith.index_cast %scan3A_259 : i32 to index
      %get3A_333 = arith.constant 48 : index
      %get3A_334 = tpu.vector_load %arg11[%get3A_332, %get3A_333] {strides = array<i32>} : memref<80x64xf32, #tpu.memory_space<vmem>>, vector<1x16xf32>,
      %get3A_335 = vector.shape_cast %get3A_334 : vector<1x16xf32> to vector<16xf32>
      %get3A_336 = arith.index_cast %scan3A_259 : i32 to index
      %get3A_337 = arith.constant 48 : index
      %get3A_338 = tpu.vector_load %arg10[%get3A_336, %get3A_337] {strides = array<i32>} : memref<80x64xf32, #tpu.memory_space<vmem>>, vector<1x16xf32>,
      %get3A_339 = vector.shape_cast %get3A_338 : vector<1x16xf32> to vector<16xf32>
      %get3A_340 = arith.constant 48 : index
      %get3A_341 = tpu.vector_load %arg14[%get3A_340] {strides = array<i32>} : memref<64xf32, #tpu.memory_space<vmem>>, vector<16xf32>,
      %get3A_342 = vector.shape_cast %get3A_341 : vector<16xf32> to vector<16xf32>
      %add3A_343 = arith.addf %get3A_335, %get3A_339 : vector<16xf32>
      %mul3A_344 = arith.mulf %get3A_264, %add3A_343 : vector<16xf32>
      %add3A_345 = arith.addf %mul3A_344, %get3A_342 : vector<16xf32>
      %max3A_346 = arith.constant 0.000000e+00 : f32
      %max3A_347 = vector.broadcast %max3A_346 : f32 to vector<16xf32>
      %max3A_348 = arith.maximumf %add3A_345, %max3A_347 : vector<16xf32>
      %mul3A_349 = arith.mulf %get3A_264, %max3A_348 : vector<16xf32>
      %swap3A_350 = arith.index_cast %scan3A_259 : i32 to index
      %swap3A_351 = arith.constant 48 : index
      %swap3A_352 = tpu.vector_load %arg11[%swap3A_350, %swap3A_351] {strides = array<i32>} : memref<80x64xf32, #tpu.memory_space<vmem>>, vector<1x16xf32>,
      %swap3A_353 = vector.shape_cast %swap3A_352 : vector<1x16xf32> to vector<16xf32>
      %swap3A_354 = vector.shape_cast %mul3A_349 : vector<16xf32> to vector<1x16xf32>
      tpu.vector_store %arg11[%swap3A_350, %swap3A_351], %swap3A_354 {strides = array<i32>} : memref<80x64xf32, #tpu.memory_space<vmem>>, vector<1x16xf32>,
    }
    %scan3A_153 = arith.constant 80 : i32
    "tpu.region"() ({
      %run_scoped3A_259 = tpu.sem_alloc : memref<!tpu.dma_semaphore, #tpu.memory_space<semaphore_mem>>
      %dma_start3A_260 = arith.constant 0 : i32
      %dma_start3A_261 = tpu.memref_slice %arg15[%add3A_147, %dma_start3A_260] : memref<10240x64xf32, #tpu.memory_space<vmem_shared>> -> memref<80x64xf32, #tpu.memory_space<vmem_shared>>
      %dma_start3A_262 = arith.constant 0 : i32
      %dma_start3A_263 = tpu.memref_slice %arg15[%add3A_147, %dma_start3A_262] : memref<10240x64xf32, #tpu.memory_space<vmem_shared>> -> memref<80x64xf32, #tpu.memory_space<vmem_shared>>
      tpu.enqueue_dma source(%arg11 : memref<80x64xf32, #tpu.memory_space<vmem>>) target(%dma_start3A_263 : memref<80x64xf32, #tpu.memory_space<vmem_shared>>) target_semaphore(%run_scoped3A_259 : memref<!tpu.dma_semaphore, #tpu.memory_space<semaphore_mem>>)
      %dma_wait3A_264 = arith.constant 0 : i32
      %dma_wait3A_265 = tpu.memref_slice %arg15[%add3A_147, %dma_wait3A_264] : memref<10240x64xf32, #tpu.memory_space<vmem_shared>> -> memref<80x64xf32, #tpu.memory_space<vmem_shared>>
      %dma_wait3A_266 = arith.constant 0 : i32
      %dma_wait3A_267 = tpu.memref_slice %arg15[%add3A_147, %dma_wait3A_266] : memref<10240x64xf32, #tpu.memory_space<vmem_shared>> -> memref<80x64xf32, #tpu.memory_space<vmem_shared>>
      tpu.wait_dma2 semaphore(%run_scoped3A_259 : memref<!tpu.dma_semaphore, #tpu.memory_space<semaphore_mem>>) src(%arg11 : memref<80x64xf32, #tpu.memory_space<vmem>>) dst(%dma_wait3A_267 : memref<80x64xf32, #tpu.memory_space<vmem_shared>>)
      tpu.yield
    }) : () -> ()
    "tpu.region"() ({
      %run_scoped3A_259 = tpu.sem_alloc : memref<!tpu.dma_semaphore, #tpu.memory_space<semaphore_mem>>
      %dma_start3A_260 = arith.constant 0 : i32
      %dma_start3A_261 = tpu.memref_slice %arg16[%add3A_147, %dma_start3A_260] : memref<10240x64xf32, #tpu.memory_space<vmem_shared>> -> memref<80x64xf32, #tpu.memory_space<vmem_shared>>
      %dma_start3A_262 = arith.constant 0 : i32
      %dma_start3A_263 = tpu.memref_slice %arg16[%add3A_147, %dma_start3A_262] : memref<10240x64xf32, #tpu.memory_space<vmem_shared>> -> memref<80x64xf32, #tpu.memory_space<vmem_shared>>
      tpu.enqueue_dma source(%arg12 : memref<80x64xf32, #tpu.memory_space<vmem>>) target(%dma_start3A_263 : memref<80x64xf32, #tpu.memory_space<vmem_shared>>) target_semaphore(%run_scoped3A_259 : memref<!tpu.dma_semaphore, #tpu.memory_space<semaphore_mem>>)
      %dma_wait3A_264 = arith.constant 0 : i32
      %dma_wait3A_265 = tpu.memref_slice %arg16[%add3A_147, %dma_wait3A_264] : memref<10240x64xf32, #tpu.memory_space<vmem_shared>> -> memref<80x64xf32, #tpu.memory_space<vmem_shared>>
      %dma_wait3A_266 = arith.constant 0 : i32
      %dma_wait3A_267 = tpu.memref_slice %arg16[%add3A_147, %dma_wait3A_266] : memref<10240x64xf32, #tpu.memory_space<vmem_shared>> -> memref<80x64xf32, #tpu.memory_space<vmem_shared>>
      tpu.wait_dma2 semaphore(%run_scoped3A_259 : memref<!tpu.dma_semaphore, #tpu.memory_space<semaphore_mem>>) src(%arg12 : memref<80x64xf32, #tpu.memory_space<vmem>>) dst(%dma_wait3A_267 : memref<80x64xf32, #tpu.memory_space<vmem_shared>>)
      tpu.yield
    }) : () -> ()
    %barrier3A_154 = arith.constant 0 : index
    tpu.barrier barrier_id(%barrier3A_154)
    %dma_start3A_155 = arith.constant 0 : i32
    %dma_start3A_156 = arith.constant 0 : i32
    %dma_start3A_157 = arith.constant 0 : i32
    %dma_start3A_158 = tpu.memref_slice %arg8[%dma_start3A_155, %dma_start3A_157] : memref<125x80xi32, #tpu.memory_space<vmem>> -> memref<1x80xi32, #tpu.memory_space<vmem>>
    %dma_start3A_159 = tpu.memref_squeeze %dma_start3A_158 : memref<1x80xi32, #tpu.memory_space<vmem>> -> memref<80xi32, #tpu.memory_space<vmem>>
    %dma_start3A_160 = arith.constant 0 : i32
    %dma_start3A_161 = arith.constant 0 : i32
    %dma_start3A_162 = tpu.memref_slice %arg15[%dma_start3A_160, %dma_start3A_161] : memref<10240x64xf32, #tpu.memory_space<vmem_shared>> -> memref<10240x64xf32, #tpu.memory_space<vmem_shared>>
    %dma_start3A_163 = tpu.memref_slice %arg17[%dma_start3A_156] : memref<2x!tpu.dma_semaphore, #tpu.memory_space<semaphore_mem>> -> memref<1x!tpu.dma_semaphore, #tpu.memory_space<semaphore_mem>>
    %dma_start3A_164 = tpu.memref_squeeze %dma_start3A_163 : memref<1x!tpu.dma_semaphore, #tpu.memory_space<semaphore_mem>> -> memref<!tpu.dma_semaphore, #tpu.memory_space<semaphore_mem>>
    tpu.enqueue_indirect_dma source(%dma_start3A_162 : memref<10240x64xf32, #tpu.memory_space<vmem_shared>>) target(%arg10 : memref<80x64xf32, #tpu.memory_space<vmem>>) offsets(%dma_start3A_159 : memref<80xi32, #tpu.memory_space<vmem>>) semaphore(%dma_start3A_164 : memref<!tpu.dma_semaphore, #tpu.memory_space<semaphore_mem>>)
    %dma_start3A_165 = arith.constant 1 : i32
    %dma_start3A_166 = arith.constant 1 : i32
    %dma_start3A_167 = arith.constant 0 : i32
    %dma_start3A_168 = tpu.memref_slice %arg8[%dma_start3A_165, %dma_start3A_167] : memref<125x80xi32, #tpu.memory_space<vmem>> -> memref<1x80xi32, #tpu.memory_space<vmem>>
    %dma_start3A_169 = tpu.memref_squeeze %dma_start3A_168 : memref<1x80xi32, #tpu.memory_space<vmem>> -> memref<80xi32, #tpu.memory_space<vmem>>
    %dma_start3A_170 = arith.constant 0 : i32
    %dma_start3A_171 = arith.constant 0 : i32
    %dma_start3A_172 = tpu.memref_slice %arg15[%dma_start3A_170, %dma_start3A_171] : memref<10240x64xf32, #tpu.memory_space<vmem_shared>> -> memref<10240x64xf32, #tpu.memory_space<vmem_shared>>
    %dma_start3A_173 = tpu.memref_slice %arg17[%dma_start3A_166] : memref<2x!tpu.dma_semaphore, #tpu.memory_space<semaphore_mem>> -> memref<1x!tpu.dma_semaphore, #tpu.memory_space<semaphore_mem>>
    %dma_start3A_174 = tpu.memref_squeeze %dma_start3A_173 : memref<1x!tpu.dma_semaphore, #tpu.memory_space<semaphore_mem>> -> memref<!tpu.dma_semaphore, #tpu.memory_space<semaphore_mem>>
    tpu.enqueue_indirect_dma source(%dma_start3A_172 : memref<10240x64xf32, #tpu.memory_space<vmem_shared>>) target(%arg11 : memref<80x64xf32, #tpu.memory_space<vmem>>) offsets(%dma_start3A_169 : memref<80xi32, #tpu.memory_space<vmem>>) semaphore(%dma_start3A_174 : memref<!tpu.dma_semaphore, #tpu.memory_space<semaphore_mem>>)
    %scan3A_175 = arith.constant 0 : i32
    %scan3A_176 = arith.constant 0 : i32
    %scan3A_177 = arith.constant 62 : i32
    %scan3A_178 = arith.addi %scan3A_176, %scan3A_177 : i32
    %scan3A_179 = arith.constant 1 : i32
    scf.for %scan3A_259 = %scan3A_176 to %scan3A_178 step %scan3A_179  : i32 {
      %mul3A_260 = arith.constant 2 : i32
      %mul3A_261 = arith.muli %scan3A_259, %mul3A_260 : i32
      %dma_wait3A_262 = arith.constant 0 : i32
      %dma_wait3A_263 = arith.constant 0 : i32
      %dma_wait3A_264 = arith.constant 0 : i32
      %dma_wait3A_265 = arith.constant 0 : i32
      %dma_wait3A_266 = tpu.memref_slice %arg2[%dma_wait3A_262, %dma_wait3A_264, %dma_wait3A_265] : memref<2x10240x64xf32, #tpu.memory_space<hbm>> -> memref<1x80x64xf32, #tpu.memory_space<hbm>>
      %dma_wait3A_267 = tpu.memref_squeeze %dma_wait3A_266 : memref<1x80x64xf32, #tpu.memory_space<hbm>> -> memref<80x64xf32, #tpu.memory_space<hbm>>
      %dma_wait3A_268 = tpu.memref_slice %arg17[%dma_wait3A_263] : memref<2x!tpu.dma_semaphore, #tpu.memory_space<semaphore_mem>> -> memref<1x!tpu.dma_semaphore, #tpu.memory_space<semaphore_mem>>
      %dma_wait3A_269 = tpu.memref_squeeze %dma_wait3A_268 : memref<1x!tpu.dma_semaphore, #tpu.memory_space<semaphore_mem>> -> memref<!tpu.dma_semaphore, #tpu.memory_space<semaphore_mem>>
      %dma_wait3A_270 = arith.constant 0 : i32
      %dma_wait3A_271 = arith.constant 0 : i32
      %dma_wait3A_272 = tpu.memref_slice %arg2[%dma_wait3A_262, %dma_wait3A_270, %dma_wait3A_271] : memref<2x10240x64xf32, #tpu.memory_space<hbm>> -> memref<1x80x64xf32, #tpu.memory_space<hbm>>
      %dma_wait3A_273 = tpu.memref_squeeze %dma_wait3A_272 : memref<1x80x64xf32, #tpu.memory_space<hbm>> -> memref<80x64xf32, #tpu.memory_space<hbm>>
      tpu.wait_dma2 semaphore(%dma_wait3A_269 : memref<!tpu.dma_semaphore, #tpu.memory_space<semaphore_mem>>) src(%dma_wait3A_273 : memref<80x64xf32, #tpu.memory_space<hbm>>) dst(%arg10 : memref<80x64xf32, #tpu.memory_space<vmem>>)
      "tpu.region"() ({
        %run_scoped3A_299 = tpu.sem_alloc : memref<!tpu.dma_semaphore, #tpu.memory_space<semaphore_mem>>
        %dma_start3A_300 = arith.constant 0 : i32
        %dma_start3A_301 = tpu.memref_slice %arg9[%mul3A_261, %dma_start3A_300] : memref<125x80xi32, #tpu.memory_space<vmem>> -> memref<1x80xi32, #tpu.memory_space<vmem>>
        %dma_start3A_302 = tpu.memref_squeeze %dma_start3A_301 : memref<1x80xi32, #tpu.memory_space<vmem>> -> memref<80xi32, #tpu.memory_space<vmem>>
        %dma_start3A_303 = arith.constant 0 : i32
        %dma_start3A_304 = arith.constant 0 : i32
        %dma_start3A_305 = tpu.memref_slice %arg16[%dma_start3A_303, %dma_start3A_304] : memref<10240x64xf32, #tpu.memory_space<vmem_shared>> -> memref<10240x64xf32, #tpu.memory_space<vmem_shared>>
        tpu.enqueue_indirect_dma source(%arg10 : memref<80x64xf32, #tpu.memory_space<vmem>>) target(%dma_start3A_305 : memref<10240x64xf32, #tpu.memory_space<vmem_shared>>) offsets(%dma_start3A_302 : memref<80xi32, #tpu.memory_space<vmem>>) semaphore(%run_scoped3A_299 : memref<!tpu.dma_semaphore, #tpu.memory_space<semaphore_mem>>) {add = true}
        %dma_wait3A_306 = arith.constant 0 : i32
        %dma_wait3A_307 = tpu.memref_slice %arg9[%mul3A_261, %dma_wait3A_306] : memref<125x80xi32, #tpu.memory_space<vmem>> -> memref<1x80xi32, #tpu.memory_space<vmem>>
        %dma_wait3A_308 = tpu.memref_squeeze %dma_wait3A_307 : memref<1x80xi32, #tpu.memory_space<vmem>> -> memref<80xi32, #tpu.memory_space<vmem>>
        %dma_wait3A_309 = arith.constant 0 : i32
        %dma_wait3A_310 = arith.constant 0 : i32
        %dma_wait3A_311 = tpu.memref_slice %arg16[%dma_wait3A_309, %dma_wait3A_310] : memref<10240x64xf32, #tpu.memory_space<vmem_shared>> -> memref<10240x64xf32, #tpu.memory_space<vmem_shared>>
        tpu.wait_indirect_dma semaphore(%run_scoped3A_299 : memref<!tpu.dma_semaphore, #tpu.memory_space<semaphore_mem>>) src(%arg10 : memref<80x64xf32, #tpu.memory_space<vmem>>) dst(%dma_wait3A_311 : memref<10240x64xf32, #tpu.memory_space<vmem_shared>>)
        tpu.yield
      }) : () -> ()
      %add3A_274 = arith.constant 2 : i32
      %add3A_275 = arith.addi %mul3A_261, %add3A_274 : i32
      %lt3A = arith.constant 125 : i32
      %lt3A_276 = arith.cmpi slt, %add3A_275, %lt3A : i32
      %convert_element_type3A = arith.extui %lt3A_276 : i1 to i32
      %cond3A = arith.constant 0 : i32
      %cond3A_277 = arith.cmpi ne, %convert_element_type3A, %cond3A : i32
      scf.if %cond3A_277 {
        %add3A_299 = arith.constant 2 : i32
        %add3A_300 = arith.addi %mul3A_261, %add3A_299 : i32
        %dma_start3A_301 = arith.constant 0 : i32
        %dma_start3A_302 = arith.constant 0 : i32
        %dma_start3A_303 = tpu.memref_slice %arg8[%add3A_300, %dma_start3A_302] : memref<125x80xi32, #tpu.memory_space<vmem>> -> memref<1x80xi32, #tpu.memory_space<vmem>>
        %dma_start3A_304 = tpu.memref_squeeze %dma_start3A_303 : memref<1x80xi32, #tpu.memory_space<vmem>> -> memref<80xi32, #tpu.memory_space<vmem>>
        %dma_start3A_305 = arith.constant 0 : i32
        %dma_start3A_306 = arith.constant 0 : i32
        %dma_start3A_307 = tpu.memref_slice %arg15[%dma_start3A_305, %dma_start3A_306] : memref<10240x64xf32, #tpu.memory_space<vmem_shared>> -> memref<10240x64xf32, #tpu.memory_space<vmem_shared>>
        %dma_start3A_308 = tpu.memref_slice %arg17[%dma_start3A_301] : memref<2x!tpu.dma_semaphore, #tpu.memory_space<semaphore_mem>> -> memref<1x!tpu.dma_semaphore, #tpu.memory_space<semaphore_mem>>
        %dma_start3A_309 = tpu.memref_squeeze %dma_start3A_308 : memref<1x!tpu.dma_semaphore, #tpu.memory_space<semaphore_mem>> -> memref<!tpu.dma_semaphore, #tpu.memory_space<semaphore_mem>>
        tpu.enqueue_indirect_dma source(%dma_start3A_307 : memref<10240x64xf32, #tpu.memory_space<vmem_shared>>) target(%arg10 : memref<80x64xf32, #tpu.memory_space<vmem>>) offsets(%dma_start3A_304 : memref<80xi32, #tpu.memory_space<vmem>>) semaphore(%dma_start3A_309 : memref<!tpu.dma_semaphore, #tpu.memory_space<semaphore_mem>>)
      } else {
      }
      %dma_wait3A_278 = arith.constant 0 : i32
      %dma_wait3A_279 = arith.constant 1 : i32
      %dma_wait3A_280 = arith.constant 0 : i32
      %dma_wait3A_281 = arith.constant 0 : i32
      %dma_wait3A_282 = tpu.memref_slice %arg2[%dma_wait3A_278, %dma_wait3A_280, %dma_wait3A_281] : memref<2x10240x64xf32, #tpu.memory_space<hbm>> -> memref<1x80x64xf32, #tpu.memory_space<hbm>>
      %dma_wait3A_283 = tpu.memref_squeeze %dma_wait3A_282 : memref<1x80x64xf32, #tpu.memory_space<hbm>> -> memref<80x64xf32, #tpu.memory_space<hbm>>
      %dma_wait3A_284 = tpu.memref_slice %arg17[%dma_wait3A_279] : memref<2x!tpu.dma_semaphore, #tpu.memory_space<semaphore_mem>> -> memref<1x!tpu.dma_semaphore, #tpu.memory_space<semaphore_mem>>
      %dma_wait3A_285 = tpu.memref_squeeze %dma_wait3A_284 : memref<1x!tpu.dma_semaphore, #tpu.memory_space<semaphore_mem>> -> memref<!tpu.dma_semaphore, #tpu.memory_space<semaphore_mem>>
      %dma_wait3A_286 = arith.constant 0 : i32
      %dma_wait3A_287 = arith.constant 0 : i32
      %dma_wait3A_288 = tpu.memref_slice %arg2[%dma_wait3A_278, %dma_wait3A_286, %dma_wait3A_287] : memref<2x10240x64xf32, #tpu.memory_space<hbm>> -> memref<1x80x64xf32, #tpu.memory_space<hbm>>
      %dma_wait3A_289 = tpu.memref_squeeze %dma_wait3A_288 : memref<1x80x64xf32, #tpu.memory_space<hbm>> -> memref<80x64xf32, #tpu.memory_space<hbm>>
      tpu.wait_dma2 semaphore(%dma_wait3A_285 : memref<!tpu.dma_semaphore, #tpu.memory_space<semaphore_mem>>) src(%dma_wait3A_289 : memref<80x64xf32, #tpu.memory_space<hbm>>) dst(%arg11 : memref<80x64xf32, #tpu.memory_space<vmem>>)
      %add3A_290 = arith.constant 1 : i32
      %add3A_291 = arith.addi %mul3A_261, %add3A_290 : i32
      "tpu.region"() ({
        %run_scoped3A_299 = tpu.sem_alloc : memref<!tpu.dma_semaphore, #tpu.memory_space<semaphore_mem>>
        %dma_start3A_300 = arith.constant 0 : i32
        %dma_start3A_301 = tpu.memref_slice %arg9[%add3A_291, %dma_start3A_300] : memref<125x80xi32, #tpu.memory_space<vmem>> -> memref<1x80xi32, #tpu.memory_space<vmem>>
        %dma_start3A_302 = tpu.memref_squeeze %dma_start3A_301 : memref<1x80xi32, #tpu.memory_space<vmem>> -> memref<80xi32, #tpu.memory_space<vmem>>
        %dma_start3A_303 = arith.constant 0 : i32
        %dma_start3A_304 = arith.constant 0 : i32
        %dma_start3A_305 = tpu.memref_slice %arg16[%dma_start3A_303, %dma_start3A_304] : memref<10240x64xf32, #tpu.memory_space<vmem_shared>> -> memref<10240x64xf32, #tpu.memory_space<vmem_shared>>
        tpu.enqueue_indirect_dma source(%arg11 : memref<80x64xf32, #tpu.memory_space<vmem>>) target(%dma_start3A_305 : memref<10240x64xf32, #tpu.memory_space<vmem_shared>>) offsets(%dma_start3A_302 : memref<80xi32, #tpu.memory_space<vmem>>) semaphore(%run_scoped3A_299 : memref<!tpu.dma_semaphore, #tpu.memory_space<semaphore_mem>>) {add = true}
        %dma_wait3A_306 = arith.constant 0 : i32
        %dma_wait3A_307 = tpu.memref_slice %arg9[%add3A_291, %dma_wait3A_306] : memref<125x80xi32, #tpu.memory_space<vmem>> -> memref<1x80xi32, #tpu.memory_space<vmem>>
        %dma_wait3A_308 = tpu.memref_squeeze %dma_wait3A_307 : memref<1x80xi32, #tpu.memory_space<vmem>> -> memref<80xi32, #tpu.memory_space<vmem>>
        %dma_wait3A_309 = arith.constant 0 : i32
        %dma_wait3A_310 = arith.constant 0 : i32
        %dma_wait3A_311 = tpu.memref_slice %arg16[%dma_wait3A_309, %dma_wait3A_310] : memref<10240x64xf32, #tpu.memory_space<vmem_shared>> -> memref<10240x64xf32, #tpu.memory_space<vmem_shared>>
        tpu.wait_indirect_dma semaphore(%run_scoped3A_299 : memref<!tpu.dma_semaphore, #tpu.memory_space<semaphore_mem>>) src(%arg11 : memref<80x64xf32, #tpu.memory_space<vmem>>) dst(%dma_wait3A_311 : memref<10240x64xf32, #tpu.memory_space<vmem_shared>>)
        tpu.yield
      }) : () -> ()
      %add3A_292 = arith.constant 3 : i32
      %add3A_293 = arith.addi %mul3A_261, %add3A_292 : i32
      %lt3A_294 = arith.constant 125 : i32
      %lt3A_295 = arith.cmpi slt, %add3A_293, %lt3A_294 : i32
      %convert_element_type3A_296 = arith.extui %lt3A_295 : i1 to i32
      %cond3A_297 = arith.constant 0 : i32
      %cond3A_298 = arith.cmpi ne, %convert_element_type3A_296, %cond3A_297 : i32
      scf.if %cond3A_298 {
        %add3A_299 = arith.constant 3 : i32
        %add3A_300 = arith.addi %mul3A_261, %add3A_299 : i32
        %dma_start3A_301 = arith.constant 1 : i32
        %dma_start3A_302 = arith.constant 0 : i32
        %dma_start3A_303 = tpu.memref_slice %arg8[%add3A_300, %dma_start3A_302] : memref<125x80xi32, #tpu.memory_space<vmem>> -> memref<1x80xi32, #tpu.memory_space<vmem>>
        %dma_start3A_304 = tpu.memref_squeeze %dma_start3A_303 : memref<1x80xi32, #tpu.memory_space<vmem>> -> memref<80xi32, #tpu.memory_space<vmem>>
        %dma_start3A_305 = arith.constant 0 : i32
        %dma_start3A_306 = arith.constant 0 : i32
        %dma_start3A_307 = tpu.memref_slice %arg15[%dma_start3A_305, %dma_start3A_306] : memref<10240x64xf32, #tpu.memory_space<vmem_shared>> -> memref<10240x64xf32, #tpu.memory_space<vmem_shared>>
        %dma_start3A_308 = tpu.memref_slice %arg17[%dma_start3A_301] : memref<2x!tpu.dma_semaphore, #tpu.memory_space<semaphore_mem>> -> memref<1x!tpu.dma_semaphore, #tpu.memory_space<semaphore_mem>>
        %dma_start3A_309 = tpu.memref_squeeze %dma_start3A_308 : memref<1x!tpu.dma_semaphore, #tpu.memory_space<semaphore_mem>> -> memref<!tpu.dma_semaphore, #tpu.memory_space<semaphore_mem>>
        tpu.enqueue_indirect_dma source(%dma_start3A_307 : memref<10240x64xf32, #tpu.memory_space<vmem_shared>>) target(%arg11 : memref<80x64xf32, #tpu.memory_space<vmem>>) offsets(%dma_start3A_304 : memref<80xi32, #tpu.memory_space<vmem>>) semaphore(%dma_start3A_309 : memref<!tpu.dma_semaphore, #tpu.memory_space<semaphore_mem>>)
      } else {
      }
    }
    %scan3A_180 = arith.constant 62 : i32
    %dma_wait3A_181 = arith.constant 0 : i32
    %dma_wait3A_182 = arith.constant 0 : i32
    %dma_wait3A_183 = arith.constant 0 : i32
    %dma_wait3A_184 = arith.constant 0 : i32
    %dma_wait3A_185 = tpu.memref_slice %arg2[%dma_wait3A_181, %dma_wait3A_183, %dma_wait3A_184] : memref<2x10240x64xf32, #tpu.memory_space<hbm>> -> memref<1x80x64xf32, #tpu.memory_space<hbm>>
    %dma_wait3A_186 = tpu.memref_squeeze %dma_wait3A_185 : memref<1x80x64xf32, #tpu.memory_space<hbm>> -> memref<80x64xf32, #tpu.memory_space<hbm>>
    %dma_wait3A_187 = tpu.memref_slice %arg17[%dma_wait3A_182] : memref<2x!tpu.dma_semaphore, #tpu.memory_space<semaphore_mem>> -> memref<1x!tpu.dma_semaphore, #tpu.memory_space<semaphore_mem>>
    %dma_wait3A_188 = tpu.memref_squeeze %dma_wait3A_187 : memref<1x!tpu.dma_semaphore, #tpu.memory_space<semaphore_mem>> -> memref<!tpu.dma_semaphore, #tpu.memory_space<semaphore_mem>>
    %dma_wait3A_189 = arith.constant 0 : i32
    %dma_wait3A_190 = arith.constant 0 : i32
    %dma_wait3A_191 = tpu.memref_slice %arg2[%dma_wait3A_181, %dma_wait3A_189, %dma_wait3A_190] : memref<2x10240x64xf32, #tpu.memory_space<hbm>> -> memref<1x80x64xf32, #tpu.memory_space<hbm>>
    %dma_wait3A_192 = tpu.memref_squeeze %dma_wait3A_191 : memref<1x80x64xf32, #tpu.memory_space<hbm>> -> memref<80x64xf32, #tpu.memory_space<hbm>>
    tpu.wait_dma2 semaphore(%dma_wait3A_188 : memref<!tpu.dma_semaphore, #tpu.memory_space<semaphore_mem>>) src(%dma_wait3A_192 : memref<80x64xf32, #tpu.memory_space<hbm>>) dst(%arg10 : memref<80x64xf32, #tpu.memory_space<vmem>>)
    %run_scoped3A_193 = arith.constant 124 : i32
    "tpu.region"() ({
      %run_scoped3A_259 = tpu.sem_alloc : memref<!tpu.dma_semaphore, #tpu.memory_space<semaphore_mem>>
      %dma_start3A_260 = arith.constant 0 : i32
      %dma_start3A_261 = tpu.memref_slice %arg9[%run_scoped3A_193, %dma_start3A_260] : memref<125x80xi32, #tpu.memory_space<vmem>> -> memref<1x80xi32, #tpu.memory_space<vmem>>
      %dma_start3A_262 = tpu.memref_squeeze %dma_start3A_261 : memref<1x80xi32, #tpu.memory_space<vmem>> -> memref<80xi32, #tpu.memory_space<vmem>>
      %dma_start3A_263 = arith.constant 0 : i32
      %dma_start3A_264 = arith.constant 0 : i32
      %dma_start3A_265 = tpu.memref_slice %arg16[%dma_start3A_263, %dma_start3A_264] : memref<10240x64xf32, #tpu.memory_space<vmem_shared>> -> memref<10240x64xf32, #tpu.memory_space<vmem_shared>>
      tpu.enqueue_indirect_dma source(%arg10 : memref<80x64xf32, #tpu.memory_space<vmem>>) target(%dma_start3A_265 : memref<10240x64xf32, #tpu.memory_space<vmem_shared>>) offsets(%dma_start3A_262 : memref<80xi32, #tpu.memory_space<vmem>>) semaphore(%run_scoped3A_259 : memref<!tpu.dma_semaphore, #tpu.memory_space<semaphore_mem>>) {add = true}
      %dma_wait3A_266 = arith.constant 0 : i32
      %dma_wait3A_267 = tpu.memref_slice %arg9[%run_scoped3A_193, %dma_wait3A_266] : memref<125x80xi32, #tpu.memory_space<vmem>> -> memref<1x80xi32, #tpu.memory_space<vmem>>
      %dma_wait3A_268 = tpu.memref_squeeze %dma_wait3A_267 : memref<1x80xi32, #tpu.memory_space<vmem>> -> memref<80xi32, #tpu.memory_space<vmem>>
      %dma_wait3A_269 = arith.constant 0 : i32
      %dma_wait3A_270 = arith.constant 0 : i32
      %dma_wait3A_271 = tpu.memref_slice %arg16[%dma_wait3A_269, %dma_wait3A_270] : memref<10240x64xf32, #tpu.memory_space<vmem_shared>> -> memref<10240x64xf32, #tpu.memory_space<vmem_shared>>
      tpu.wait_indirect_dma semaphore(%run_scoped3A_259 : memref<!tpu.dma_semaphore, #tpu.memory_space<semaphore_mem>>) src(%arg10 : memref<80x64xf32, #tpu.memory_space<vmem>>) dst(%dma_wait3A_271 : memref<10240x64xf32, #tpu.memory_space<vmem_shared>>)
      tpu.yield
    }) : () -> ()
    %barrier3A_194 = arith.constant 0 : index
    tpu.barrier barrier_id(%barrier3A_194)
    %add3A_195 = arith.constant 0 : i32
    %add3A_196 = arith.addi %mul3A_0, %add3A_195 : i32
    "tpu.region"() ({
      %run_scoped3A_259 = tpu.sem_alloc : memref<!tpu.dma_semaphore, #tpu.memory_space<semaphore_mem>>
      %dma_start3A_260 = arith.constant 0 : i32
      %dma_start3A_261 = tpu.memref_slice %arg16[%add3A_196, %dma_start3A_260] : memref<10240x64xf32, #tpu.memory_space<vmem_shared>> -> memref<80x64xf32, #tpu.memory_space<vmem_shared>>
      %dma_start3A_262 = arith.constant 0 : i32
      %dma_start3A_263 = tpu.memref_slice %arg16[%add3A_196, %dma_start3A_262] : memref<10240x64xf32, #tpu.memory_space<vmem_shared>> -> memref<80x64xf32, #tpu.memory_space<vmem_shared>>
      tpu.enqueue_dma source(%dma_start3A_263 : memref<80x64xf32, #tpu.memory_space<vmem_shared>>) target(%arg10 : memref<80x64xf32, #tpu.memory_space<vmem>>) target_semaphore(%run_scoped3A_259 : memref<!tpu.dma_semaphore, #tpu.memory_space<semaphore_mem>>)
      %dma_wait3A_264 = arith.constant 0 : i32
      %dma_wait3A_265 = tpu.memref_slice %arg16[%add3A_196, %dma_wait3A_264] : memref<10240x64xf32, #tpu.memory_space<vmem_shared>> -> memref<80x64xf32, #tpu.memory_space<vmem_shared>>
      %dma_wait3A_266 = arith.constant 0 : i32
      %dma_wait3A_267 = tpu.memref_slice %arg16[%add3A_196, %dma_wait3A_266] : memref<10240x64xf32, #tpu.memory_space<vmem_shared>> -> memref<80x64xf32, #tpu.memory_space<vmem_shared>>
      tpu.wait_dma2 semaphore(%run_scoped3A_259 : memref<!tpu.dma_semaphore, #tpu.memory_space<semaphore_mem>>) src(%dma_wait3A_267 : memref<80x64xf32, #tpu.memory_space<vmem_shared>>) dst(%arg10 : memref<80x64xf32, #tpu.memory_space<vmem>>)
      tpu.yield
    }) : () -> ()
    "tpu.region"() ({
      %run_scoped3A_259 = tpu.sem_alloc : memref<!tpu.dma_semaphore, #tpu.memory_space<semaphore_mem>>
      %dma_start3A_260 = arith.constant 0 : i32
      %dma_start3A_261 = tpu.memref_slice %arg15[%add3A_196, %dma_start3A_260] : memref<10240x64xf32, #tpu.memory_space<vmem_shared>> -> memref<80x64xf32, #tpu.memory_space<vmem_shared>>
      %dma_start3A_262 = arith.constant 0 : i32
      %dma_start3A_263 = tpu.memref_slice %arg15[%add3A_196, %dma_start3A_262] : memref<10240x64xf32, #tpu.memory_space<vmem_shared>> -> memref<80x64xf32, #tpu.memory_space<vmem_shared>>
      tpu.enqueue_dma source(%dma_start3A_263 : memref<80x64xf32, #tpu.memory_space<vmem_shared>>) target(%arg11 : memref<80x64xf32, #tpu.memory_space<vmem>>) target_semaphore(%run_scoped3A_259 : memref<!tpu.dma_semaphore, #tpu.memory_space<semaphore_mem>>)
      %dma_wait3A_264 = arith.constant 0 : i32
      %dma_wait3A_265 = tpu.memref_slice %arg15[%add3A_196, %dma_wait3A_264] : memref<10240x64xf32, #tpu.memory_space<vmem_shared>> -> memref<80x64xf32, #tpu.memory_space<vmem_shared>>
      %dma_wait3A_266 = arith.constant 0 : i32
      %dma_wait3A_267 = tpu.memref_slice %arg15[%add3A_196, %dma_wait3A_266] : memref<10240x64xf32, #tpu.memory_space<vmem_shared>> -> memref<80x64xf32, #tpu.memory_space<vmem_shared>>
      tpu.wait_dma2 semaphore(%run_scoped3A_259 : memref<!tpu.dma_semaphore, #tpu.memory_space<semaphore_mem>>) src(%dma_wait3A_267 : memref<80x64xf32, #tpu.memory_space<vmem_shared>>) dst(%arg11 : memref<80x64xf32, #tpu.memory_space<vmem>>)
      tpu.yield
    }) : () -> ()
    %scan3A_197 = arith.constant 0 : i32
    %scan3A_198 = arith.constant 0 : i32
    %scan3A_199 = arith.constant 80 : i32
    %scan3A_200 = arith.addi %scan3A_198, %scan3A_199 : i32
    %scan3A_201 = arith.constant 1 : i32
    scf.for %scan3A_259 = %scan3A_198 to %scan3A_200 step %scan3A_201  : i32 {
      %add3A_260 = arith.constant 0 : i32
      %add3A_261 = arith.addi %add3A_260, %scan3A_259 : i32
      %get3A = arith.index_cast %add3A_261 : i32 to index
      %get3A_262 = arith.constant 0 : index
      %get3A_263 = tpu.vector_load %arg13[%get3A, %get3A_262] {strides = array<i32>} : memref<640x16xf32, #tpu.memory_space<vmem>>, vector<1x16xf32>,
      %get3A_264 = vector.shape_cast %get3A_263 : vector<1x16xf32> to vector<16xf32>
      %get3A_265 = arith.index_cast %scan3A_259 : i32 to index
      %get3A_266 = arith.constant 0 : index
      %get3A_267 = tpu.vector_load %arg11[%get3A_265, %get3A_266] {strides = array<i32>} : memref<80x64xf32, #tpu.memory_space<vmem>>, vector<1x16xf32>,
      %get3A_268 = vector.shape_cast %get3A_267 : vector<1x16xf32> to vector<16xf32>
      %get3A_269 = arith.index_cast %scan3A_259 : i32 to index
      %get3A_270 = arith.constant 0 : index
      %get3A_271 = tpu.vector_load %arg10[%get3A_269, %get3A_270] {strides = array<i32>} : memref<80x64xf32, #tpu.memory_space<vmem>>, vector<1x16xf32>,
      %get3A_272 = vector.shape_cast %get3A_271 : vector<1x16xf32> to vector<16xf32>
      %add3A_273 = arith.addf %get3A_268, %get3A_272 : vector<16xf32>
      %mul3A_274 = arith.mulf %get3A_264, %add3A_273 : vector<16xf32>
      %swap3A = arith.index_cast %scan3A_259 : i32 to index
      %swap3A_275 = arith.constant 0 : index
      %swap3A_276 = tpu.vector_load %arg11[%swap3A, %swap3A_275] {strides = array<i32>} : memref<80x64xf32, #tpu.memory_space<vmem>>, vector<1x16xf32>,
      %swap3A_277 = vector.shape_cast %swap3A_276 : vector<1x16xf32> to vector<16xf32>
      %swap3A_278 = vector.shape_cast %mul3A_274 : vector<16xf32> to vector<1x16xf32>
      tpu.vector_store %arg11[%swap3A, %swap3A_275], %swap3A_278 {strides = array<i32>} : memref<80x64xf32, #tpu.memory_space<vmem>>, vector<1x16xf32>,
      %get3A_279 = arith.index_cast %scan3A_259 : i32 to index
      %get3A_280 = arith.constant 16 : index
      %get3A_281 = tpu.vector_load %arg11[%get3A_279, %get3A_280] {strides = array<i32>} : memref<80x64xf32, #tpu.memory_space<vmem>>, vector<1x16xf32>,
      %get3A_282 = vector.shape_cast %get3A_281 : vector<1x16xf32> to vector<16xf32>
      %get3A_283 = arith.index_cast %scan3A_259 : i32 to index
      %get3A_284 = arith.constant 16 : index
      %get3A_285 = tpu.vector_load %arg10[%get3A_283, %get3A_284] {strides = array<i32>} : memref<80x64xf32, #tpu.memory_space<vmem>>, vector<1x16xf32>,
      %get3A_286 = vector.shape_cast %get3A_285 : vector<1x16xf32> to vector<16xf32>
      %add3A_287 = arith.addf %get3A_282, %get3A_286 : vector<16xf32>
      %mul3A_288 = arith.mulf %get3A_264, %add3A_287 : vector<16xf32>
      %swap3A_289 = arith.index_cast %scan3A_259 : i32 to index
      %swap3A_290 = arith.constant 16 : index
      %swap3A_291 = tpu.vector_load %arg11[%swap3A_289, %swap3A_290] {strides = array<i32>} : memref<80x64xf32, #tpu.memory_space<vmem>>, vector<1x16xf32>,
      %swap3A_292 = vector.shape_cast %swap3A_291 : vector<1x16xf32> to vector<16xf32>
      %swap3A_293 = vector.shape_cast %mul3A_288 : vector<16xf32> to vector<1x16xf32>
      tpu.vector_store %arg11[%swap3A_289, %swap3A_290], %swap3A_293 {strides = array<i32>} : memref<80x64xf32, #tpu.memory_space<vmem>>, vector<1x16xf32>,
      %get3A_294 = arith.index_cast %scan3A_259 : i32 to index
      %get3A_295 = arith.constant 32 : index
      %get3A_296 = tpu.vector_load %arg11[%get3A_294, %get3A_295] {strides = array<i32>} : memref<80x64xf32, #tpu.memory_space<vmem>>, vector<1x16xf32>,
      %get3A_297 = vector.shape_cast %get3A_296 : vector<1x16xf32> to vector<16xf32>
      %get3A_298 = arith.index_cast %scan3A_259 : i32 to index
      %get3A_299 = arith.constant 32 : index
      %get3A_300 = tpu.vector_load %arg10[%get3A_298, %get3A_299] {strides = array<i32>} : memref<80x64xf32, #tpu.memory_space<vmem>>, vector<1x16xf32>,
      %get3A_301 = vector.shape_cast %get3A_300 : vector<1x16xf32> to vector<16xf32>
      %add3A_302 = arith.addf %get3A_297, %get3A_301 : vector<16xf32>
      %mul3A_303 = arith.mulf %get3A_264, %add3A_302 : vector<16xf32>
      %swap3A_304 = arith.index_cast %scan3A_259 : i32 to index
      %swap3A_305 = arith.constant 32 : index
      %swap3A_306 = tpu.vector_load %arg11[%swap3A_304, %swap3A_305] {strides = array<i32>} : memref<80x64xf32, #tpu.memory_space<vmem>>, vector<1x16xf32>,
      %swap3A_307 = vector.shape_cast %swap3A_306 : vector<1x16xf32> to vector<16xf32>
      %swap3A_308 = vector.shape_cast %mul3A_303 : vector<16xf32> to vector<1x16xf32>
      tpu.vector_store %arg11[%swap3A_304, %swap3A_305], %swap3A_308 {strides = array<i32>} : memref<80x64xf32, #tpu.memory_space<vmem>>, vector<1x16xf32>,
      %get3A_309 = arith.index_cast %scan3A_259 : i32 to index
      %get3A_310 = arith.constant 48 : index
      %get3A_311 = tpu.vector_load %arg11[%get3A_309, %get3A_310] {strides = array<i32>} : memref<80x64xf32, #tpu.memory_space<vmem>>, vector<1x16xf32>,
      %get3A_312 = vector.shape_cast %get3A_311 : vector<1x16xf32> to vector<16xf32>
      %get3A_313 = arith.index_cast %scan3A_259 : i32 to index
      %get3A_314 = arith.constant 48 : index
      %get3A_315 = tpu.vector_load %arg10[%get3A_313, %get3A_314] {strides = array<i32>} : memref<80x64xf32, #tpu.memory_space<vmem>>, vector<1x16xf32>,
      %get3A_316 = vector.shape_cast %get3A_315 : vector<1x16xf32> to vector<16xf32>
      %add3A_317 = arith.addf %get3A_312, %get3A_316 : vector<16xf32>
      %mul3A_318 = arith.mulf %get3A_264, %add3A_317 : vector<16xf32>
      %swap3A_319 = arith.index_cast %scan3A_259 : i32 to index
      %swap3A_320 = arith.constant 48 : index
      %swap3A_321 = tpu.vector_load %arg11[%swap3A_319, %swap3A_320] {strides = array<i32>} : memref<80x64xf32, #tpu.memory_space<vmem>>, vector<1x16xf32>,
      %swap3A_322 = vector.shape_cast %swap3A_321 : vector<1x16xf32> to vector<16xf32>
      %swap3A_323 = vector.shape_cast %mul3A_318 : vector<16xf32> to vector<1x16xf32>
      tpu.vector_store %arg11[%swap3A_319, %swap3A_320], %swap3A_323 {strides = array<i32>} : memref<80x64xf32, #tpu.memory_space<vmem>>, vector<1x16xf32>,
    }
    %scan3A_202 = arith.constant 80 : i32
    "tpu.region"() ({
      %run_scoped3A_259 = tpu.sem_alloc : memref<!tpu.dma_semaphore, #tpu.memory_space<semaphore_mem>>
      %dma_start3A_260 = arith.constant 0 : i32
      %dma_start3A_261 = tpu.memref_slice %arg7[%arg0, %add3A_196, %dma_start3A_260] : memref<2x10240x64xf32, #tpu.memory_space<hbm>> -> memref<1x80x64xf32, #tpu.memory_space<hbm>>
      %dma_start3A_262 = tpu.memref_squeeze %dma_start3A_261 : memref<1x80x64xf32, #tpu.memory_space<hbm>> -> memref<80x64xf32, #tpu.memory_space<hbm>>
      %dma_start3A_263 = arith.constant 0 : i32
      %dma_start3A_264 = tpu.memref_slice %arg7[%arg0, %add3A_196, %dma_start3A_263] : memref<2x10240x64xf32, #tpu.memory_space<hbm>> -> memref<1x80x64xf32, #tpu.memory_space<hbm>>
      %dma_start3A_265 = tpu.memref_squeeze %dma_start3A_264 : memref<1x80x64xf32, #tpu.memory_space<hbm>> -> memref<80x64xf32, #tpu.memory_space<hbm>>
      tpu.enqueue_dma source(%arg11 : memref<80x64xf32, #tpu.memory_space<vmem>>) target(%dma_start3A_265 : memref<80x64xf32, #tpu.memory_space<hbm>>) target_semaphore(%run_scoped3A_259 : memref<!tpu.dma_semaphore, #tpu.memory_space<semaphore_mem>>)
      %dma_wait3A_266 = arith.constant 0 : i32
      %dma_wait3A_267 = tpu.memref_slice %arg7[%arg0, %add3A_196, %dma_wait3A_266] : memref<2x10240x64xf32, #tpu.memory_space<hbm>> -> memref<1x80x64xf32, #tpu.memory_space<hbm>>
      %dma_wait3A_268 = tpu.memref_squeeze %dma_wait3A_267 : memref<1x80x64xf32, #tpu.memory_space<hbm>> -> memref<80x64xf32, #tpu.memory_space<hbm>>
      %dma_wait3A_269 = arith.constant 0 : i32
      %dma_wait3A_270 = tpu.memref_slice %arg7[%arg0, %add3A_196, %dma_wait3A_269] : memref<2x10240x64xf32, #tpu.memory_space<hbm>> -> memref<1x80x64xf32, #tpu.memory_space<hbm>>
      %dma_wait3A_271 = tpu.memref_squeeze %dma_wait3A_270 : memref<1x80x64xf32, #tpu.memory_space<hbm>> -> memref<80x64xf32, #tpu.memory_space<hbm>>
      tpu.wait_dma2 semaphore(%run_scoped3A_259 : memref<!tpu.dma_semaphore, #tpu.memory_space<semaphore_mem>>) src(%arg11 : memref<80x64xf32, #tpu.memory_space<vmem>>) dst(%dma_wait3A_271 : memref<80x64xf32, #tpu.memory_space<hbm>>)
      tpu.yield
    }) : () -> ()
    %add3A_203 = arith.constant 80 : i32
    %add3A_204 = arith.addi %mul3A_0, %add3A_203 : i32
    "tpu.region"() ({
      %run_scoped3A_259 = tpu.sem_alloc : memref<!tpu.dma_semaphore, #tpu.memory_space<semaphore_mem>>
      %dma_start3A_260 = arith.constant 0 : i32
      %dma_start3A_261 = tpu.memref_slice %arg16[%add3A_204, %dma_start3A_260] : memref<10240x64xf32, #tpu.memory_space<vmem_shared>> -> memref<80x64xf32, #tpu.memory_space<vmem_shared>>
      %dma_start3A_262 = arith.constant 0 : i32
      %dma_start3A_263 = tpu.memref_slice %arg16[%add3A_204, %dma_start3A_262] : memref<10240x64xf32, #tpu.memory_space<vmem_shared>> -> memref<80x64xf32, #tpu.memory_space<vmem_shared>>
      tpu.enqueue_dma source(%dma_start3A_263 : memref<80x64xf32, #tpu.memory_space<vmem_shared>>) target(%arg10 : memref<80x64xf32, #tpu.memory_space<vmem>>) target_semaphore(%run_scoped3A_259 : memref<!tpu.dma_semaphore, #tpu.memory_space<semaphore_mem>>)
      %dma_wait3A_264 = arith.constant 0 : i32
      %dma_wait3A_265 = tpu.memref_slice %arg16[%add3A_204, %dma_wait3A_264] : memref<10240x64xf32, #tpu.memory_space<vmem_shared>> -> memref<80x64xf32, #tpu.memory_space<vmem_shared>>
      %dma_wait3A_266 = arith.constant 0 : i32
      %dma_wait3A_267 = tpu.memref_slice %arg16[%add3A_204, %dma_wait3A_266] : memref<10240x64xf32, #tpu.memory_space<vmem_shared>> -> memref<80x64xf32, #tpu.memory_space<vmem_shared>>
      tpu.wait_dma2 semaphore(%run_scoped3A_259 : memref<!tpu.dma_semaphore, #tpu.memory_space<semaphore_mem>>) src(%dma_wait3A_267 : memref<80x64xf32, #tpu.memory_space<vmem_shared>>) dst(%arg10 : memref<80x64xf32, #tpu.memory_space<vmem>>)
      tpu.yield
    }) : () -> ()
    "tpu.region"() ({
      %run_scoped3A_259 = tpu.sem_alloc : memref<!tpu.dma_semaphore, #tpu.memory_space<semaphore_mem>>
      %dma_start3A_260 = arith.constant 0 : i32
      %dma_start3A_261 = tpu.memref_slice %arg15[%add3A_204, %dma_start3A_260] : memref<10240x64xf32, #tpu.memory_space<vmem_shared>> -> memref<80x64xf32, #tpu.memory_space<vmem_shared>>
      %dma_start3A_262 = arith.constant 0 : i32
      %dma_start3A_263 = tpu.memref_slice %arg15[%add3A_204, %dma_start3A_262] : memref<10240x64xf32, #tpu.memory_space<vmem_shared>> -> memref<80x64xf32, #tpu.memory_space<vmem_shared>>
      tpu.enqueue_dma source(%dma_start3A_263 : memref<80x64xf32, #tpu.memory_space<vmem_shared>>) target(%arg11 : memref<80x64xf32, #tpu.memory_space<vmem>>) target_semaphore(%run_scoped3A_259 : memref<!tpu.dma_semaphore, #tpu.memory_space<semaphore_mem>>)
      %dma_wait3A_264 = arith.constant 0 : i32
      %dma_wait3A_265 = tpu.memref_slice %arg15[%add3A_204, %dma_wait3A_264] : memref<10240x64xf32, #tpu.memory_space<vmem_shared>> -> memref<80x64xf32, #tpu.memory_space<vmem_shared>>
      %dma_wait3A_266 = arith.constant 0 : i32
      %dma_wait3A_267 = tpu.memref_slice %arg15[%add3A_204, %dma_wait3A_266] : memref<10240x64xf32, #tpu.memory_space<vmem_shared>> -> memref<80x64xf32, #tpu.memory_space<vmem_shared>>
      tpu.wait_dma2 semaphore(%run_scoped3A_259 : memref<!tpu.dma_semaphore, #tpu.memory_space<semaphore_mem>>) src(%dma_wait3A_267 : memref<80x64xf32, #tpu.memory_space<vmem_shared>>) dst(%arg11 : memref<80x64xf32, #tpu.memory_space<vmem>>)
      tpu.yield
    }) : () -> ()
    %scan3A_205 = arith.constant 0 : i32
    %scan3A_206 = arith.constant 0 : i32
    %scan3A_207 = arith.constant 80 : i32
    %scan3A_208 = arith.addi %scan3A_206, %scan3A_207 : i32
    %scan3A_209 = arith.constant 1 : i32
    scf.for %scan3A_259 = %scan3A_206 to %scan3A_208 step %scan3A_209  : i32 {
      %add3A_260 = arith.constant 80 : i32
      %add3A_261 = arith.addi %add3A_260, %scan3A_259 : i32
      %get3A = arith.index_cast %add3A_261 : i32 to index
      %get3A_262 = arith.constant 0 : index
      %get3A_263 = tpu.vector_load %arg13[%get3A, %get3A_262] {strides = array<i32>} : memref<640x16xf32, #tpu.memory_space<vmem>>, vector<1x16xf32>,
      %get3A_264 = vector.shape_cast %get3A_263 : vector<1x16xf32> to vector<16xf32>
      %get3A_265 = arith.index_cast %scan3A_259 : i32 to index
      %get3A_266 = arith.constant 0 : index
      %get3A_267 = tpu.vector_load %arg11[%get3A_265, %get3A_266] {strides = array<i32>} : memref<80x64xf32, #tpu.memory_space<vmem>>, vector<1x16xf32>,
      %get3A_268 = vector.shape_cast %get3A_267 : vector<1x16xf32> to vector<16xf32>
      %get3A_269 = arith.index_cast %scan3A_259 : i32 to index
      %get3A_270 = arith.constant 0 : index
      %get3A_271 = tpu.vector_load %arg10[%get3A_269, %get3A_270] {strides = array<i32>} : memref<80x64xf32, #tpu.memory_space<vmem>>, vector<1x16xf32>,
      %get3A_272 = vector.shape_cast %get3A_271 : vector<1x16xf32> to vector<16xf32>
      %add3A_273 = arith.addf %get3A_268, %get3A_272 : vector<16xf32>
      %mul3A_274 = arith.mulf %get3A_264, %add3A_273 : vector<16xf32>
      %swap3A = arith.index_cast %scan3A_259 : i32 to index
      %swap3A_275 = arith.constant 0 : index
      %swap3A_276 = tpu.vector_load %arg11[%swap3A, %swap3A_275] {strides = array<i32>} : memref<80x64xf32, #tpu.memory_space<vmem>>, vector<1x16xf32>,
      %swap3A_277 = vector.shape_cast %swap3A_276 : vector<1x16xf32> to vector<16xf32>
      %swap3A_278 = vector.shape_cast %mul3A_274 : vector<16xf32> to vector<1x16xf32>
      tpu.vector_store %arg11[%swap3A, %swap3A_275], %swap3A_278 {strides = array<i32>} : memref<80x64xf32, #tpu.memory_space<vmem>>, vector<1x16xf32>,
      %get3A_279 = arith.index_cast %scan3A_259 : i32 to index
      %get3A_280 = arith.constant 16 : index
      %get3A_281 = tpu.vector_load %arg11[%get3A_279, %get3A_280] {strides = array<i32>} : memref<80x64xf32, #tpu.memory_space<vmem>>, vector<1x16xf32>,
      %get3A_282 = vector.shape_cast %get3A_281 : vector<1x16xf32> to vector<16xf32>
      %get3A_283 = arith.index_cast %scan3A_259 : i32 to index
      %get3A_284 = arith.constant 16 : index
      %get3A_285 = tpu.vector_load %arg10[%get3A_283, %get3A_284] {strides = array<i32>} : memref<80x64xf32, #tpu.memory_space<vmem>>, vector<1x16xf32>,
      %get3A_286 = vector.shape_cast %get3A_285 : vector<1x16xf32> to vector<16xf32>
      %add3A_287 = arith.addf %get3A_282, %get3A_286 : vector<16xf32>
      %mul3A_288 = arith.mulf %get3A_264, %add3A_287 : vector<16xf32>
      %swap3A_289 = arith.index_cast %scan3A_259 : i32 to index
      %swap3A_290 = arith.constant 16 : index
      %swap3A_291 = tpu.vector_load %arg11[%swap3A_289, %swap3A_290] {strides = array<i32>} : memref<80x64xf32, #tpu.memory_space<vmem>>, vector<1x16xf32>,
      %swap3A_292 = vector.shape_cast %swap3A_291 : vector<1x16xf32> to vector<16xf32>
      %swap3A_293 = vector.shape_cast %mul3A_288 : vector<16xf32> to vector<1x16xf32>
      tpu.vector_store %arg11[%swap3A_289, %swap3A_290], %swap3A_293 {strides = array<i32>} : memref<80x64xf32, #tpu.memory_space<vmem>>, vector<1x16xf32>,
      %get3A_294 = arith.index_cast %scan3A_259 : i32 to index
      %get3A_295 = arith.constant 32 : index
      %get3A_296 = tpu.vector_load %arg11[%get3A_294, %get3A_295] {strides = array<i32>} : memref<80x64xf32, #tpu.memory_space<vmem>>, vector<1x16xf32>,
      %get3A_297 = vector.shape_cast %get3A_296 : vector<1x16xf32> to vector<16xf32>
      %get3A_298 = arith.index_cast %scan3A_259 : i32 to index
      %get3A_299 = arith.constant 32 : index
      %get3A_300 = tpu.vector_load %arg10[%get3A_298, %get3A_299] {strides = array<i32>} : memref<80x64xf32, #tpu.memory_space<vmem>>, vector<1x16xf32>,
      %get3A_301 = vector.shape_cast %get3A_300 : vector<1x16xf32> to vector<16xf32>
      %add3A_302 = arith.addf %get3A_297, %get3A_301 : vector<16xf32>
      %mul3A_303 = arith.mulf %get3A_264, %add3A_302 : vector<16xf32>
      %swap3A_304 = arith.index_cast %scan3A_259 : i32 to index
      %swap3A_305 = arith.constant 32 : index
      %swap3A_306 = tpu.vector_load %arg11[%swap3A_304, %swap3A_305] {strides = array<i32>} : memref<80x64xf32, #tpu.memory_space<vmem>>, vector<1x16xf32>,
      %swap3A_307 = vector.shape_cast %swap3A_306 : vector<1x16xf32> to vector<16xf32>
      %swap3A_308 = vector.shape_cast %mul3A_303 : vector<16xf32> to vector<1x16xf32>
      tpu.vector_store %arg11[%swap3A_304, %swap3A_305], %swap3A_308 {strides = array<i32>} : memref<80x64xf32, #tpu.memory_space<vmem>>, vector<1x16xf32>,
      %get3A_309 = arith.index_cast %scan3A_259 : i32 to index
      %get3A_310 = arith.constant 48 : index
      %get3A_311 = tpu.vector_load %arg11[%get3A_309, %get3A_310] {strides = array<i32>} : memref<80x64xf32, #tpu.memory_space<vmem>>, vector<1x16xf32>,
      %get3A_312 = vector.shape_cast %get3A_311 : vector<1x16xf32> to vector<16xf32>
      %get3A_313 = arith.index_cast %scan3A_259 : i32 to index
      %get3A_314 = arith.constant 48 : index
      %get3A_315 = tpu.vector_load %arg10[%get3A_313, %get3A_314] {strides = array<i32>} : memref<80x64xf32, #tpu.memory_space<vmem>>, vector<1x16xf32>,
      %get3A_316 = vector.shape_cast %get3A_315 : vector<1x16xf32> to vector<16xf32>
      %add3A_317 = arith.addf %get3A_312, %get3A_316 : vector<16xf32>
      %mul3A_318 = arith.mulf %get3A_264, %add3A_317 : vector<16xf32>
      %swap3A_319 = arith.index_cast %scan3A_259 : i32 to index
      %swap3A_320 = arith.constant 48 : index
      %swap3A_321 = tpu.vector_load %arg11[%swap3A_319, %swap3A_320] {strides = array<i32>} : memref<80x64xf32, #tpu.memory_space<vmem>>, vector<1x16xf32>,
      %swap3A_322 = vector.shape_cast %swap3A_321 : vector<1x16xf32> to vector<16xf32>
      %swap3A_323 = vector.shape_cast %mul3A_318 : vector<16xf32> to vector<1x16xf32>
      tpu.vector_store %arg11[%swap3A_319, %swap3A_320], %swap3A_323 {strides = array<i32>} : memref<80x64xf32, #tpu.memory_space<vmem>>, vector<1x16xf32>,
    }
    %scan3A_210 = arith.constant 80 : i32
    "tpu.region"() ({
      %run_scoped3A_259 = tpu.sem_alloc : memref<!tpu.dma_semaphore, #tpu.memory_space<semaphore_mem>>
      %dma_start3A_260 = arith.constant 0 : i32
      %dma_start3A_261 = tpu.memref_slice %arg7[%arg0, %add3A_204, %dma_start3A_260] : memref<2x10240x64xf32, #tpu.memory_space<hbm>> -> memref<1x80x64xf32, #tpu.memory_space<hbm>>
      %dma_start3A_262 = tpu.memref_squeeze %dma_start3A_261 : memref<1x80x64xf32, #tpu.memory_space<hbm>> -> memref<80x64xf32, #tpu.memory_space<hbm>>
      %dma_start3A_263 = arith.constant 0 : i32
      %dma_start3A_264 = tpu.memref_slice %arg7[%arg0, %add3A_204, %dma_start3A_263] : memref<2x10240x64xf32, #tpu.memory_space<hbm>> -> memref<1x80x64xf32, #tpu.memory_space<hbm>>
      %dma_start3A_265 = tpu.memref_squeeze %dma_start3A_264 : memref<1x80x64xf32, #tpu.memory_space<hbm>> -> memref<80x64xf32, #tpu.memory_space<hbm>>
      tpu.enqueue_dma source(%arg11 : memref<80x64xf32, #tpu.memory_space<vmem>>) target(%dma_start3A_265 : memref<80x64xf32, #tpu.memory_space<hbm>>) target_semaphore(%run_scoped3A_259 : memref<!tpu.dma_semaphore, #tpu.memory_space<semaphore_mem>>)
      %dma_wait3A_266 = arith.constant 0 : i32
      %dma_wait3A_267 = tpu.memref_slice %arg7[%arg0, %add3A_204, %dma_wait3A_266] : memref<2x10240x64xf32, #tpu.memory_space<hbm>> -> memref<1x80x64xf32, #tpu.memory_space<hbm>>
      %dma_wait3A_268 = tpu.memref_squeeze %dma_wait3A_267 : memref<1x80x64xf32, #tpu.memory_space<hbm>> -> memref<80x64xf32, #tpu.memory_space<hbm>>
      %dma_wait3A_269 = arith.constant 0 : i32
      %dma_wait3A_270 = tpu.memref_slice %arg7[%arg0, %add3A_204, %dma_wait3A_269] : memref<2x10240x64xf32, #tpu.memory_space<hbm>> -> memref<1x80x64xf32, #tpu.memory_space<hbm>>
      %dma_wait3A_271 = tpu.memref_squeeze %dma_wait3A_270 : memref<1x80x64xf32, #tpu.memory_space<hbm>> -> memref<80x64xf32, #tpu.memory_space<hbm>>
      tpu.wait_dma2 semaphore(%run_scoped3A_259 : memref<!tpu.dma_semaphore, #tpu.memory_space<semaphore_mem>>) src(%arg11 : memref<80x64xf32, #tpu.memory_space<vmem>>) dst(%dma_wait3A_271 : memref<80x64xf32, #tpu.memory_space<hbm>>)
      tpu.yield
    }) : () -> ()
    %add3A_211 = arith.constant 160 : i32
    %add3A_212 = arith.addi %mul3A_0, %add3A_211 : i32
    "tpu.region"() ({
      %run_scoped3A_259 = tpu.sem_alloc : memref<!tpu.dma_semaphore, #tpu.memory_space<semaphore_mem>>
      %dma_start3A_260 = arith.constant 0 : i32
      %dma_start3A_261 = tpu.memref_slice %arg16[%add3A_212, %dma_start3A_260] : memref<10240x64xf32, #tpu.memory_space<vmem_shared>> -> memref<80x64xf32, #tpu.memory_space<vmem_shared>>
      %dma_start3A_262 = arith.constant 0 : i32
      %dma_start3A_263 = tpu.memref_slice %arg16[%add3A_212, %dma_start3A_262] : memref<10240x64xf32, #tpu.memory_space<vmem_shared>> -> memref<80x64xf32, #tpu.memory_space<vmem_shared>>
      tpu.enqueue_dma source(%dma_start3A_263 : memref<80x64xf32, #tpu.memory_space<vmem_shared>>) target(%arg10 : memref<80x64xf32, #tpu.memory_space<vmem>>) target_semaphore(%run_scoped3A_259 : memref<!tpu.dma_semaphore, #tpu.memory_space<semaphore_mem>>)
      %dma_wait3A_264 = arith.constant 0 : i32
      %dma_wait3A_265 = tpu.memref_slice %arg16[%add3A_212, %dma_wait3A_264] : memref<10240x64xf32, #tpu.memory_space<vmem_shared>> -> memref<80x64xf32, #tpu.memory_space<vmem_shared>>
      %dma_wait3A_266 = arith.constant 0 : i32
      %dma_wait3A_267 = tpu.memref_slice %arg16[%add3A_212, %dma_wait3A_266] : memref<10240x64xf32, #tpu.memory_space<vmem_shared>> -> memref<80x64xf32, #tpu.memory_space<vmem_shared>>
      tpu.wait_dma2 semaphore(%run_scoped3A_259 : memref<!tpu.dma_semaphore, #tpu.memory_space<semaphore_mem>>) src(%dma_wait3A_267 : memref<80x64xf32, #tpu.memory_space<vmem_shared>>) dst(%arg10 : memref<80x64xf32, #tpu.memory_space<vmem>>)
      tpu.yield
    }) : () -> ()
    "tpu.region"() ({
      %run_scoped3A_259 = tpu.sem_alloc : memref<!tpu.dma_semaphore, #tpu.memory_space<semaphore_mem>>
      %dma_start3A_260 = arith.constant 0 : i32
      %dma_start3A_261 = tpu.memref_slice %arg15[%add3A_212, %dma_start3A_260] : memref<10240x64xf32, #tpu.memory_space<vmem_shared>> -> memref<80x64xf32, #tpu.memory_space<vmem_shared>>
      %dma_start3A_262 = arith.constant 0 : i32
      %dma_start3A_263 = tpu.memref_slice %arg15[%add3A_212, %dma_start3A_262] : memref<10240x64xf32, #tpu.memory_space<vmem_shared>> -> memref<80x64xf32, #tpu.memory_space<vmem_shared>>
      tpu.enqueue_dma source(%dma_start3A_263 : memref<80x64xf32, #tpu.memory_space<vmem_shared>>) target(%arg11 : memref<80x64xf32, #tpu.memory_space<vmem>>) target_semaphore(%run_scoped3A_259 : memref<!tpu.dma_semaphore, #tpu.memory_space<semaphore_mem>>)
      %dma_wait3A_264 = arith.constant 0 : i32
      %dma_wait3A_265 = tpu.memref_slice %arg15[%add3A_212, %dma_wait3A_264] : memref<10240x64xf32, #tpu.memory_space<vmem_shared>> -> memref<80x64xf32, #tpu.memory_space<vmem_shared>>
      %dma_wait3A_266 = arith.constant 0 : i32
      %dma_wait3A_267 = tpu.memref_slice %arg15[%add3A_212, %dma_wait3A_266] : memref<10240x64xf32, #tpu.memory_space<vmem_shared>> -> memref<80x64xf32, #tpu.memory_space<vmem_shared>>
      tpu.wait_dma2 semaphore(%run_scoped3A_259 : memref<!tpu.dma_semaphore, #tpu.memory_space<semaphore_mem>>) src(%dma_wait3A_267 : memref<80x64xf32, #tpu.memory_space<vmem_shared>>) dst(%arg11 : memref<80x64xf32, #tpu.memory_space<vmem>>)
      tpu.yield
    }) : () -> ()
    %scan3A_213 = arith.constant 0 : i32
    %scan3A_214 = arith.constant 0 : i32
    %scan3A_215 = arith.constant 80 : i32
    %scan3A_216 = arith.addi %scan3A_214, %scan3A_215 : i32
    %scan3A_217 = arith.constant 1 : i32
    scf.for %scan3A_259 = %scan3A_214 to %scan3A_216 step %scan3A_217  : i32 {
      %add3A_260 = arith.constant 160 : i32
      %add3A_261 = arith.addi %add3A_260, %scan3A_259 : i32
      %get3A = arith.index_cast %add3A_261 : i32 to index
      %get3A_262 = arith.constant 0 : index
      %get3A_263 = tpu.vector_load %arg13[%get3A, %get3A_262] {strides = array<i32>} : memref<640x16xf32, #tpu.memory_space<vmem>>, vector<1x16xf32>,
      %get3A_264 = vector.shape_cast %get3A_263 : vector<1x16xf32> to vector<16xf32>
      %get3A_265 = arith.index_cast %scan3A_259 : i32 to index
      %get3A_266 = arith.constant 0 : index
      %get3A_267 = tpu.vector_load %arg11[%get3A_265, %get3A_266] {strides = array<i32>} : memref<80x64xf32, #tpu.memory_space<vmem>>, vector<1x16xf32>,
      %get3A_268 = vector.shape_cast %get3A_267 : vector<1x16xf32> to vector<16xf32>
      %get3A_269 = arith.index_cast %scan3A_259 : i32 to index
      %get3A_270 = arith.constant 0 : index
      %get3A_271 = tpu.vector_load %arg10[%get3A_269, %get3A_270] {strides = array<i32>} : memref<80x64xf32, #tpu.memory_space<vmem>>, vector<1x16xf32>,
      %get3A_272 = vector.shape_cast %get3A_271 : vector<1x16xf32> to vector<16xf32>
      %add3A_273 = arith.addf %get3A_268, %get3A_272 : vector<16xf32>
      %mul3A_274 = arith.mulf %get3A_264, %add3A_273 : vector<16xf32>
      %swap3A = arith.index_cast %scan3A_259 : i32 to index
      %swap3A_275 = arith.constant 0 : index
      %swap3A_276 = tpu.vector_load %arg11[%swap3A, %swap3A_275] {strides = array<i32>} : memref<80x64xf32, #tpu.memory_space<vmem>>, vector<1x16xf32>,
      %swap3A_277 = vector.shape_cast %swap3A_276 : vector<1x16xf32> to vector<16xf32>
      %swap3A_278 = vector.shape_cast %mul3A_274 : vector<16xf32> to vector<1x16xf32>
      tpu.vector_store %arg11[%swap3A, %swap3A_275], %swap3A_278 {strides = array<i32>} : memref<80x64xf32, #tpu.memory_space<vmem>>, vector<1x16xf32>,
      %get3A_279 = arith.index_cast %scan3A_259 : i32 to index
      %get3A_280 = arith.constant 16 : index
      %get3A_281 = tpu.vector_load %arg11[%get3A_279, %get3A_280] {strides = array<i32>} : memref<80x64xf32, #tpu.memory_space<vmem>>, vector<1x16xf32>,
      %get3A_282 = vector.shape_cast %get3A_281 : vector<1x16xf32> to vector<16xf32>
      %get3A_283 = arith.index_cast %scan3A_259 : i32 to index
      %get3A_284 = arith.constant 16 : index
      %get3A_285 = tpu.vector_load %arg10[%get3A_283, %get3A_284] {strides = array<i32>} : memref<80x64xf32, #tpu.memory_space<vmem>>, vector<1x16xf32>,
      %get3A_286 = vector.shape_cast %get3A_285 : vector<1x16xf32> to vector<16xf32>
      %add3A_287 = arith.addf %get3A_282, %get3A_286 : vector<16xf32>
      %mul3A_288 = arith.mulf %get3A_264, %add3A_287 : vector<16xf32>
      %swap3A_289 = arith.index_cast %scan3A_259 : i32 to index
      %swap3A_290 = arith.constant 16 : index
      %swap3A_291 = tpu.vector_load %arg11[%swap3A_289, %swap3A_290] {strides = array<i32>} : memref<80x64xf32, #tpu.memory_space<vmem>>, vector<1x16xf32>,
      %swap3A_292 = vector.shape_cast %swap3A_291 : vector<1x16xf32> to vector<16xf32>
      %swap3A_293 = vector.shape_cast %mul3A_288 : vector<16xf32> to vector<1x16xf32>
      tpu.vector_store %arg11[%swap3A_289, %swap3A_290], %swap3A_293 {strides = array<i32>} : memref<80x64xf32, #tpu.memory_space<vmem>>, vector<1x16xf32>,
      %get3A_294 = arith.index_cast %scan3A_259 : i32 to index
      %get3A_295 = arith.constant 32 : index
      %get3A_296 = tpu.vector_load %arg11[%get3A_294, %get3A_295] {strides = array<i32>} : memref<80x64xf32, #tpu.memory_space<vmem>>, vector<1x16xf32>,
      %get3A_297 = vector.shape_cast %get3A_296 : vector<1x16xf32> to vector<16xf32>
      %get3A_298 = arith.index_cast %scan3A_259 : i32 to index
      %get3A_299 = arith.constant 32 : index
      %get3A_300 = tpu.vector_load %arg10[%get3A_298, %get3A_299] {strides = array<i32>} : memref<80x64xf32, #tpu.memory_space<vmem>>, vector<1x16xf32>,
      %get3A_301 = vector.shape_cast %get3A_300 : vector<1x16xf32> to vector<16xf32>
      %add3A_302 = arith.addf %get3A_297, %get3A_301 : vector<16xf32>
      %mul3A_303 = arith.mulf %get3A_264, %add3A_302 : vector<16xf32>
      %swap3A_304 = arith.index_cast %scan3A_259 : i32 to index
      %swap3A_305 = arith.constant 32 : index
      %swap3A_306 = tpu.vector_load %arg11[%swap3A_304, %swap3A_305] {strides = array<i32>} : memref<80x64xf32, #tpu.memory_space<vmem>>, vector<1x16xf32>,
      %swap3A_307 = vector.shape_cast %swap3A_306 : vector<1x16xf32> to vector<16xf32>
      %swap3A_308 = vector.shape_cast %mul3A_303 : vector<16xf32> to vector<1x16xf32>
      tpu.vector_store %arg11[%swap3A_304, %swap3A_305], %swap3A_308 {strides = array<i32>} : memref<80x64xf32, #tpu.memory_space<vmem>>, vector<1x16xf32>,
      %get3A_309 = arith.index_cast %scan3A_259 : i32 to index
      %get3A_310 = arith.constant 48 : index
      %get3A_311 = tpu.vector_load %arg11[%get3A_309, %get3A_310] {strides = array<i32>} : memref<80x64xf32, #tpu.memory_space<vmem>>, vector<1x16xf32>,
      %get3A_312 = vector.shape_cast %get3A_311 : vector<1x16xf32> to vector<16xf32>
      %get3A_313 = arith.index_cast %scan3A_259 : i32 to index
      %get3A_314 = arith.constant 48 : index
      %get3A_315 = tpu.vector_load %arg10[%get3A_313, %get3A_314] {strides = array<i32>} : memref<80x64xf32, #tpu.memory_space<vmem>>, vector<1x16xf32>,
      %get3A_316 = vector.shape_cast %get3A_315 : vector<1x16xf32> to vector<16xf32>
      %add3A_317 = arith.addf %get3A_312, %get3A_316 : vector<16xf32>
      %mul3A_318 = arith.mulf %get3A_264, %add3A_317 : vector<16xf32>
      %swap3A_319 = arith.index_cast %scan3A_259 : i32 to index
      %swap3A_320 = arith.constant 48 : index
      %swap3A_321 = tpu.vector_load %arg11[%swap3A_319, %swap3A_320] {strides = array<i32>} : memref<80x64xf32, #tpu.memory_space<vmem>>, vector<1x16xf32>,
      %swap3A_322 = vector.shape_cast %swap3A_321 : vector<1x16xf32> to vector<16xf32>
      %swap3A_323 = vector.shape_cast %mul3A_318 : vector<16xf32> to vector<1x16xf32>
      tpu.vector_store %arg11[%swap3A_319, %swap3A_320], %swap3A_323 {strides = array<i32>} : memref<80x64xf32, #tpu.memory_space<vmem>>, vector<1x16xf32>,
    }
    %scan3A_218 = arith.constant 80 : i32
    "tpu.region"() ({
      %run_scoped3A_259 = tpu.sem_alloc : memref<!tpu.dma_semaphore, #tpu.memory_space<semaphore_mem>>
      %dma_start3A_260 = arith.constant 0 : i32
      %dma_start3A_261 = tpu.memref_slice %arg7[%arg0, %add3A_212, %dma_start3A_260] : memref<2x10240x64xf32, #tpu.memory_space<hbm>> -> memref<1x80x64xf32, #tpu.memory_space<hbm>>
      %dma_start3A_262 = tpu.memref_squeeze %dma_start3A_261 : memref<1x80x64xf32, #tpu.memory_space<hbm>> -> memref<80x64xf32, #tpu.memory_space<hbm>>
      %dma_start3A_263 = arith.constant 0 : i32
      %dma_start3A_264 = tpu.memref_slice %arg7[%arg0, %add3A_212, %dma_start3A_263] : memref<2x10240x64xf32, #tpu.memory_space<hbm>> -> memref<1x80x64xf32, #tpu.memory_space<hbm>>
      %dma_start3A_265 = tpu.memref_squeeze %dma_start3A_264 : memref<1x80x64xf32, #tpu.memory_space<hbm>> -> memref<80x64xf32, #tpu.memory_space<hbm>>
      tpu.enqueue_dma source(%arg11 : memref<80x64xf32, #tpu.memory_space<vmem>>) target(%dma_start3A_265 : memref<80x64xf32, #tpu.memory_space<hbm>>) target_semaphore(%run_scoped3A_259 : memref<!tpu.dma_semaphore, #tpu.memory_space<semaphore_mem>>)
      %dma_wait3A_266 = arith.constant 0 : i32
      %dma_wait3A_267 = tpu.memref_slice %arg7[%arg0, %add3A_212, %dma_wait3A_266] : memref<2x10240x64xf32, #tpu.memory_space<hbm>> -> memref<1x80x64xf32, #tpu.memory_space<hbm>>
      %dma_wait3A_268 = tpu.memref_squeeze %dma_wait3A_267 : memref<1x80x64xf32, #tpu.memory_space<hbm>> -> memref<80x64xf32, #tpu.memory_space<hbm>>
      %dma_wait3A_269 = arith.constant 0 : i32
      %dma_wait3A_270 = tpu.memref_slice %arg7[%arg0, %add3A_212, %dma_wait3A_269] : memref<2x10240x64xf32, #tpu.memory_space<hbm>> -> memref<1x80x64xf32, #tpu.memory_space<hbm>>
      %dma_wait3A_271 = tpu.memref_squeeze %dma_wait3A_270 : memref<1x80x64xf32, #tpu.memory_space<hbm>> -> memref<80x64xf32, #tpu.memory_space<hbm>>
      tpu.wait_dma2 semaphore(%run_scoped3A_259 : memref<!tpu.dma_semaphore, #tpu.memory_space<semaphore_mem>>) src(%arg11 : memref<80x64xf32, #tpu.memory_space<vmem>>) dst(%dma_wait3A_271 : memref<80x64xf32, #tpu.memory_space<hbm>>)
      tpu.yield
    }) : () -> ()
    %add3A_219 = arith.constant 240 : i32
    %add3A_220 = arith.addi %mul3A_0, %add3A_219 : i32
    "tpu.region"() ({
      %run_scoped3A_259 = tpu.sem_alloc : memref<!tpu.dma_semaphore, #tpu.memory_space<semaphore_mem>>
      %dma_start3A_260 = arith.constant 0 : i32
      %dma_start3A_261 = tpu.memref_slice %arg16[%add3A_220, %dma_start3A_260] : memref<10240x64xf32, #tpu.memory_space<vmem_shared>> -> memref<80x64xf32, #tpu.memory_space<vmem_shared>>
      %dma_start3A_262 = arith.constant 0 : i32
      %dma_start3A_263 = tpu.memref_slice %arg16[%add3A_220, %dma_start3A_262] : memref<10240x64xf32, #tpu.memory_space<vmem_shared>> -> memref<80x64xf32, #tpu.memory_space<vmem_shared>>
      tpu.enqueue_dma source(%dma_start3A_263 : memref<80x64xf32, #tpu.memory_space<vmem_shared>>) target(%arg10 : memref<80x64xf32, #tpu.memory_space<vmem>>) target_semaphore(%run_scoped3A_259 : memref<!tpu.dma_semaphore, #tpu.memory_space<semaphore_mem>>)
      %dma_wait3A_264 = arith.constant 0 : i32
      %dma_wait3A_265 = tpu.memref_slice %arg16[%add3A_220, %dma_wait3A_264] : memref<10240x64xf32, #tpu.memory_space<vmem_shared>> -> memref<80x64xf32, #tpu.memory_space<vmem_shared>>
      %dma_wait3A_266 = arith.constant 0 : i32
      %dma_wait3A_267 = tpu.memref_slice %arg16[%add3A_220, %dma_wait3A_266] : memref<10240x64xf32, #tpu.memory_space<vmem_shared>> -> memref<80x64xf32, #tpu.memory_space<vmem_shared>>
      tpu.wait_dma2 semaphore(%run_scoped3A_259 : memref<!tpu.dma_semaphore, #tpu.memory_space<semaphore_mem>>) src(%dma_wait3A_267 : memref<80x64xf32, #tpu.memory_space<vmem_shared>>) dst(%arg10 : memref<80x64xf32, #tpu.memory_space<vmem>>)
      tpu.yield
    }) : () -> ()
    "tpu.region"() ({
      %run_scoped3A_259 = tpu.sem_alloc : memref<!tpu.dma_semaphore, #tpu.memory_space<semaphore_mem>>
      %dma_start3A_260 = arith.constant 0 : i32
      %dma_start3A_261 = tpu.memref_slice %arg15[%add3A_220, %dma_start3A_260] : memref<10240x64xf32, #tpu.memory_space<vmem_shared>> -> memref<80x64xf32, #tpu.memory_space<vmem_shared>>
      %dma_start3A_262 = arith.constant 0 : i32
      %dma_start3A_263 = tpu.memref_slice %arg15[%add3A_220, %dma_start3A_262] : memref<10240x64xf32, #tpu.memory_space<vmem_shared>> -> memref<80x64xf32, #tpu.memory_space<vmem_shared>>
      tpu.enqueue_dma source(%dma_start3A_263 : memref<80x64xf32, #tpu.memory_space<vmem_shared>>) target(%arg11 : memref<80x64xf32, #tpu.memory_space<vmem>>) target_semaphore(%run_scoped3A_259 : memref<!tpu.dma_semaphore, #tpu.memory_space<semaphore_mem>>)
      %dma_wait3A_264 = arith.constant 0 : i32
      %dma_wait3A_265 = tpu.memref_slice %arg15[%add3A_220, %dma_wait3A_264] : memref<10240x64xf32, #tpu.memory_space<vmem_shared>> -> memref<80x64xf32, #tpu.memory_space<vmem_shared>>
      %dma_wait3A_266 = arith.constant 0 : i32
      %dma_wait3A_267 = tpu.memref_slice %arg15[%add3A_220, %dma_wait3A_266] : memref<10240x64xf32, #tpu.memory_space<vmem_shared>> -> memref<80x64xf32, #tpu.memory_space<vmem_shared>>
      tpu.wait_dma2 semaphore(%run_scoped3A_259 : memref<!tpu.dma_semaphore, #tpu.memory_space<semaphore_mem>>) src(%dma_wait3A_267 : memref<80x64xf32, #tpu.memory_space<vmem_shared>>) dst(%arg11 : memref<80x64xf32, #tpu.memory_space<vmem>>)
      tpu.yield
    }) : () -> ()
    %scan3A_221 = arith.constant 0 : i32
    %scan3A_222 = arith.constant 0 : i32
    %scan3A_223 = arith.constant 80 : i32
    %scan3A_224 = arith.addi %scan3A_222, %scan3A_223 : i32
    %scan3A_225 = arith.constant 1 : i32
    scf.for %scan3A_259 = %scan3A_222 to %scan3A_224 step %scan3A_225  : i32 {
      %add3A_260 = arith.constant 240 : i32
      %add3A_261 = arith.addi %add3A_260, %scan3A_259 : i32
      %get3A = arith.index_cast %add3A_261 : i32 to index
      %get3A_262 = arith.constant 0 : index
      %get3A_263 = tpu.vector_load %arg13[%get3A, %get3A_262] {strides = array<i32>} : memref<640x16xf32, #tpu.memory_space<vmem>>, vector<1x16xf32>,
      %get3A_264 = vector.shape_cast %get3A_263 : vector<1x16xf32> to vector<16xf32>
      %get3A_265 = arith.index_cast %scan3A_259 : i32 to index
      %get3A_266 = arith.constant 0 : index
      %get3A_267 = tpu.vector_load %arg11[%get3A_265, %get3A_266] {strides = array<i32>} : memref<80x64xf32, #tpu.memory_space<vmem>>, vector<1x16xf32>,
      %get3A_268 = vector.shape_cast %get3A_267 : vector<1x16xf32> to vector<16xf32>
      %get3A_269 = arith.index_cast %scan3A_259 : i32 to index
      %get3A_270 = arith.constant 0 : index
      %get3A_271 = tpu.vector_load %arg10[%get3A_269, %get3A_270] {strides = array<i32>} : memref<80x64xf32, #tpu.memory_space<vmem>>, vector<1x16xf32>,
      %get3A_272 = vector.shape_cast %get3A_271 : vector<1x16xf32> to vector<16xf32>
      %add3A_273 = arith.addf %get3A_268, %get3A_272 : vector<16xf32>
      %mul3A_274 = arith.mulf %get3A_264, %add3A_273 : vector<16xf32>
      %swap3A = arith.index_cast %scan3A_259 : i32 to index
      %swap3A_275 = arith.constant 0 : index
      %swap3A_276 = tpu.vector_load %arg11[%swap3A, %swap3A_275] {strides = array<i32>} : memref<80x64xf32, #tpu.memory_space<vmem>>, vector<1x16xf32>,
      %swap3A_277 = vector.shape_cast %swap3A_276 : vector<1x16xf32> to vector<16xf32>
      %swap3A_278 = vector.shape_cast %mul3A_274 : vector<16xf32> to vector<1x16xf32>
      tpu.vector_store %arg11[%swap3A, %swap3A_275], %swap3A_278 {strides = array<i32>} : memref<80x64xf32, #tpu.memory_space<vmem>>, vector<1x16xf32>,
      %get3A_279 = arith.index_cast %scan3A_259 : i32 to index
      %get3A_280 = arith.constant 16 : index
      %get3A_281 = tpu.vector_load %arg11[%get3A_279, %get3A_280] {strides = array<i32>} : memref<80x64xf32, #tpu.memory_space<vmem>>, vector<1x16xf32>,
      %get3A_282 = vector.shape_cast %get3A_281 : vector<1x16xf32> to vector<16xf32>
      %get3A_283 = arith.index_cast %scan3A_259 : i32 to index
      %get3A_284 = arith.constant 16 : index
      %get3A_285 = tpu.vector_load %arg10[%get3A_283, %get3A_284] {strides = array<i32>} : memref<80x64xf32, #tpu.memory_space<vmem>>, vector<1x16xf32>,
      %get3A_286 = vector.shape_cast %get3A_285 : vector<1x16xf32> to vector<16xf32>
      %add3A_287 = arith.addf %get3A_282, %get3A_286 : vector<16xf32>
      %mul3A_288 = arith.mulf %get3A_264, %add3A_287 : vector<16xf32>
      %swap3A_289 = arith.index_cast %scan3A_259 : i32 to index
      %swap3A_290 = arith.constant 16 : index
      %swap3A_291 = tpu.vector_load %arg11[%swap3A_289, %swap3A_290] {strides = array<i32>} : memref<80x64xf32, #tpu.memory_space<vmem>>, vector<1x16xf32>,
      %swap3A_292 = vector.shape_cast %swap3A_291 : vector<1x16xf32> to vector<16xf32>
      %swap3A_293 = vector.shape_cast %mul3A_288 : vector<16xf32> to vector<1x16xf32>
      tpu.vector_store %arg11[%swap3A_289, %swap3A_290], %swap3A_293 {strides = array<i32>} : memref<80x64xf32, #tpu.memory_space<vmem>>, vector<1x16xf32>,
      %get3A_294 = arith.index_cast %scan3A_259 : i32 to index
      %get3A_295 = arith.constant 32 : index
      %get3A_296 = tpu.vector_load %arg11[%get3A_294, %get3A_295] {strides = array<i32>} : memref<80x64xf32, #tpu.memory_space<vmem>>, vector<1x16xf32>,
      %get3A_297 = vector.shape_cast %get3A_296 : vector<1x16xf32> to vector<16xf32>
      %get3A_298 = arith.index_cast %scan3A_259 : i32 to index
      %get3A_299 = arith.constant 32 : index
      %get3A_300 = tpu.vector_load %arg10[%get3A_298, %get3A_299] {strides = array<i32>} : memref<80x64xf32, #tpu.memory_space<vmem>>, vector<1x16xf32>,
      %get3A_301 = vector.shape_cast %get3A_300 : vector<1x16xf32> to vector<16xf32>
      %add3A_302 = arith.addf %get3A_297, %get3A_301 : vector<16xf32>
      %mul3A_303 = arith.mulf %get3A_264, %add3A_302 : vector<16xf32>
      %swap3A_304 = arith.index_cast %scan3A_259 : i32 to index
      %swap3A_305 = arith.constant 32 : index
      %swap3A_306 = tpu.vector_load %arg11[%swap3A_304, %swap3A_305] {strides = array<i32>} : memref<80x64xf32, #tpu.memory_space<vmem>>, vector<1x16xf32>,
      %swap3A_307 = vector.shape_cast %swap3A_306 : vector<1x16xf32> to vector<16xf32>
      %swap3A_308 = vector.shape_cast %mul3A_303 : vector<16xf32> to vector<1x16xf32>
      tpu.vector_store %arg11[%swap3A_304, %swap3A_305], %swap3A_308 {strides = array<i32>} : memref<80x64xf32, #tpu.memory_space<vmem>>, vector<1x16xf32>,
      %get3A_309 = arith.index_cast %scan3A_259 : i32 to index
      %get3A_310 = arith.constant 48 : index
      %get3A_311 = tpu.vector_load %arg11[%get3A_309, %get3A_310] {strides = array<i32>} : memref<80x64xf32, #tpu.memory_space<vmem>>, vector<1x16xf32>,
      %get3A_312 = vector.shape_cast %get3A_311 : vector<1x16xf32> to vector<16xf32>
      %get3A_313 = arith.index_cast %scan3A_259 : i32 to index
      %get3A_314 = arith.constant 48 : index
      %get3A_315 = tpu.vector_load %arg10[%get3A_313, %get3A_314] {strides = array<i32>} : memref<80x64xf32, #tpu.memory_space<vmem>>, vector<1x16xf32>,
      %get3A_316 = vector.shape_cast %get3A_315 : vector<1x16xf32> to vector<16xf32>
      %add3A_317 = arith.addf %get3A_312, %get3A_316 : vector<16xf32>
      %mul3A_318 = arith.mulf %get3A_264, %add3A_317 : vector<16xf32>
      %swap3A_319 = arith.index_cast %scan3A_259 : i32 to index
      %swap3A_320 = arith.constant 48 : index
      %swap3A_321 = tpu.vector_load %arg11[%swap3A_319, %swap3A_320] {strides = array<i32>} : memref<80x64xf32, #tpu.memory_space<vmem>>, vector<1x16xf32>,
      %swap3A_322 = vector.shape_cast %swap3A_321 : vector<1x16xf32> to vector<16xf32>
      %swap3A_323 = vector.shape_cast %mul3A_318 : vector<16xf32> to vector<1x16xf32>
      tpu.vector_store %arg11[%swap3A_319, %swap3A_320], %swap3A_323 {strides = array<i32>} : memref<80x64xf32, #tpu.memory_space<vmem>>, vector<1x16xf32>,
    }
    %scan3A_226 = arith.constant 80 : i32
    "tpu.region"() ({
      %run_scoped3A_259 = tpu.sem_alloc : memref<!tpu.dma_semaphore, #tpu.memory_space<semaphore_mem>>
      %dma_start3A_260 = arith.constant 0 : i32
      %dma_start3A_261 = tpu.memref_slice %arg7[%arg0, %add3A_220, %dma_start3A_260] : memref<2x10240x64xf32, #tpu.memory_space<hbm>> -> memref<1x80x64xf32, #tpu.memory_space<hbm>>
      %dma_start3A_262 = tpu.memref_squeeze %dma_start3A_261 : memref<1x80x64xf32, #tpu.memory_space<hbm>> -> memref<80x64xf32, #tpu.memory_space<hbm>>
      %dma_start3A_263 = arith.constant 0 : i32
      %dma_start3A_264 = tpu.memref_slice %arg7[%arg0, %add3A_220, %dma_start3A_263] : memref<2x10240x64xf32, #tpu.memory_space<hbm>> -> memref<1x80x64xf32, #tpu.memory_space<hbm>>
      %dma_start3A_265 = tpu.memref_squeeze %dma_start3A_264 : memref<1x80x64xf32, #tpu.memory_space<hbm>> -> memref<80x64xf32, #tpu.memory_space<hbm>>
      tpu.enqueue_dma source(%arg11 : memref<80x64xf32, #tpu.memory_space<vmem>>) target(%dma_start3A_265 : memref<80x64xf32, #tpu.memory_space<hbm>>) target_semaphore(%run_scoped3A_259 : memref<!tpu.dma_semaphore, #tpu.memory_space<semaphore_mem>>)
      %dma_wait3A_266 = arith.constant 0 : i32
      %dma_wait3A_267 = tpu.memref_slice %arg7[%arg0, %add3A_220, %dma_wait3A_266] : memref<2x10240x64xf32, #tpu.memory_space<hbm>> -> memref<1x80x64xf32, #tpu.memory_space<hbm>>
      %dma_wait3A_268 = tpu.memref_squeeze %dma_wait3A_267 : memref<1x80x64xf32, #tpu.memory_space<hbm>> -> memref<80x64xf32, #tpu.memory_space<hbm>>
      %dma_wait3A_269 = arith.constant 0 : i32
      %dma_wait3A_270 = tpu.memref_slice %arg7[%arg0, %add3A_220, %dma_wait3A_269] : memref<2x10240x64xf32, #tpu.memory_space<hbm>> -> memref<1x80x64xf32, #tpu.memory_space<hbm>>
      %dma_wait3A_271 = tpu.memref_squeeze %dma_wait3A_270 : memref<1x80x64xf32, #tpu.memory_space<hbm>> -> memref<80x64xf32, #tpu.memory_space<hbm>>
      tpu.wait_dma2 semaphore(%run_scoped3A_259 : memref<!tpu.dma_semaphore, #tpu.memory_space<semaphore_mem>>) src(%arg11 : memref<80x64xf32, #tpu.memory_space<vmem>>) dst(%dma_wait3A_271 : memref<80x64xf32, #tpu.memory_space<hbm>>)
      tpu.yield
    }) : () -> ()
    %add3A_227 = arith.constant 320 : i32
    %add3A_228 = arith.addi %mul3A_0, %add3A_227 : i32
    "tpu.region"() ({
      %run_scoped3A_259 = tpu.sem_alloc : memref<!tpu.dma_semaphore, #tpu.memory_space<semaphore_mem>>
      %dma_start3A_260 = arith.constant 0 : i32
      %dma_start3A_261 = tpu.memref_slice %arg16[%add3A_228, %dma_start3A_260] : memref<10240x64xf32, #tpu.memory_space<vmem_shared>> -> memref<80x64xf32, #tpu.memory_space<vmem_shared>>
      %dma_start3A_262 = arith.constant 0 : i32
      %dma_start3A_263 = tpu.memref_slice %arg16[%add3A_228, %dma_start3A_262] : memref<10240x64xf32, #tpu.memory_space<vmem_shared>> -> memref<80x64xf32, #tpu.memory_space<vmem_shared>>
      tpu.enqueue_dma source(%dma_start3A_263 : memref<80x64xf32, #tpu.memory_space<vmem_shared>>) target(%arg10 : memref<80x64xf32, #tpu.memory_space<vmem>>) target_semaphore(%run_scoped3A_259 : memref<!tpu.dma_semaphore, #tpu.memory_space<semaphore_mem>>)
      %dma_wait3A_264 = arith.constant 0 : i32
      %dma_wait3A_265 = tpu.memref_slice %arg16[%add3A_228, %dma_wait3A_264] : memref<10240x64xf32, #tpu.memory_space<vmem_shared>> -> memref<80x64xf32, #tpu.memory_space<vmem_shared>>
      %dma_wait3A_266 = arith.constant 0 : i32
      %dma_wait3A_267 = tpu.memref_slice %arg16[%add3A_228, %dma_wait3A_266] : memref<10240x64xf32, #tpu.memory_space<vmem_shared>> -> memref<80x64xf32, #tpu.memory_space<vmem_shared>>
      tpu.wait_dma2 semaphore(%run_scoped3A_259 : memref<!tpu.dma_semaphore, #tpu.memory_space<semaphore_mem>>) src(%dma_wait3A_267 : memref<80x64xf32, #tpu.memory_space<vmem_shared>>) dst(%arg10 : memref<80x64xf32, #tpu.memory_space<vmem>>)
      tpu.yield
    }) : () -> ()
    "tpu.region"() ({
      %run_scoped3A_259 = tpu.sem_alloc : memref<!tpu.dma_semaphore, #tpu.memory_space<semaphore_mem>>
      %dma_start3A_260 = arith.constant 0 : i32
      %dma_start3A_261 = tpu.memref_slice %arg15[%add3A_228, %dma_start3A_260] : memref<10240x64xf32, #tpu.memory_space<vmem_shared>> -> memref<80x64xf32, #tpu.memory_space<vmem_shared>>
      %dma_start3A_262 = arith.constant 0 : i32
      %dma_start3A_263 = tpu.memref_slice %arg15[%add3A_228, %dma_start3A_262] : memref<10240x64xf32, #tpu.memory_space<vmem_shared>> -> memref<80x64xf32, #tpu.memory_space<vmem_shared>>
      tpu.enqueue_dma source(%dma_start3A_263 : memref<80x64xf32, #tpu.memory_space<vmem_shared>>) target(%arg11 : memref<80x64xf32, #tpu.memory_space<vmem>>) target_semaphore(%run_scoped3A_259 : memref<!tpu.dma_semaphore, #tpu.memory_space<semaphore_mem>>)
      %dma_wait3A_264 = arith.constant 0 : i32
      %dma_wait3A_265 = tpu.memref_slice %arg15[%add3A_228, %dma_wait3A_264] : memref<10240x64xf32, #tpu.memory_space<vmem_shared>> -> memref<80x64xf32, #tpu.memory_space<vmem_shared>>
      %dma_wait3A_266 = arith.constant 0 : i32
      %dma_wait3A_267 = tpu.memref_slice %arg15[%add3A_228, %dma_wait3A_266] : memref<10240x64xf32, #tpu.memory_space<vmem_shared>> -> memref<80x64xf32, #tpu.memory_space<vmem_shared>>
      tpu.wait_dma2 semaphore(%run_scoped3A_259 : memref<!tpu.dma_semaphore, #tpu.memory_space<semaphore_mem>>) src(%dma_wait3A_267 : memref<80x64xf32, #tpu.memory_space<vmem_shared>>) dst(%arg11 : memref<80x64xf32, #tpu.memory_space<vmem>>)
      tpu.yield
    }) : () -> ()
    %scan3A_229 = arith.constant 0 : i32
    %scan3A_230 = arith.constant 0 : i32
    %scan3A_231 = arith.constant 80 : i32
    %scan3A_232 = arith.addi %scan3A_230, %scan3A_231 : i32
    %scan3A_233 = arith.constant 1 : i32
    scf.for %scan3A_259 = %scan3A_230 to %scan3A_232 step %scan3A_233  : i32 {
      %add3A_260 = arith.constant 320 : i32
      %add3A_261 = arith.addi %add3A_260, %scan3A_259 : i32
      %get3A = arith.index_cast %add3A_261 : i32 to index
      %get3A_262 = arith.constant 0 : index
      %get3A_263 = tpu.vector_load %arg13[%get3A, %get3A_262] {strides = array<i32>} : memref<640x16xf32, #tpu.memory_space<vmem>>, vector<1x16xf32>,
      %get3A_264 = vector.shape_cast %get3A_263 : vector<1x16xf32> to vector<16xf32>
      %get3A_265 = arith.index_cast %scan3A_259 : i32 to index
      %get3A_266 = arith.constant 0 : index
      %get3A_267 = tpu.vector_load %arg11[%get3A_265, %get3A_266] {strides = array<i32>} : memref<80x64xf32, #tpu.memory_space<vmem>>, vector<1x16xf32>,
      %get3A_268 = vector.shape_cast %get3A_267 : vector<1x16xf32> to vector<16xf32>
      %get3A_269 = arith.index_cast %scan3A_259 : i32 to index
      %get3A_270 = arith.constant 0 : index
      %get3A_271 = tpu.vector_load %arg10[%get3A_269, %get3A_270] {strides = array<i32>} : memref<80x64xf32, #tpu.memory_space<vmem>>, vector<1x16xf32>,
      %get3A_272 = vector.shape_cast %get3A_271 : vector<1x16xf32> to vector<16xf32>
      %add3A_273 = arith.addf %get3A_268, %get3A_272 : vector<16xf32>
      %mul3A_274 = arith.mulf %get3A_264, %add3A_273 : vector<16xf32>
      %swap3A = arith.index_cast %scan3A_259 : i32 to index
      %swap3A_275 = arith.constant 0 : index
      %swap3A_276 = tpu.vector_load %arg11[%swap3A, %swap3A_275] {strides = array<i32>} : memref<80x64xf32, #tpu.memory_space<vmem>>, vector<1x16xf32>,
      %swap3A_277 = vector.shape_cast %swap3A_276 : vector<1x16xf32> to vector<16xf32>
      %swap3A_278 = vector.shape_cast %mul3A_274 : vector<16xf32> to vector<1x16xf32>
      tpu.vector_store %arg11[%swap3A, %swap3A_275], %swap3A_278 {strides = array<i32>} : memref<80x64xf32, #tpu.memory_space<vmem>>, vector<1x16xf32>,
      %get3A_279 = arith.index_cast %scan3A_259 : i32 to index
      %get3A_280 = arith.constant 16 : index
      %get3A_281 = tpu.vector_load %arg11[%get3A_279, %get3A_280] {strides = array<i32>} : memref<80x64xf32, #tpu.memory_space<vmem>>, vector<1x16xf32>,
      %get3A_282 = vector.shape_cast %get3A_281 : vector<1x16xf32> to vector<16xf32>
      %get3A_283 = arith.index_cast %scan3A_259 : i32 to index
      %get3A_284 = arith.constant 16 : index
      %get3A_285 = tpu.vector_load %arg10[%get3A_283, %get3A_284] {strides = array<i32>} : memref<80x64xf32, #tpu.memory_space<vmem>>, vector<1x16xf32>,
      %get3A_286 = vector.shape_cast %get3A_285 : vector<1x16xf32> to vector<16xf32>
      %add3A_287 = arith.addf %get3A_282, %get3A_286 : vector<16xf32>
      %mul3A_288 = arith.mulf %get3A_264, %add3A_287 : vector<16xf32>
      %swap3A_289 = arith.index_cast %scan3A_259 : i32 to index
      %swap3A_290 = arith.constant 16 : index
      %swap3A_291 = tpu.vector_load %arg11[%swap3A_289, %swap3A_290] {strides = array<i32>} : memref<80x64xf32, #tpu.memory_space<vmem>>, vector<1x16xf32>,
      %swap3A_292 = vector.shape_cast %swap3A_291 : vector<1x16xf32> to vector<16xf32>
      %swap3A_293 = vector.shape_cast %mul3A_288 : vector<16xf32> to vector<1x16xf32>
      tpu.vector_store %arg11[%swap3A_289, %swap3A_290], %swap3A_293 {strides = array<i32>} : memref<80x64xf32, #tpu.memory_space<vmem>>, vector<1x16xf32>,
      %get3A_294 = arith.index_cast %scan3A_259 : i32 to index
      %get3A_295 = arith.constant 32 : index
      %get3A_296 = tpu.vector_load %arg11[%get3A_294, %get3A_295] {strides = array<i32>} : memref<80x64xf32, #tpu.memory_space<vmem>>, vector<1x16xf32>,
      %get3A_297 = vector.shape_cast %get3A_296 : vector<1x16xf32> to vector<16xf32>
      %get3A_298 = arith.index_cast %scan3A_259 : i32 to index
      %get3A_299 = arith.constant 32 : index
      %get3A_300 = tpu.vector_load %arg10[%get3A_298, %get3A_299] {strides = array<i32>} : memref<80x64xf32, #tpu.memory_space<vmem>>, vector<1x16xf32>,
      %get3A_301 = vector.shape_cast %get3A_300 : vector<1x16xf32> to vector<16xf32>
      %add3A_302 = arith.addf %get3A_297, %get3A_301 : vector<16xf32>
      %mul3A_303 = arith.mulf %get3A_264, %add3A_302 : vector<16xf32>
      %swap3A_304 = arith.index_cast %scan3A_259 : i32 to index
      %swap3A_305 = arith.constant 32 : index
      %swap3A_306 = tpu.vector_load %arg11[%swap3A_304, %swap3A_305] {strides = array<i32>} : memref<80x64xf32, #tpu.memory_space<vmem>>, vector<1x16xf32>,
      %swap3A_307 = vector.shape_cast %swap3A_306 : vector<1x16xf32> to vector<16xf32>
      %swap3A_308 = vector.shape_cast %mul3A_303 : vector<16xf32> to vector<1x16xf32>
      tpu.vector_store %arg11[%swap3A_304, %swap3A_305], %swap3A_308 {strides = array<i32>} : memref<80x64xf32, #tpu.memory_space<vmem>>, vector<1x16xf32>,
      %get3A_309 = arith.index_cast %scan3A_259 : i32 to index
      %get3A_310 = arith.constant 48 : index
      %get3A_311 = tpu.vector_load %arg11[%get3A_309, %get3A_310] {strides = array<i32>} : memref<80x64xf32, #tpu.memory_space<vmem>>, vector<1x16xf32>,
      %get3A_312 = vector.shape_cast %get3A_311 : vector<1x16xf32> to vector<16xf32>
      %get3A_313 = arith.index_cast %scan3A_259 : i32 to index
      %get3A_314 = arith.constant 48 : index
      %get3A_315 = tpu.vector_load %arg10[%get3A_313, %get3A_314] {strides = array<i32>} : memref<80x64xf32, #tpu.memory_space<vmem>>, vector<1x16xf32>,
      %get3A_316 = vector.shape_cast %get3A_315 : vector<1x16xf32> to vector<16xf32>
      %add3A_317 = arith.addf %get3A_312, %get3A_316 : vector<16xf32>
      %mul3A_318 = arith.mulf %get3A_264, %add3A_317 : vector<16xf32>
      %swap3A_319 = arith.index_cast %scan3A_259 : i32 to index
      %swap3A_320 = arith.constant 48 : index
      %swap3A_321 = tpu.vector_load %arg11[%swap3A_319, %swap3A_320] {strides = array<i32>} : memref<80x64xf32, #tpu.memory_space<vmem>>, vector<1x16xf32>,
      %swap3A_322 = vector.shape_cast %swap3A_321 : vector<1x16xf32> to vector<16xf32>
      %swap3A_323 = vector.shape_cast %mul3A_318 : vector<16xf32> to vector<1x16xf32>
      tpu.vector_store %arg11[%swap3A_319, %swap3A_320], %swap3A_323 {strides = array<i32>} : memref<80x64xf32, #tpu.memory_space<vmem>>, vector<1x16xf32>,
    }
    %scan3A_234 = arith.constant 80 : i32
    "tpu.region"() ({
      %run_scoped3A_259 = tpu.sem_alloc : memref<!tpu.dma_semaphore, #tpu.memory_space<semaphore_mem>>
      %dma_start3A_260 = arith.constant 0 : i32
      %dma_start3A_261 = tpu.memref_slice %arg7[%arg0, %add3A_228, %dma_start3A_260] : memref<2x10240x64xf32, #tpu.memory_space<hbm>> -> memref<1x80x64xf32, #tpu.memory_space<hbm>>
      %dma_start3A_262 = tpu.memref_squeeze %dma_start3A_261 : memref<1x80x64xf32, #tpu.memory_space<hbm>> -> memref<80x64xf32, #tpu.memory_space<hbm>>
      %dma_start3A_263 = arith.constant 0 : i32
      %dma_start3A_264 = tpu.memref_slice %arg7[%arg0, %add3A_228, %dma_start3A_263] : memref<2x10240x64xf32, #tpu.memory_space<hbm>> -> memref<1x80x64xf32, #tpu.memory_space<hbm>>
      %dma_start3A_265 = tpu.memref_squeeze %dma_start3A_264 : memref<1x80x64xf32, #tpu.memory_space<hbm>> -> memref<80x64xf32, #tpu.memory_space<hbm>>
      tpu.enqueue_dma source(%arg11 : memref<80x64xf32, #tpu.memory_space<vmem>>) target(%dma_start3A_265 : memref<80x64xf32, #tpu.memory_space<hbm>>) target_semaphore(%run_scoped3A_259 : memref<!tpu.dma_semaphore, #tpu.memory_space<semaphore_mem>>)
      %dma_wait3A_266 = arith.constant 0 : i32
      %dma_wait3A_267 = tpu.memref_slice %arg7[%arg0, %add3A_228, %dma_wait3A_266] : memref<2x10240x64xf32, #tpu.memory_space<hbm>> -> memref<1x80x64xf32, #tpu.memory_space<hbm>>
      %dma_wait3A_268 = tpu.memref_squeeze %dma_wait3A_267 : memref<1x80x64xf32, #tpu.memory_space<hbm>> -> memref<80x64xf32, #tpu.memory_space<hbm>>
      %dma_wait3A_269 = arith.constant 0 : i32
      %dma_wait3A_270 = tpu.memref_slice %arg7[%arg0, %add3A_228, %dma_wait3A_269] : memref<2x10240x64xf32, #tpu.memory_space<hbm>> -> memref<1x80x64xf32, #tpu.memory_space<hbm>>
      %dma_wait3A_271 = tpu.memref_squeeze %dma_wait3A_270 : memref<1x80x64xf32, #tpu.memory_space<hbm>> -> memref<80x64xf32, #tpu.memory_space<hbm>>
      tpu.wait_dma2 semaphore(%run_scoped3A_259 : memref<!tpu.dma_semaphore, #tpu.memory_space<semaphore_mem>>) src(%arg11 : memref<80x64xf32, #tpu.memory_space<vmem>>) dst(%dma_wait3A_271 : memref<80x64xf32, #tpu.memory_space<hbm>>)
      tpu.yield
    }) : () -> ()
    %add3A_235 = arith.constant 400 : i32
    %add3A_236 = arith.addi %mul3A_0, %add3A_235 : i32
    "tpu.region"() ({
      %run_scoped3A_259 = tpu.sem_alloc : memref<!tpu.dma_semaphore, #tpu.memory_space<semaphore_mem>>
      %dma_start3A_260 = arith.constant 0 : i32
      %dma_start3A_261 = tpu.memref_slice %arg16[%add3A_236, %dma_start3A_260] : memref<10240x64xf32, #tpu.memory_space<vmem_shared>> -> memref<80x64xf32, #tpu.memory_space<vmem_shared>>
      %dma_start3A_262 = arith.constant 0 : i32
      %dma_start3A_263 = tpu.memref_slice %arg16[%add3A_236, %dma_start3A_262] : memref<10240x64xf32, #tpu.memory_space<vmem_shared>> -> memref<80x64xf32, #tpu.memory_space<vmem_shared>>
      tpu.enqueue_dma source(%dma_start3A_263 : memref<80x64xf32, #tpu.memory_space<vmem_shared>>) target(%arg10 : memref<80x64xf32, #tpu.memory_space<vmem>>) target_semaphore(%run_scoped3A_259 : memref<!tpu.dma_semaphore, #tpu.memory_space<semaphore_mem>>)
      %dma_wait3A_264 = arith.constant 0 : i32
      %dma_wait3A_265 = tpu.memref_slice %arg16[%add3A_236, %dma_wait3A_264] : memref<10240x64xf32, #tpu.memory_space<vmem_shared>> -> memref<80x64xf32, #tpu.memory_space<vmem_shared>>
      %dma_wait3A_266 = arith.constant 0 : i32
      %dma_wait3A_267 = tpu.memref_slice %arg16[%add3A_236, %dma_wait3A_266] : memref<10240x64xf32, #tpu.memory_space<vmem_shared>> -> memref<80x64xf32, #tpu.memory_space<vmem_shared>>
      tpu.wait_dma2 semaphore(%run_scoped3A_259 : memref<!tpu.dma_semaphore, #tpu.memory_space<semaphore_mem>>) src(%dma_wait3A_267 : memref<80x64xf32, #tpu.memory_space<vmem_shared>>) dst(%arg10 : memref<80x64xf32, #tpu.memory_space<vmem>>)
      tpu.yield
    }) : () -> ()
    "tpu.region"() ({
      %run_scoped3A_259 = tpu.sem_alloc : memref<!tpu.dma_semaphore, #tpu.memory_space<semaphore_mem>>
      %dma_start3A_260 = arith.constant 0 : i32
      %dma_start3A_261 = tpu.memref_slice %arg15[%add3A_236, %dma_start3A_260] : memref<10240x64xf32, #tpu.memory_space<vmem_shared>> -> memref<80x64xf32, #tpu.memory_space<vmem_shared>>
      %dma_start3A_262 = arith.constant 0 : i32
      %dma_start3A_263 = tpu.memref_slice %arg15[%add3A_236, %dma_start3A_262] : memref<10240x64xf32, #tpu.memory_space<vmem_shared>> -> memref<80x64xf32, #tpu.memory_space<vmem_shared>>
      tpu.enqueue_dma source(%dma_start3A_263 : memref<80x64xf32, #tpu.memory_space<vmem_shared>>) target(%arg11 : memref<80x64xf32, #tpu.memory_space<vmem>>) target_semaphore(%run_scoped3A_259 : memref<!tpu.dma_semaphore, #tpu.memory_space<semaphore_mem>>)
      %dma_wait3A_264 = arith.constant 0 : i32
      %dma_wait3A_265 = tpu.memref_slice %arg15[%add3A_236, %dma_wait3A_264] : memref<10240x64xf32, #tpu.memory_space<vmem_shared>> -> memref<80x64xf32, #tpu.memory_space<vmem_shared>>
      %dma_wait3A_266 = arith.constant 0 : i32
      %dma_wait3A_267 = tpu.memref_slice %arg15[%add3A_236, %dma_wait3A_266] : memref<10240x64xf32, #tpu.memory_space<vmem_shared>> -> memref<80x64xf32, #tpu.memory_space<vmem_shared>>
      tpu.wait_dma2 semaphore(%run_scoped3A_259 : memref<!tpu.dma_semaphore, #tpu.memory_space<semaphore_mem>>) src(%dma_wait3A_267 : memref<80x64xf32, #tpu.memory_space<vmem_shared>>) dst(%arg11 : memref<80x64xf32, #tpu.memory_space<vmem>>)
      tpu.yield
    }) : () -> ()
    %scan3A_237 = arith.constant 0 : i32
    %scan3A_238 = arith.constant 0 : i32
    %scan3A_239 = arith.constant 80 : i32
    %scan3A_240 = arith.addi %scan3A_238, %scan3A_239 : i32
    %scan3A_241 = arith.constant 1 : i32
    scf.for %scan3A_259 = %scan3A_238 to %scan3A_240 step %scan3A_241  : i32 {
      %add3A_260 = arith.constant 400 : i32
      %add3A_261 = arith.addi %add3A_260, %scan3A_259 : i32
      %get3A = arith.index_cast %add3A_261 : i32 to index
      %get3A_262 = arith.constant 0 : index
      %get3A_263 = tpu.vector_load %arg13[%get3A, %get3A_262] {strides = array<i32>} : memref<640x16xf32, #tpu.memory_space<vmem>>, vector<1x16xf32>,
      %get3A_264 = vector.shape_cast %get3A_263 : vector<1x16xf32> to vector<16xf32>
      %get3A_265 = arith.index_cast %scan3A_259 : i32 to index
      %get3A_266 = arith.constant 0 : index
      %get3A_267 = tpu.vector_load %arg11[%get3A_265, %get3A_266] {strides = array<i32>} : memref<80x64xf32, #tpu.memory_space<vmem>>, vector<1x16xf32>,
      %get3A_268 = vector.shape_cast %get3A_267 : vector<1x16xf32> to vector<16xf32>
      %get3A_269 = arith.index_cast %scan3A_259 : i32 to index
      %get3A_270 = arith.constant 0 : index
      %get3A_271 = tpu.vector_load %arg10[%get3A_269, %get3A_270] {strides = array<i32>} : memref<80x64xf32, #tpu.memory_space<vmem>>, vector<1x16xf32>,
      %get3A_272 = vector.shape_cast %get3A_271 : vector<1x16xf32> to vector<16xf32>
      %add3A_273 = arith.addf %get3A_268, %get3A_272 : vector<16xf32>
      %mul3A_274 = arith.mulf %get3A_264, %add3A_273 : vector<16xf32>
      %swap3A = arith.index_cast %scan3A_259 : i32 to index
      %swap3A_275 = arith.constant 0 : index
      %swap3A_276 = tpu.vector_load %arg11[%swap3A, %swap3A_275] {strides = array<i32>} : memref<80x64xf32, #tpu.memory_space<vmem>>, vector<1x16xf32>,
      %swap3A_277 = vector.shape_cast %swap3A_276 : vector<1x16xf32> to vector<16xf32>
      %swap3A_278 = vector.shape_cast %mul3A_274 : vector<16xf32> to vector<1x16xf32>
      tpu.vector_store %arg11[%swap3A, %swap3A_275], %swap3A_278 {strides = array<i32>} : memref<80x64xf32, #tpu.memory_space<vmem>>, vector<1x16xf32>,
      %get3A_279 = arith.index_cast %scan3A_259 : i32 to index
      %get3A_280 = arith.constant 16 : index
      %get3A_281 = tpu.vector_load %arg11[%get3A_279, %get3A_280] {strides = array<i32>} : memref<80x64xf32, #tpu.memory_space<vmem>>, vector<1x16xf32>,
      %get3A_282 = vector.shape_cast %get3A_281 : vector<1x16xf32> to vector<16xf32>
      %get3A_283 = arith.index_cast %scan3A_259 : i32 to index
      %get3A_284 = arith.constant 16 : index
      %get3A_285 = tpu.vector_load %arg10[%get3A_283, %get3A_284] {strides = array<i32>} : memref<80x64xf32, #tpu.memory_space<vmem>>, vector<1x16xf32>,
      %get3A_286 = vector.shape_cast %get3A_285 : vector<1x16xf32> to vector<16xf32>
      %add3A_287 = arith.addf %get3A_282, %get3A_286 : vector<16xf32>
      %mul3A_288 = arith.mulf %get3A_264, %add3A_287 : vector<16xf32>
      %swap3A_289 = arith.index_cast %scan3A_259 : i32 to index
      %swap3A_290 = arith.constant 16 : index
      %swap3A_291 = tpu.vector_load %arg11[%swap3A_289, %swap3A_290] {strides = array<i32>} : memref<80x64xf32, #tpu.memory_space<vmem>>, vector<1x16xf32>,
      %swap3A_292 = vector.shape_cast %swap3A_291 : vector<1x16xf32> to vector<16xf32>
      %swap3A_293 = vector.shape_cast %mul3A_288 : vector<16xf32> to vector<1x16xf32>
      tpu.vector_store %arg11[%swap3A_289, %swap3A_290], %swap3A_293 {strides = array<i32>} : memref<80x64xf32, #tpu.memory_space<vmem>>, vector<1x16xf32>,
      %get3A_294 = arith.index_cast %scan3A_259 : i32 to index
      %get3A_295 = arith.constant 32 : index
      %get3A_296 = tpu.vector_load %arg11[%get3A_294, %get3A_295] {strides = array<i32>} : memref<80x64xf32, #tpu.memory_space<vmem>>, vector<1x16xf32>,
      %get3A_297 = vector.shape_cast %get3A_296 : vector<1x16xf32> to vector<16xf32>
      %get3A_298 = arith.index_cast %scan3A_259 : i32 to index
      %get3A_299 = arith.constant 32 : index
      %get3A_300 = tpu.vector_load %arg10[%get3A_298, %get3A_299] {strides = array<i32>} : memref<80x64xf32, #tpu.memory_space<vmem>>, vector<1x16xf32>,
      %get3A_301 = vector.shape_cast %get3A_300 : vector<1x16xf32> to vector<16xf32>
      %add3A_302 = arith.addf %get3A_297, %get3A_301 : vector<16xf32>
      %mul3A_303 = arith.mulf %get3A_264, %add3A_302 : vector<16xf32>
      %swap3A_304 = arith.index_cast %scan3A_259 : i32 to index
      %swap3A_305 = arith.constant 32 : index
      %swap3A_306 = tpu.vector_load %arg11[%swap3A_304, %swap3A_305] {strides = array<i32>} : memref<80x64xf32, #tpu.memory_space<vmem>>, vector<1x16xf32>,
      %swap3A_307 = vector.shape_cast %swap3A_306 : vector<1x16xf32> to vector<16xf32>
      %swap3A_308 = vector.shape_cast %mul3A_303 : vector<16xf32> to vector<1x16xf32>
      tpu.vector_store %arg11[%swap3A_304, %swap3A_305], %swap3A_308 {strides = array<i32>} : memref<80x64xf32, #tpu.memory_space<vmem>>, vector<1x16xf32>,
      %get3A_309 = arith.index_cast %scan3A_259 : i32 to index
      %get3A_310 = arith.constant 48 : index
      %get3A_311 = tpu.vector_load %arg11[%get3A_309, %get3A_310] {strides = array<i32>} : memref<80x64xf32, #tpu.memory_space<vmem>>, vector<1x16xf32>,
      %get3A_312 = vector.shape_cast %get3A_311 : vector<1x16xf32> to vector<16xf32>
      %get3A_313 = arith.index_cast %scan3A_259 : i32 to index
      %get3A_314 = arith.constant 48 : index
      %get3A_315 = tpu.vector_load %arg10[%get3A_313, %get3A_314] {strides = array<i32>} : memref<80x64xf32, #tpu.memory_space<vmem>>, vector<1x16xf32>,
      %get3A_316 = vector.shape_cast %get3A_315 : vector<1x16xf32> to vector<16xf32>
      %add3A_317 = arith.addf %get3A_312, %get3A_316 : vector<16xf32>
      %mul3A_318 = arith.mulf %get3A_264, %add3A_317 : vector<16xf32>
      %swap3A_319 = arith.index_cast %scan3A_259 : i32 to index
      %swap3A_320 = arith.constant 48 : index
      %swap3A_321 = tpu.vector_load %arg11[%swap3A_319, %swap3A_320] {strides = array<i32>} : memref<80x64xf32, #tpu.memory_space<vmem>>, vector<1x16xf32>,
      %swap3A_322 = vector.shape_cast %swap3A_321 : vector<1x16xf32> to vector<16xf32>
      %swap3A_323 = vector.shape_cast %mul3A_318 : vector<16xf32> to vector<1x16xf32>
      tpu.vector_store %arg11[%swap3A_319, %swap3A_320], %swap3A_323 {strides = array<i32>} : memref<80x64xf32, #tpu.memory_space<vmem>>, vector<1x16xf32>,
    }
    %scan3A_242 = arith.constant 80 : i32
    "tpu.region"() ({
      %run_scoped3A_259 = tpu.sem_alloc : memref<!tpu.dma_semaphore, #tpu.memory_space<semaphore_mem>>
      %dma_start3A_260 = arith.constant 0 : i32
      %dma_start3A_261 = tpu.memref_slice %arg7[%arg0, %add3A_236, %dma_start3A_260] : memref<2x10240x64xf32, #tpu.memory_space<hbm>> -> memref<1x80x64xf32, #tpu.memory_space<hbm>>
      %dma_start3A_262 = tpu.memref_squeeze %dma_start3A_261 : memref<1x80x64xf32, #tpu.memory_space<hbm>> -> memref<80x64xf32, #tpu.memory_space<hbm>>
      %dma_start3A_263 = arith.constant 0 : i32
      %dma_start3A_264 = tpu.memref_slice %arg7[%arg0, %add3A_236, %dma_start3A_263] : memref<2x10240x64xf32, #tpu.memory_space<hbm>> -> memref<1x80x64xf32, #tpu.memory_space<hbm>>
      %dma_start3A_265 = tpu.memref_squeeze %dma_start3A_264 : memref<1x80x64xf32, #tpu.memory_space<hbm>> -> memref<80x64xf32, #tpu.memory_space<hbm>>
      tpu.enqueue_dma source(%arg11 : memref<80x64xf32, #tpu.memory_space<vmem>>) target(%dma_start3A_265 : memref<80x64xf32, #tpu.memory_space<hbm>>) target_semaphore(%run_scoped3A_259 : memref<!tpu.dma_semaphore, #tpu.memory_space<semaphore_mem>>)
      %dma_wait3A_266 = arith.constant 0 : i32
      %dma_wait3A_267 = tpu.memref_slice %arg7[%arg0, %add3A_236, %dma_wait3A_266] : memref<2x10240x64xf32, #tpu.memory_space<hbm>> -> memref<1x80x64xf32, #tpu.memory_space<hbm>>
      %dma_wait3A_268 = tpu.memref_squeeze %dma_wait3A_267 : memref<1x80x64xf32, #tpu.memory_space<hbm>> -> memref<80x64xf32, #tpu.memory_space<hbm>>
      %dma_wait3A_269 = arith.constant 0 : i32
      %dma_wait3A_270 = tpu.memref_slice %arg7[%arg0, %add3A_236, %dma_wait3A_269] : memref<2x10240x64xf32, #tpu.memory_space<hbm>> -> memref<1x80x64xf32, #tpu.memory_space<hbm>>
      %dma_wait3A_271 = tpu.memref_squeeze %dma_wait3A_270 : memref<1x80x64xf32, #tpu.memory_space<hbm>> -> memref<80x64xf32, #tpu.memory_space<hbm>>
      tpu.wait_dma2 semaphore(%run_scoped3A_259 : memref<!tpu.dma_semaphore, #tpu.memory_space<semaphore_mem>>) src(%arg11 : memref<80x64xf32, #tpu.memory_space<vmem>>) dst(%dma_wait3A_271 : memref<80x64xf32, #tpu.memory_space<hbm>>)
      tpu.yield
    }) : () -> ()
    %add3A_243 = arith.constant 480 : i32
    %add3A_244 = arith.addi %mul3A_0, %add3A_243 : i32
    "tpu.region"() ({
      %run_scoped3A_259 = tpu.sem_alloc : memref<!tpu.dma_semaphore, #tpu.memory_space<semaphore_mem>>
      %dma_start3A_260 = arith.constant 0 : i32
      %dma_start3A_261 = tpu.memref_slice %arg16[%add3A_244, %dma_start3A_260] : memref<10240x64xf32, #tpu.memory_space<vmem_shared>> -> memref<80x64xf32, #tpu.memory_space<vmem_shared>>
      %dma_start3A_262 = arith.constant 0 : i32
      %dma_start3A_263 = tpu.memref_slice %arg16[%add3A_244, %dma_start3A_262] : memref<10240x64xf32, #tpu.memory_space<vmem_shared>> -> memref<80x64xf32, #tpu.memory_space<vmem_shared>>
      tpu.enqueue_dma source(%dma_start3A_263 : memref<80x64xf32, #tpu.memory_space<vmem_shared>>) target(%arg10 : memref<80x64xf32, #tpu.memory_space<vmem>>) target_semaphore(%run_scoped3A_259 : memref<!tpu.dma_semaphore, #tpu.memory_space<semaphore_mem>>)
      %dma_wait3A_264 = arith.constant 0 : i32
      %dma_wait3A_265 = tpu.memref_slice %arg16[%add3A_244, %dma_wait3A_264] : memref<10240x64xf32, #tpu.memory_space<vmem_shared>> -> memref<80x64xf32, #tpu.memory_space<vmem_shared>>
      %dma_wait3A_266 = arith.constant 0 : i32
      %dma_wait3A_267 = tpu.memref_slice %arg16[%add3A_244, %dma_wait3A_266] : memref<10240x64xf32, #tpu.memory_space<vmem_shared>> -> memref<80x64xf32, #tpu.memory_space<vmem_shared>>
      tpu.wait_dma2 semaphore(%run_scoped3A_259 : memref<!tpu.dma_semaphore, #tpu.memory_space<semaphore_mem>>) src(%dma_wait3A_267 : memref<80x64xf32, #tpu.memory_space<vmem_shared>>) dst(%arg10 : memref<80x64xf32, #tpu.memory_space<vmem>>)
      tpu.yield
    }) : () -> ()
    "tpu.region"() ({
      %run_scoped3A_259 = tpu.sem_alloc : memref<!tpu.dma_semaphore, #tpu.memory_space<semaphore_mem>>
      %dma_start3A_260 = arith.constant 0 : i32
      %dma_start3A_261 = tpu.memref_slice %arg15[%add3A_244, %dma_start3A_260] : memref<10240x64xf32, #tpu.memory_space<vmem_shared>> -> memref<80x64xf32, #tpu.memory_space<vmem_shared>>
      %dma_start3A_262 = arith.constant 0 : i32
      %dma_start3A_263 = tpu.memref_slice %arg15[%add3A_244, %dma_start3A_262] : memref<10240x64xf32, #tpu.memory_space<vmem_shared>> -> memref<80x64xf32, #tpu.memory_space<vmem_shared>>
      tpu.enqueue_dma source(%dma_start3A_263 : memref<80x64xf32, #tpu.memory_space<vmem_shared>>) target(%arg11 : memref<80x64xf32, #tpu.memory_space<vmem>>) target_semaphore(%run_scoped3A_259 : memref<!tpu.dma_semaphore, #tpu.memory_space<semaphore_mem>>)
      %dma_wait3A_264 = arith.constant 0 : i32
      %dma_wait3A_265 = tpu.memref_slice %arg15[%add3A_244, %dma_wait3A_264] : memref<10240x64xf32, #tpu.memory_space<vmem_shared>> -> memref<80x64xf32, #tpu.memory_space<vmem_shared>>
      %dma_wait3A_266 = arith.constant 0 : i32
      %dma_wait3A_267 = tpu.memref_slice %arg15[%add3A_244, %dma_wait3A_266] : memref<10240x64xf32, #tpu.memory_space<vmem_shared>> -> memref<80x64xf32, #tpu.memory_space<vmem_shared>>
      tpu.wait_dma2 semaphore(%run_scoped3A_259 : memref<!tpu.dma_semaphore, #tpu.memory_space<semaphore_mem>>) src(%dma_wait3A_267 : memref<80x64xf32, #tpu.memory_space<vmem_shared>>) dst(%arg11 : memref<80x64xf32, #tpu.memory_space<vmem>>)
      tpu.yield
    }) : () -> ()
    %scan3A_245 = arith.constant 0 : i32
    %scan3A_246 = arith.constant 0 : i32
    %scan3A_247 = arith.constant 80 : i32
    %scan3A_248 = arith.addi %scan3A_246, %scan3A_247 : i32
    %scan3A_249 = arith.constant 1 : i32
    scf.for %scan3A_259 = %scan3A_246 to %scan3A_248 step %scan3A_249  : i32 {
      %add3A_260 = arith.constant 480 : i32
      %add3A_261 = arith.addi %add3A_260, %scan3A_259 : i32
      %get3A = arith.index_cast %add3A_261 : i32 to index
      %get3A_262 = arith.constant 0 : index
      %get3A_263 = tpu.vector_load %arg13[%get3A, %get3A_262] {strides = array<i32>} : memref<640x16xf32, #tpu.memory_space<vmem>>, vector<1x16xf32>,
      %get3A_264 = vector.shape_cast %get3A_263 : vector<1x16xf32> to vector<16xf32>
      %get3A_265 = arith.index_cast %scan3A_259 : i32 to index
      %get3A_266 = arith.constant 0 : index
      %get3A_267 = tpu.vector_load %arg11[%get3A_265, %get3A_266] {strides = array<i32>} : memref<80x64xf32, #tpu.memory_space<vmem>>, vector<1x16xf32>,
      %get3A_268 = vector.shape_cast %get3A_267 : vector<1x16xf32> to vector<16xf32>
      %get3A_269 = arith.index_cast %scan3A_259 : i32 to index
      %get3A_270 = arith.constant 0 : index
      %get3A_271 = tpu.vector_load %arg10[%get3A_269, %get3A_270] {strides = array<i32>} : memref<80x64xf32, #tpu.memory_space<vmem>>, vector<1x16xf32>,
      %get3A_272 = vector.shape_cast %get3A_271 : vector<1x16xf32> to vector<16xf32>
      %add3A_273 = arith.addf %get3A_268, %get3A_272 : vector<16xf32>
      %mul3A_274 = arith.mulf %get3A_264, %add3A_273 : vector<16xf32>
      %swap3A = arith.index_cast %scan3A_259 : i32 to index
      %swap3A_275 = arith.constant 0 : index
      %swap3A_276 = tpu.vector_load %arg11[%swap3A, %swap3A_275] {strides = array<i32>} : memref<80x64xf32, #tpu.memory_space<vmem>>, vector<1x16xf32>,
      %swap3A_277 = vector.shape_cast %swap3A_276 : vector<1x16xf32> to vector<16xf32>
      %swap3A_278 = vector.shape_cast %mul3A_274 : vector<16xf32> to vector<1x16xf32>
      tpu.vector_store %arg11[%swap3A, %swap3A_275], %swap3A_278 {strides = array<i32>} : memref<80x64xf32, #tpu.memory_space<vmem>>, vector<1x16xf32>,
      %get3A_279 = arith.index_cast %scan3A_259 : i32 to index
      %get3A_280 = arith.constant 16 : index
      %get3A_281 = tpu.vector_load %arg11[%get3A_279, %get3A_280] {strides = array<i32>} : memref<80x64xf32, #tpu.memory_space<vmem>>, vector<1x16xf32>,
      %get3A_282 = vector.shape_cast %get3A_281 : vector<1x16xf32> to vector<16xf32>
      %get3A_283 = arith.index_cast %scan3A_259 : i32 to index
      %get3A_284 = arith.constant 16 : index
      %get3A_285 = tpu.vector_load %arg10[%get3A_283, %get3A_284] {strides = array<i32>} : memref<80x64xf32, #tpu.memory_space<vmem>>, vector<1x16xf32>,
      %get3A_286 = vector.shape_cast %get3A_285 : vector<1x16xf32> to vector<16xf32>
      %add3A_287 = arith.addf %get3A_282, %get3A_286 : vector<16xf32>
      %mul3A_288 = arith.mulf %get3A_264, %add3A_287 : vector<16xf32>
      %swap3A_289 = arith.index_cast %scan3A_259 : i32 to index
      %swap3A_290 = arith.constant 16 : index
      %swap3A_291 = tpu.vector_load %arg11[%swap3A_289, %swap3A_290] {strides = array<i32>} : memref<80x64xf32, #tpu.memory_space<vmem>>, vector<1x16xf32>,
      %swap3A_292 = vector.shape_cast %swap3A_291 : vector<1x16xf32> to vector<16xf32>
      %swap3A_293 = vector.shape_cast %mul3A_288 : vector<16xf32> to vector<1x16xf32>
      tpu.vector_store %arg11[%swap3A_289, %swap3A_290], %swap3A_293 {strides = array<i32>} : memref<80x64xf32, #tpu.memory_space<vmem>>, vector<1x16xf32>,
      %get3A_294 = arith.index_cast %scan3A_259 : i32 to index
      %get3A_295 = arith.constant 32 : index
      %get3A_296 = tpu.vector_load %arg11[%get3A_294, %get3A_295] {strides = array<i32>} : memref<80x64xf32, #tpu.memory_space<vmem>>, vector<1x16xf32>,
      %get3A_297 = vector.shape_cast %get3A_296 : vector<1x16xf32> to vector<16xf32>
      %get3A_298 = arith.index_cast %scan3A_259 : i32 to index
      %get3A_299 = arith.constant 32 : index
      %get3A_300 = tpu.vector_load %arg10[%get3A_298, %get3A_299] {strides = array<i32>} : memref<80x64xf32, #tpu.memory_space<vmem>>, vector<1x16xf32>,
      %get3A_301 = vector.shape_cast %get3A_300 : vector<1x16xf32> to vector<16xf32>
      %add3A_302 = arith.addf %get3A_297, %get3A_301 : vector<16xf32>
      %mul3A_303 = arith.mulf %get3A_264, %add3A_302 : vector<16xf32>
      %swap3A_304 = arith.index_cast %scan3A_259 : i32 to index
      %swap3A_305 = arith.constant 32 : index
      %swap3A_306 = tpu.vector_load %arg11[%swap3A_304, %swap3A_305] {strides = array<i32>} : memref<80x64xf32, #tpu.memory_space<vmem>>, vector<1x16xf32>,
      %swap3A_307 = vector.shape_cast %swap3A_306 : vector<1x16xf32> to vector<16xf32>
      %swap3A_308 = vector.shape_cast %mul3A_303 : vector<16xf32> to vector<1x16xf32>
      tpu.vector_store %arg11[%swap3A_304, %swap3A_305], %swap3A_308 {strides = array<i32>} : memref<80x64xf32, #tpu.memory_space<vmem>>, vector<1x16xf32>,
      %get3A_309 = arith.index_cast %scan3A_259 : i32 to index
      %get3A_310 = arith.constant 48 : index
      %get3A_311 = tpu.vector_load %arg11[%get3A_309, %get3A_310] {strides = array<i32>} : memref<80x64xf32, #tpu.memory_space<vmem>>, vector<1x16xf32>,
      %get3A_312 = vector.shape_cast %get3A_311 : vector<1x16xf32> to vector<16xf32>
      %get3A_313 = arith.index_cast %scan3A_259 : i32 to index
      %get3A_314 = arith.constant 48 : index
      %get3A_315 = tpu.vector_load %arg10[%get3A_313, %get3A_314] {strides = array<i32>} : memref<80x64xf32, #tpu.memory_space<vmem>>, vector<1x16xf32>,
      %get3A_316 = vector.shape_cast %get3A_315 : vector<1x16xf32> to vector<16xf32>
      %add3A_317 = arith.addf %get3A_312, %get3A_316 : vector<16xf32>
      %mul3A_318 = arith.mulf %get3A_264, %add3A_317 : vector<16xf32>
      %swap3A_319 = arith.index_cast %scan3A_259 : i32 to index
      %swap3A_320 = arith.constant 48 : index
      %swap3A_321 = tpu.vector_load %arg11[%swap3A_319, %swap3A_320] {strides = array<i32>} : memref<80x64xf32, #tpu.memory_space<vmem>>, vector<1x16xf32>,
      %swap3A_322 = vector.shape_cast %swap3A_321 : vector<1x16xf32> to vector<16xf32>
      %swap3A_323 = vector.shape_cast %mul3A_318 : vector<16xf32> to vector<1x16xf32>
      tpu.vector_store %arg11[%swap3A_319, %swap3A_320], %swap3A_323 {strides = array<i32>} : memref<80x64xf32, #tpu.memory_space<vmem>>, vector<1x16xf32>,
    }
    %scan3A_250 = arith.constant 80 : i32
    "tpu.region"() ({
      %run_scoped3A_259 = tpu.sem_alloc : memref<!tpu.dma_semaphore, #tpu.memory_space<semaphore_mem>>
      %dma_start3A_260 = arith.constant 0 : i32
      %dma_start3A_261 = tpu.memref_slice %arg7[%arg0, %add3A_244, %dma_start3A_260] : memref<2x10240x64xf32, #tpu.memory_space<hbm>> -> memref<1x80x64xf32, #tpu.memory_space<hbm>>
      %dma_start3A_262 = tpu.memref_squeeze %dma_start3A_261 : memref<1x80x64xf32, #tpu.memory_space<hbm>> -> memref<80x64xf32, #tpu.memory_space<hbm>>
      %dma_start3A_263 = arith.constant 0 : i32
      %dma_start3A_264 = tpu.memref_slice %arg7[%arg0, %add3A_244, %dma_start3A_263] : memref<2x10240x64xf32, #tpu.memory_space<hbm>> -> memref<1x80x64xf32, #tpu.memory_space<hbm>>
      %dma_start3A_265 = tpu.memref_squeeze %dma_start3A_264 : memref<1x80x64xf32, #tpu.memory_space<hbm>> -> memref<80x64xf32, #tpu.memory_space<hbm>>
      tpu.enqueue_dma source(%arg11 : memref<80x64xf32, #tpu.memory_space<vmem>>) target(%dma_start3A_265 : memref<80x64xf32, #tpu.memory_space<hbm>>) target_semaphore(%run_scoped3A_259 : memref<!tpu.dma_semaphore, #tpu.memory_space<semaphore_mem>>)
      %dma_wait3A_266 = arith.constant 0 : i32
      %dma_wait3A_267 = tpu.memref_slice %arg7[%arg0, %add3A_244, %dma_wait3A_266] : memref<2x10240x64xf32, #tpu.memory_space<hbm>> -> memref<1x80x64xf32, #tpu.memory_space<hbm>>
      %dma_wait3A_268 = tpu.memref_squeeze %dma_wait3A_267 : memref<1x80x64xf32, #tpu.memory_space<hbm>> -> memref<80x64xf32, #tpu.memory_space<hbm>>
      %dma_wait3A_269 = arith.constant 0 : i32
      %dma_wait3A_270 = tpu.memref_slice %arg7[%arg0, %add3A_244, %dma_wait3A_269] : memref<2x10240x64xf32, #tpu.memory_space<hbm>> -> memref<1x80x64xf32, #tpu.memory_space<hbm>>
      %dma_wait3A_271 = tpu.memref_squeeze %dma_wait3A_270 : memref<1x80x64xf32, #tpu.memory_space<hbm>> -> memref<80x64xf32, #tpu.memory_space<hbm>>
      tpu.wait_dma2 semaphore(%run_scoped3A_259 : memref<!tpu.dma_semaphore, #tpu.memory_space<semaphore_mem>>) src(%arg11 : memref<80x64xf32, #tpu.memory_space<vmem>>) dst(%dma_wait3A_271 : memref<80x64xf32, #tpu.memory_space<hbm>>)
      tpu.yield
    }) : () -> ()
    %add3A_251 = arith.constant 560 : i32
    %add3A_252 = arith.addi %mul3A_0, %add3A_251 : i32
    "tpu.region"() ({
      %run_scoped3A_259 = tpu.sem_alloc : memref<!tpu.dma_semaphore, #tpu.memory_space<semaphore_mem>>
      %dma_start3A_260 = arith.constant 0 : i32
      %dma_start3A_261 = tpu.memref_slice %arg16[%add3A_252, %dma_start3A_260] : memref<10240x64xf32, #tpu.memory_space<vmem_shared>> -> memref<80x64xf32, #tpu.memory_space<vmem_shared>>
      %dma_start3A_262 = arith.constant 0 : i32
      %dma_start3A_263 = tpu.memref_slice %arg16[%add3A_252, %dma_start3A_262] : memref<10240x64xf32, #tpu.memory_space<vmem_shared>> -> memref<80x64xf32, #tpu.memory_space<vmem_shared>>
      tpu.enqueue_dma source(%dma_start3A_263 : memref<80x64xf32, #tpu.memory_space<vmem_shared>>) target(%arg10 : memref<80x64xf32, #tpu.memory_space<vmem>>) target_semaphore(%run_scoped3A_259 : memref<!tpu.dma_semaphore, #tpu.memory_space<semaphore_mem>>)
      %dma_wait3A_264 = arith.constant 0 : i32
      %dma_wait3A_265 = tpu.memref_slice %arg16[%add3A_252, %dma_wait3A_264] : memref<10240x64xf32, #tpu.memory_space<vmem_shared>> -> memref<80x64xf32, #tpu.memory_space<vmem_shared>>
      %dma_wait3A_266 = arith.constant 0 : i32
      %dma_wait3A_267 = tpu.memref_slice %arg16[%add3A_252, %dma_wait3A_266] : memref<10240x64xf32, #tpu.memory_space<vmem_shared>> -> memref<80x64xf32, #tpu.memory_space<vmem_shared>>
      tpu.wait_dma2 semaphore(%run_scoped3A_259 : memref<!tpu.dma_semaphore, #tpu.memory_space<semaphore_mem>>) src(%dma_wait3A_267 : memref<80x64xf32, #tpu.memory_space<vmem_shared>>) dst(%arg10 : memref<80x64xf32, #tpu.memory_space<vmem>>)
      tpu.yield
    }) : () -> ()
    "tpu.region"() ({
      %run_scoped3A_259 = tpu.sem_alloc : memref<!tpu.dma_semaphore, #tpu.memory_space<semaphore_mem>>
      %dma_start3A_260 = arith.constant 0 : i32
      %dma_start3A_261 = tpu.memref_slice %arg15[%add3A_252, %dma_start3A_260] : memref<10240x64xf32, #tpu.memory_space<vmem_shared>> -> memref<80x64xf32, #tpu.memory_space<vmem_shared>>
      %dma_start3A_262 = arith.constant 0 : i32
      %dma_start3A_263 = tpu.memref_slice %arg15[%add3A_252, %dma_start3A_262] : memref<10240x64xf32, #tpu.memory_space<vmem_shared>> -> memref<80x64xf32, #tpu.memory_space<vmem_shared>>
      tpu.enqueue_dma source(%dma_start3A_263 : memref<80x64xf32, #tpu.memory_space<vmem_shared>>) target(%arg11 : memref<80x64xf32, #tpu.memory_space<vmem>>) target_semaphore(%run_scoped3A_259 : memref<!tpu.dma_semaphore, #tpu.memory_space<semaphore_mem>>)
      %dma_wait3A_264 = arith.constant 0 : i32
      %dma_wait3A_265 = tpu.memref_slice %arg15[%add3A_252, %dma_wait3A_264] : memref<10240x64xf32, #tpu.memory_space<vmem_shared>> -> memref<80x64xf32, #tpu.memory_space<vmem_shared>>
      %dma_wait3A_266 = arith.constant 0 : i32
      %dma_wait3A_267 = tpu.memref_slice %arg15[%add3A_252, %dma_wait3A_266] : memref<10240x64xf32, #tpu.memory_space<vmem_shared>> -> memref<80x64xf32, #tpu.memory_space<vmem_shared>>
      tpu.wait_dma2 semaphore(%run_scoped3A_259 : memref<!tpu.dma_semaphore, #tpu.memory_space<semaphore_mem>>) src(%dma_wait3A_267 : memref<80x64xf32, #tpu.memory_space<vmem_shared>>) dst(%arg11 : memref<80x64xf32, #tpu.memory_space<vmem>>)
      tpu.yield
    }) : () -> ()
    %scan3A_253 = arith.constant 0 : i32
    %scan3A_254 = arith.constant 0 : i32
    %scan3A_255 = arith.constant 80 : i32
    %scan3A_256 = arith.addi %scan3A_254, %scan3A_255 : i32
    %scan3A_257 = arith.constant 1 : i32
    scf.for %scan3A_259 = %scan3A_254 to %scan3A_256 step %scan3A_257  : i32 {
      %add3A_260 = arith.constant 560 : i32
      %add3A_261 = arith.addi %add3A_260, %scan3A_259 : i32
      %get3A = arith.index_cast %add3A_261 : i32 to index
      %get3A_262 = arith.constant 0 : index
      %get3A_263 = tpu.vector_load %arg13[%get3A, %get3A_262] {strides = array<i32>} : memref<640x16xf32, #tpu.memory_space<vmem>>, vector<1x16xf32>,
      %get3A_264 = vector.shape_cast %get3A_263 : vector<1x16xf32> to vector<16xf32>
      %get3A_265 = arith.index_cast %scan3A_259 : i32 to index
      %get3A_266 = arith.constant 0 : index
      %get3A_267 = tpu.vector_load %arg11[%get3A_265, %get3A_266] {strides = array<i32>} : memref<80x64xf32, #tpu.memory_space<vmem>>, vector<1x16xf32>,
      %get3A_268 = vector.shape_cast %get3A_267 : vector<1x16xf32> to vector<16xf32>
      %get3A_269 = arith.index_cast %scan3A_259 : i32 to index
      %get3A_270 = arith.constant 0 : index
      %get3A_271 = tpu.vector_load %arg10[%get3A_269, %get3A_270] {strides = array<i32>} : memref<80x64xf32, #tpu.memory_space<vmem>>, vector<1x16xf32>,
      %get3A_272 = vector.shape_cast %get3A_271 : vector<1x16xf32> to vector<16xf32>
      %add3A_273 = arith.addf %get3A_268, %get3A_272 : vector<16xf32>
      %mul3A_274 = arith.mulf %get3A_264, %add3A_273 : vector<16xf32>
      %swap3A = arith.index_cast %scan3A_259 : i32 to index
      %swap3A_275 = arith.constant 0 : index
      %swap3A_276 = tpu.vector_load %arg11[%swap3A, %swap3A_275] {strides = array<i32>} : memref<80x64xf32, #tpu.memory_space<vmem>>, vector<1x16xf32>,
      %swap3A_277 = vector.shape_cast %swap3A_276 : vector<1x16xf32> to vector<16xf32>
      %swap3A_278 = vector.shape_cast %mul3A_274 : vector<16xf32> to vector<1x16xf32>
      tpu.vector_store %arg11[%swap3A, %swap3A_275], %swap3A_278 {strides = array<i32>} : memref<80x64xf32, #tpu.memory_space<vmem>>, vector<1x16xf32>,
      %get3A_279 = arith.index_cast %scan3A_259 : i32 to index
      %get3A_280 = arith.constant 16 : index
      %get3A_281 = tpu.vector_load %arg11[%get3A_279, %get3A_280] {strides = array<i32>} : memref<80x64xf32, #tpu.memory_space<vmem>>, vector<1x16xf32>,
      %get3A_282 = vector.shape_cast %get3A_281 : vector<1x16xf32> to vector<16xf32>
      %get3A_283 = arith.index_cast %scan3A_259 : i32 to index
      %get3A_284 = arith.constant 16 : index
      %get3A_285 = tpu.vector_load %arg10[%get3A_283, %get3A_284] {strides = array<i32>} : memref<80x64xf32, #tpu.memory_space<vmem>>, vector<1x16xf32>,
      %get3A_286 = vector.shape_cast %get3A_285 : vector<1x16xf32> to vector<16xf32>
      %add3A_287 = arith.addf %get3A_282, %get3A_286 : vector<16xf32>
      %mul3A_288 = arith.mulf %get3A_264, %add3A_287 : vector<16xf32>
      %swap3A_289 = arith.index_cast %scan3A_259 : i32 to index
      %swap3A_290 = arith.constant 16 : index
      %swap3A_291 = tpu.vector_load %arg11[%swap3A_289, %swap3A_290] {strides = array<i32>} : memref<80x64xf32, #tpu.memory_space<vmem>>, vector<1x16xf32>,
      %swap3A_292 = vector.shape_cast %swap3A_291 : vector<1x16xf32> to vector<16xf32>
      %swap3A_293 = vector.shape_cast %mul3A_288 : vector<16xf32> to vector<1x16xf32>
      tpu.vector_store %arg11[%swap3A_289, %swap3A_290], %swap3A_293 {strides = array<i32>} : memref<80x64xf32, #tpu.memory_space<vmem>>, vector<1x16xf32>,
      %get3A_294 = arith.index_cast %scan3A_259 : i32 to index
      %get3A_295 = arith.constant 32 : index
      %get3A_296 = tpu.vector_load %arg11[%get3A_294, %get3A_295] {strides = array<i32>} : memref<80x64xf32, #tpu.memory_space<vmem>>, vector<1x16xf32>,
      %get3A_297 = vector.shape_cast %get3A_296 : vector<1x16xf32> to vector<16xf32>
      %get3A_298 = arith.index_cast %scan3A_259 : i32 to index
      %get3A_299 = arith.constant 32 : index
      %get3A_300 = tpu.vector_load %arg10[%get3A_298, %get3A_299] {strides = array<i32>} : memref<80x64xf32, #tpu.memory_space<vmem>>, vector<1x16xf32>,
      %get3A_301 = vector.shape_cast %get3A_300 : vector<1x16xf32> to vector<16xf32>
      %add3A_302 = arith.addf %get3A_297, %get3A_301 : vector<16xf32>
      %mul3A_303 = arith.mulf %get3A_264, %add3A_302 : vector<16xf32>
      %swap3A_304 = arith.index_cast %scan3A_259 : i32 to index
      %swap3A_305 = arith.constant 32 : index
      %swap3A_306 = tpu.vector_load %arg11[%swap3A_304, %swap3A_305] {strides = array<i32>} : memref<80x64xf32, #tpu.memory_space<vmem>>, vector<1x16xf32>,
      %swap3A_307 = vector.shape_cast %swap3A_306 : vector<1x16xf32> to vector<16xf32>
      %swap3A_308 = vector.shape_cast %mul3A_303 : vector<16xf32> to vector<1x16xf32>
      tpu.vector_store %arg11[%swap3A_304, %swap3A_305], %swap3A_308 {strides = array<i32>} : memref<80x64xf32, #tpu.memory_space<vmem>>, vector<1x16xf32>,
      %get3A_309 = arith.index_cast %scan3A_259 : i32 to index
      %get3A_310 = arith.constant 48 : index
      %get3A_311 = tpu.vector_load %arg11[%get3A_309, %get3A_310] {strides = array<i32>} : memref<80x64xf32, #tpu.memory_space<vmem>>, vector<1x16xf32>,
      %get3A_312 = vector.shape_cast %get3A_311 : vector<1x16xf32> to vector<16xf32>
      %get3A_313 = arith.index_cast %scan3A_259 : i32 to index
      %get3A_314 = arith.constant 48 : index
      %get3A_315 = tpu.vector_load %arg10[%get3A_313, %get3A_314] {strides = array<i32>} : memref<80x64xf32, #tpu.memory_space<vmem>>, vector<1x16xf32>,
      %get3A_316 = vector.shape_cast %get3A_315 : vector<1x16xf32> to vector<16xf32>
      %add3A_317 = arith.addf %get3A_312, %get3A_316 : vector<16xf32>
      %mul3A_318 = arith.mulf %get3A_264, %add3A_317 : vector<16xf32>
      %swap3A_319 = arith.index_cast %scan3A_259 : i32 to index
      %swap3A_320 = arith.constant 48 : index
      %swap3A_321 = tpu.vector_load %arg11[%swap3A_319, %swap3A_320] {strides = array<i32>} : memref<80x64xf32, #tpu.memory_space<vmem>>, vector<1x16xf32>,
      %swap3A_322 = vector.shape_cast %swap3A_321 : vector<1x16xf32> to vector<16xf32>
      %swap3A_323 = vector.shape_cast %mul3A_318 : vector<16xf32> to vector<1x16xf32>
      tpu.vector_store %arg11[%swap3A_319, %swap3A_320], %swap3A_323 {strides = array<i32>} : memref<80x64xf32, #tpu.memory_space<vmem>>, vector<1x16xf32>,
    }
    %scan3A_258 = arith.constant 80 : i32
    "tpu.region"() ({
      %run_scoped3A_259 = tpu.sem_alloc : memref<!tpu.dma_semaphore, #tpu.memory_space<semaphore_mem>>
      %dma_start3A_260 = arith.constant 0 : i32
      %dma_start3A_261 = tpu.memref_slice %arg7[%arg0, %add3A_252, %dma_start3A_260] : memref<2x10240x64xf32, #tpu.memory_space<hbm>> -> memref<1x80x64xf32, #tpu.memory_space<hbm>>
      %dma_start3A_262 = tpu.memref_squeeze %dma_start3A_261 : memref<1x80x64xf32, #tpu.memory_space<hbm>> -> memref<80x64xf32, #tpu.memory_space<hbm>>
      %dma_start3A_263 = arith.constant 0 : i32
      %dma_start3A_264 = tpu.memref_slice %arg7[%arg0, %add3A_252, %dma_start3A_263] : memref<2x10240x64xf32, #tpu.memory_space<hbm>> -> memref<1x80x64xf32, #tpu.memory_space<hbm>>
      %dma_start3A_265 = tpu.memref_squeeze %dma_start3A_264 : memref<1x80x64xf32, #tpu.memory_space<hbm>> -> memref<80x64xf32, #tpu.memory_space<hbm>>
      tpu.enqueue_dma source(%arg11 : memref<80x64xf32, #tpu.memory_space<vmem>>) target(%dma_start3A_265 : memref<80x64xf32, #tpu.memory_space<hbm>>) target_semaphore(%run_scoped3A_259 : memref<!tpu.dma_semaphore, #tpu.memory_space<semaphore_mem>>)
      %dma_wait3A_266 = arith.constant 0 : i32
      %dma_wait3A_267 = tpu.memref_slice %arg7[%arg0, %add3A_252, %dma_wait3A_266] : memref<2x10240x64xf32, #tpu.memory_space<hbm>> -> memref<1x80x64xf32, #tpu.memory_space<hbm>>
      %dma_wait3A_268 = tpu.memref_squeeze %dma_wait3A_267 : memref<1x80x64xf32, #tpu.memory_space<hbm>> -> memref<80x64xf32, #tpu.memory_space<hbm>>
      %dma_wait3A_269 = arith.constant 0 : i32
      %dma_wait3A_270 = tpu.memref_slice %arg7[%arg0, %add3A_252, %dma_wait3A_269] : memref<2x10240x64xf32, #tpu.memory_space<hbm>> -> memref<1x80x64xf32, #tpu.memory_space<hbm>>
      %dma_wait3A_271 = tpu.memref_squeeze %dma_wait3A_270 : memref<1x80x64xf32, #tpu.memory_space<hbm>> -> memref<80x64xf32, #tpu.memory_space<hbm>>
      tpu.wait_dma2 semaphore(%run_scoped3A_259 : memref<!tpu.dma_semaphore, #tpu.memory_space<semaphore_mem>>) src(%arg11 : memref<80x64xf32, #tpu.memory_space<vmem>>) dst(%dma_wait3A_271 : memref<80x64xf32, #tpu.memory_space<hbm>>)
      tpu.yield
    }) : () -> ()
    return
  }
}

module attributes {stable_mosaic.version = 14 : i64} {
  func.func @_mm1_body(%arg0: i32, %arg1: memref<1024x256xf32, #tpu.memory_space<vmem>>, %arg2: memref<256x128xf32, #tpu.memory_space<vmem>>, %arg3: memref<32x1024xf32, #tpu.memory_space<vmem>>, %arg4: memref<2x1024x64xf32, #tpu.memory_space<vmem>>, %arg5: memref<1024x16xf32, #tpu.memory_space<vmem>>) attributes {dimension_semantics = [#tpu.dimension_semantics<arbitrary>], iteration_bounds = array<i64: 10>, scalar_prefetch = 0 : i64, scratch_operands = 0 : i64, tpu.core_type = #tpu.core_type<tc>, window_params = [{transform_indices = @transform_0, window_bounds = array<i64: 1024, 256>}, {pipeline_mode = #tpu.pipeline_mode<synchronous>, transform_indices = @transform_1, window_bounds = array<i64: 256, 128>}, {transform_indices = @transform_2, window_bounds = array<i64: 32, 1024>}, {transform_indices = @transform_3, window_bounds = array<i64: 2, 1024, 64>}, {transform_indices = @transform_4, window_bounds = array<i64: 1024, 16>}]} {
    %mul3A = arith.constant 1024 : i32
    %mul3A_0 = arith.muli %arg0, %mul3A : i32
    %iota3A = tpu.iota {dimensions = array<i32: 0>} : vector<1024x1xi32>
    %add3A = vector.broadcast %mul3A_0 : i32 to vector<1024x1xi32>
    %add3A_1 = arith.addi %add3A, %iota3A : vector<1024x1xi32>
    %lt3A = arith.constant 10000 : i32
    %lt3A_2 = vector.broadcast %lt3A : i32 to vector<1024x1xi32>
    %lt3A_3 = arith.cmpi slt, %add3A_1, %lt3A_2 : vector<1024x1xi32>
    %get3A = arith.constant 0 : index
    %get3A_4 = arith.constant 0 : index
    %get3A_5 = vector.load %arg1[%get3A, %get3A_4] : memref<1024x256xf32, #tpu.memory_space<vmem>>, vector<1024x256xf32>
    %jit3A = arith.constant 0.000000e+00 : f32
    %broadcast_in_dim3A = vector.shape_cast %lt3A_3 : vector<1024x1xi1> to vector<1024x1xi1>
    %broadcast_in_dim3A_6 = vector.broadcast %broadcast_in_dim3A : vector<1024x1xi1> to vector<1024x256xi1>
    %broadcast_in_dim3A_7 = vector.broadcast %jit3A : f32 to vector<1024x256xf32>
    %select_n3A = arith.select %broadcast_in_dim3A_6, %get3A_5, %broadcast_in_dim3A_7 : vector<1024x256xi1>, vector<1024x256xf32>
    %get3A_8 = arith.constant 0 : index
    %get3A_9 = arith.constant 0 : index
    %get3A_10 = vector.load %arg2[%get3A_8, %get3A_9] : memref<256x128xf32, #tpu.memory_space<vmem>>, vector<256x128xf32>
    %dot_general3A = arith.constant dense<0.000000e+00> : vector<1024x128xf32>
    %dot_general3A_11 = tpu.matmul %select_n3A, %get3A_10, %dot_general3A {dimension_numbers = #tpu.dot_dimension_numbers<[1], [0], [0], [1], [0, 0, 1, 1], [], []>, transpose_lhs_hint = false} : vector<1024x256xf32>, vector<256x128xf32>, vector<1024x128xf32> -> vector<1024x128xf32>
    %get3A_12 = arith.constant 0 : index
    %get3A_13 = arith.constant 0 : index
    %get3A_14 = vector.load %arg3[%get3A_12, %get3A_13] : memref<32x1024xf32, #tpu.memory_space<vmem>>, vector<32x1024xf32>
    %reduce_sum3A = arith.constant dense<0.000000e+00> : vector<1024xf32>
    %reduce_sum3A_15 = vector.multi_reduction <add>, %get3A_14, %reduce_sum3A [0] : vector<32x1024xf32> to vector<1024xf32>
    %broadcast_in_dim3A_16 = vector.shape_cast %reduce_sum3A_15 : vector<1024xf32> to vector<1024x1xf32>
    %add3A_17 = arith.constant 1.000000e+00 : f32
    %add3A_18 = vector.broadcast %add3A_17 : f32 to vector<1024x1xf32>
    %add3A_19 = arith.addf %add3A_18, %broadcast_in_dim3A_16 : vector<1024x1xf32>
    %rsqrt3A = math.rsqrt %add3A_19 : vector<1024x1xf32>
    %mul3A_20 = vector.broadcast %rsqrt3A : vector<1024x1xf32> to vector<1024x128xf32>
    %mul3A_21 = arith.mulf %dot_general3A_11, %mul3A_20 : vector<1024x128xf32>
    %jit3A_22 = arith.constant 0.000000e+00 : f32
    %broadcast_in_dim3A_23 = vector.shape_cast %lt3A_3 : vector<1024x1xi1> to vector<1024x1xi1>
    %broadcast_in_dim3A_24 = vector.broadcast %broadcast_in_dim3A_23 : vector<1024x1xi1> to vector<1024x128xi1>
    %broadcast_in_dim3A_25 = vector.broadcast %jit3A_22 : f32 to vector<1024x128xf32>
    %select_n3A_26 = arith.select %broadcast_in_dim3A_24, %mul3A_21, %broadcast_in_dim3A_25 : vector<1024x128xi1>, vector<1024x128xf32>
    %slice3A = vector.extract_strided_slice %select_n3A_26 {offsets = [0, 0], sizes = [1024, 64], strides = [1, 1]} : vector<1024x128xf32> to vector<1024x64xf32>
    %swap3A = arith.constant 0 : index
    %swap3A_27 = arith.constant 0 : index
    %swap3A_28 = arith.constant 0 : index
    %swap3A_29 = vector.load %arg4[%swap3A, %swap3A_27, %swap3A_28] : memref<2x1024x64xf32, #tpu.memory_space<vmem>>, vector<1x1024x64xf32>
    %swap3A_30 = vector.shape_cast %swap3A_29 : vector<1x1024x64xf32> to vector<1024x64xf32>
    %swap3A_31 = vector.shape_cast %slice3A : vector<1024x64xf32> to vector<1x1024x64xf32>
    tpu.vector_store %arg4[%swap3A, %swap3A_27, %swap3A_28], %swap3A_31 {strides = array<i32>} : memref<2x1024x64xf32, #tpu.memory_space<vmem>>, vector<1x1024x64xf32>,
    %slice3A_32 = vector.extract_strided_slice %select_n3A_26 {offsets = [0, 64], sizes = [1024, 64], strides = [1, 1]} : vector<1024x128xf32> to vector<1024x64xf32>
    %swap3A_33 = arith.constant 1 : index
    %swap3A_34 = arith.constant 0 : index
    %swap3A_35 = arith.constant 0 : index
    %swap3A_36 = vector.load %arg4[%swap3A_33, %swap3A_34, %swap3A_35] : memref<2x1024x64xf32, #tpu.memory_space<vmem>>, vector<1x1024x64xf32>
    %swap3A_37 = vector.shape_cast %swap3A_36 : vector<1x1024x64xf32> to vector<1024x64xf32>
    %swap3A_38 = vector.shape_cast %slice3A_32 : vector<1024x64xf32> to vector<1x1024x64xf32>
    tpu.vector_store %arg4[%swap3A_33, %swap3A_34, %swap3A_35], %swap3A_38 {strides = array<i32>} : memref<2x1024x64xf32, #tpu.memory_space<vmem>>, vector<1x1024x64xf32>,
    %broadcast_in_dim3A_39 = vector.shape_cast %rsqrt3A : vector<1024x1xf32> to vector<1024x1xf32>
    %broadcast_in_dim3A_40 = vector.broadcast %broadcast_in_dim3A_39 : vector<1024x1xf32> to vector<1024x16xf32>
    %swap3A_41 = arith.constant 0 : index
    %swap3A_42 = arith.constant 0 : index
    %swap3A_43 = vector.load %arg5[%swap3A_41, %swap3A_42] : memref<1024x16xf32, #tpu.memory_space<vmem>>, vector<1024x16xf32>
    tpu.vector_store %arg5[%swap3A_41, %swap3A_42], %broadcast_in_dim3A_40 {strides = array<i32>} : memref<1024x16xf32, #tpu.memory_space<vmem>>, vector<1024x16xf32>,
    return
  }
  func.func @transform_0(%arg0: i32) -> (i32, i32) {
    %c0_i32 = arith.constant 0 : i32
    %c0_i32_0 = arith.constant 0 : i32
    return %arg0, %c0_i32 : i32, i32
  }
  func.func @transform_1(%arg0: i32) -> (i32, i32) {
    %c0_i32 = arith.constant 0 : i32
    %c0_i32_0 = arith.constant 0 : i32
    %c0_i32_1 = arith.constant 0 : i32
    return %c0_i32, %c0_i32_0 : i32, i32
  }
  func.func @transform_2(%arg0: i32) -> (i32, i32) {
    %c0_i32 = arith.constant 0 : i32
    %c0_i32_0 = arith.constant 0 : i32
    return %c0_i32, %arg0 : i32, i32
  }
  func.func @transform_3(%arg0: i32) -> (i32, i32, i32) {
    %c0_i32 = arith.constant 0 : i32
    %c0_i32_0 = arith.constant 0 : i32
    %c0_i32_1 = arith.constant 0 : i32
    return %c0_i32, %arg0, %c0_i32_0 : i32, i32, i32
  }
  func.func @transform_4(%arg0: i32) -> (i32, i32) {
    %c0_i32 = arith.constant 0 : i32
    %c0_i32_0 = arith.constant 0 : i32
    return %arg0, %c0_i32 : i32, i32
  }
}

module attributes {stable_mosaic.version = 14 : i64} {
  func.func @_mm2_body(%arg0: i32, %arg1: memref<2x1024x64xf32, #tpu.memory_space<vmem>>, %arg2: memref<128x256xf32, #tpu.memory_space<vmem>>, %arg3: memref<1x256xf32, #tpu.memory_space<vmem>>, %arg4: memref<1024x256xf32, #tpu.memory_space<vmem>>) attributes {dimension_semantics = [#tpu.dimension_semantics<arbitrary>], iteration_bounds = array<i64: 10>, scalar_prefetch = 0 : i64, scratch_operands = 0 : i64, tpu.core_type = #tpu.core_type<tc>, window_params = [{transform_indices = @transform_0, window_bounds = array<i64: 2, 1024, 64>}, {pipeline_mode = #tpu.pipeline_mode<synchronous>, transform_indices = @transform_1, window_bounds = array<i64: 128, 256>}, {pipeline_mode = #tpu.pipeline_mode<synchronous>, transform_indices = @transform_2, window_bounds = array<i64: 1, 256>}, {transform_indices = @transform_3, window_bounds = array<i64: 1024, 256>}]} {
    %get3A = arith.constant 0 : index
    %get3A_0 = arith.constant 0 : index
    %get3A_1 = arith.constant 0 : index
    %get3A_2 = vector.load %arg1[%get3A, %get3A_0, %get3A_1] : memref<2x1024x64xf32, #tpu.memory_space<vmem>>, vector<1x1024x64xf32>
    %get3A_3 = vector.shape_cast %get3A_2 : vector<1x1024x64xf32> to vector<1024x64xf32>
    %get3A_4 = arith.constant 1 : index
    %get3A_5 = arith.constant 0 : index
    %get3A_6 = arith.constant 0 : index
    %get3A_7 = vector.load %arg1[%get3A_4, %get3A_5, %get3A_6] : memref<2x1024x64xf32, #tpu.memory_space<vmem>>, vector<1x1024x64xf32>
    %get3A_8 = vector.shape_cast %get3A_7 : vector<1x1024x64xf32> to vector<1024x64xf32>
    %concatenate3A = tpu.concatenate %get3A_3, %get3A_8 in 1 : vector<1024x64xf32>, vector<1024x64xf32> -> vector<1024x128xf32>
    %get3A_9 = arith.constant 0 : index
    %get3A_10 = arith.constant 0 : index
    %get3A_11 = vector.load %arg2[%get3A_9, %get3A_10] : memref<128x256xf32, #tpu.memory_space<vmem>>, vector<128x256xf32>
    %dot_general3A = arith.constant dense<0.000000e+00> : vector<1024x256xf32>
    %dot_general3A_12 = tpu.matmul %concatenate3A, %get3A_11, %dot_general3A {dimension_numbers = #tpu.dot_dimension_numbers<[1], [0], [0], [1], [0, 0, 1, 1], [], []>, transpose_lhs_hint = false} : vector<1024x128xf32>, vector<128x256xf32>, vector<1024x256xf32> -> vector<1024x256xf32>
    %get3A_13 = arith.constant 0 : index
    %get3A_14 = arith.constant 0 : index
    %get3A_15 = vector.load %arg3[%get3A_13, %get3A_14] : memref<1x256xf32, #tpu.memory_space<vmem>>, vector<1x256xf32>
    %add3A = vector.broadcast %get3A_15 : vector<1x256xf32> to vector<1024x256xf32>
    %add3A_16 = arith.addf %dot_general3A_12, %add3A : vector<1024x256xf32>
    %swap3A = arith.constant 0 : index
    %swap3A_17 = arith.constant 0 : index
    %swap3A_18 = vector.load %arg4[%swap3A, %swap3A_17] : memref<1024x256xf32, #tpu.memory_space<vmem>>, vector<1024x256xf32>
    tpu.vector_store %arg4[%swap3A, %swap3A_17], %add3A_16 {strides = array<i32>} : memref<1024x256xf32, #tpu.memory_space<vmem>>, vector<1024x256xf32>,
    return
  }
  func.func @transform_0(%arg0: i32) -> (i32, i32, i32) {
    %c0_i32 = arith.constant 0 : i32
    %c0_i32_0 = arith.constant 0 : i32
    %c0_i32_1 = arith.constant 0 : i32
    return %c0_i32, %arg0, %c0_i32_0 : i32, i32, i32
  }
  func.func @transform_1(%arg0: i32) -> (i32, i32) {
    %c0_i32 = arith.constant 0 : i32
    %c0_i32_0 = arith.constant 0 : i32
    %c0_i32_1 = arith.constant 0 : i32
    return %c0_i32, %c0_i32_0 : i32, i32
  }
  func.func @transform_2(%arg0: i32) -> (i32, i32) {
    %c0_i32 = arith.constant 0 : i32
    %c0_i32_0 = arith.constant 0 : i32
    %c0_i32_1 = arith.constant 0 : i32
    return %c0_i32, %c0_i32_0 : i32, i32
  }
  func.func @transform_3(%arg0: i32) -> (i32, i32) {
    %c0_i32 = arith.constant 0 : i32
    %c0_i32_0 = arith.constant 0 : i32
    return %arg0, %c0_i32 : i32, i32
  }
}

</mosaic_0001>

<sc_bundles>
// kernel: kernel.6.cloned.1.call-start
scs
__scs_entry_jumppad:
0x0: {  	(pc) =	sbr.rel $0x88, $3  }
0x1: {  	(tag) =	ssettag $0x0;
	lr =	simm.s32 $0x1  }
0x2: {  	[smem:$0x3F9B] =	sst lr;
	_ =	strace $0xD0000000  }
0x3: {  	_ = 	snop  }
0x4: {  	_ = 	snop  }
0x5: {  	_ = 	snop  }
0x6: {  	_ = 	snop  }
0x7: {  	_ = 	snop  }
__scs_overlays_trampoline_lowered:
0x8: {  	[smem:$0x3FAA] =	sst s0  }
0x9: {  	[smem:$0x3FAB] =	sst s1  }
0xa: {  	[smem:$0x3FAC] =	sst s2  }
0xb: {  	[smem:$0x3FAD] =	sst s3  }
0xc: {  	[smem:$0x3FAE] =	sst s4  }
0xd: {  	[smem:$0x3FAF] =	sst s5  }
0xe: {  	[smem:$0x3FB0] =	sst s6  }
0xf: {  	[smem:$0x3FB1] =	sst s7  }
0x10: {  	[smem:$0x3FB2] =	sst s8  }
0x11: {  	[smem:$0x3FB3] =	sst s9;
	s0 =	simm.s32 @!p0 $0x0  }
0x12: {  	s1 =	sld [smem:$0x3F99];
	s0 =	simm.s32 @p0 $0x1  }
0x13: {  	[smem:$0x3FB4] =	sst s0;
	s0 =	simm.s32 @!p1 $0x0  }
0x14: {  	s2 =	sld [smem:$0x3F98];
	s0 =	simm.s32 @p1 $0x1  }
0x15: {  	[smem:$0x3FB5] =	sst s0;
	s0 =	simm.s32 @!p2 $0x0  }
0x16: {  	s3 =	sld [smem:$0x3FDB];
	s0 =	simm.s32 @p2 $0x1  }
0x17: {  	s4 =	simm.s32 $0x1BF5;
	[smem:$0x3FB7] =	sst s0  }
0x18: {  	s0 =	sld [smem:$0x3F9A];
	_ =	swait.ge [sflag:s4], $0x0  }
0x19: {  	s7 =	sld [smem:$0x3F9B]  }
0x1a: {  	s8 =	sadd.s32 $0xFFFFE003, lr  }
0x1b: {  	s9 =	sadd.s32 $0xFFFFFEF7, lr;
	s5 =	simm.s32 $0xFFFFFFFF;
	p2 =	slt.u32 s8, $0xFFFFF086  }
0x1c: {  	p1 =	slt.u32 s9, $0xF7A;
	s5 =	simm.s32 @!p2 $0x0  }
0x1d: {  	s5 =	simm.s32 @p1 $0x1;
	p0 =	seq.s32 s7, s2  }
0x1e: {  	s7 =	smul.u32 @!p0 $0xF7A, s2;
	p2 =	seq.s32 @!p0 s5, $0x0  }
0x1f: {  	s9 =	smul.u32 $0xF7A, s1;
	s8 =	simm.s32 @!p0 $0x1BF5;
	p2 =	por !p2, p0  }
0x20: {  	[sflag:s8] =	ssyncset.s32 @!p0 $0xFFFFF086;
	s6 =	sadd.s32 @!p0 s3, s7;
	s7 =	simm.s32 @!p0 $0x108  }
0x21: {  	s3 =	sadd.s32 s3, s9;
	s6 =	sadd.s32 @!p0 $0x88, s6;
	s7 =	simm.s32 @p2 $0x1082  }
0x22: {  	[simem:s7], [sflag:s8] =	dma.local @!p0 [hbm:s6], $0xF7A  }
0x23: {  	s9 =	sor.u32 $0xD0000000, s2;
	s6 =	simm.s32 $0x108;
	_ =	swait.ge @!p0 [sflag:s8], $0x0  }
0x24: {  	s3 =	sadd.s32 $0x88, s3;
	s6 =	simm.s32 @!p1 $0x1082;
	[sflag:s4] =	ssyncset.s32 $0xFFFFF086  }
0x25: {  	[simem:s6], [sflag:s4] =	dma.local [hbm:s3], $0xF7A  }
0x26: {  	[smem:$0x3F9B] =	sst s1;
	(tag) =	ssettag s2;
	_ =	strace s9  }
0x27: {  	s1 =	sld [smem:$0x3FAB]  }
0x28: {  	s2 =	sld [smem:$0x3FAC]  }
0x29: {  	s4 =	sld [smem:$0x3FAE]  }
0x2a: {  	p0 =	seq.s32 s5, $0x0;
	s5 =	sld [smem:$0x3FAF]  }
0x2b: {  	s6 =	sld [smem:$0x3FB0]  }
0x2c: {  	s7 =	sld [smem:$0x3FB1]  }
0x2d: {  	s3 =	simm.s32 $0x108;
	s8 =	sld [smem:$0x3FB2]  }
0x2e: {  	s3 =	simm.s32 @!p0 $0x1082;
	s9 =	sld [smem:$0x3FB3]  }
0x2f: {  	lr =	sadd.s32 s0, s3;
	s0 =	sld [smem:$0x3FAA]  }
0x30: {  	s3 =	sld [smem:$0x3FAD]  }
0x31: {  	[smem:$0x3FB6] =	sst s10  }
0x32: {  	s10 =	sld [smem:$0x3FB4];
	_ =	sdelay $0x3  }
0x33: {  	p0 =	seq.s32 s10, $0x1;
	s10 =	sld [smem:$0x3FB6];
	_ =	sdelay $0x3  }
0x34: {  	[smem:$0x3FB6] =	sst s10  }
0x35: {  	s10 =	sld [smem:$0x3FB5];
	_ =	sdelay $0x3  }
0x36: {  	p1 =	seq.s32 s10, $0x1;
	s10 =	sld [smem:$0x3FB6];
	_ =	sdelay $0x3  }
0x37: {  	[smem:$0x3FB6] =	sst s10  }
0x38: {  	s10 =	sld [smem:$0x3FB7]  }
0x39: {  	_ = 	snop;
	(pc) =	sbr.ind lr, $3  }
0x3a: {  	_ = 	snop  }
0x3b: {  	_ = 	snop  }
0x3c: {  	p2 =	seq.s32 s10, $0x1;
	s10 =	sld [smem:$0x3FB6]  }
0x3d: {  	_ =	shalt  }
0x3e: {  	_ =	shalt  }
0x3f: {  	_ =	shalt  }
0x40: {  	_ =	shalt  }
0x41: {  	_ =	shalt  }
0x42: {  	_ =	shalt  }
0x43: {  	_ =	shalt  }
0x44: {  	_ =	shalt  }
0x45: {  	_ =	shalt  }
0x46: {  	_ =	shalt  }
0x47: {  	_ =	shalt  }
0x48: {  	_ =	shalt  }
0x49: {  	_ =	shalt  }
0x4a: {  	_ =	shalt  }
0x4b: {  	_ =	shalt  }
0x4c: {  	_ =	shalt  }
0x4d: {  	_ =	shalt  }
0x4e: {  	_ =	shalt  }
0x4f: {  	_ =	shalt  }
0x50: {  	_ =	shalt  }
0x51: {  	_ =	shalt  }
0x52: {  	_ =	shalt  }
0x53: {  	_ =	shalt  }
0x54: {  	_ =	shalt  }
0x55: {  	_ =	shalt  }
0x56: {  	_ =	shalt  }
0x57: {  	_ =	shalt  }
0x58: {  	_ =	shalt  }
0x59: {  	_ =	shalt  }
0x5a: {  	_ =	shalt  }
0x5b: {  	_ =	shalt  }
0x5c: {  	_ =	shalt  }
0x5d: {  	_ =	shalt  }
0x5e: {  	_ =	shalt  }
0x5f: {  	_ =	shalt  }
0x60: {  	_ =	shalt  }
0x61: {  	_ =	shalt  }
0x62: {  	_ =	shalt  }
0x63: {  	_ =	shalt  }
0x64: {  	_ =	shalt  }
0x65: {  	_ =	shalt  }
0x66: {  	_ =	shalt  }
0x67: {  	_ =	shalt  }
0x68: {  	_ =	shalt  }
0x69: {  	_ =	shalt  }
0x6a: {  	_ =	shalt  }
0x6b: {  	_ =	shalt  }
0x6c: {  	_ =	shalt  }
0x6d: {  	_ =	shalt  }
0x6e: {  	_ =	shalt  }
0x6f: {  	_ =	shalt  }
0x70: {  	_ =	shalt  }
0x71: {  	_ =	shalt  }
0x72: {  	_ =	shalt  }
0x73: {  	_ =	shalt  }
0x74: {  	_ =	shalt  }
0x75: {  	_ =	shalt  }
0x76: {  	_ =	shalt  }
0x77: {  	_ =	shalt  }
0x78: {  	_ =	shalt  }
0x79: {  	_ =	shalt  }
0x7a: {  	_ =	shalt  }
0x7b: {  	_ =	shalt  }
0x7c: {  	_ =	shalt  }
0x7d: {  	_ =	shalt  }
0x7e: {  	_ =	shalt  }
0x7f: {  	_ =	shalt  }
0x80: {  	_ =	shalt  }
0x81: {  	_ =	shalt  }
0x82: {  	_ =	shalt  }
0x83: {  	_ =	shalt  }
0x84: {  	_ =	shalt  }
0x85: {  	_ =	shalt  }
0x86: {  	_ =	shalt  }
0x87: {  	_ =	shalt  }
.Lfunc_end0:
.L_simem_size_0:
called_computation_lowered:
.L_overlay_start_0:
0x88: {  	s2 =	sld [smem:$0x3FD9]  }
0x89: {  	s3 =	sld [smem:$0x3FFE];
	_ =	sdelay $0x1  }
0x8a: {  	s1 =	srdreg.scid  }
0x8b: {  	s0 =	sand.u32 $0x1, s1  }
0x8c: {  	s17 =	sshll.u32 s0, $0xA;
	s2 =	sadd.s32 s3, s2  }
0x8d: {  	s2 =	sadd.s32 s2, s17  }
0x8e: {  	[smem:$0x3FC2] =	sst s2  }
0x8f: {  	_ = 	snop  }
0x90: {  	s2 =	sld [smem:$0x3FD0];
	(tm) =	ssettm $0x1  }
0x91: {  	s18 =	sld [smem:$0x3FFB];
	_ =	sdelay $0x3  }
0x92: {  	_ =	strace s18  }
0x93: {  	s3 =	sld [smem:$0x3FFC];
	_ =	sdelay $0x3  }
0x94: {  	_ =	strace s3  }
0x95: {  	s3 =	sld [smem:$0x3FFD];
	_ =	sdelay $0x3  }
0x96: {  	_ =	strace s3  }
0x97: {  	_ =	strace $0x8FFFFFFF  }
0x98: {  	s19 =	sld [smem:$0x3FDB];
	_ =	sdelay $0x1  }
0x99: {  	s4 =	simm.s32 $_scs_section_size  }
0x9a: {  	s5 =	simm.s32 $_size__tile_overlayer_lowered;
	s6 =	simm.s32 $_tile_overlayer_lowered  }
0x9b: {  	s22 =	simm.s32 $0x1BFF;
	s21 =	sshll.u32 s6, $0x1;
	s3 =	sadd.s32 s4, s19  }
0x9c: {  	s7 =	simm.s32 $0x0;
	s20 =	sshll.u32 s5, $0x1;
	s5 =	sadd.s32 s21, s3  }
0x9d: {  	[timem:s7], [sflag:s22] =	dma.local [hbm:s5], s20  }
0x9e: {  	_ =	swait.ge [sflag:s22], s20  }
0x9f: {  	s4 =	ssub.s32 $0x0, s20;
	[sflag:s22] =	ssyncset.done $0x0  }
0xa0: {  	[sflag:s22] =	ssyncadd.s32 s4;
	_ =	sdelay $0x1  }
0xa1: {  	s23 =	simm.s32 $0x1B8B  }
0xa2: {  	_ =	swait.ge [sflag:s23], $0x1  }
0xa3: {  	[sflag:s23] =	ssyncset.done $0x0  }
0xa4: {  	s25 =	simm.s32 $0x1B8E;
	s24 =	sld [smem:$0x3FFE];
	[sflag:s23] =	ssyncadd.s32 $0xFFFFFFFF  }
0xa5: {  	s26 =	simm.s32 $execute0_lowered;
	[smem:$0x3FD2] =	sst s25  }
0xa6: {  	s5 =	sshll.u32 s26, $0x1;
	_ =	strace $0x80000046;
	[dreg:$0x1] =	wrdreg $0xFFFFFFFF  }
0xa7: {  	s28 =	simm.s32 $_size_execute0_lowered;
	s3 =	sadd.s32 s3, s5;
	[dreg:$0x0] =	wrdreg $0x0  }
0xa8: {  	s5 =	sshll.u32 s28, $0x1;
	[dreg:$0x2] =	wrdreg s3  }
0xa9: {  	[dreg:$0x3] =	wrdreg s5  }
0xaa: {  	[dreg:$0x4] =	wrdreg $0xC0  }
0xab: {  	_ =	task [dreg:s7], $0x5FFFF  }
0xac: {  	[dreg:$0x1] =	wrdreg $0xFFFFFFFF  }
0xad: {  	[dreg:$0x0] =	wrdreg $0x60  }
0xae: {  	[dreg:$0x2] =	wrdreg s24  }
0xaf: {  	[dreg:$0x3] =	wrdreg s2  }
0xb0: {  	[dreg:$0x4] =	wrdreg $0x9  }
0xb1: {  	_ =	task.clear_ibuf [dreg:s7], $0x5FFFF;
	_ =	strace $0x90000046  }
0xb2: {  	s29 =	simm.s32 $0x9;
	_ =	strace $0x80000048  }
0xb3: {  	_ =	swait.ge [sflag:s29], $0x1  }
0xb4: {  	[sflag:s29] =	ssyncadd.s32 $0xFFFFFFFF  }
0xb5: {  	_ =	strace $0x90000048  }
0xb6: {  	_ =	sfence  }
0xb7: {  	s30 =	sld [smem:$0x0];
	_ =	sdelay $0x2  }
0xb8: {  	s31 =	sshll.u32 s1, $0xD;
	s1 =	sshrl.u32 s1, $0x2  }
0xb9: {  	s3 =	sand.u32 $0x4000, s31;
	s1 =	sadd.s32 s1, s30  }
0xba: {  	s0 =	sor.u32 s3, s0;
	s1 =	sshll.u32 s1, $0x11  }
0xbb: {  	s0 =	sor.u32 s1, s0  }
0xbc: {  	s0 =	sadd.s32 $0x8F2B, s0  }
0xbd: {  	[sflag:s0] =	ssyncadd.remote.s32 $0x1  }
0xbe: {  	_ =	sfence.sel $0xFFFF  }
0xbf: {  	[dreg:$0x0] =	wrdreg $0xFFFFFFFF;
	(pc) =	sbr.abs _section_cstart, $3  }
0xc0: {  	[dreg:$0x1] =	wrdreg $0xFFFFFFFF  }
0xc1: {  	_ =	task.clear_ibuf [dreg:s7], $0x2FFFF;
	_ =	strace $0x9FFFFFFF  }
0xc2: {  	(tm) =	ssettm $0x7FFFFFFF  }
0xc3: {  	_ =	shalt  }
tec
execute0_lowered:
.L_overlay_start_1:
0x0: {  	(tag) =	ssettag $0x1  }
0x1: {  	s3 =	rddreg [dreg:$0x0]  }
0x2: {  	s4 =	rddreg [dreg:$0x1];
	s1 =	srdreg.scid  }
0x3: {  	s0 =	rddreg [dreg:$0x2];
	s2 =	simm.s32 $0x0;
	s11 =	simm.s32 $0x400  }
0x4: {  	s12 =	simm.s32 $0x0;
	s6 =	sand.u32 $0x1, s1;
	s1 =	stileid.u32  }
0x5: {  	[smem:$0x7FF] =	sst s2;
	s5 =	sshll.u32 s6, $0x4;
	s7 =	sshll.u32 s1, $0xB  }
0x6: {  	_ =	strace $0x80000047;
	s29 =	ssub.s32 $0x2, s6;
	s10 =	smul.u32 $0x3F, s6  }
0x7: {  	s8 =	sshll.u32 s1, $0x7;
	s30 =	smul.u32 $0x7C00, s6;
	s5 =	sor.u32 s1, s5  }
0x8: {  	s31 =	smul.u32 $0x3E, s6;
	s6 =	sor.u32 $0x3E, s6;
	s5 =	sshrl.u32 s5, $0x3  }
0x9: {  	s3 =	sadd.s32 s7, s3;
	s9 =	sshrl.u32 s29, $0x1;
	s5 =	smul.u32 $0x14000, s5  }
.Ltmp0:
0xa: {  	s8 =	sand.u32 $0x380, s8;
	s7 =	ssub.s32 s29, s9;
	(pc) =	sbr.rel .LBB2_1-.Ltmp0, $4  }
0xb: {  	s3 =	sadd.s32 $0x1200, s3;
	s10 =	sadd.s32 $0x3E, s10;
	s5 =	sor.u32 s8, s5  }
0xc: {  	s9 =	simm.s32 $0x4000;
	p0 =	sge.u32 s31, s10;
	s5 =	sshrl.u32 s5, $0x3  }
0xd: {  	s10 =	simm.s32 $0x80;
	s8 =	sshrl.u32 s30, $0x2;
	s4 =	sadd.s32 s4, s5  }
0xe: {  	v0 =	vimm.f32 $0.0e+00;
	v1 =	vimm.f32 $1.000000000e+00;
	s5 =	smax.u32 s7, $0x1;
	s7 =	sor.u32 $0x20, s8;
	s8 =	simm.s32 $0x1  }
.LBB2_5:
0xf: {  	s12 =	sadd.s32 $0x1, s12  }
0x10: {  	p1 =	sne.s32 s12, s5  }
.Ltmp1:
0x11: {  	_ = 	snop;
	(pc) =	sbr.rel @!p1 .LBB2_6-.Ltmp1, $4  }
0x12: {  	[hbm4b:s4+s10] =	stream.strided.scatter [tilespmem:s9], [sflag:$0x1], $0x2800, s11, s10, $0x38;
	[tilespmem:$0x6800] =	vst v63  }
0x13: {  	_ =	swait.ge [sflag:s8], $0x2800  }
0x14: {  	[sflag:s8] =	ssyncset.done $0x0  }
0x15: {  	[sflag:s8] =	ssyncadd.s32 $0xFFFFD800  }
.LBB2_1:
0x16: {  	[tilespmem:s2], [sflag:$0x1] =	stream.linear.gather [hbm4b:s3+s2], $0x3E80, $0x38;
	[tilespmem:$0x6800] =	vst v63  }
0x17: {  	_ =	swait.ge [sflag:s8], $0x3E80  }
0x18: {  	[sflag:s8] =	ssyncset.done $0x0  }
0x19: {  	s13 =	simm.s32 $0x40;
	s14 =	simm.s32 $0x0;
	[sflag:s8] =	ssyncadd.s32 $0xFFFFC180  }
.LBB2_2:
0x1a: {  	p1 =	sne.s32 s13, $0x9FC0;
	[tilespmem:s14+$0x4000] =	vst v0;
	s14 =	smov.u32 s13;
	s13 =	sadd.s32 $0x40, s13  }
.Ltmp2:
0x1b: {  	(pc) =	sbr.rel @p1 .LBB2_2-.Ltmp2, $2  }
0x1c: {  	_ =	sdelay $0x2  }
0x1d: {  	s14 =	sshra.s32 s14, $0x2  }
.Ltmp3:
0x1e: {  	(pc) =	sbr.rel @p0 .LBB2_5-.Ltmp3, $2  }
0x1f: {  	_ =	sdelay $0x2  }
0x20: {  	[tilespmem:s14+$0x4000] =	vst v0;
	s13 =	smov.u32 s7;
	s14 =	smov.u32 s6  }
.LBB2_4:
0x21: {  	v2 =	vld [tilespmem:s13+$0xFFFFFFE0];
	_ =	sdelay $0x7  }
0x22: {  	[tilespmem:v2+s9+$0x0] =	vst.idx.add.f32.msk $0xffff, v1  }
0x23: {  	v2 =	vld [tilespmem:s13+$0xFFFFFFF0];
	_ =	sdelay $0x7  }
0x24: {  	[tilespmem:v2+s9+$0x0] =	vst.idx.add.f32.msk $0xffff, v1  }
0x25: {  	v2 =	vld [tilespmem:s13+$0x0];
	_ =	sdelay $0x7  }
0x26: {  	[tilespmem:v2+s9+$0x0] =	vst.idx.add.f32.msk $0xffff, v1  }
0x27: {  	v2 =	vld [tilespmem:s13+$0x10];
	_ =	sdelay $0x7  }
0x28: {  	[tilespmem:v2+s9+$0x0] =	vst.idx.add.f32.msk $0xffff, v1  }
0x29: {  	v2 =	vld [tilespmem:s13+$0x20];
	_ =	sdelay $0x2  }
0x2a: {  	p1 =	sne.s32 s14, $0x1  }
.Ltmp4:
0x2b: {  	_ = 	snop;
	(pc) =	sbr.rel @p1 .LBB2_4-.Ltmp4, $2  }
0x2c: {  	_ =	sdelay $0x2  }
0x2d: {  	s14 =	sadd.s32 $0xFFFFFFFF, s14;
	s13 =	sadd.s32 $0x80, s13;
	[tilespmem:v2+s9+$0x0] =	vst.idx.add.f32.msk $0xffff, v1  }
.Ltmp5:
0x2e: {  	_ = 	snop;
	(pc) =	sbr.rel .LBB2_5-.Ltmp5, $1  }
0x2f: {  	_ =	sdelay $0x3  }
.LBB2_6:
0x30: {  	_ =	sfence.sel $0x180000  }
0x31: {  	[bflag:$0x0] =	sbarrier.arrive $0xFFFF  }
0x32: {  	p0 =	sne.s32 s1, $0x0;
	_ =	strace $0x90000047  }
0x33: {  	s0 =	sadd.s32 @!p0 $0x100000, s0;
	[bflag:$0x2] =	sbarrier.arrive $0xFFFF  }
0x34: {  	[sflag:s0] =	ssyncadd.tile.s32 @!p0 $0x1;
	_ =	shalt  }
.Lfunc_end2:
_tile_overlayer_lowered:
.L_overlay_start_2:
0x35: {  	(tag) =	ssettag $0x2  }
0x36: {  	s0 =	rddreg [dreg:$0x0];
	s2 =	stileid.u32  }
0x37: {  	s1 =	rddreg [dreg:$0x1];
	p0 =	sne.s32 s2, $0x0  }
0x38: {  	s3 =	rddreg [dreg:$0x2];
	[bflag:$0x3] =	sbarrier.arrive $0xFFFF;
	s2 =	simm.s32 @!p0 $0x1C01  }
0x39: {  	[timem:s3], [sflag:s2] =	dma.local @!p0 [hbm:s0], s1  }
0x3a: {  	s0 =	simm.s32 @!p0 $0x1  }
0x3b: {  	_ =	swait.ge @!p0 [sflag:s0], s1  }
0x3c: {  	s1 =	ssub.s32 @!p0 $0x0, s1;
	[sflag:s0] =	ssyncset.done @!p0 $0x0  }
0x3d: {  	[sflag:s0] =	ssyncadd.s32 @!p0 s1  }
0x3e: {  	[bflag:$0x3] =	sbarrier.arrive $0xFFFF  }
0x3f: {  	_ =	shalt  }

// kernel: kernel.9.cloned.1.call-start
scs
__scs_entry_jumppad:
0x0: {  	(pc) =	sbr.rel $0x88, $3  }
0x1: {  	(tag) =	ssettag $0x0;
	lr =	simm.s32 $0x1  }
0x2: {  	[smem:$0x3F9B] =	sst lr;
	_ =	strace $0xD0000000  }
0x3: {  	_ = 	snop  }
0x4: {  	_ = 	snop  }
0x5: {  	_ = 	snop  }
0x6: {  	_ = 	snop  }
0x7: {  	_ = 	snop  }
__scs_overlays_trampoline_lowered:
0x8: {  	[smem:$0x3FAA] =	sst s0  }
0x9: {  	[smem:$0x3FAB] =	sst s1  }
0xa: {  	[smem:$0x3FAC] =	sst s2  }
0xb: {  	[smem:$0x3FAD] =	sst s3  }
0xc: {  	[smem:$0x3FAE] =	sst s4  }
0xd: {  	[smem:$0x3FAF] =	sst s5  }
0xe: {  	[smem:$0x3FB0] =	sst s6  }
0xf: {  	[smem:$0x3FB1] =	sst s7  }
0x10: {  	[smem:$0x3FB2] =	sst s8  }
0x11: {  	[smem:$0x3FB3] =	sst s9;
	s0 =	simm.s32 @!p0 $0x0  }
0x12: {  	s1 =	sld [smem:$0x3F99];
	s0 =	simm.s32 @p0 $0x1  }
0x13: {  	[smem:$0x3FB4] =	sst s0;
	s0 =	simm.s32 @!p1 $0x0  }
0x14: {  	s2 =	sld [smem:$0x3F98];
	s0 =	simm.s32 @p1 $0x1  }
0x15: {  	[smem:$0x3FB5] =	sst s0;
	s0 =	simm.s32 @!p2 $0x0  }
0x16: {  	s3 =	sld [smem:$0x3FDB];
	s0 =	simm.s32 @p2 $0x1  }
0x17: {  	s4 =	simm.s32 $0x1BF5;
	[smem:$0x3FB7] =	sst s0  }
0x18: {  	s0 =	sld [smem:$0x3F9A];
	_ =	swait.ge [sflag:s4], $0x0  }
0x19: {  	s7 =	sld [smem:$0x3F9B]  }
0x1a: {  	s8 =	sadd.s32 $0xFFFFE003, lr  }
0x1b: {  	s9 =	sadd.s32 $0xFFFFFEF7, lr;
	s5 =	simm.s32 $0xFFFFFFFF;
	p2 =	slt.u32 s8, $0xFFFFF086  }
0x1c: {  	p1 =	slt.u32 s9, $0xF7A;
	s5 =	simm.s32 @!p2 $0x0  }
0x1d: {  	s5 =	simm.s32 @p1 $0x1;
	p0 =	seq.s32 s7, s2  }
0x1e: {  	s7 =	smul.u32 @!p0 $0xF7A, s2;
	p2 =	seq.s32 @!p0 s5, $0x0  }
0x1f: {  	s9 =	smul.u32 $0xF7A, s1;
	s8 =	simm.s32 @!p0 $0x1BF5;
	p2 =	por !p2, p0  }
0x20: {  	[sflag:s8] =	ssyncset.s32 @!p0 $0xFFFFF086;
	s6 =	sadd.s32 @!p0 s3, s7;
	s7 =	simm.s32 @!p0 $0x108  }
0x21: {  	s3 =	sadd.s32 s3, s9;
	s6 =	sadd.s32 @!p0 $0x88, s6;
	s7 =	simm.s32 @p2 $0x1082  }
0x22: {  	[simem:s7], [sflag:s8] =	dma.local @!p0 [hbm:s6], $0xF7A  }
0x23: {  	s9 =	sor.u32 $0xD0000000, s2;
	s6 =	simm.s32 $0x108;
	_ =	swait.ge @!p0 [sflag:s8], $0x0  }
0x24: {  	s3 =	sadd.s32 $0x88, s3;
	s6 =	simm.s32 @!p1 $0x1082;
	[sflag:s4] =	ssyncset.s32 $0xFFFFF086  }
0x25: {  	[simem:s6], [sflag:s4] =	dma.local [hbm:s3], $0xF7A  }
0x26: {  	[smem:$0x3F9B] =	sst s1;
	(tag) =	ssettag s2;
	_ =	strace s9  }
0x27: {  	s1 =	sld [smem:$0x3FAB]  }
0x28: {  	s2 =	sld [smem:$0x3FAC]  }
0x29: {  	s4 =	sld [smem:$0x3FAE]  }
0x2a: {  	p0 =	seq.s32 s5, $0x0;
	s5 =	sld [smem:$0x3FAF]  }
0x2b: {  	s6 =	sld [smem:$0x3FB0]  }
0x2c: {  	s7 =	sld [smem:$0x3FB1]  }
0x2d: {  	s3 =	simm.s32 $0x108;
	s8 =	sld [smem:$0x3FB2]  }
0x2e: {  	s3 =	simm.s32 @!p0 $0x1082;
	s9 =	sld [smem:$0x3FB3]  }
0x2f: {  	lr =	sadd.s32 s0, s3;
	s0 =	sld [smem:$0x3FAA]  }
0x30: {  	s3 =	sld [smem:$0x3FAD]  }
0x31: {  	[smem:$0x3FB6] =	sst s10  }
0x32: {  	s10 =	sld [smem:$0x3FB4];
	_ =	sdelay $0x3  }
0x33: {  	p0 =	seq.s32 s10, $0x1;
	s10 =	sld [smem:$0x3FB6];
	_ =	sdelay $0x3  }
0x34: {  	[smem:$0x3FB6] =	sst s10  }
0x35: {  	s10 =	sld [smem:$0x3FB5];
	_ =	sdelay $0x3  }
0x36: {  	p1 =	seq.s32 s10, $0x1;
	s10 =	sld [smem:$0x3FB6];
	_ =	sdelay $0x3  }
0x37: {  	[smem:$0x3FB6] =	sst s10  }
0x38: {  	s10 =	sld [smem:$0x3FB7]  }
0x39: {  	_ = 	snop;
	(pc) =	sbr.ind lr, $3  }
0x3a: {  	_ = 	snop  }
0x3b: {  	_ = 	snop  }
0x3c: {  	p2 =	seq.s32 s10, $0x1;
	s10 =	sld [smem:$0x3FB6]  }
0x3d: {  	_ =	shalt  }
0x3e: {  	_ =	shalt  }
0x3f: {  	_ =	shalt  }
0x40: {  	_ =	shalt  }
0x41: {  	_ =	shalt  }
0x42: {  	_ =	shalt  }
0x43: {  	_ =	shalt  }
0x44: {  	_ =	shalt  }
0x45: {  	_ =	shalt  }
0x46: {  	_ =	shalt  }
0x47: {  	_ =	shalt  }
0x48: {  	_ =	shalt  }
0x49: {  	_ =	shalt  }
0x4a: {  	_ =	shalt  }
0x4b: {  	_ =	shalt  }
0x4c: {  	_ =	shalt  }
0x4d: {  	_ =	shalt  }
0x4e: {  	_ =	shalt  }
0x4f: {  	_ =	shalt  }
0x50: {  	_ =	shalt  }
0x51: {  	_ =	shalt  }
0x52: {  	_ =	shalt  }
0x53: {  	_ =	shalt  }
0x54: {  	_ =	shalt  }
0x55: {  	_ =	shalt  }
0x56: {  	_ =	shalt  }
0x57: {  	_ =	shalt  }
0x58: {  	_ =	shalt  }
0x59: {  	_ =	shalt  }
0x5a: {  	_ =	shalt  }
0x5b: {  	_ =	shalt  }
0x5c: {  	_ =	shalt  }
0x5d: {  	_ =	shalt  }
0x5e: {  	_ =	shalt  }
0x5f: {  	_ =	shalt  }
0x60: {  	_ =	shalt  }
0x61: {  	_ =	shalt  }
0x62: {  	_ =	shalt  }
0x63: {  	_ =	shalt  }
0x64: {  	_ =	shalt  }
0x65: {  	_ =	shalt  }
0x66: {  	_ =	shalt  }
0x67: {  	_ =	shalt  }
0x68: {  	_ =	shalt  }
0x69: {  	_ =	shalt  }
0x6a: {  	_ =	shalt  }
0x6b: {  	_ =	shalt  }
0x6c: {  	_ =	shalt  }
0x6d: {  	_ =	shalt  }
0x6e: {  	_ =	shalt  }
0x6f: {  	_ =	shalt  }
0x70: {  	_ =	shalt  }
0x71: {  	_ =	shalt  }
0x72: {  	_ =	shalt  }
0x73: {  	_ =	shalt  }
0x74: {  	_ =	shalt  }
0x75: {  	_ =	shalt  }
0x76: {  	_ =	shalt  }
0x77: {  	_ =	shalt  }
0x78: {  	_ =	shalt  }
0x79: {  	_ =	shalt  }
0x7a: {  	_ =	shalt  }
0x7b: {  	_ =	shalt  }
0x7c: {  	_ =	shalt  }
0x7d: {  	_ =	shalt  }
0x7e: {  	_ =	shalt  }
0x7f: {  	_ =	shalt  }
0x80: {  	_ =	shalt  }
0x81: {  	_ =	shalt  }
0x82: {  	_ =	shalt  }
0x83: {  	_ =	shalt  }
0x84: {  	_ =	shalt  }
0x85: {  	_ =	shalt  }
0x86: {  	_ =	shalt  }
0x87: {  	_ =	shalt  }
.Lfunc_end0:
.L_simem_size_0:
called_computation.1_lowered:
.L_overlay_start_0:
0x88: {  	s2 =	sld [smem:$0x3FD9]  }
0x89: {  	s3 =	sld [smem:$0x3FFE];
	_ =	sdelay $0x1  }
0x8a: {  	s1 =	srdreg.scid  }
0x8b: {  	s0 =	sand.u32 $0x1, s1  }
0x8c: {  	s17 =	sshll.u32 s0, $0xA;
	s2 =	sadd.s32 s3, s2  }
0x8d: {  	s2 =	sadd.s32 s2, s17  }
0x8e: {  	[smem:$0x3FC2] =	sst s2  }
0x8f: {  	_ = 	snop  }
0x90: {  	s2 =	sld [smem:$0x3FC6]  }
0x91: {  	s18 =	sld [smem:$0x3FD0];
	(tm) =	ssettm $0x1  }
0x92: {  	s4 =	sld [smem:$0x3FFB];
	_ =	sdelay $0x3  }
0x93: {  	_ =	strace s4  }
0x94: {  	s4 =	sld [smem:$0x3FFC];
	_ =	sdelay $0x3  }
0x95: {  	_ =	strace s4  }
0x96: {  	s4 =	sld [smem:$0x3FFD];
	_ =	sdelay $0x3  }
0x97: {  	_ =	strace s4  }
0x98: {  	_ =	strace $0x8FFFFFFF  }
0x99: {  	s19 =	sld [smem:$0x3FDB];
	_ =	sdelay $0x1  }
0x9a: {  	s5 =	simm.s32 $_scs_section_size  }
0x9b: {  	s6 =	simm.s32 $_size__tile_overlayer_lowered;
	s7 =	simm.s32 $_tile_overlayer_lowered  }
0x9c: {  	s22 =	simm.s32 $0x1BFF;
	s21 =	sshll.u32 s7, $0x1;
	s4 =	sadd.s32 s5, s19  }
0x9d: {  	s8 =	simm.s32 $0x0;
	s20 =	sshll.u32 s6, $0x1;
	s6 =	sadd.s32 s21, s4  }
0x9e: {  	[timem:s8], [sflag:s22] =	dma.local [hbm:s6], s20  }
0x9f: {  	_ =	swait.ge [sflag:s22], s20  }
0xa0: {  	s5 =	ssub.s32 $0x0, s20;
	[sflag:s22] =	ssyncset.done $0x0  }
0xa1: {  	[sflag:s22] =	ssyncadd.s32 s5;
	_ =	sdelay $0x1  }
0xa2: {  	s23 =	simm.s32 $0x1B8B  }
0xa3: {  	_ =	swait.ge [sflag:s23], $0x1  }
0xa4: {  	[sflag:s23] =	ssyncset.done $0x0  }
0xa5: {  	s25 =	simm.s32 $0x1B8E;
	s24 =	sld [smem:$0x3FFE];
	[sflag:s23] =	ssyncadd.s32 $0xFFFFFFFF  }
0xa6: {  	s26 =	simm.s32 $execute0_lowered;
	[smem:$0x3FD2] =	sst s25  }
0xa7: {  	s6 =	sshll.u32 s26, $0x1;
	_ =	strace $0x80000049;
	[dreg:$0x1] =	wrdreg $0xFFFFFFFF  }
0xa8: {  	s28 =	simm.s32 $_size_execute0_lowered;
	s4 =	sadd.s32 s4, s6;
	[dreg:$0x0] =	wrdreg $0x0  }
0xa9: {  	s6 =	sshll.u32 s28, $0x1;
	[dreg:$0x2] =	wrdreg s4  }
0xaa: {  	[dreg:$0x3] =	wrdreg s6  }
0xab: {  	[dreg:$0x4] =	wrdreg $0xC0  }
0xac: {  	_ =	task [dreg:s8], $0x5FFFF  }
0xad: {  	[dreg:$0x1] =	wrdreg $0xFFFFFFFF  }
0xae: {  	[dreg:$0x0] =	wrdreg $0x60  }
0xaf: {  	[dreg:$0x2] =	wrdreg s18  }
0xb0: {  	[dreg:$0x3] =	wrdreg s24  }
0xb1: {  	[dreg:$0x4] =	wrdreg s2  }
0xb2: {  	[dreg:$0x5] =	wrdreg $0xB2600  }
0xb3: {  	[dreg:$0x6] =	wrdreg $0x152600  }
0xb4: {  	[dreg:$0x7] =	wrdreg $0x9  }
0xb5: {  	_ =	task.clear_ibuf [dreg:s8], $0x8FFFF;
	_ =	strace $0x90000049  }
0xb6: {  	s29 =	simm.s32 $0x9;
	_ =	strace $0x8000004B  }
0xb7: {  	_ =	swait.ge [sflag:s29], $0x1  }
0xb8: {  	[sflag:s29] =	ssyncadd.s32 $0xFFFFFFFF  }
0xb9: {  	_ =	strace $0x9000004B  }
0xba: {  	_ =	sfence  }
0xbb: {  	s30 =	sld [smem:$0x0];
	_ =	sdelay $0x2  }
0xbc: {  	s31 =	sshll.u32 s1, $0xD;
	s1 =	sshrl.u32 s1, $0x2  }
0xbd: {  	s3 =	sand.u32 $0x4000, s31;
	s1 =	sadd.s32 s1, s30  }
0xbe: {  	s0 =	sor.u32 s3, s0;
	s1 =	sshll.u32 s1, $0x11  }
0xbf: {  	s0 =	sor.u32 s1, s0  }
0xc0: {  	s0 =	sadd.s32 $0x8F2B, s0  }
0xc1: {  	[sflag:s0] =	ssyncadd.remote.s32 $0x1  }
0xc2: {  	_ =	sfence.sel $0xFFFF  }
0xc3: {  	[dreg:$0x0] =	wrdreg $0xFFFFFFFF;
	(pc) =	sbr.abs _section_cstart, $3  }
0xc4: {  	[dreg:$0x1] =	wrdreg $0xFFFFFFFF  }
0xc5: {  	_ =	task.clear_ibuf [dreg:s8], $0x2FFFF;
	_ =	strace $0x9FFFFFFF  }
0xc6: {  	(tm) =	ssettm $0x7FFFFFFF  }
0xc7: {  	_ =	shalt  }
tec
execute0_lowered:
.L_overlay_start_1:
0x0: {  	(tag) =	ssettag $0x1  }
0x1: {  	s0 =	rddreg [dreg:$0x0]  }
0x2: {  	s1 =	rddreg [dreg:$0x1];
	s6 =	stileid.u32  }
0x3: {  	s2 =	rddreg [dreg:$0x2];
	s3 =	smul.u32 $0x500, s6  }
0x4: {  	s23 =	simm.s32 $0x0;
	s5 =	srdreg.scid;
	s4 =	smul.u32 $0x4E2, s6  }
0x5: {  	[smem:$0x7FF] =	sst s23;
	s5 =	sand.u32 $0x1, s5;
	s6 =	smul.u32 $0xA000, s6  }
0x6: {  	s7 =	ssub.s32 $0x2, s5;
	s8 =	smul.u32 $0xA0000, s5;
	s5 =	sshll.u32 s5, $0x3  }
0x7: {  	s3 =	sadd.s32 s3, s1;
	s4 =	sadd.s32 s4, s1;
	s1 =	sadd.s32 $0x13200, s1  }
0x8: {  	s9 =	sshrl.u32 s7, $0x1;
	s2 =	sadd.s32 s2, s5;
	s5 =	sadd.s32 $0x2800, s6  }
0x9: {  	s14 =	sadd.s32 $0x5000, s6;
	s17 =	sadd.s32 $0x6400, s6;
	s18 =	sadd.s32 $0x7800, s6  }
0xa: {  	s20 =	sadd.s32 $0x8C00, s6;
	s10 =	ssub.s32 s7, s9;
	s22 =	sadd.s32 s6, s8  }
0xb: {  	s9 =	sor.u32 $0x1400, s6;
	[dreg:$0x6] =	wrdreg s2;
	s12 =	sadd.s32 s8, s5  }
0xc: {  	s15 =	sadd.s32 s8, s14;
	s16 =	sadd.s32 s8, s17;
	s19 =	sadd.s32 s8, s18  }
0xd: {  	s7 =	sshrl.u32 s22, $0x3;
	s11 =	sadd.s32 s8, s9;
	s12 =	sshrl.u32 s12, $0x3  }
0xe: {  	s21 =	sshrl.u32 s16, $0x3;
	s16 =	rddreg [dreg:$0x3];
	s24 =	sadd.s32 s0, s7  }
0xf: {  	s2 =	sshrl.u32 s11, $0x3;
	s26 =	sadd.s32 s0, s12;
	[dreg:$0x7] =	wrdreg s24  }
0x10: {  	s15 =	sshrl.u32 s15, $0x3;
	s25 =	sadd.s32 s0, s2;
	[dreg:$0x9] =	wrdreg s26  }
0x11: {  	s22 =	sshrl.u32 s19, $0x3;
	s24 =	sadd.s32 s0, s15;
	[dreg:$0x8] =	wrdreg s25  }
0x12: {  	s11 =	sadd.s32 $0x3C00, s6;
	s26 =	sadd.s32 s0, s22;
	[dreg:$0xb] =	wrdreg s24  }
0x13: {  	s13 =	sadd.s32 s8, s11;
	s25 =	sadd.s32 s0, s21;
	[dreg:$0xd] =	wrdreg s26  }
0x14: {  	s8 =	sadd.s32 s8, s20;
	s24 =	sadd.s32 s1, s2;
	[dreg:$0xc] =	wrdreg s25  }
0x15: {  	s13 =	sshrl.u32 s13, $0x3;
	s2 =	sadd.s32 s1, s15;
	[dreg:$0x10] =	wrdreg s24  }
0x16: {  	s8 =	sshrl.u32 s8, $0x3;
	s19 =	sadd.s32 s0, s13;
	[dreg:$0x13] =	wrdreg s2  }
0x17: {  	s0 =	sadd.s32 s0, s8;
	[dreg:$0xa] =	wrdreg s19  }
0x18: {  	s25 =	sadd.s32 s1, s12;
	[dreg:$0xe] =	wrdreg s0  }
0x19: {  	s26 =	sadd.s32 s1, s13;
	[dreg:$0x11] =	wrdreg s25  }
0x1a: {  	s12 =	sadd.s32 s1, s22;
	[dreg:$0x12] =	wrdreg s26  }
0x1b: {  	s28 =	sadd.s32 s9, s16;
	s13 =	sadd.s32 s1, s8;
	[dreg:$0x15] =	wrdreg s12  }
0x1c: {  	s30 =	sadd.s32 s5, s16;
	s19 =	sadd.s32 s1, s7;
	[dreg:$0x16] =	wrdreg s13  }
0x1d: {  	s15 =	sadd.s32 $0xE200, s4;
	s7 =	sadd.s32 s1, s21;
	[dreg:$0xf] =	wrdreg s19  }
0x1e: {  	s22 =	sadd.s32 $0x1200, s3;
	s2 =	sadd.s32 s14, s16;
	[dreg:$0x14] =	wrdreg s7  }
0x1f: {  	s8 =	sadd.s32 s20, s16;
	s24 =	smax.u32 s10, $0x1;
	s19 =	rddreg [dreg:$0x4]  }
0x20: {  	s21 =	sadd.s32 $0x9200, s4;
	_ =	strace $0x8000004A;
	[dreg:$0x17] =	wrdreg s15  }
0x21: {  	s25 =	sadd.s32 s6, s16;
	s4 =	sadd.s32 s17, s16;
	[dreg:$0x18] =	wrdreg s21  }
0x22: {  	s12 =	simm.s32 $0x7620;
	s13 =	simm.s32 $0x50;
	[dreg:$0x19] =	wrdreg s22  }
0x23: {  	s26 =	sadd.s32 s6, s19;
	s29 =	sadd.s32 s9, s19;
	s31 =	sadd.s32 s5, s19  }
0x24: {  	s15 =	sadd.s32 s11, s16;
	s0 =	sadd.s32 s11, s19;
	s3 =	sadd.s32 s14, s19  }
0x25: {  	s5 =	sadd.s32 s17, s19;
	s6 =	sadd.s32 s18, s16;
	s7 =	sadd.s32 s18, s19  }
0x26: {  	s9 =	sadd.s32 s20, s19;
	[dreg:$0x1a] =	wrdreg s24;
	s11 =	simm.s32 $0x3  }
0x27: {  	s14 =	simm.s32 $0x4E20;
	s17 =	simm.s32 $0x6220;
	s18 =	simm.s32 $0x1  }
0x28: {  	v0 =	vimm.f32 $0.0e+00;
	s20 =	simm.s32 $0x2;
	s24 =	simm.s32 $0x4D30;
	s21 =	simm.s32 $0x0  }
.LBB2_1:
0x29: {  	s1 =	rddreg [dreg:$0x17]  }
0x2a: {  	[tilespmem:s23], [sflag:$0x3] =	stream.linear.gather [hbm4b:s1+s23], $0x2710, $0x38;
	[tilespmem:$0x1F260] =	vst v63  }
0x2b: {  	_ =	swait.ge [sflag:s11], $0x2710  }
0x2c: {  	[sflag:s11] =	ssyncset.done $0x0  }
0x2d: {  	s10 =	simm.s32 $0x2710;
	s22 =	rddreg [dreg:$0x18];
	[sflag:s11] =	ssyncadd.s32 $0xFFFFD8F0  }
0x2e: {  	[tilespmem:s10], [sflag:$0x3] =	stream.linear.gather [hbm4b:s22+s23], $0x2710, $0x38;
	[tilespmem:$0x1F260] =	vst v63  }
0x2f: {  	_ =	swait.ge [sflag:s11], $0x2710  }
0x30: {  	[sflag:s11] =	ssyncset.done $0x0  }
0x31: {  	s22 =	simm.s32 $0x8A20;
	s10 =	rddreg [dreg:$0x19];
	[sflag:s11] =	ssyncadd.s32 $0xFFFFD8F0  }
0x32: {  	[tilespmem:s22], [sflag:$0x3] =	stream.linear.gather [hbm4b:s10+s23], $0x2800, $0x38;
	[tilespmem:$0x1F260] =	vst v63  }
0x33: {  	_ =	swait.ge [sflag:s11], $0x2800  }
0x34: {  	[sflag:s11] =	ssyncset.done $0x0  }
0x35: {  	s22 =	simm.s32 $0xB220;
	s10 =	rddreg [dreg:$0x6];
	[sflag:s11] =	ssyncadd.s32 $0xFFFFD800  }
0x36: {  	[tilespmem:s22], [sflag:$0x3] =	stream.linear.gather [hbm4b:s10+s23], $0x40, $0x38;
	[tilespmem:$0x1F260] =	vst v63  }
0x37: {  	_ =	swait.ge [sflag:s11], $0x40  }
0x38: {  	[sflag:s11] =	ssyncset.done $0x0  }
0x39: {  	s1 =	simm.s32 $0x0;
	s10 =	simm.s32 $0x100;
	[sflag:s11] =	ssyncadd.s32 $0xFFFFFFC0  }
.LBB2_2:
0x3a: {  	p0 =	sne.s32 s10, $0x4F00;
	[tilespmem:s1+$0x7650] =	vst v0;
	s22 =	smov.u32 s10;
	s10 =	sadd.s32 $0x100, s10  }
.Ltmp0:
0x3b: {  	[tilespmem:s1+$0x7640] =	vst v0;
	(pc) =	sbr.rel @p0 .LBB2_2-.Ltmp0, $3  }
0x3c: {  	[tilespmem:s1+$0x7620] =	vst v0  }
0x3d: {  	[tilespmem:s1+$0x7630] =	vst v0;
	_ =	sdelay $0x1  }
0x3e: {  	s1 =	sshra.s32 s22, $0x2  }
0x3f: {  	[tilespmem:s1+$0x7650] =	vst v0  }
0x40: {  	[tilespmem:s1+$0x7640] =	vst v0;
	s10 =	stileid.u32  }
0x41: {  	[tilespmem:s1+$0x7620] =	vst v0;
	s10 =	sshll.u32 s10, $0x6  }
0x42: {  	[tilespmem:s1+$0x7630] =	vst v0;
	s23 =	sshrl.u32 s25, $0x3;
	s22 =	rddreg [dreg:$0x7];
	s10 =	sor.u32 $0x1C03, s10  }
0x43: {  	[spmem:s23], [sflag:s10] =	dma.local [hbm:s22], $0x280  }
0x44: {  	_ =	swait.ge [sflag:s11], $0x280  }
0x45: {  	[sflag:s11] =	ssyncset.done $0x0  }
0x46: {  	[sflag:s11] =	ssyncadd.s32 $0xFFFFFD80  }
0x47: {  	[spmem:s26] =	stream.linear.scatter [tilespmem:s12], [sflag:$0x3], $0x1400, $0x38;
	[tilespmem:$0x1F260] =	vst v63  }
0x48: {  	_ =	swait.ge [sflag:s11], $0x1400  }
0x49: {  	[sflag:s11] =	ssyncset.done $0x0  }
0x4a: {  	s22 =	sshrl.u32 s28, $0x3;
	s23 =	rddreg [dreg:$0x8];
	[sflag:s11] =	ssyncadd.s32 $0xFFFFEC00  }
0x4b: {  	[spmem:s22], [sflag:s10] =	dma.local [hbm:s23], $0x280  }
0x4c: {  	_ =	swait.ge [sflag:s11], $0x280  }
0x4d: {  	[sflag:s11] =	ssyncset.done $0x0  }
0x4e: {  	[sflag:s11] =	ssyncadd.s32 $0xFFFFFD80  }
0x4f: {  	[spmem:s29] =	stream.linear.scatter [tilespmem:s12], [sflag:$0x3], $0x1400, $0x38;
	[tilespmem:$0x1F260] =	vst v63  }
0x50: {  	_ =	swait.ge [sflag:s11], $0x1400  }
0x51: {  	[sflag:s11] =	ssyncset.done $0x0  }
0x52: {  	s22 =	sshrl.u32 s30, $0x3;
	s23 =	rddreg [dreg:$0x9];
	[sflag:s11] =	ssyncadd.s32 $0xFFFFEC00  }
0x53: {  	[spmem:s22], [sflag:s10] =	dma.local [hbm:s23], $0x280  }
0x54: {  	_ =	swait.ge [sflag:s11], $0x280  }
0x55: {  	[sflag:s11] =	ssyncset.done $0x0  }
0x56: {  	[sflag:s11] =	ssyncadd.s32 $0xFFFFFD80  }
0x57: {  	[spmem:s31] =	stream.linear.scatter [tilespmem:s12], [sflag:$0x3], $0x1400, $0x38;
	[tilespmem:$0x1F260] =	vst v63  }
0x58: {  	_ =	swait.ge [sflag:s11], $0x1400  }
0x59: {  	[sflag:s11] =	ssyncset.done $0x0  }
0x5a: {  	s22 =	sshrl.u32 s15, $0x3;
	s23 =	rddreg [dreg:$0xa];
	[sflag:s11] =	ssyncadd.s32 $0xFFFFEC00  }
0x5b: {  	[spmem:s22], [sflag:s10] =	dma.local [hbm:s23], $0x280  }
0x5c: {  	_ =	swait.ge [sflag:s11], $0x280  }
0x5d: {  	[sflag:s11] =	ssyncset.done $0x0  }
0x5e: {  	[sflag:s11] =	ssyncadd.s32 $0xFFFFFD80  }
0x5f: {  	[spmem:s0] =	stream.linear.scatter [tilespmem:s12], [sflag:$0x3], $0x1400, $0x38;
	[tilespmem:$0x1F260] =	vst v63  }
0x60: {  	_ =	swait.ge [sflag:s11], $0x1400  }
0x61: {  	[sflag:s11] =	ssyncset.done $0x0  }
0x62: {  	s22 =	sshrl.u32 s2, $0x3;
	s23 =	rddreg [dreg:$0xb];
	[sflag:s11] =	ssyncadd.s32 $0xFFFFEC00  }
0x63: {  	[spmem:s22], [sflag:s10] =	dma.local [hbm:s23], $0x280  }
0x64: {  	_ =	swait.ge [sflag:s11], $0x280  }
0x65: {  	[sflag:s11] =	ssyncset.done $0x0  }
0x66: {  	[sflag:s11] =	ssyncadd.s32 $0xFFFFFD80  }
0x67: {  	[spmem:s3] =	stream.linear.scatter [tilespmem:s12], [sflag:$0x3], $0x1400, $0x38;
	[tilespmem:$0x1F260] =	vst v63  }
0x68: {  	_ =	swait.ge [sflag:s11], $0x1400  }
0x69: {  	[sflag:s11] =	ssyncset.done $0x0  }
0x6a: {  	s22 =	sshrl.u32 s4, $0x3;
	s23 =	rddreg [dreg:$0xc];
	[sflag:s11] =	ssyncadd.s32 $0xFFFFEC00  }
0x6b: {  	[spmem:s22], [sflag:s10] =	dma.local [hbm:s23], $0x280  }
0x6c: {  	_ =	swait.ge [sflag:s11], $0x280  }
0x6d: {  	[sflag:s11] =	ssyncset.done $0x0  }
0x6e: {  	[sflag:s11] =	ssyncadd.s32 $0xFFFFFD80  }
0x6f: {  	[spmem:s5] =	stream.linear.scatter [tilespmem:s12], [sflag:$0x3], $0x1400, $0x38;
	[tilespmem:$0x1F260] =	vst v63  }
0x70: {  	_ =	swait.ge [sflag:s11], $0x1400  }
0x71: {  	[sflag:s11] =	ssyncset.done $0x0  }
0x72: {  	s22 =	sshrl.u32 s6, $0x3;
	s23 =	rddreg [dreg:$0xd];
	[sflag:s11] =	ssyncadd.s32 $0xFFFFEC00  }
0x73: {  	[spmem:s22], [sflag:s10] =	dma.local [hbm:s23], $0x280  }
0x74: {  	_ =	swait.ge [sflag:s11], $0x280  }
0x75: {  	[sflag:s11] =	ssyncset.done $0x0  }
0x76: {  	[sflag:s11] =	ssyncadd.s32 $0xFFFFFD80  }
0x77: {  	[spmem:s7] =	stream.linear.scatter [tilespmem:s12], [sflag:$0x3], $0x1400, $0x38;
	[tilespmem:$0x1F260] =	vst v63  }
0x78: {  	_ =	swait.ge [sflag:s11], $0x1400  }
0x79: {  	[sflag:s11] =	ssyncset.done $0x0  }
0x7a: {  	s22 =	sshrl.u32 s8, $0x3;
	s23 =	rddreg [dreg:$0xe];
	[sflag:s11] =	ssyncadd.s32 $0xFFFFEC00  }
0x7b: {  	[spmem:s22], [sflag:s10] =	dma.local [hbm:s23], $0x280  }
0x7c: {  	_ =	swait.ge [sflag:s11], $0x280  }
0x7d: {  	[sflag:s11] =	ssyncset.done $0x0  }
0x7e: {  	[sflag:s11] =	ssyncadd.s32 $0xFFFFFD80  }
0x7f: {  	[spmem:s9] =	stream.linear.scatter [tilespmem:s12], [sflag:$0x3], $0x1400, $0x38;
	[tilespmem:$0x1F260] =	vst v63  }
0x80: {  	_ =	swait.ge [sflag:s11], $0x1400  }
0x81: {  	[sflag:s11] =	ssyncset.done $0x0  }
0x82: {  	[sflag:s11] =	ssyncadd.s32 $0xFFFFEC00  }
0x83: {  	s23 =	simm.s32 $0x0;
	[bflag:$0x0] =	sbarrier.arrive $0xFFFF  }
0x84: {  	[tilespmem:s14], [sflag:$0x1] =	stream.indirect.gather [spmem:s16], $0x40, s23, s13, $0xb8;
	[tilespmem:$0x1F260] =	vst v63  }
0x85: {  	_ = 	snop  }
0x86: {  	[tilespmem:s17], [sflag:$0x2] =	stream.indirect.gather [spmem:s16], $0x40, s13, s13, $0xb8;
	[tilespmem:$0x1F260] =	vst v63  }
0x87: {  	_ =	swait.ge [sflag:s18], $0x1400  }
0x88: {  	[sflag:s18] =	ssyncset.done $0x0  }
0x89: {  	s10 =	simm.s32 $0x2710;
	[sflag:s18] =	ssyncadd.s32 $0xFFFFEC00  }
0x8a: {  	[spmem:s19] =	stream.indirect.scatter.add.f32 [tilespmem:s14], [sflag:$0x3], $0x40, s10, s13, $0xb8;
	[tilespmem:$0x1F260] =	vst v63  }
0x8b: {  	_ =	swait.ge [sflag:s11], $0x1400  }
0x8c: {  	[sflag:s11] =	ssyncset.done $0x0  }
0x8d: {  	s22 =	simm.s32 $0xA0;
	[sflag:s11] =	ssyncadd.s32 $0xFFFFEC00  }
0x8e: {  	[tilespmem:s14], [sflag:$0x1] =	stream.indirect.gather [spmem:s16], $0x40, s22, s13, $0xb8;
	[tilespmem:$0x1F260] =	vst v63  }
0x8f: {  	_ =	swait.ge [sflag:s20], $0x1400  }
0x90: {  	[sflag:s20] =	ssyncset.done $0x0  }
0x91: {  	s23 =	simm.s32 $0x2760;
	[sflag:s20] =	ssyncadd.s32 $0xFFFFEC00  }
0x92: {  	[spmem:s19] =	stream.indirect.scatter.add.f32 [tilespmem:s17], [sflag:$0x3], $0x40, s23, s13, $0xb8;
	[tilespmem:$0x1F260] =	vst v63  }
0x93: {  	_ =	swait.ge [sflag:s11], $0x1400  }
0x94: {  	[sflag:s11] =	ssyncset.done $0x0  }
0x95: {  	s1 =	simm.s32 $0x280;
	s10 =	simm.s32 $0xF0;
	[sflag:s11] =	ssyncadd.s32 $0xFFFFEC00  }
.LBB2_4:
0x96: {  	[tilespmem:s17], [sflag:$0x2] =	stream.indirect.gather [spmem:s16], $0x40, s10, s13, $0xb8;
	[tilespmem:$0x1F260] =	vst v63  }
0x97: {  	s10 =	smov.u32 s1  }
0x98: {  	p0 =	sne.s32 s1, $0x9600;
	s1 =	sadd.s32 $0x280, s1;
	_ =	swait.ge [sflag:s18], $0x1400  }
0x99: {  	s10 =	sshra.s32 s10, $0x2;
	[sflag:s18] =	ssyncset.done $0x0  }
0x9a: {  	s22 =	sadd.s32 $0x2710, s10;
	[sflag:s18] =	ssyncadd.s32 $0xFFFFEC00  }
0x9b: {  	[spmem:s19] =	stream.indirect.scatter.add.f32 [tilespmem:s14], [sflag:$0x3], $0x40, s22, s13, $0xb8;
	[tilespmem:$0x1F260] =	vst v63  }
0x9c: {  	_ =	swait.ge [sflag:s11], $0x1400  }
0x9d: {  	[sflag:s11] =	ssyncset.done $0x0  }
0x9e: {  	s22 =	sadd.s32 $0xA0, s10;
	[sflag:s11] =	ssyncadd.s32 $0xFFFFEC00  }
0x9f: {  	[tilespmem:s14], [sflag:$0x1] =	stream.indirect.gather [spmem:s16], $0x40, s22, s13, $0xb8;
	[tilespmem:$0x1F260] =	vst v63  }
0xa0: {  	_ =	swait.ge [sflag:s20], $0x1400  }
0xa1: {  	[sflag:s20] =	ssyncset.done $0x0  }
.Ltmp1:
0xa2: {  	s22 =	sadd.s32 $0x2760, s10;
	[sflag:s20] =	ssyncadd.s32 $0xFFFFEC00;
	(pc) =	sbr.rel @p0 .LBB2_4-.Ltmp1, $4  }
0xa3: {  	[spmem:s19] =	stream.indirect.scatter.add.f32 [tilespmem:s17], [sflag:$0x3], $0x40, s22, s13, $0xb8;
	[tilespmem:$0x1F260] =	vst v63  }
0xa4: {  	_ =	swait.ge [sflag:s11], $0x1400  }
0xa5: {  	[sflag:s11] =	ssyncset.done $0x0  }
0xa6: {  	s10 =	sadd.s32 $0xF0, s10;
	[sflag:s11] =	ssyncadd.s32 $0xFFFFEC00  }
0xa7: {  	[tilespmem:s17], [sflag:$0x2] =	stream.indirect.gather [spmem:s16], $0x40, s10, s13, $0xb8;
	[tilespmem:$0x1F260] =	vst v63  }
0xa8: {  	_ =	swait.ge [sflag:s18], $0x1400  }
0xa9: {  	[sflag:s18] =	ssyncset.done $0x0  }
0xaa: {  	[sflag:s18] =	ssyncadd.s32 $0xFFFFEC00  }
0xab: {  	[spmem:s19] =	stream.indirect.scatter.add.f32 [tilespmem:s14], [sflag:$0x3], $0x40, s24, s13, $0xb8;
	[tilespmem:$0x1F260] =	vst v63  }
0xac: {  	_ =	swait.ge [sflag:s11], $0x1400  }
0xad: {  	[sflag:s11] =	ssyncset.done $0x0  }
0xae: {  	s1 =	simm.s32 $0x26C0;
	[sflag:s11] =	ssyncadd.s32 $0xFFFFEC00  }
0xaf: {  	[tilespmem:s14], [sflag:$0x1] =	stream.indirect.gather [spmem:s16], $0x40, s1, s13, $0xb8;
	[tilespmem:$0x1F260] =	vst v63  }
0xb0: {  	_ =	swait.ge [sflag:s20], $0x1400  }
0xb1: {  	[sflag:s20] =	ssyncset.done $0x0  }
0xb2: {  	s23 =	simm.s32 $0x4D80;
	[sflag:s20] =	ssyncadd.s32 $0xFFFFEC00  }
0xb3: {  	[spmem:s19] =	stream.indirect.scatter.add.f32 [tilespmem:s17], [sflag:$0x3], $0x40, s23, s13, $0xb8;
	[tilespmem:$0x1F260] =	vst v63  }
0xb4: {  	_ =	swait.ge [sflag:s11], $0x1400  }
0xb5: {  	[sflag:s11] =	ssyncset.done $0x0  }
0xb6: {  	[sflag:s11] =	ssyncadd.s32 $0xFFFFEC00  }
0xb7: {  	_ =	swait.ge [sflag:s18], $0x1400  }
0xb8: {  	[sflag:s18] =	ssyncset.done $0x0  }
0xb9: {  	s24 =	simm.s32 $0x4DD0;
	[sflag:s18] =	ssyncadd.s32 $0xFFFFEC00  }
0xba: {  	[spmem:s19] =	stream.indirect.scatter.add.f32 [tilespmem:s14], [sflag:$0x3], $0x40, s24, s13, $0xb8;
	[tilespmem:$0x1F260] =	vst v63  }
0xbb: {  	_ =	swait.ge [sflag:s11], $0x1400  }
0xbc: {  	[sflag:s11] =	ssyncset.done $0x0  }
0xbd: {  	[sflag:s11] =	ssyncadd.s32 $0xFFFFEC00  }
0xbe: {  	[bflag:$0x0] =	sbarrier.arrive $0xFFFF  }
0xbf: {  	[tilespmem:s14], [sflag:$0x3] =	stream.linear.gather [spmem:s26], $0x1400, $0x38;
	[tilespmem:$0x1F260] =	vst v63  }
0xc0: {  	_ =	swait.ge [sflag:s11], $0x1400  }
0xc1: {  	[sflag:s11] =	ssyncset.done $0x0  }
0xc2: {  	[sflag:s11] =	ssyncadd.s32 $0xFFFFEC00  }
0xc3: {  	[tilespmem:s17], [sflag:$0x3] =	stream.linear.gather [spmem:s25], $0x1400, $0x38;
	[tilespmem:$0x1F260] =	vst v63  }
0xc4: {  	_ =	swait.ge [sflag:s11], $0x1400  }
0xc5: {  	[sflag:s11] =	ssyncset.done $0x0  }
0xc6: {  	s22 =	simm.s32 $0x0;
	[sflag:s11] =	ssyncadd.s32 $0xFFFFEC00  }
0xc7: {  	v1 =	vld [tilespmem:s22+$0x6220]  }
0xc8: {  	v2 =	vld [tilespmem:s22+$0x4E20]  }
0xc9: {  	s23 =	simm.s32 $0x8A20  }
0xca: {  	v3 =	vld [tilespmem:s23+$0x0];
	_ =	sdelay $0x1  }
0xcb: {  	v4 =	vld [tilespmem:$0xB220]  }
0xcc: {  	v1 =	vadd.f32 v2, v1;
	_ =	sdelay $0x1  }
0xcd: {  	v1 =	vmul.f32 v1, v3;
	_ =	sdelay $0x1  }
0xce: {  	v1 =	vadd.f32 v1, v4  }
0xcf: {  	v62 =	vld [tilespmem:s22+$0x6230]  }
0xd0: {  	v2 =	vld [tilespmem:s22+$0x4E30];
	v1 =	vmax.f32 v1, $0.0e+00  }
0xd1: {  	v1 =	vmul.f32 v1, v3;
	_ =	sdelay $0x1  }
0xd2: {  	[tilespmem:s22+$0x6220] =	vst v1  }
0xd3: {  	v1 =	vld [tilespmem:$0xB230]  }
0xd4: {  	v2 =	vadd.f32 v2, v62;
	_ =	sdelay $0x1  }
0xd5: {  	v2 =	vmul.f32 v2, v3;
	_ =	sdelay $0x1  }
0xd6: {  	v1 =	vadd.f32 v2, v1  }
0xd7: {  	v5 =	vld [tilespmem:s22+$0x4E40]  }
0xd8: {  	v2 =	vld [tilespmem:s22+$0x6240];
	v1 =	vmax.f32 v1, $0.0e+00  }
0xd9: {  	v1 =	vmul.f32 v1, v3;
	_ =	sdelay $0x1  }
0xda: {  	[tilespmem:s22+$0x6230] =	vst v1  }
0xdb: {  	v1 =	vld [tilespmem:$0xB240]  }
0xdc: {  	v2 =	vadd.f32 v5, v2;
	_ =	sdelay $0x1  }
0xdd: {  	v2 =	vmul.f32 v2, v3;
	_ =	sdelay $0x1  }
0xde: {  	v1 =	vadd.f32 v2, v1  }
0xdf: {  	v63 =	vld [tilespmem:s22+$0x6250]  }
0xe0: {  	v2 =	vld [tilespmem:s22+$0x4E50];
	v1 =	vmax.f32 v1, $0.0e+00  }
0xe1: {  	v1 =	vmul.f32 v1, v3;
	_ =	sdelay $0x1  }
0xe2: {  	[tilespmem:s22+$0x6240] =	vst v1  }
0xe3: {  	v1 =	vld [tilespmem:$0xB250]  }
0xe4: {  	v2 =	vadd.f32 v2, v63;
	_ =	sdelay $0x1  }
0xe5: {  	v2 =	vmul.f32 v2, v3;
	_ =	sdelay $0x1  }
0xe6: {  	v1 =	vadd.f32 v2, v1;
	_ =	sdelay $0x1  }
0xe7: {  	s1 =	simm.s32 $0x40;
	v2 =	vmax.f32 v1, $0.0e+00  }
0xe8: {  	s24 =	simm.s32 $0x200;
	v1 =	vld [tilespmem:s1+$0x6220];
	v2 =	vmul.f32 v2, v3  }
.LBB2_6:
0xe9: {  	p0 =	sne.s32 s24, $0x4F00  }
0xea: {  	v3 =	vld [tilespmem:s1+$0x4E20];
	s23 =	sadd.s32 $0x10, s23;
	s10 =	smov.u32 s24;
	s24 =	sadd.s32 $0x100, s24  }
0xeb: {  	v4 =	vld [tilespmem:s1+$0x4E40];
	[tilespmem:s22+$0x6250] =	vst v2;
	s22 =	smov.u32 s1  }
0xec: {  	v2 =	vld [tilespmem:s23+$0x0]  }
0xed: {  	v5 =	vld [tilespmem:$0xB220];
	_ =	sdelay $0x1  }
0xee: {  	v1 =	vadd.f32 v3, v1;
	_ =	sdelay $0x1  }
0xef: {  	v1 =	vmul.f32 v1, v2;
	_ =	sdelay $0x1  }
0xf0: {  	v1 =	vadd.f32 v1, v5;
	v3 =	vld [tilespmem:s22+$0x4E30]  }
0xf1: {  	v5 =	vld [tilespmem:s22+$0x6230]  }
0xf2: {  	v1 =	vmax.f32 v1, $0.0e+00  }
0xf3: {  	v1 =	vmul.f32 v1, v2;
	_ =	sdelay $0x1  }
0xf4: {  	[tilespmem:s22+$0x6220] =	vst v1  }
0xf5: {  	v1 =	vld [tilespmem:$0xB230];
	v3 =	vadd.f32 v3, v5;
	_ =	sdelay $0x1  }
0xf6: {  	v3 =	vmul.f32 v3, v2;
	_ =	sdelay $0x2  }
0xf7: {  	v1 =	vadd.f32 v3, v1  }
0xf8: {  	v3 =	vld [tilespmem:s22+$0x6240]  }
0xf9: {  	v1 =	vmax.f32 v1, $0.0e+00  }
0xfa: {  	v1 =	vmul.f32 v1, v2;
	_ =	sdelay $0x1  }
0xfb: {  	[tilespmem:s22+$0x6230] =	vst v1  }
0xfc: {  	v1 =	vld [tilespmem:$0xB240];
	v3 =	vadd.f32 v4, v3;
	_ =	sdelay $0x1  }
0xfd: {  	v3 =	vmul.f32 v3, v2;
	_ =	sdelay $0x2  }
0xfe: {  	v1 =	vadd.f32 v3, v1;
	v3 =	vld [tilespmem:s22+$0x4E50]  }
0xff: {  	v4 =	vld [tilespmem:s22+$0x6250]  }
0x100: {  	v1 =	vmax.f32 v1, $0.0e+00  }
0x101: {  	v1 =	vmul.f32 v1, v2;
	_ =	sdelay $0x1  }
0x102: {  	[tilespmem:s22+$0x6240] =	vst v1  }
0x103: {  	v1 =	vld [tilespmem:$0xB250];
	v3 =	vadd.f32 v3, v4;
	_ =	sdelay $0x1  }
0x104: {  	v3 =	vmul.f32 v3, v2;
	_ =	sdelay $0x1  }
.Ltmp2:
0x105: {  	(pc) =	sbr.rel @p0 .LBB2_6-.Ltmp2, $3  }
0x106: {  	v1 =	vadd.f32 v3, v1;
	_ =	sdelay $0x1  }
0x107: {  	s1 =	sshra.s32 s10, $0x2;
	v3 =	vmax.f32 v1, $0.0e+00  }
0x108: {  	v1 =	vld [tilespmem:s1+$0x6220];
	v2 =	vmul.f32 v3, v2  }
0x109: {  	v3 =	vld [tilespmem:s1+$0x4E20]  }
0x10a: {  	v4 =	vld [tilespmem:s1+$0x4E40];
	s10 =	sadd.s32 $0x10, s23;
	[tilespmem:s22+$0x6250] =	vst v2  }
0x10b: {  	v2 =	vld [tilespmem:s10+$0x0];
	_ =	sdelay $0x1  }
0x10c: {  	v5 =	vld [tilespmem:$0xB220]  }
0x10d: {  	v1 =	vadd.f32 v3, v1;
	_ =	sdelay $0x1  }
0x10e: {  	v1 =	vmul.f32 v1, v2;
	_ =	sdelay $0x1  }
0x10f: {  	v1 =	vadd.f32 v1, v5  }
0x110: {  	v58 =	vld [tilespmem:s1+$0x6230]  }
0x111: {  	v3 =	vld [tilespmem:s1+$0x4E30];
	v1 =	vmax.f32 v1, $0.0e+00  }
0x112: {  	v1 =	vmul.f32 v1, v2;
	_ =	sdelay $0x1  }
0x113: {  	[tilespmem:s1+$0x6220] =	vst v1  }
0x114: {  	v1 =	vld [tilespmem:$0xB230]  }
0x115: {  	v3 =	vadd.f32 v3, v58;
	_ =	sdelay $0x1  }
0x116: {  	v3 =	vmul.f32 v3, v2;
	_ =	sdelay $0x1  }
0x117: {  	v1 =	vadd.f32 v3, v1;
	_ =	sdelay $0x1  }
0x118: {  	v3 =	vld [tilespmem:s1+$0x6240];
	v1 =	vmax.f32 v1, $0.0e+00  }
0x119: {  	v1 =	vmul.f32 v1, v2;
	_ =	sdelay $0x1  }
0x11a: {  	[tilespmem:s1+$0x6230] =	vst v1  }
0x11b: {  	v1 =	vld [tilespmem:$0xB240]  }
0x11c: {  	v3 =	vadd.f32 v4, v3;
	_ =	sdelay $0x1  }
0x11d: {  	v3 =	vmul.f32 v3, v2;
	_ =	sdelay $0x1  }
0x11e: {  	v1 =	vadd.f32 v3, v1  }
0x11f: {  	v59 =	vld [tilespmem:s1+$0x6250]  }
0x120: {  	v3 =	vld [tilespmem:s1+$0x4E50];
	v1 =	vmax.f32 v1, $0.0e+00  }
0x121: {  	v1 =	vmul.f32 v1, v2;
	_ =	sdelay $0x1  }
0x122: {  	[tilespmem:s1+$0x6240] =	vst v1  }
0x123: {  	v1 =	vld [tilespmem:$0xB250]  }
0x124: {  	v3 =	vadd.f32 v3, v59;
	_ =	sdelay $0x1  }
0x125: {  	v3 =	vmul.f32 v3, v2;
	_ =	sdelay $0x1  }
0x126: {  	v1 =	vadd.f32 v3, v1;
	_ =	sdelay $0x1  }
0x127: {  	v1 =	vmax.f32 v1, $0.0e+00  }
0x128: {  	v1 =	vmul.f32 v1, v2;
	_ =	sdelay $0x1  }
0x129: {  	[tilespmem:s1+$0x6250] =	vst v1  }
0x12a: {  	[spmem:s25] =	stream.linear.scatter [tilespmem:s17], [sflag:$0x3], $0x1400, $0x38;
	[tilespmem:$0x1F260] =	vst v63  }
0x12b: {  	_ =	swait.ge [sflag:s11], $0x1400  }
0x12c: {  	[sflag:s11] =	ssyncset.done $0x0  }
0x12d: {  	[sflag:s11] =	ssyncadd.s32 $0xFFFFEC00  }
0x12e: {  	[spmem:s26] =	stream.linear.scatter [tilespmem:s12], [sflag:$0x3], $0x1400, $0x38;
	[tilespmem:$0x1F260] =	vst v63  }
0x12f: {  	_ =	swait.ge [sflag:s11], $0x1400  }
0x130: {  	[sflag:s11] =	ssyncset.done $0x0  }
0x131: {  	[sflag:s11] =	ssyncadd.s32 $0xFFFFEC00  }
0x132: {  	[tilespmem:s14], [sflag:$0x3] =	stream.linear.gather [spmem:s29], $0x1400, $0x38;
	[tilespmem:$0x1F260] =	vst v63  }
0x133: {  	_ =	swait.ge [sflag:s11], $0x1400  }
0x134: {  	[sflag:s11] =	ssyncset.done $0x0  }
0x135: {  	[sflag:s11] =	ssyncadd.s32 $0xFFFFEC00  }
0x136: {  	[tilespmem:s17], [sflag:$0x3] =	stream.linear.gather [spmem:s28], $0x1400, $0x38;
	[tilespmem:$0x1F260] =	vst v63  }
0x137: {  	_ =	swait.ge [sflag:s11], $0x1400  }
0x138: {  	[sflag:s11] =	ssyncset.done $0x0  }
0x139: {  	s22 =	simm.s32 $0x0;
	[sflag:s11] =	ssyncadd.s32 $0xFFFFEC00  }
0x13a: {  	v1 =	vld [tilespmem:s22+$0x6220]  }
0x13b: {  	v2 =	vld [tilespmem:s22+$0x4E20]  }
0x13c: {  	s23 =	simm.s32 $0x8F20  }
0x13d: {  	v3 =	vld [tilespmem:s23+$0x0];
	_ =	sdelay $0x1  }
0x13e: {  	v60 =	vld [tilespmem:$0xB220]  }
0x13f: {  	v1 =	vadd.f32 v2, v1;
	_ =	sdelay $0x1  }
0x140: {  	v1 =	vmul.f32 v1, v3;
	_ =	sdelay $0x1  }
0x141: {  	v1 =	vadd.f32 v1, v60  }
0x142: {  	v61 =	vld [tilespmem:s22+$0x6230]  }
0x143: {  	v2 =	vld [tilespmem:s22+$0x4E30];
	v1 =	vmax.f32 v1, $0.0e+00  }
0x144: {  	v1 =	vmul.f32 v1, v3;
	_ =	sdelay $0x1  }
0x145: {  	[tilespmem:s22+$0x6220] =	vst v1  }
0x146: {  	v1 =	vld [tilespmem:$0xB230]  }
0x147: {  	v2 =	vadd.f32 v2, v61;
	_ =	sdelay $0x1  }
0x148: {  	v2 =	vmul.f32 v2, v3;
	_ =	sdelay $0x1  }
0x149: {  	v1 =	vadd.f32 v2, v1  }
0x14a: {  	v62 =	vld [tilespmem:s22+$0x4E40]  }
0x14b: {  	v2 =	vld [tilespmem:s22+$0x6240];
	v1 =	vmax.f32 v1, $0.0e+00  }
0x14c: {  	v1 =	vmul.f32 v1, v3;
	_ =	sdelay $0x1  }
0x14d: {  	[tilespmem:s22+$0x6230] =	vst v1  }
0x14e: {  	v1 =	vld [tilespmem:$0xB240]  }
0x14f: {  	v2 =	vadd.f32 v62, v2;
	_ =	sdelay $0x1  }
0x150: {  	v2 =	vmul.f32 v2, v3;
	_ =	sdelay $0x1  }
0x151: {  	v1 =	vadd.f32 v2, v1  }
0x152: {  	v63 =	vld [tilespmem:s22+$0x6250]  }
0x153: {  	v2 =	vld [tilespmem:s22+$0x4E50];
	v1 =	vmax.f32 v1, $0.0e+00  }
0x154: {  	v1 =	vmul.f32 v1, v3;
	_ =	sdelay $0x1  }
0x155: {  	[tilespmem:s22+$0x6240] =	vst v1  }
0x156: {  	v1 =	vld [tilespmem:$0xB250]  }
0x157: {  	v2 =	vadd.f32 v2, v63;
	_ =	sdelay $0x1  }
0x158: {  	v2 =	vmul.f32 v2, v3;
	_ =	sdelay $0x1  }
0x159: {  	v1 =	vadd.f32 v2, v1;
	_ =	sdelay $0x1  }
0x15a: {  	s1 =	simm.s32 $0x40;
	v2 =	vmax.f32 v1, $0.0e+00  }
0x15b: {  	s24 =	simm.s32 $0x200;
	v1 =	vld [tilespmem:s1+$0x6220];
	v2 =	vmul.f32 v2, v3  }
.LBB2_8:
0x15c: {  	p0 =	sne.s32 s24, $0x4F00  }
0x15d: {  	v3 =	vld [tilespmem:s1+$0x4E20];
	s23 =	sadd.s32 $0x10, s23;
	s10 =	smov.u32 s24;
	s24 =	sadd.s32 $0x100, s24  }
0x15e: {  	v4 =	vld [tilespmem:s1+$0x4E40];
	[tilespmem:s22+$0x6250] =	vst v2;
	s22 =	smov.u32 s1  }
0x15f: {  	v2 =	vld [tilespmem:s23+$0x0]  }
0x160: {  	v5 =	vld [tilespmem:$0xB220];
	_ =	sdelay $0x1  }
0x161: {  	v1 =	vadd.f32 v3, v1;
	_ =	sdelay $0x1  }
0x162: {  	v1 =	vmul.f32 v1, v2;
	_ =	sdelay $0x1  }
0x163: {  	v1 =	vadd.f32 v1, v5;
	v3 =	vld [tilespmem:s22+$0x4E30]  }
0x164: {  	v5 =	vld [tilespmem:s22+$0x6230]  }
0x165: {  	v1 =	vmax.f32 v1, $0.0e+00  }
0x166: {  	v1 =	vmul.f32 v1, v2;
	_ =	sdelay $0x1  }
0x167: {  	[tilespmem:s22+$0x6220] =	vst v1  }
0x168: {  	v1 =	vld [tilespmem:$0xB230];
	v3 =	vadd.f32 v3, v5;
	_ =	sdelay $0x1  }
0x169: {  	v3 =	vmul.f32 v3, v2;
	_ =	sdelay $0x2  }
0x16a: {  	v1 =	vadd.f32 v3, v1  }
0x16b: {  	v3 =	vld [tilespmem:s22+$0x6240]  }
0x16c: {  	v1 =	vmax.f32 v1, $0.0e+00  }
0x16d: {  	v1 =	vmul.f32 v1, v2;
	_ =	sdelay $0x1  }
0x16e: {  	[tilespmem:s22+$0x6230] =	vst v1  }
0x16f: {  	v1 =	vld [tilespmem:$0xB240];
	v3 =	vadd.f32 v4, v3;
	_ =	sdelay $0x1  }
0x170: {  	v3 =	vmul.f32 v3, v2;
	_ =	sdelay $0x2  }
0x171: {  	v1 =	vadd.f32 v3, v1;
	v3 =	vld [tilespmem:s22+$0x4E50]  }
0x172: {  	v4 =	vld [tilespmem:s22+$0x6250]  }
0x173: {  	v1 =	vmax.f32 v1, $0.0e+00  }
0x174: {  	v1 =	vmul.f32 v1, v2;
	_ =	sdelay $0x1  }
0x175: {  	[tilespmem:s22+$0x6240] =	vst v1  }
0x176: {  	v1 =	vld [tilespmem:$0xB250];
	v3 =	vadd.f32 v3, v4;
	_ =	sdelay $0x1  }
0x177: {  	v3 =	vmul.f32 v3, v2;
	_ =	sdelay $0x1  }
.Ltmp3:
0x178: {  	(pc) =	sbr.rel @p0 .LBB2_8-.Ltmp3, $3  }
0x179: {  	v1 =	vadd.f32 v3, v1;
	_ =	sdelay $0x1  }
0x17a: {  	s1 =	sshra.s32 s10, $0x2;
	v3 =	vmax.f32 v1, $0.0e+00  }
0x17b: {  	v1 =	vld [tilespmem:s1+$0x6220];
	v2 =	vmul.f32 v3, v2  }
0x17c: {  	v3 =	vld [tilespmem:s1+$0x4E20]  }
0x17d: {  	v4 =	vld [tilespmem:s1+$0x4E40];
	s10 =	sadd.s32 $0x10, s23;
	[tilespmem:s22+$0x6250] =	vst v2  }
0x17e: {  	v2 =	vld [tilespmem:s10+$0x0];
	_ =	sdelay $0x1  }
0x17f: {  	v5 =	vld [tilespmem:$0xB220]  }
0x180: {  	v1 =	vadd.f32 v3, v1;
	_ =	sdelay $0x1  }
0x181: {  	v1 =	vmul.f32 v1, v2;
	_ =	sdelay $0x1  }
0x182: {  	v1 =	vadd.f32 v1, v5  }
0x183: {  	v58 =	vld [tilespmem:s1+$0x6230]  }
0x184: {  	v3 =	vld [tilespmem:s1+$0x4E30];
	v1 =	vmax.f32 v1, $0.0e+00  }
0x185: {  	v1 =	vmul.f32 v1, v2;
	_ =	sdelay $0x1  }
0x186: {  	[tilespmem:s1+$0x6220] =	vst v1  }
0x187: {  	v1 =	vld [tilespmem:$0xB230]  }
0x188: {  	v3 =	vadd.f32 v3, v58;
	_ =	sdelay $0x1  }
0x189: {  	v3 =	vmul.f32 v3, v2;
	_ =	sdelay $0x1  }
0x18a: {  	v1 =	vadd.f32 v3, v1;
	_ =	sdelay $0x1  }
0x18b: {  	v3 =	vld [tilespmem:s1+$0x6240];
	v1 =	vmax.f32 v1, $0.0e+00  }
0x18c: {  	v1 =	vmul.f32 v1, v2;
	_ =	sdelay $0x1  }
0x18d: {  	[tilespmem:s1+$0x6230] =	vst v1  }
0x18e: {  	v1 =	vld [tilespmem:$0xB240]  }
0x18f: {  	v3 =	vadd.f32 v4, v3;
	_ =	sdelay $0x1  }
0x190: {  	v3 =	vmul.f32 v3, v2;
	_ =	sdelay $0x1  }
0x191: {  	v1 =	vadd.f32 v3, v1  }
0x192: {  	v59 =	vld [tilespmem:s1+$0x6250]  }
0x193: {  	v3 =	vld [tilespmem:s1+$0x4E50];
	v1 =	vmax.f32 v1, $0.0e+00  }
0x194: {  	v1 =	vmul.f32 v1, v2;
	_ =	sdelay $0x1  }
0x195: {  	[tilespmem:s1+$0x6240] =	vst v1  }
0x196: {  	v1 =	vld [tilespmem:$0xB250]  }
0x197: {  	v3 =	vadd.f32 v3, v59;
	_ =	sdelay $0x1  }
0x198: {  	v3 =	vmul.f32 v3, v2;
	_ =	sdelay $0x1  }
0x199: {  	v1 =	vadd.f32 v3, v1;
	_ =	sdelay $0x1  }
0x19a: {  	v1 =	vmax.f32 v1, $0.0e+00  }
0x19b: {  	v1 =	vmul.f32 v1, v2;
	_ =	sdelay $0x1  }
0x19c: {  	[tilespmem:s1+$0x6250] =	vst v1  }
0x19d: {  	[spmem:s28] =	stream.linear.scatter [tilespmem:s17], [sflag:$0x3], $0x1400, $0x38;
	[tilespmem:$0x1F260] =	vst v63  }
0x19e: {  	_ =	swait.ge [sflag:s11], $0x1400  }
0x19f: {  	[sflag:s11] =	ssyncset.done $0x0  }
0x1a0: {  	[sflag:s11] =	ssyncadd.s32 $0xFFFFEC00  }
0x1a1: {  	[spmem:s29] =	stream.linear.scatter [tilespmem:s12], [sflag:$0x3], $0x1400, $0x38;
	[tilespmem:$0x1F260] =	vst v63  }
0x1a2: {  	_ =	swait.ge [sflag:s11], $0x1400  }
0x1a3: {  	[sflag:s11] =	ssyncset.done $0x0  }
0x1a4: {  	[sflag:s11] =	ssyncadd.s32 $0xFFFFEC00  }
0x1a5: {  	[tilespmem:s14], [sflag:$0x3] =	stream.linear.gather [spmem:s31], $0x1400, $0x38;
	[tilespmem:$0x1F260] =	vst v63  }
0x1a6: {  	_ =	swait.ge [sflag:s11], $0x1400  }
0x1a7: {  	[sflag:s11] =	ssyncset.done $0x0  }
0x1a8: {  	[sflag:s11] =	ssyncadd.s32 $0xFFFFEC00  }
0x1a9: {  	[tilespmem:s17], [sflag:$0x3] =	stream.linear.gather [spmem:s30], $0x1400, $0x38;
	[tilespmem:$0x1F260] =	vst v63  }
0x1aa: {  	_ =	swait.ge [sflag:s11], $0x1400  }
0x1ab: {  	[sflag:s11] =	ssyncset.done $0x0  }
0x1ac: {  	s22 =	simm.s32 $0x0;
	[sflag:s11] =	ssyncadd.s32 $0xFFFFEC00  }
0x1ad: {  	v1 =	vld [tilespmem:s22+$0x6220]  }
0x1ae: {  	v2 =	vld [tilespmem:s22+$0x4E20]  }
0x1af: {  	s23 =	simm.s32 $0x9420  }
0x1b0: {  	v3 =	vld [tilespmem:s23+$0x0];
	_ =	sdelay $0x1  }
0x1b1: {  	v60 =	vld [tilespmem:$0xB220]  }
0x1b2: {  	v1 =	vadd.f32 v2, v1;
	_ =	sdelay $0x1  }
0x1b3: {  	v1 =	vmul.f32 v1, v3;
	_ =	sdelay $0x1  }
0x1b4: {  	v1 =	vadd.f32 v1, v60  }
0x1b5: {  	v61 =	vld [tilespmem:s22+$0x6230]  }
0x1b6: {  	v2 =	vld [tilespmem:s22+$0x4E30];
	v1 =	vmax.f32 v1, $0.0e+00  }
0x1b7: {  	v1 =	vmul.f32 v1, v3;
	_ =	sdelay $0x1  }
0x1b8: {  	[tilespmem:s22+$0x6220] =	vst v1  }
0x1b9: {  	v1 =	vld [tilespmem:$0xB230]  }
0x1ba: {  	v2 =	vadd.f32 v2, v61;
	_ =	sdelay $0x1  }
0x1bb: {  	v2 =	vmul.f32 v2, v3;
	_ =	sdelay $0x1  }
0x1bc: {  	v1 =	vadd.f32 v2, v1  }
0x1bd: {  	v62 =	vld [tilespmem:s22+$0x4E40]  }
0x1be: {  	v2 =	vld [tilespmem:s22+$0x6240];
	v1 =	vmax.f32 v1, $0.0e+00  }
0x1bf: {  	v1 =	vmul.f32 v1, v3;
	_ =	sdelay $0x1  }
0x1c0: {  	[tilespmem:s22+$0x6230] =	vst v1  }
0x1c1: {  	v1 =	vld [tilespmem:$0xB240]  }
0x1c2: {  	v2 =	vadd.f32 v62, v2;
	_ =	sdelay $0x1  }
0x1c3: {  	v2 =	vmul.f32 v2, v3;
	_ =	sdelay $0x1  }
0x1c4: {  	v1 =	vadd.f32 v2, v1  }
0x1c5: {  	v63 =	vld [tilespmem:s22+$0x6250]  }
0x1c6: {  	v2 =	vld [tilespmem:s22+$0x4E50];
	v1 =	vmax.f32 v1, $0.0e+00  }
0x1c7: {  	v1 =	vmul.f32 v1, v3;
	_ =	sdelay $0x1  }
0x1c8: {  	[tilespmem:s22+$0x6240] =	vst v1  }
0x1c9: {  	v1 =	vld [tilespmem:$0xB250]  }
0x1ca: {  	v2 =	vadd.f32 v2, v63;
	_ =	sdelay $0x1  }
0x1cb: {  	v2 =	vmul.f32 v2, v3;
	_ =	sdelay $0x1  }
0x1cc: {  	v1 =	vadd.f32 v2, v1;
	_ =	sdelay $0x1  }
0x1cd: {  	s1 =	simm.s32 $0x40;
	v2 =	vmax.f32 v1, $0.0e+00  }
0x1ce: {  	s24 =	simm.s32 $0x200;
	v1 =	vld [tilespmem:s1+$0x6220];
	v2 =	vmul.f32 v2, v3  }
.LBB2_10:
0x1cf: {  	p0 =	sne.s32 s24, $0x4F00  }
0x1d0: {  	v3 =	vld [tilespmem:s1+$0x4E20];
	s23 =	sadd.s32 $0x10, s23;
	s10 =	smov.u32 s24;
	s24 =	sadd.s32 $0x100, s24  }
0x1d1: {  	v4 =	vld [tilespmem:s1+$0x4E40];
	[tilespmem:s22+$0x6250] =	vst v2;
	s22 =	smov.u32 s1  }
0x1d2: {  	v2 =	vld [tilespmem:s23+$0x0]  }
0x1d3: {  	v5 =	vld [tilespmem:$0xB220];
	_ =	sdelay $0x1  }
0x1d4: {  	v1 =	vadd.f32 v3, v1;
	_ =	sdelay $0x1  }
0x1d5: {  	v1 =	vmul.f32 v1, v2;
	_ =	sdelay $0x1  }
0x1d6: {  	v1 =	vadd.f32 v1, v5;
	v3 =	vld [tilespmem:s22+$0x4E30]  }
0x1d7: {  	v5 =	vld [tilespmem:s22+$0x6230]  }
0x1d8: {  	v1 =	vmax.f32 v1, $0.0e+00  }
0x1d9: {  	v1 =	vmul.f32 v1, v2;
	_ =	sdelay $0x1  }
0x1da: {  	[tilespmem:s22+$0x6220] =	vst v1  }
0x1db: {  	v1 =	vld [tilespmem:$0xB230];
	v3 =	vadd.f32 v3, v5;
	_ =	sdelay $0x1  }
0x1dc: {  	v3 =	vmul.f32 v3, v2;
	_ =	sdelay $0x2  }
0x1dd: {  	v1 =	vadd.f32 v3, v1  }
0x1de: {  	v3 =	vld [tilespmem:s22+$0x6240]  }
0x1df: {  	v1 =	vmax.f32 v1, $0.0e+00  }
0x1e0: {  	v1 =	vmul.f32 v1, v2;
	_ =	sdelay $0x1  }
0x1e1: {  	[tilespmem:s22+$0x6230] =	vst v1  }
0x1e2: {  	v1 =	vld [tilespmem:$0xB240];
	v3 =	vadd.f32 v4, v3;
	_ =	sdelay $0x1  }
0x1e3: {  	v3 =	vmul.f32 v3, v2;
	_ =	sdelay $0x2  }
0x1e4: {  	v1 =	vadd.f32 v3, v1;
	v3 =	vld [tilespmem:s22+$0x4E50]  }
0x1e5: {  	v4 =	vld [tilespmem:s22+$0x6250]  }
0x1e6: {  	v1 =	vmax.f32 v1, $0.0e+00  }
0x1e7: {  	v1 =	vmul.f32 v1, v2;
	_ =	sdelay $0x1  }
0x1e8: {  	[tilespmem:s22+$0x6240] =	vst v1  }
0x1e9: {  	v1 =	vld [tilespmem:$0xB250];
	v3 =	vadd.f32 v3, v4;
	_ =	sdelay $0x1  }
0x1ea: {  	v3 =	vmul.f32 v3, v2;
	_ =	sdelay $0x1  }
.Ltmp4:
0x1eb: {  	(pc) =	sbr.rel @p0 .LBB2_10-.Ltmp4, $3  }
0x1ec: {  	v1 =	vadd.f32 v3, v1;
	_ =	sdelay $0x1  }
0x1ed: {  	s1 =	sshra.s32 s10, $0x2;
	v3 =	vmax.f32 v1, $0.0e+00  }
0x1ee: {  	v1 =	vld [tilespmem:s1+$0x6220];
	v2 =	vmul.f32 v3, v2  }
0x1ef: {  	v3 =	vld [tilespmem:s1+$0x4E20]  }
0x1f0: {  	v4 =	vld [tilespmem:s1+$0x4E40];
	s10 =	sadd.s32 $0x10, s23;
	[tilespmem:s22+$0x6250] =	vst v2  }
0x1f1: {  	v2 =	vld [tilespmem:s10+$0x0];
	_ =	sdelay $0x1  }
0x1f2: {  	v5 =	vld [tilespmem:$0xB220]  }
0x1f3: {  	v1 =	vadd.f32 v3, v1;
	_ =	sdelay $0x1  }
0x1f4: {  	v1 =	vmul.f32 v1, v2;
	_ =	sdelay $0x1  }
0x1f5: {  	v1 =	vadd.f32 v1, v5  }
0x1f6: {  	v58 =	vld [tilespmem:s1+$0x6230]  }
0x1f7: {  	v3 =	vld [tilespmem:s1+$0x4E30];
	v1 =	vmax.f32 v1, $0.0e+00  }
0x1f8: {  	v1 =	vmul.f32 v1, v2;
	_ =	sdelay $0x1  }
0x1f9: {  	[tilespmem:s1+$0x6220] =	vst v1  }
0x1fa: {  	v1 =	vld [tilespmem:$0xB230]  }
0x1fb: {  	v3 =	vadd.f32 v3, v58;
	_ =	sdelay $0x1  }
0x1fc: {  	v3 =	vmul.f32 v3, v2;
	_ =	sdelay $0x1  }
0x1fd: {  	v1 =	vadd.f32 v3, v1;
	_ =	sdelay $0x1  }
0x1fe: {  	v3 =	vld [tilespmem:s1+$0x6240];
	v1 =	vmax.f32 v1, $0.0e+00  }
0x1ff: {  	v1 =	vmul.f32 v1, v2;
	_ =	sdelay $0x1  }
0x200: {  	[tilespmem:s1+$0x6230] =	vst v1  }
0x201: {  	v1 =	vld [tilespmem:$0xB240]  }
0x202: {  	v3 =	vadd.f32 v4, v3;
	_ =	sdelay $0x1  }
0x203: {  	v3 =	vmul.f32 v3, v2;
	_ =	sdelay $0x1  }
0x204: {  	v1 =	vadd.f32 v3, v1  }
0x205: {  	v59 =	vld [tilespmem:s1+$0x6250]  }
0x206: {  	v3 =	vld [tilespmem:s1+$0x4E50];
	v1 =	vmax.f32 v1, $0.0e+00  }
0x207: {  	v1 =	vmul.f32 v1, v2;
	_ =	sdelay $0x1  }
0x208: {  	[tilespmem:s1+$0x6240] =	vst v1  }
0x209: {  	v1 =	vld [tilespmem:$0xB250]  }
0x20a: {  	v3 =	vadd.f32 v3, v59;
	_ =	sdelay $0x1  }
0x20b: {  	v3 =	vmul.f32 v3, v2;
	_ =	sdelay $0x1  }
0x20c: {  	v1 =	vadd.f32 v3, v1;
	_ =	sdelay $0x1  }
0x20d: {  	v1 =	vmax.f32 v1, $0.0e+00  }
0x20e: {  	v1 =	vmul.f32 v1, v2;
	_ =	sdelay $0x1  }
0x20f: {  	[tilespmem:s1+$0x6250] =	vst v1  }
0x210: {  	[spmem:s30] =	stream.linear.scatter [tilespmem:s17], [sflag:$0x3], $0x1400, $0x38;
	[tilespmem:$0x1F260] =	vst v63  }
0x211: {  	_ =	swait.ge [sflag:s11], $0x1400  }
0x212: {  	[sflag:s11] =	ssyncset.done $0x0  }
0x213: {  	[sflag:s11] =	ssyncadd.s32 $0xFFFFEC00  }
0x214: {  	[spmem:s31] =	stream.linear.scatter [tilespmem:s12], [sflag:$0x3], $0x1400, $0x38;
	[tilespmem:$0x1F260] =	vst v63  }
0x215: {  	_ =	swait.ge [sflag:s11], $0x1400  }
0x216: {  	[sflag:s11] =	ssyncset.done $0x0  }
0x217: {  	[sflag:s11] =	ssyncadd.s32 $0xFFFFEC00  }
0x218: {  	[tilespmem:s14], [sflag:$0x3] =	stream.linear.gather [spmem:s0], $0x1400, $0x38;
	[tilespmem:$0x1F260] =	vst v63  }
0x219: {  	_ =	swait.ge [sflag:s11], $0x1400  }
0x21a: {  	[sflag:s11] =	ssyncset.done $0x0  }
0x21b: {  	[sflag:s11] =	ssyncadd.s32 $0xFFFFEC00  }
0x21c: {  	[tilespmem:s17], [sflag:$0x3] =	stream.linear.gather [spmem:s15], $0x1400, $0x38;
	[tilespmem:$0x1F260] =	vst v63  }
0x21d: {  	_ =	swait.ge [sflag:s11], $0x1400  }
0x21e: {  	[sflag:s11] =	ssyncset.done $0x0  }
0x21f: {  	s22 =	simm.s32 $0x0;
	[sflag:s11] =	ssyncadd.s32 $0xFFFFEC00  }
0x220: {  	v1 =	vld [tilespmem:s22+$0x6220]  }
0x221: {  	v2 =	vld [tilespmem:s22+$0x4E20]  }
0x222: {  	s23 =	simm.s32 $0x9920  }
0x223: {  	v3 =	vld [tilespmem:s23+$0x0];
	_ =	sdelay $0x1  }
0x224: {  	v60 =	vld [tilespmem:$0xB220]  }
0x225: {  	v1 =	vadd.f32 v2, v1;
	_ =	sdelay $0x1  }
0x226: {  	v1 =	vmul.f32 v1, v3;
	_ =	sdelay $0x1  }
0x227: {  	v1 =	vadd.f32 v1, v60  }
0x228: {  	v61 =	vld [tilespmem:s22+$0x6230]  }
0x229: {  	v2 =	vld [tilespmem:s22+$0x4E30];
	v1 =	vmax.f32 v1, $0.0e+00  }
0x22a: {  	v1 =	vmul.f32 v1, v3;
	_ =	sdelay $0x1  }
0x22b: {  	[tilespmem:s22+$0x6220] =	vst v1  }
0x22c: {  	v1 =	vld [tilespmem:$0xB230]  }
0x22d: {  	v2 =	vadd.f32 v2, v61;
	_ =	sdelay $0x1  }
0x22e: {  	v2 =	vmul.f32 v2, v3;
	_ =	sdelay $0x1  }
0x22f: {  	v1 =	vadd.f32 v2, v1  }
0x230: {  	v62 =	vld [tilespmem:s22+$0x4E40]  }
0x231: {  	v2 =	vld [tilespmem:s22+$0x6240];
	v1 =	vmax.f32 v1, $0.0e+00  }
0x232: {  	v1 =	vmul.f32 v1, v3;
	_ =	sdelay $0x1  }
0x233: {  	[tilespmem:s22+$0x6230] =	vst v1  }
0x234: {  	v1 =	vld [tilespmem:$0xB240]  }
0x235: {  	v2 =	vadd.f32 v62, v2;
	_ =	sdelay $0x1  }
0x236: {  	v2 =	vmul.f32 v2, v3;
	_ =	sdelay $0x1  }
0x237: {  	v1 =	vadd.f32 v2, v1  }
0x238: {  	v63 =	vld [tilespmem:s22+$0x6250]  }
0x239: {  	v2 =	vld [tilespmem:s22+$0x4E50];
	v1 =	vmax.f32 v1, $0.0e+00  }
0x23a: {  	v1 =	vmul.f32 v1, v3;
	_ =	sdelay $0x1  }
0x23b: {  	[tilespmem:s22+$0x6240] =	vst v1  }
0x23c: {  	v1 =	vld [tilespmem:$0xB250]  }
0x23d: {  	v2 =	vadd.f32 v2, v63;
	_ =	sdelay $0x1  }
0x23e: {  	v2 =	vmul.f32 v2, v3;
	_ =	sdelay $0x1  }
0x23f: {  	v1 =	vadd.f32 v2, v1;
	_ =	sdelay $0x1  }
0x240: {  	s1 =	simm.s32 $0x40;
	v2 =	vmax.f32 v1, $0.0e+00  }
0x241: {  	s24 =	simm.s32 $0x200;
	v1 =	vld [tilespmem:s1+$0x6220];
	v2 =	vmul.f32 v2, v3  }
.LBB2_12:
0x242: {  	p0 =	sne.s32 s24, $0x4F00  }
0x243: {  	v3 =	vld [tilespmem:s1+$0x4E20];
	s23 =	sadd.s32 $0x10, s23;
	s10 =	smov.u32 s24;
	s24 =	sadd.s32 $0x100, s24  }
0x244: {  	v4 =	vld [tilespmem:s1+$0x4E40];
	[tilespmem:s22+$0x6250] =	vst v2;
	s22 =	smov.u32 s1  }
0x245: {  	v2 =	vld [tilespmem:s23+$0x0]  }
0x246: {  	v5 =	vld [tilespmem:$0xB220];
	_ =	sdelay $0x1  }
0x247: {  	v1 =	vadd.f32 v3, v1;
	_ =	sdelay $0x1  }
0x248: {  	v1 =	vmul.f32 v1, v2;
	_ =	sdelay $0x1  }
0x249: {  	v1 =	vadd.f32 v1, v5;
	v3 =	vld [tilespmem:s22+$0x4E30]  }
0x24a: {  	v5 =	vld [tilespmem:s22+$0x6230]  }
0x24b: {  	v1 =	vmax.f32 v1, $0.0e+00  }
0x24c: {  	v1 =	vmul.f32 v1, v2;
	_ =	sdelay $0x1  }
0x24d: {  	[tilespmem:s22+$0x6220] =	vst v1  }
0x24e: {  	v1 =	vld [tilespmem:$0xB230];
	v3 =	vadd.f32 v3, v5;
	_ =	sdelay $0x1  }
0x24f: {  	v3 =	vmul.f32 v3, v2;
	_ =	sdelay $0x2  }
0x250: {  	v1 =	vadd.f32 v3, v1  }
0x251: {  	v3 =	vld [tilespmem:s22+$0x6240]  }
0x252: {  	v1 =	vmax.f32 v1, $0.0e+00  }
0x253: {  	v1 =	vmul.f32 v1, v2;
	_ =	sdelay $0x1  }
0x254: {  	[tilespmem:s22+$0x6230] =	vst v1  }
0x255: {  	v1 =	vld [tilespmem:$0xB240];
	v3 =	vadd.f32 v4, v3;
	_ =	sdelay $0x1  }
0x256: {  	v3 =	vmul.f32 v3, v2;
	_ =	sdelay $0x2  }
0x257: {  	v1 =	vadd.f32 v3, v1;
	v3 =	vld [tilespmem:s22+$0x4E50]  }
0x258: {  	v4 =	vld [tilespmem:s22+$0x6250]  }
0x259: {  	v1 =	vmax.f32 v1, $0.0e+00  }
0x25a: {  	v1 =	vmul.f32 v1, v2;
	_ =	sdelay $0x1  }
0x25b: {  	[tilespmem:s22+$0x6240] =	vst v1  }
0x25c: {  	v1 =	vld [tilespmem:$0xB250];
	v3 =	vadd.f32 v3, v4;
	_ =	sdelay $0x1  }
0x25d: {  	v3 =	vmul.f32 v3, v2;
	_ =	sdelay $0x1  }
.Ltmp5:
0x25e: {  	(pc) =	sbr.rel @p0 .LBB2_12-.Ltmp5, $3  }
0x25f: {  	v1 =	vadd.f32 v3, v1;
	_ =	sdelay $0x1  }
0x260: {  	s1 =	sshra.s32 s10, $0x2;
	v3 =	vmax.f32 v1, $0.0e+00  }
0x261: {  	v1 =	vld [tilespmem:s1+$0x6220];
	v2 =	vmul.f32 v3, v2  }
0x262: {  	v3 =	vld [tilespmem:s1+$0x4E20]  }
0x263: {  	v4 =	vld [tilespmem:s1+$0x4E40];
	s10 =	sadd.s32 $0x10, s23;
	[tilespmem:s22+$0x6250] =	vst v2  }
0x264: {  	v2 =	vld [tilespmem:s10+$0x0];
	_ =	sdelay $0x1  }
0x265: {  	v5 =	vld [tilespmem:$0xB220]  }
0x266: {  	v1 =	vadd.f32 v3, v1;
	_ =	sdelay $0x1  }
0x267: {  	v1 =	vmul.f32 v1, v2;
	_ =	sdelay $0x1  }
0x268: {  	v1 =	vadd.f32 v1, v5  }
0x269: {  	v58 =	vld [tilespmem:s1+$0x6230]  }
0x26a: {  	v3 =	vld [tilespmem:s1+$0x4E30];
	v1 =	vmax.f32 v1, $0.0e+00  }
0x26b: {  	v1 =	vmul.f32 v1, v2;
	_ =	sdelay $0x1  }
0x26c: {  	[tilespmem:s1+$0x6220] =	vst v1  }
0x26d: {  	v1 =	vld [tilespmem:$0xB230]  }
0x26e: {  	v3 =	vadd.f32 v3, v58;
	_ =	sdelay $0x1  }
0x26f: {  	v3 =	vmul.f32 v3, v2;
	_ =	sdelay $0x1  }
0x270: {  	v1 =	vadd.f32 v3, v1;
	_ =	sdelay $0x1  }
0x271: {  	v3 =	vld [tilespmem:s1+$0x6240];
	v1 =	vmax.f32 v1, $0.0e+00  }
0x272: {  	v1 =	vmul.f32 v1, v2;
	_ =	sdelay $0x1  }
0x273: {  	[tilespmem:s1+$0x6230] =	vst v1  }
0x274: {  	v1 =	vld [tilespmem:$0xB240]  }
0x275: {  	v3 =	vadd.f32 v4, v3;
	_ =	sdelay $0x1  }
0x276: {  	v3 =	vmul.f32 v3, v2;
	_ =	sdelay $0x1  }
0x277: {  	v1 =	vadd.f32 v3, v1  }
0x278: {  	v59 =	vld [tilespmem:s1+$0x6250]  }
0x279: {  	v3 =	vld [tilespmem:s1+$0x4E50];
	v1 =	vmax.f32 v1, $0.0e+00  }
0x27a: {  	v1 =	vmul.f32 v1, v2;
	_ =	sdelay $0x1  }
0x27b: {  	[tilespmem:s1+$0x6240] =	vst v1  }
0x27c: {  	v1 =	vld [tilespmem:$0xB250]  }
0x27d: {  	v3 =	vadd.f32 v3, v59;
	_ =	sdelay $0x1  }
0x27e: {  	v3 =	vmul.f32 v3, v2;
	_ =	sdelay $0x1  }
0x27f: {  	v1 =	vadd.f32 v3, v1;
	_ =	sdelay $0x1  }
0x280: {  	v1 =	vmax.f32 v1, $0.0e+00  }
0x281: {  	v1 =	vmul.f32 v1, v2;
	_ =	sdelay $0x1  }
0x282: {  	[tilespmem:s1+$0x6250] =	vst v1  }
0x283: {  	[spmem:s15] =	stream.linear.scatter [tilespmem:s17], [sflag:$0x3], $0x1400, $0x38;
	[tilespmem:$0x1F260] =	vst v63  }
0x284: {  	_ =	swait.ge [sflag:s11], $0x1400  }
0x285: {  	[sflag:s11] =	ssyncset.done $0x0  }
0x286: {  	[sflag:s11] =	ssyncadd.s32 $0xFFFFEC00  }
0x287: {  	[spmem:s0] =	stream.linear.scatter [tilespmem:s12], [sflag:$0x3], $0x1400, $0x38;
	[tilespmem:$0x1F260] =	vst v63  }
0x288: {  	_ =	swait.ge [sflag:s11], $0x1400  }
0x289: {  	[sflag:s11] =	ssyncset.done $0x0  }
0x28a: {  	[sflag:s11] =	ssyncadd.s32 $0xFFFFEC00  }
0x28b: {  	[tilespmem:s14], [sflag:$0x3] =	stream.linear.gather [spmem:s3], $0x1400, $0x38;
	[tilespmem:$0x1F260] =	vst v63  }
0x28c: {  	_ =	swait.ge [sflag:s11], $0x1400  }
0x28d: {  	[sflag:s11] =	ssyncset.done $0x0  }
0x28e: {  	[sflag:s11] =	ssyncadd.s32 $0xFFFFEC00  }
0x28f: {  	[tilespmem:s17], [sflag:$0x3] =	stream.linear.gather [spmem:s2], $0x1400, $0x38;
	[tilespmem:$0x1F260] =	vst v63  }
0x290: {  	_ =	swait.ge [sflag:s11], $0x1400  }
0x291: {  	[sflag:s11] =	ssyncset.done $0x0  }
0x292: {  	s22 =	simm.s32 $0x0;
	[sflag:s11] =	ssyncadd.s32 $0xFFFFEC00  }
0x293: {  	v1 =	vld [tilespmem:s22+$0x6220]  }
0x294: {  	v2 =	vld [tilespmem:s22+$0x4E20]  }
0x295: {  	s23 =	simm.s32 $0x9E20  }
0x296: {  	v3 =	vld [tilespmem:s23+$0x0];
	_ =	sdelay $0x1  }
0x297: {  	v60 =	vld [tilespmem:$0xB220]  }
0x298: {  	v1 =	vadd.f32 v2, v1;
	_ =	sdelay $0x1  }
0x299: {  	v1 =	vmul.f32 v1, v3;
	_ =	sdelay $0x1  }
0x29a: {  	v1 =	vadd.f32 v1, v60  }
0x29b: {  	v61 =	vld [tilespmem:s22+$0x6230]  }
0x29c: {  	v2 =	vld [tilespmem:s22+$0x4E30];
	v1 =	vmax.f32 v1, $0.0e+00  }
0x29d: {  	v1 =	vmul.f32 v1, v3;
	_ =	sdelay $0x1  }
0x29e: {  	[tilespmem:s22+$0x6220] =	vst v1  }
0x29f: {  	v1 =	vld [tilespmem:$0xB230]  }
0x2a0: {  	v2 =	vadd.f32 v2, v61;
	_ =	sdelay $0x1  }
0x2a1: {  	v2 =	vmul.f32 v2, v3;
	_ =	sdelay $0x1  }
0x2a2: {  	v1 =	vadd.f32 v2, v1  }
0x2a3: {  	v62 =	vld [tilespmem:s22+$0x4E40]  }
0x2a4: {  	v2 =	vld [tilespmem:s22+$0x6240];
	v1 =	vmax.f32 v1, $0.0e+00  }
0x2a5: {  	v1 =	vmul.f32 v1, v3;
	_ =	sdelay $0x1  }
0x2a6: {  	[tilespmem:s22+$0x6230] =	vst v1  }
0x2a7: {  	v1 =	vld [tilespmem:$0xB240]  }
0x2a8: {  	v2 =	vadd.f32 v62, v2;
	_ =	sdelay $0x1  }
0x2a9: {  	v2 =	vmul.f32 v2, v3;
	_ =	sdelay $0x1  }
0x2aa: {  	v1 =	vadd.f32 v2, v1  }
0x2ab: {  	v63 =	vld [tilespmem:s22+$0x6250]  }
0x2ac: {  	v2 =	vld [tilespmem:s22+$0x4E50];
	v1 =	vmax.f32 v1, $0.0e+00  }
0x2ad: {  	v1 =	vmul.f32 v1, v3;
	_ =	sdelay $0x1  }
0x2ae: {  	[tilespmem:s22+$0x6240] =	vst v1  }
0x2af: {  	v1 =	vld [tilespmem:$0xB250]  }
0x2b0: {  	v2 =	vadd.f32 v2, v63;
	_ =	sdelay $0x1  }
0x2b1: {  	v2 =	vmul.f32 v2, v3;
	_ =	sdelay $0x1  }
0x2b2: {  	v1 =	vadd.f32 v2, v1;
	_ =	sdelay $0x1  }
0x2b3: {  	s1 =	simm.s32 $0x40;
	v2 =	vmax.f32 v1, $0.0e+00  }
0x2b4: {  	s24 =	simm.s32 $0x200;
	v1 =	vld [tilespmem:s1+$0x6220];
	v2 =	vmul.f32 v2, v3  }
.LBB2_14:
0x2b5: {  	p0 =	sne.s32 s24, $0x4F00  }
0x2b6: {  	v3 =	vld [tilespmem:s1+$0x4E20];
	s23 =	sadd.s32 $0x10, s23;
	s10 =	smov.u32 s24;
	s24 =	sadd.s32 $0x100, s24  }
0x2b7: {  	v4 =	vld [tilespmem:s1+$0x4E40];
	[tilespmem:s22+$0x6250] =	vst v2;
	s22 =	smov.u32 s1  }
0x2b8: {  	v2 =	vld [tilespmem:s23+$0x0]  }
0x2b9: {  	v5 =	vld [tilespmem:$0xB220];
	_ =	sdelay $0x1  }
0x2ba: {  	v1 =	vadd.f32 v3, v1;
	_ =	sdelay $0x1  }
0x2bb: {  	v1 =	vmul.f32 v1, v2;
	_ =	sdelay $0x1  }
0x2bc: {  	v1 =	vadd.f32 v1, v5;
	v3 =	vld [tilespmem:s22+$0x4E30]  }
0x2bd: {  	v5 =	vld [tilespmem:s22+$0x6230]  }
0x2be: {  	v1 =	vmax.f32 v1, $0.0e+00  }
0x2bf: {  	v1 =	vmul.f32 v1, v2;
	_ =	sdelay $0x1  }
0x2c0: {  	[tilespmem:s22+$0x6220] =	vst v1  }
0x2c1: {  	v1 =	vld [tilespmem:$0xB230];
	v3 =	vadd.f32 v3, v5;
	_ =	sdelay $0x1  }
0x2c2: {  	v3 =	vmul.f32 v3, v2;
	_ =	sdelay $0x2  }
0x2c3: {  	v1 =	vadd.f32 v3, v1  }
0x2c4: {  	v3 =	vld [tilespmem:s22+$0x6240]  }
0x2c5: {  	v1 =	vmax.f32 v1, $0.0e+00  }
0x2c6: {  	v1 =	vmul.f32 v1, v2;
	_ =	sdelay $0x1  }
0x2c7: {  	[tilespmem:s22+$0x6230] =	vst v1  }
0x2c8: {  	v1 =	vld [tilespmem:$0xB240];
	v3 =	vadd.f32 v4, v3;
	_ =	sdelay $0x1  }
0x2c9: {  	v3 =	vmul.f32 v3, v2;
	_ =	sdelay $0x2  }
0x2ca: {  	v1 =	vadd.f32 v3, v1;
	v3 =	vld [tilespmem:s22+$0x4E50]  }
0x2cb: {  	v4 =	vld [tilespmem:s22+$0x6250]  }
0x2cc: {  	v1 =	vmax.f32 v1, $0.0e+00  }
0x2cd: {  	v1 =	vmul.f32 v1, v2;
	_ =	sdelay $0x1  }
0x2ce: {  	[tilespmem:s22+$0x6240] =	vst v1  }
0x2cf: {  	v1 =	vld [tilespmem:$0xB250];
	v3 =	vadd.f32 v3, v4;
	_ =	sdelay $0x1  }
0x2d0: {  	v3 =	vmul.f32 v3, v2;
	_ =	sdelay $0x1  }
.Ltmp6:
0x2d1: {  	(pc) =	sbr.rel @p0 .LBB2_14-.Ltmp6, $3  }
0x2d2: {  	v1 =	vadd.f32 v3, v1;
	_ =	sdelay $0x1  }
0x2d3: {  	s1 =	sshra.s32 s10, $0x2;
	v3 =	vmax.f32 v1, $0.0e+00  }
0x2d4: {  	v1 =	vld [tilespmem:s1+$0x6220];
	v2 =	vmul.f32 v3, v2  }
0x2d5: {  	v3 =	vld [tilespmem:s1+$0x4E20]  }
0x2d6: {  	v4 =	vld [tilespmem:s1+$0x4E40];
	s10 =	sadd.s32 $0x10, s23;
	[tilespmem:s22+$0x6250] =	vst v2  }
0x2d7: {  	v2 =	vld [tilespmem:s10+$0x0];
	_ =	sdelay $0x1  }
0x2d8: {  	v5 =	vld [tilespmem:$0xB220]  }
0x2d9: {  	v1 =	vadd.f32 v3, v1;
	_ =	sdelay $0x1  }
0x2da: {  	v1 =	vmul.f32 v1, v2;
	_ =	sdelay $0x1  }
0x2db: {  	v1 =	vadd.f32 v1, v5  }
0x2dc: {  	v58 =	vld [tilespmem:s1+$0x6230]  }
0x2dd: {  	v3 =	vld [tilespmem:s1+$0x4E30];
	v1 =	vmax.f32 v1, $0.0e+00  }
0x2de: {  	v1 =	vmul.f32 v1, v2;
	_ =	sdelay $0x1  }
0x2df: {  	[tilespmem:s1+$0x6220] =	vst v1  }
0x2e0: {  	v1 =	vld [tilespmem:$0xB230]  }
0x2e1: {  	v3 =	vadd.f32 v3, v58;
	_ =	sdelay $0x1  }
0x2e2: {  	v3 =	vmul.f32 v3, v2;
	_ =	sdelay $0x1  }
0x2e3: {  	v1 =	vadd.f32 v3, v1;
	_ =	sdelay $0x1  }
0x2e4: {  	v3 =	vld [tilespmem:s1+$0x6240];
	v1 =	vmax.f32 v1, $0.0e+00  }
0x2e5: {  	v1 =	vmul.f32 v1, v2;
	_ =	sdelay $0x1  }
0x2e6: {  	[tilespmem:s1+$0x6230] =	vst v1  }
0x2e7: {  	v1 =	vld [tilespmem:$0xB240]  }
0x2e8: {  	v3 =	vadd.f32 v4, v3;
	_ =	sdelay $0x1  }
0x2e9: {  	v3 =	vmul.f32 v3, v2;
	_ =	sdelay $0x1  }
0x2ea: {  	v1 =	vadd.f32 v3, v1  }
0x2eb: {  	v59 =	vld [tilespmem:s1+$0x6250]  }
0x2ec: {  	v3 =	vld [tilespmem:s1+$0x4E50];
	v1 =	vmax.f32 v1, $0.0e+00  }
0x2ed: {  	v1 =	vmul.f32 v1, v2;
	_ =	sdelay $0x1  }
0x2ee: {  	[tilespmem:s1+$0x6240] =	vst v1  }
0x2ef: {  	v1 =	vld [tilespmem:$0xB250]  }
0x2f0: {  	v3 =	vadd.f32 v3, v59;
	_ =	sdelay $0x1  }
0x2f1: {  	v3 =	vmul.f32 v3, v2;
	_ =	sdelay $0x1  }
0x2f2: {  	v1 =	vadd.f32 v3, v1;
	_ =	sdelay $0x1  }
0x2f3: {  	v1 =	vmax.f32 v1, $0.0e+00  }
0x2f4: {  	v1 =	vmul.f32 v1, v2;
	_ =	sdelay $0x1  }
0x2f5: {  	[tilespmem:s1+$0x6250] =	vst v1  }
0x2f6: {  	[spmem:s2] =	stream.linear.scatter [tilespmem:s17], [sflag:$0x3], $0x1400, $0x38;
	[tilespmem:$0x1F260] =	vst v63  }
0x2f7: {  	_ =	swait.ge [sflag:s11], $0x1400  }
0x2f8: {  	[sflag:s11] =	ssyncset.done $0x0  }
0x2f9: {  	[sflag:s11] =	ssyncadd.s32 $0xFFFFEC00  }
0x2fa: {  	[spmem:s3] =	stream.linear.scatter [tilespmem:s12], [sflag:$0x3], $0x1400, $0x38;
	[tilespmem:$0x1F260] =	vst v63  }
0x2fb: {  	_ =	swait.ge [sflag:s11], $0x1400  }
0x2fc: {  	[sflag:s11] =	ssyncset.done $0x0  }
0x2fd: {  	[sflag:s11] =	ssyncadd.s32 $0xFFFFEC00  }
0x2fe: {  	[tilespmem:s14], [sflag:$0x3] =	stream.linear.gather [spmem:s5], $0x1400, $0x38;
	[tilespmem:$0x1F260] =	vst v63  }
0x2ff: {  	_ =	swait.ge [sflag:s11], $0x1400  }
0x300: {  	[sflag:s11] =	ssyncset.done $0x0  }
0x301: {  	[sflag:s11] =	ssyncadd.s32 $0xFFFFEC00  }
0x302: {  	[tilespmem:s17], [sflag:$0x3] =	stream.linear.gather [spmem:s4], $0x1400, $0x38;
	[tilespmem:$0x1F260] =	vst v63  }
0x303: {  	_ =	swait.ge [sflag:s11], $0x1400  }
0x304: {  	[sflag:s11] =	ssyncset.done $0x0  }
0x305: {  	s22 =	simm.s32 $0x0;
	[sflag:s11] =	ssyncadd.s32 $0xFFFFEC00  }
0x306: {  	v1 =	vld [tilespmem:s22+$0x6220]  }
0x307: {  	v2 =	vld [tilespmem:s22+$0x4E20]  }
0x308: {  	s23 =	simm.s32 $0xA320  }
0x309: {  	v3 =	vld [tilespmem:s23+$0x0];
	_ =	sdelay $0x1  }
0x30a: {  	v60 =	vld [tilespmem:$0xB220]  }
0x30b: {  	v1 =	vadd.f32 v2, v1;
	_ =	sdelay $0x1  }
0x30c: {  	v1 =	vmul.f32 v1, v3;
	_ =	sdelay $0x1  }
0x30d: {  	v1 =	vadd.f32 v1, v60  }
0x30e: {  	v61 =	vld [tilespmem:s22+$0x6230]  }
0x30f: {  	v2 =	vld [tilespmem:s22+$0x4E30];
	v1 =	vmax.f32 v1, $0.0e+00  }
0x310: {  	v1 =	vmul.f32 v1, v3;
	_ =	sdelay $0x1  }
0x311: {  	[tilespmem:s22+$0x6220] =	vst v1  }
0x312: {  	v1 =	vld [tilespmem:$0xB230]  }
0x313: {  	v2 =	vadd.f32 v2, v61;
	_ =	sdelay $0x1  }
0x314: {  	v2 =	vmul.f32 v2, v3;
	_ =	sdelay $0x1  }
0x315: {  	v1 =	vadd.f32 v2, v1  }
0x316: {  	v62 =	vld [tilespmem:s22+$0x4E40]  }
0x317: {  	v2 =	vld [tilespmem:s22+$0x6240];
	v1 =	vmax.f32 v1, $0.0e+00  }
0x318: {  	v1 =	vmul.f32 v1, v3;
	_ =	sdelay $0x1  }
0x319: {  	[tilespmem:s22+$0x6230] =	vst v1  }
0x31a: {  	v1 =	vld [tilespmem:$0xB240]  }
0x31b: {  	v2 =	vadd.f32 v62, v2;
	_ =	sdelay $0x1  }
0x31c: {  	v2 =	vmul.f32 v2, v3;
	_ =	sdelay $0x1  }
0x31d: {  	v1 =	vadd.f32 v2, v1  }
0x31e: {  	v63 =	vld [tilespmem:s22+$0x6250]  }
0x31f: {  	v2 =	vld [tilespmem:s22+$0x4E50];
	v1 =	vmax.f32 v1, $0.0e+00  }
0x320: {  	v1 =	vmul.f32 v1, v3;
	_ =	sdelay $0x1  }
0x321: {  	[tilespmem:s22+$0x6240] =	vst v1  }
0x322: {  	v1 =	vld [tilespmem:$0xB250]  }
0x323: {  	v2 =	vadd.f32 v2, v63;
	_ =	sdelay $0x1  }
0x324: {  	v2 =	vmul.f32 v2, v3;
	_ =	sdelay $0x1  }
0x325: {  	v1 =	vadd.f32 v2, v1;
	_ =	sdelay $0x1  }
0x326: {  	s1 =	simm.s32 $0x40;
	v2 =	vmax.f32 v1, $0.0e+00  }
0x327: {  	s24 =	simm.s32 $0x200;
	v1 =	vld [tilespmem:s1+$0x6220];
	v2 =	vmul.f32 v2, v3  }
.LBB2_16:
0x328: {  	p0 =	sne.s32 s24, $0x4F00  }
0x329: {  	v3 =	vld [tilespmem:s1+$0x4E20];
	s23 =	sadd.s32 $0x10, s23;
	s10 =	smov.u32 s24;
	s24 =	sadd.s32 $0x100, s24  }
0x32a: {  	v4 =	vld [tilespmem:s1+$0x4E40];
	[tilespmem:s22+$0x6250] =	vst v2;
	s22 =	smov.u32 s1  }
0x32b: {  	v2 =	vld [tilespmem:s23+$0x0]  }
0x32c: {  	v5 =	vld [tilespmem:$0xB220];
	_ =	sdelay $0x1  }
0x32d: {  	v1 =	vadd.f32 v3, v1;
	_ =	sdelay $0x1  }
0x32e: {  	v1 =	vmul.f32 v1, v2;
	_ =	sdelay $0x1  }
0x32f: {  	v1 =	vadd.f32 v1, v5;
	v3 =	vld [tilespmem:s22+$0x4E30]  }
0x330: {  	v5 =	vld [tilespmem:s22+$0x6230]  }
0x331: {  	v1 =	vmax.f32 v1, $0.0e+00  }
0x332: {  	v1 =	vmul.f32 v1, v2;
	_ =	sdelay $0x1  }
0x333: {  	[tilespmem:s22+$0x6220] =	vst v1  }
0x334: {  	v1 =	vld [tilespmem:$0xB230];
	v3 =	vadd.f32 v3, v5;
	_ =	sdelay $0x1  }
0x335: {  	v3 =	vmul.f32 v3, v2;
	_ =	sdelay $0x2  }
0x336: {  	v1 =	vadd.f32 v3, v1  }
0x337: {  	v3 =	vld [tilespmem:s22+$0x6240]  }
0x338: {  	v1 =	vmax.f32 v1, $0.0e+00  }
0x339: {  	v1 =	vmul.f32 v1, v2;
	_ =	sdelay $0x1  }
0x33a: {  	[tilespmem:s22+$0x6230] =	vst v1  }
0x33b: {  	v1 =	vld [tilespmem:$0xB240];
	v3 =	vadd.f32 v4, v3;
	_ =	sdelay $0x1  }
0x33c: {  	v3 =	vmul.f32 v3, v2;
	_ =	sdelay $0x2  }
0x33d: {  	v1 =	vadd.f32 v3, v1;
	v3 =	vld [tilespmem:s22+$0x4E50]  }
0x33e: {  	v4 =	vld [tilespmem:s22+$0x6250]  }
0x33f: {  	v1 =	vmax.f32 v1, $0.0e+00  }
0x340: {  	v1 =	vmul.f32 v1, v2;
	_ =	sdelay $0x1  }
0x341: {  	[tilespmem:s22+$0x6240] =	vst v1  }
0x342: {  	v1 =	vld [tilespmem:$0xB250];
	v3 =	vadd.f32 v3, v4;
	_ =	sdelay $0x1  }
0x343: {  	v3 =	vmul.f32 v3, v2;
	_ =	sdelay $0x1  }
.Ltmp7:
0x344: {  	(pc) =	sbr.rel @p0 .LBB2_16-.Ltmp7, $3  }
0x345: {  	v1 =	vadd.f32 v3, v1;
	_ =	sdelay $0x1  }
0x346: {  	s1 =	sshra.s32 s10, $0x2;
	v3 =	vmax.f32 v1, $0.0e+00  }
0x347: {  	v1 =	vld [tilespmem:s1+$0x6220];
	v2 =	vmul.f32 v3, v2  }
0x348: {  	v3 =	vld [tilespmem:s1+$0x4E20]  }
0x349: {  	v4 =	vld [tilespmem:s1+$0x4E40];
	s10 =	sadd.s32 $0x10, s23;
	[tilespmem:s22+$0x6250] =	vst v2  }
0x34a: {  	v2 =	vld [tilespmem:s10+$0x0];
	_ =	sdelay $0x1  }
0x34b: {  	v5 =	vld [tilespmem:$0xB220]  }
0x34c: {  	v1 =	vadd.f32 v3, v1;
	_ =	sdelay $0x1  }
0x34d: {  	v1 =	vmul.f32 v1, v2;
	_ =	sdelay $0x1  }
0x34e: {  	v1 =	vadd.f32 v1, v5  }
0x34f: {  	v58 =	vld [tilespmem:s1+$0x6230]  }
0x350: {  	v3 =	vld [tilespmem:s1+$0x4E30];
	v1 =	vmax.f32 v1, $0.0e+00  }
0x351: {  	v1 =	vmul.f32 v1, v2;
	_ =	sdelay $0x1  }
0x352: {  	[tilespmem:s1+$0x6220] =	vst v1  }
0x353: {  	v1 =	vld [tilespmem:$0xB230]  }
0x354: {  	v3 =	vadd.f32 v3, v58;
	_ =	sdelay $0x1  }
0x355: {  	v3 =	vmul.f32 v3, v2;
	_ =	sdelay $0x1  }
0x356: {  	v1 =	vadd.f32 v3, v1;
	_ =	sdelay $0x1  }
0x357: {  	v3 =	vld [tilespmem:s1+$0x6240];
	v1 =	vmax.f32 v1, $0.0e+00  }
0x358: {  	v1 =	vmul.f32 v1, v2;
	_ =	sdelay $0x1  }
0x359: {  	[tilespmem:s1+$0x6230] =	vst v1  }
0x35a: {  	v1 =	vld [tilespmem:$0xB240]  }
0x35b: {  	v3 =	vadd.f32 v4, v3;
	_ =	sdelay $0x1  }
0x35c: {  	v3 =	vmul.f32 v3, v2;
	_ =	sdelay $0x1  }
0x35d: {  	v1 =	vadd.f32 v3, v1  }
0x35e: {  	v59 =	vld [tilespmem:s1+$0x6250]  }
0x35f: {  	v3 =	vld [tilespmem:s1+$0x4E50];
	v1 =	vmax.f32 v1, $0.0e+00  }
0x360: {  	v1 =	vmul.f32 v1, v2;
	_ =	sdelay $0x1  }
0x361: {  	[tilespmem:s1+$0x6240] =	vst v1  }
0x362: {  	v1 =	vld [tilespmem:$0xB250]  }
0x363: {  	v3 =	vadd.f32 v3, v59;
	_ =	sdelay $0x1  }
0x364: {  	v3 =	vmul.f32 v3, v2;
	_ =	sdelay $0x1  }
0x365: {  	v1 =	vadd.f32 v3, v1;
	_ =	sdelay $0x1  }
0x366: {  	v1 =	vmax.f32 v1, $0.0e+00  }
0x367: {  	v1 =	vmul.f32 v1, v2;
	_ =	sdelay $0x1  }
0x368: {  	[tilespmem:s1+$0x6250] =	vst v1  }
0x369: {  	[spmem:s4] =	stream.linear.scatter [tilespmem:s17], [sflag:$0x3], $0x1400, $0x38;
	[tilespmem:$0x1F260] =	vst v63  }
0x36a: {  	_ =	swait.ge [sflag:s11], $0x1400  }
0x36b: {  	[sflag:s11] =	ssyncset.done $0x0  }
0x36c: {  	[sflag:s11] =	ssyncadd.s32 $0xFFFFEC00  }
0x36d: {  	[spmem:s5] =	stream.linear.scatter [tilespmem:s12], [sflag:$0x3], $0x1400, $0x38;
	[tilespmem:$0x1F260] =	vst v63  }
0x36e: {  	_ =	swait.ge [sflag:s11], $0x1400  }
0x36f: {  	[sflag:s11] =	ssyncset.done $0x0  }
0x370: {  	[sflag:s11] =	ssyncadd.s32 $0xFFFFEC00  }
0x371: {  	[tilespmem:s14], [sflag:$0x3] =	stream.linear.gather [spmem:s7], $0x1400, $0x38;
	[tilespmem:$0x1F260] =	vst v63  }
0x372: {  	_ =	swait.ge [sflag:s11], $0x1400  }
0x373: {  	[sflag:s11] =	ssyncset.done $0x0  }
0x374: {  	[sflag:s11] =	ssyncadd.s32 $0xFFFFEC00  }
0x375: {  	[tilespmem:s17], [sflag:$0x3] =	stream.linear.gather [spmem:s6], $0x1400, $0x38;
	[tilespmem:$0x1F260] =	vst v63  }
0x376: {  	_ =	swait.ge [sflag:s11], $0x1400  }
0x377: {  	[sflag:s11] =	ssyncset.done $0x0  }
0x378: {  	s22 =	simm.s32 $0x0;
	[sflag:s11] =	ssyncadd.s32 $0xFFFFEC00  }
0x379: {  	v1 =	vld [tilespmem:s22+$0x6220]  }
0x37a: {  	v2 =	vld [tilespmem:s22+$0x4E20]  }
0x37b: {  	s23 =	simm.s32 $0xA820  }
0x37c: {  	v3 =	vld [tilespmem:s23+$0x0];
	_ =	sdelay $0x1  }
0x37d: {  	v60 =	vld [tilespmem:$0xB220]  }
0x37e: {  	v1 =	vadd.f32 v2, v1;
	_ =	sdelay $0x1  }
0x37f: {  	v1 =	vmul.f32 v1, v3;
	_ =	sdelay $0x1  }
0x380: {  	v1 =	vadd.f32 v1, v60  }
0x381: {  	v61 =	vld [tilespmem:s22+$0x6230]  }
0x382: {  	v2 =	vld [tilespmem:s22+$0x4E30];
	v1 =	vmax.f32 v1, $0.0e+00  }
0x383: {  	v1 =	vmul.f32 v1, v3;
	_ =	sdelay $0x1  }
0x384: {  	[tilespmem:s22+$0x6220] =	vst v1  }
0x385: {  	v1 =	vld [tilespmem:$0xB230]  }
0x386: {  	v2 =	vadd.f32 v2, v61;
	_ =	sdelay $0x1  }
0x387: {  	v2 =	vmul.f32 v2, v3;
	_ =	sdelay $0x1  }
0x388: {  	v1 =	vadd.f32 v2, v1  }
0x389: {  	v62 =	vld [tilespmem:s22+$0x4E40]  }
0x38a: {  	v2 =	vld [tilespmem:s22+$0x6240];
	v1 =	vmax.f32 v1, $0.0e+00  }
0x38b: {  	v1 =	vmul.f32 v1, v3;
	_ =	sdelay $0x1  }
0x38c: {  	[tilespmem:s22+$0x6230] =	vst v1  }
0x38d: {  	v1 =	vld [tilespmem:$0xB240]  }
0x38e: {  	v2 =	vadd.f32 v62, v2;
	_ =	sdelay $0x1  }
0x38f: {  	v2 =	vmul.f32 v2, v3;
	_ =	sdelay $0x1  }
0x390: {  	v1 =	vadd.f32 v2, v1  }
0x391: {  	v63 =	vld [tilespmem:s22+$0x6250]  }
0x392: {  	v2 =	vld [tilespmem:s22+$0x4E50];
	v1 =	vmax.f32 v1, $0.0e+00  }
0x393: {  	v1 =	vmul.f32 v1, v3;
	_ =	sdelay $0x1  }
0x394: {  	[tilespmem:s22+$0x6240] =	vst v1  }
0x395: {  	v1 =	vld [tilespmem:$0xB250]  }
0x396: {  	v2 =	vadd.f32 v2, v63;
	_ =	sdelay $0x1  }
0x397: {  	v2 =	vmul.f32 v2, v3;
	_ =	sdelay $0x1  }
0x398: {  	v1 =	vadd.f32 v2, v1;
	_ =	sdelay $0x1  }
0x399: {  	s1 =	simm.s32 $0x40;
	v2 =	vmax.f32 v1, $0.0e+00  }
0x39a: {  	s24 =	simm.s32 $0x200;
	v1 =	vld [tilespmem:s1+$0x6220];
	v2 =	vmul.f32 v2, v3  }
.LBB2_18:
0x39b: {  	p0 =	sne.s32 s24, $0x4F00  }
0x39c: {  	v3 =	vld [tilespmem:s1+$0x4E20];
	s23 =	sadd.s32 $0x10, s23;
	s10 =	smov.u32 s24;
	s24 =	sadd.s32 $0x100, s24  }
0x39d: {  	v4 =	vld [tilespmem:s1+$0x4E40];
	[tilespmem:s22+$0x6250] =	vst v2;
	s22 =	smov.u32 s1  }
0x39e: {  	v2 =	vld [tilespmem:s23+$0x0]  }
0x39f: {  	v5 =	vld [tilespmem:$0xB220];
	_ =	sdelay $0x1  }
0x3a0: {  	v1 =	vadd.f32 v3, v1;
	_ =	sdelay $0x1  }
0x3a1: {  	v1 =	vmul.f32 v1, v2;
	_ =	sdelay $0x1  }
0x3a2: {  	v1 =	vadd.f32 v1, v5;
	v3 =	vld [tilespmem:s22+$0x4E30]  }
0x3a3: {  	v5 =	vld [tilespmem:s22+$0x6230]  }
0x3a4: {  	v1 =	vmax.f32 v1, $0.0e+00  }
0x3a5: {  	v1 =	vmul.f32 v1, v2;
	_ =	sdelay $0x1  }
0x3a6: {  	[tilespmem:s22+$0x6220] =	vst v1  }
0x3a7: {  	v1 =	vld [tilespmem:$0xB230];
	v3 =	vadd.f32 v3, v5;
	_ =	sdelay $0x1  }
0x3a8: {  	v3 =	vmul.f32 v3, v2;
	_ =	sdelay $0x2  }
0x3a9: {  	v1 =	vadd.f32 v3, v1  }
0x3aa: {  	v3 =	vld [tilespmem:s22+$0x6240]  }
0x3ab: {  	v1 =	vmax.f32 v1, $0.0e+00  }
0x3ac: {  	v1 =	vmul.f32 v1, v2;
	_ =	sdelay $0x1  }
0x3ad: {  	[tilespmem:s22+$0x6230] =	vst v1  }
0x3ae: {  	v1 =	vld [tilespmem:$0xB240];
	v3 =	vadd.f32 v4, v3;
	_ =	sdelay $0x1  }
0x3af: {  	v3 =	vmul.f32 v3, v2;
	_ =	sdelay $0x2  }
0x3b0: {  	v1 =	vadd.f32 v3, v1;
	v3 =	vld [tilespmem:s22+$0x4E50]  }
0x3b1: {  	v4 =	vld [tilespmem:s22+$0x6250]  }
0x3b2: {  	v1 =	vmax.f32 v1, $0.0e+00  }
0x3b3: {  	v1 =	vmul.f32 v1, v2;
	_ =	sdelay $0x1  }
0x3b4: {  	[tilespmem:s22+$0x6240] =	vst v1  }
0x3b5: {  	v1 =	vld [tilespmem:$0xB250];
	v3 =	vadd.f32 v3, v4;
	_ =	sdelay $0x1  }
0x3b6: {  	v3 =	vmul.f32 v3, v2;
	_ =	sdelay $0x1  }
.Ltmp8:
0x3b7: {  	(pc) =	sbr.rel @p0 .LBB2_18-.Ltmp8, $3  }
0x3b8: {  	v1 =	vadd.f32 v3, v1;
	_ =	sdelay $0x1  }
0x3b9: {  	s1 =	sshra.s32 s10, $0x2;
	v3 =	vmax.f32 v1, $0.0e+00  }
0x3ba: {  	v1 =	vld [tilespmem:s1+$0x6220];
	v2 =	vmul.f32 v3, v2  }
0x3bb: {  	v3 =	vld [tilespmem:s1+$0x4E20]  }
0x3bc: {  	v4 =	vld [tilespmem:s1+$0x4E40];
	s10 =	sadd.s32 $0x10, s23;
	[tilespmem:s22+$0x6250] =	vst v2  }
0x3bd: {  	v2 =	vld [tilespmem:s10+$0x0];
	_ =	sdelay $0x1  }
0x3be: {  	v5 =	vld [tilespmem:$0xB220]  }
0x3bf: {  	v1 =	vadd.f32 v3, v1;
	_ =	sdelay $0x1  }
0x3c0: {  	v1 =	vmul.f32 v1, v2;
	_ =	sdelay $0x1  }
0x3c1: {  	v1 =	vadd.f32 v1, v5  }
0x3c2: {  	v58 =	vld [tilespmem:s1+$0x6230]  }
0x3c3: {  	v3 =	vld [tilespmem:s1+$0x4E30];
	v1 =	vmax.f32 v1, $0.0e+00  }
0x3c4: {  	v1 =	vmul.f32 v1, v2;
	_ =	sdelay $0x1  }
0x3c5: {  	[tilespmem:s1+$0x6220] =	vst v1  }
0x3c6: {  	v1 =	vld [tilespmem:$0xB230]  }
0x3c7: {  	v3 =	vadd.f32 v3, v58;
	_ =	sdelay $0x1  }
0x3c8: {  	v3 =	vmul.f32 v3, v2;
	_ =	sdelay $0x1  }
0x3c9: {  	v1 =	vadd.f32 v3, v1;
	_ =	sdelay $0x1  }
0x3ca: {  	v3 =	vld [tilespmem:s1+$0x6240];
	v1 =	vmax.f32 v1, $0.0e+00  }
0x3cb: {  	v1 =	vmul.f32 v1, v2;
	_ =	sdelay $0x1  }
0x3cc: {  	[tilespmem:s1+$0x6230] =	vst v1  }
0x3cd: {  	v1 =	vld [tilespmem:$0xB240]  }
0x3ce: {  	v3 =	vadd.f32 v4, v3;
	_ =	sdelay $0x1  }
0x3cf: {  	v3 =	vmul.f32 v3, v2;
	_ =	sdelay $0x1  }
0x3d0: {  	v1 =	vadd.f32 v3, v1  }
0x3d1: {  	v59 =	vld [tilespmem:s1+$0x6250]  }
0x3d2: {  	v3 =	vld [tilespmem:s1+$0x4E50];
	v1 =	vmax.f32 v1, $0.0e+00  }
0x3d3: {  	v1 =	vmul.f32 v1, v2;
	_ =	sdelay $0x1  }
0x3d4: {  	[tilespmem:s1+$0x6240] =	vst v1  }
0x3d5: {  	v1 =	vld [tilespmem:$0xB250]  }
0x3d6: {  	v3 =	vadd.f32 v3, v59;
	_ =	sdelay $0x1  }
0x3d7: {  	v3 =	vmul.f32 v3, v2;
	_ =	sdelay $0x1  }
0x3d8: {  	v1 =	vadd.f32 v3, v1;
	_ =	sdelay $0x1  }
0x3d9: {  	v1 =	vmax.f32 v1, $0.0e+00  }
0x3da: {  	v1 =	vmul.f32 v1, v2;
	_ =	sdelay $0x1  }
0x3db: {  	[tilespmem:s1+$0x6250] =	vst v1  }
0x3dc: {  	[spmem:s6] =	stream.linear.scatter [tilespmem:s17], [sflag:$0x3], $0x1400, $0x38;
	[tilespmem:$0x1F260] =	vst v63  }
0x3dd: {  	_ =	swait.ge [sflag:s11], $0x1400  }
0x3de: {  	[sflag:s11] =	ssyncset.done $0x0  }
0x3df: {  	[sflag:s11] =	ssyncadd.s32 $0xFFFFEC00  }
0x3e0: {  	[spmem:s7] =	stream.linear.scatter [tilespmem:s12], [sflag:$0x3], $0x1400, $0x38;
	[tilespmem:$0x1F260] =	vst v63  }
0x3e1: {  	_ =	swait.ge [sflag:s11], $0x1400  }
0x3e2: {  	[sflag:s11] =	ssyncset.done $0x0  }
0x3e3: {  	[sflag:s11] =	ssyncadd.s32 $0xFFFFEC00  }
0x3e4: {  	[tilespmem:s14], [sflag:$0x3] =	stream.linear.gather [spmem:s9], $0x1400, $0x38;
	[tilespmem:$0x1F260] =	vst v63  }
0x3e5: {  	_ =	swait.ge [sflag:s11], $0x1400  }
0x3e6: {  	[sflag:s11] =	ssyncset.done $0x0  }
0x3e7: {  	[sflag:s11] =	ssyncadd.s32 $0xFFFFEC00  }
0x3e8: {  	[tilespmem:s17], [sflag:$0x3] =	stream.linear.gather [spmem:s8], $0x1400, $0x38;
	[tilespmem:$0x1F260] =	vst v63  }
0x3e9: {  	_ =	swait.ge [sflag:s11], $0x1400  }
0x3ea: {  	[sflag:s11] =	ssyncset.done $0x0  }
0x3eb: {  	s22 =	simm.s32 $0x0;
	[sflag:s11] =	ssyncadd.s32 $0xFFFFEC00  }
0x3ec: {  	v1 =	vld [tilespmem:s22+$0x6220]  }
0x3ed: {  	v2 =	vld [tilespmem:s22+$0x4E20]  }
0x3ee: {  	s23 =	simm.s32 $0xAD20  }
0x3ef: {  	v3 =	vld [tilespmem:s23+$0x0];
	_ =	sdelay $0x1  }
0x3f0: {  	v60 =	vld [tilespmem:$0xB220]  }
0x3f1: {  	v1 =	vadd.f32 v2, v1;
	_ =	sdelay $0x1  }
0x3f2: {  	v1 =	vmul.f32 v1, v3;
	_ =	sdelay $0x1  }
0x3f3: {  	v1 =	vadd.f32 v1, v60  }
0x3f4: {  	v61 =	vld [tilespmem:s22+$0x6230]  }
0x3f5: {  	v2 =	vld [tilespmem:s22+$0x4E30];
	v1 =	vmax.f32 v1, $0.0e+00  }
0x3f6: {  	v1 =	vmul.f32 v1, v3;
	_ =	sdelay $0x1  }
0x3f7: {  	[tilespmem:s22+$0x6220] =	vst v1  }
0x3f8: {  	v1 =	vld [tilespmem:$0xB230]  }
0x3f9: {  	v2 =	vadd.f32 v2, v61;
	_ =	sdelay $0x1  }
0x3fa: {  	v2 =	vmul.f32 v2, v3;
	_ =	sdelay $0x1  }
0x3fb: {  	v1 =	vadd.f32 v2, v1  }
0x3fc: {  	v62 =	vld [tilespmem:s22+$0x4E40]  }
0x3fd: {  	v2 =	vld [tilespmem:s22+$0x6240];
	v1 =	vmax.f32 v1, $0.0e+00  }
0x3fe: {  	v1 =	vmul.f32 v1, v3;
	_ =	sdelay $0x1  }
0x3ff: {  	[tilespmem:s22+$0x6230] =	vst v1  }
0x400: {  	v1 =	vld [tilespmem:$0xB240]  }
0x401: {  	v2 =	vadd.f32 v62, v2;
	_ =	sdelay $0x1  }
0x402: {  	v2 =	vmul.f32 v2, v3;
	_ =	sdelay $0x1  }
0x403: {  	v1 =	vadd.f32 v2, v1  }
0x404: {  	v63 =	vld [tilespmem:s22+$0x6250]  }
0x405: {  	v2 =	vld [tilespmem:s22+$0x4E50];
	v1 =	vmax.f32 v1, $0.0e+00  }
0x406: {  	v1 =	vmul.f32 v1, v3;
	_ =	sdelay $0x1  }
0x407: {  	[tilespmem:s22+$0x6240] =	vst v1  }
0x408: {  	v1 =	vld [tilespmem:$0xB250]  }
0x409: {  	v2 =	vadd.f32 v2, v63;
	_ =	sdelay $0x1  }
0x40a: {  	v2 =	vmul.f32 v2, v3;
	_ =	sdelay $0x1  }
0x40b: {  	v1 =	vadd.f32 v2, v1;
	_ =	sdelay $0x1  }
0x40c: {  	s1 =	simm.s32 $0x40;
	v2 =	vmax.f32 v1, $0.0e+00  }
0x40d: {  	s24 =	simm.s32 $0x200;
	v1 =	vld [tilespmem:s1+$0x6220];
	v2 =	vmul.f32 v2, v3  }
.LBB2_20:
0x40e: {  	p0 =	sne.s32 s24, $0x4F00  }
0x40f: {  	v3 =	vld [tilespmem:s1+$0x4E20];
	s23 =	sadd.s32 $0x10, s23;
	s10 =	smov.u32 s24;
	s24 =	sadd.s32 $0x100, s24  }
0x410: {  	v4 =	vld [tilespmem:s1+$0x4E40];
	[tilespmem:s22+$0x6250] =	vst v2;
	s22 =	smov.u32 s1  }
0x411: {  	v2 =	vld [tilespmem:s23+$0x0]  }
0x412: {  	v5 =	vld [tilespmem:$0xB220];
	_ =	sdelay $0x1  }
0x413: {  	v1 =	vadd.f32 v3, v1;
	_ =	sdelay $0x1  }
0x414: {  	v1 =	vmul.f32 v1, v2;
	_ =	sdelay $0x1  }
0x415: {  	v1 =	vadd.f32 v1, v5;
	v3 =	vld [tilespmem:s22+$0x4E30]  }
0x416: {  	v5 =	vld [tilespmem:s22+$0x6230]  }
0x417: {  	v1 =	vmax.f32 v1, $0.0e+00  }
0x418: {  	v1 =	vmul.f32 v1, v2;
	_ =	sdelay $0x1  }
0x419: {  	[tilespmem:s22+$0x6220] =	vst v1  }
0x41a: {  	v1 =	vld [tilespmem:$0xB230];
	v3 =	vadd.f32 v3, v5;
	_ =	sdelay $0x1  }
0x41b: {  	v3 =	vmul.f32 v3, v2;
	_ =	sdelay $0x2  }
0x41c: {  	v1 =	vadd.f32 v3, v1  }
0x41d: {  	v3 =	vld [tilespmem:s22+$0x6240]  }
0x41e: {  	v1 =	vmax.f32 v1, $0.0e+00  }
0x41f: {  	v1 =	vmul.f32 v1, v2;
	_ =	sdelay $0x1  }
0x420: {  	[tilespmem:s22+$0x6230] =	vst v1  }
0x421: {  	v1 =	vld [tilespmem:$0xB240];
	v3 =	vadd.f32 v4, v3;
	_ =	sdelay $0x1  }
0x422: {  	v3 =	vmul.f32 v3, v2;
	_ =	sdelay $0x2  }
0x423: {  	v1 =	vadd.f32 v3, v1;
	v3 =	vld [tilespmem:s22+$0x4E50]  }
0x424: {  	v4 =	vld [tilespmem:s22+$0x6250]  }
0x425: {  	v1 =	vmax.f32 v1, $0.0e+00  }
0x426: {  	v1 =	vmul.f32 v1, v2;
	_ =	sdelay $0x1  }
0x427: {  	[tilespmem:s22+$0x6240] =	vst v1  }
0x428: {  	v1 =	vld [tilespmem:$0xB250];
	v3 =	vadd.f32 v3, v4;
	_ =	sdelay $0x1  }
0x429: {  	v3 =	vmul.f32 v3, v2;
	_ =	sdelay $0x1  }
.Ltmp9:
0x42a: {  	(pc) =	sbr.rel @p0 .LBB2_20-.Ltmp9, $3  }
0x42b: {  	v1 =	vadd.f32 v3, v1;
	_ =	sdelay $0x1  }
0x42c: {  	s1 =	sshra.s32 s10, $0x2;
	v3 =	vmax.f32 v1, $0.0e+00  }
0x42d: {  	v1 =	vld [tilespmem:s1+$0x6220];
	v2 =	vmul.f32 v3, v2  }
0x42e: {  	v3 =	vld [tilespmem:s1+$0x4E20]  }
0x42f: {  	v4 =	vld [tilespmem:s1+$0x4E40];
	s10 =	sadd.s32 $0x10, s23;
	[tilespmem:s22+$0x6250] =	vst v2  }
0x430: {  	v2 =	vld [tilespmem:s10+$0x0];
	_ =	sdelay $0x1  }
0x431: {  	v5 =	vld [tilespmem:$0xB220]  }
0x432: {  	v1 =	vadd.f32 v3, v1;
	_ =	sdelay $0x1  }
0x433: {  	v1 =	vmul.f32 v1, v2;
	_ =	sdelay $0x1  }
0x434: {  	v1 =	vadd.f32 v1, v5  }
0x435: {  	v62 =	vld [tilespmem:s1+$0x6230]  }
0x436: {  	v3 =	vld [tilespmem:s1+$0x4E30];
	v1 =	vmax.f32 v1, $0.0e+00  }
0x437: {  	v1 =	vmul.f32 v1, v2;
	_ =	sdelay $0x1  }
0x438: {  	[tilespmem:s1+$0x6220] =	vst v1  }
0x439: {  	v1 =	vld [tilespmem:$0xB230]  }
0x43a: {  	v3 =	vadd.f32 v3, v62;
	_ =	sdelay $0x1  }
0x43b: {  	v3 =	vmul.f32 v3, v2;
	_ =	sdelay $0x1  }
0x43c: {  	v1 =	vadd.f32 v3, v1;
	_ =	sdelay $0x1  }
0x43d: {  	v3 =	vld [tilespmem:s1+$0x6240];
	v1 =	vmax.f32 v1, $0.0e+00  }
0x43e: {  	v1 =	vmul.f32 v1, v2;
	_ =	sdelay $0x1  }
0x43f: {  	[tilespmem:s1+$0x6230] =	vst v1  }
0x440: {  	v1 =	vld [tilespmem:$0xB240]  }
0x441: {  	v3 =	vadd.f32 v4, v3;
	_ =	sdelay $0x1  }
0x442: {  	v3 =	vmul.f32 v3, v2;
	_ =	sdelay $0x1  }
0x443: {  	v1 =	vadd.f32 v3, v1  }
0x444: {  	v63 =	vld [tilespmem:s1+$0x6250]  }
0x445: {  	v3 =	vld [tilespmem:s1+$0x4E50];
	v1 =	vmax.f32 v1, $0.0e+00  }
0x446: {  	v1 =	vmul.f32 v1, v2;
	_ =	sdelay $0x1  }
0x447: {  	[tilespmem:s1+$0x6240] =	vst v1  }
0x448: {  	v1 =	vld [tilespmem:$0xB250]  }
0x449: {  	v3 =	vadd.f32 v3, v63;
	_ =	sdelay $0x1  }
0x44a: {  	v3 =	vmul.f32 v3, v2;
	_ =	sdelay $0x1  }
0x44b: {  	v1 =	vadd.f32 v3, v1;
	_ =	sdelay $0x1  }
0x44c: {  	v1 =	vmax.f32 v1, $0.0e+00  }
0x44d: {  	v1 =	vmul.f32 v1, v2;
	_ =	sdelay $0x1  }
0x44e: {  	[tilespmem:s1+$0x6250] =	vst v1  }
0x44f: {  	[spmem:s8] =	stream.linear.scatter [tilespmem:s17], [sflag:$0x3], $0x1400, $0x38;
	[tilespmem:$0x1F260] =	vst v63  }
0x450: {  	_ =	swait.ge [sflag:s11], $0x1400  }
0x451: {  	[sflag:s11] =	ssyncset.done $0x0  }
0x452: {  	[sflag:s11] =	ssyncadd.s32 $0xFFFFEC00  }
0x453: {  	[spmem:s9] =	stream.linear.scatter [tilespmem:s12], [sflag:$0x3], $0x1400, $0x38;
	[tilespmem:$0x1F260] =	vst v63  }
0x454: {  	_ =	swait.ge [sflag:s11], $0x1400  }
0x455: {  	[sflag:s11] =	ssyncset.done $0x0  }
0x456: {  	[sflag:s11] =	ssyncadd.s32 $0xFFFFEC00  }
0x457: {  	s10 =	simm.s32 $0x0;
	[bflag:$0x0] =	sbarrier.arrive $0xFFFF  }
0x458: {  	[tilespmem:s14], [sflag:$0x1] =	stream.indirect.gather [spmem:s16], $0x40, s10, s13, $0xb8;
	[tilespmem:$0x1F260] =	vst v63  }
0x459: {  	_ = 	snop  }
0x45a: {  	[tilespmem:s17], [sflag:$0x2] =	stream.indirect.gather [spmem:s16], $0x40, s13, s13, $0xb8;
	[tilespmem:$0x1F260] =	vst v63  }
0x45b: {  	_ =	swait.ge [sflag:s18], $0x1400  }
0x45c: {  	[sflag:s18] =	ssyncset.done $0x0  }
0x45d: {  	s22 =	simm.s32 $0x2710;
	[sflag:s18] =	ssyncadd.s32 $0xFFFFEC00  }
0x45e: {  	[spmem:s19] =	stream.indirect.scatter.add.f32 [tilespmem:s14], [sflag:$0x3], $0x40, s22, s13, $0xb8;
	[tilespmem:$0x1F260] =	vst v63  }
0x45f: {  	_ =	swait.ge [sflag:s11], $0x1400  }
0x460: {  	[sflag:s11] =	ssyncset.done $0x0  }
0x461: {  	s23 =	simm.s32 $0xA0;
	[sflag:s11] =	ssyncadd.s32 $0xFFFFEC00  }
0x462: {  	[tilespmem:s14], [sflag:$0x1] =	stream.indirect.gather [spmem:s16], $0x40, s23, s13, $0xb8;
	[tilespmem:$0x1F260] =	vst v63  }
0x463: {  	_ =	swait.ge [sflag:s20], $0x1400  }
0x464: {  	[sflag:s20] =	ssyncset.done $0x0  }
0x465: {  	s24 =	simm.s32 $0x2760;
	[sflag:s20] =	ssyncadd.s32 $0xFFFFEC00  }
0x466: {  	[spmem:s19] =	stream.indirect.scatter.add.f32 [tilespmem:s17], [sflag:$0x3], $0x40, s24, s13, $0xb8;
	[tilespmem:$0x1F260] =	vst v63  }
0x467: {  	_ =	swait.ge [sflag:s11], $0x1400  }
0x468: {  	[sflag:s11] =	ssyncset.done $0x0  }
0x469: {  	s1 =	simm.s32 $0x280;
	s10 =	simm.s32 $0xF0;
	[sflag:s11] =	ssyncadd.s32 $0xFFFFEC00  }
.LBB2_22:
0x46a: {  	[tilespmem:s17], [sflag:$0x2] =	stream.indirect.gather [spmem:s16], $0x40, s10, s13, $0xb8;
	[tilespmem:$0x1F260] =	vst v63  }
0x46b: {  	s10 =	smov.u32 s1  }
0x46c: {  	p0 =	sne.s32 s1, $0x9600;
	s1 =	sadd.s32 $0x280, s1;
	_ =	swait.ge [sflag:s18], $0x1400  }
0x46d: {  	s10 =	sshra.s32 s10, $0x2;
	[sflag:s18] =	ssyncset.done $0x0  }
0x46e: {  	s22 =	sadd.s32 $0x2710, s10;
	[sflag:s18] =	ssyncadd.s32 $0xFFFFEC00  }
0x46f: {  	[spmem:s19] =	stream.indirect.scatter.add.f32 [tilespmem:s14], [sflag:$0x3], $0x40, s22, s13, $0xb8;
	[tilespmem:$0x1F260] =	vst v63  }
0x470: {  	_ =	swait.ge [sflag:s11], $0x1400  }
0x471: {  	[sflag:s11] =	ssyncset.done $0x0  }
0x472: {  	s22 =	sadd.s32 $0xA0, s10;
	[sflag:s11] =	ssyncadd.s32 $0xFFFFEC00  }
0x473: {  	[tilespmem:s14], [sflag:$0x1] =	stream.indirect.gather [spmem:s16], $0x40, s22, s13, $0xb8;
	[tilespmem:$0x1F260] =	vst v63  }
0x474: {  	_ =	swait.ge [sflag:s20], $0x1400  }
0x475: {  	[sflag:s20] =	ssyncset.done $0x0  }
.Ltmp10:
0x476: {  	s22 =	sadd.s32 $0x2760, s10;
	[sflag:s20] =	ssyncadd.s32 $0xFFFFEC00;
	(pc) =	sbr.rel @p0 .LBB2_22-.Ltmp10, $4  }
0x477: {  	[spmem:s19] =	stream.indirect.scatter.add.f32 [tilespmem:s17], [sflag:$0x3], $0x40, s22, s13, $0xb8;
	[tilespmem:$0x1F260] =	vst v63  }
0x478: {  	_ =	swait.ge [sflag:s11], $0x1400  }
0x479: {  	[sflag:s11] =	ssyncset.done $0x0  }
0x47a: {  	s10 =	sadd.s32 $0xF0, s10;
	[sflag:s11] =	ssyncadd.s32 $0xFFFFEC00  }
0x47b: {  	[tilespmem:s17], [sflag:$0x2] =	stream.indirect.gather [spmem:s16], $0x40, s10, s13, $0xb8;
	[tilespmem:$0x1F260] =	vst v63  }
0x47c: {  	_ =	swait.ge [sflag:s18], $0x1400  }
0x47d: {  	[sflag:s18] =	ssyncset.done $0x0  }
0x47e: {  	s24 =	simm.s32 $0x4D30;
	[sflag:s18] =	ssyncadd.s32 $0xFFFFEC00  }
0x47f: {  	[spmem:s19] =	stream.indirect.scatter.add.f32 [tilespmem:s14], [sflag:$0x3], $0x40, s24, s13, $0xb8;
	[tilespmem:$0x1F260] =	vst v63  }
0x480: {  	_ =	swait.ge [sflag:s11], $0x1400  }
0x481: {  	[sflag:s11] =	ssyncset.done $0x0  }
0x482: {  	s1 =	simm.s32 $0x26C0;
	[sflag:s11] =	ssyncadd.s32 $0xFFFFEC00  }
0x483: {  	[tilespmem:s14], [sflag:$0x1] =	stream.indirect.gather [spmem:s16], $0x40, s1, s13, $0xb8;
	[tilespmem:$0x1F260] =	vst v63  }
0x484: {  	_ =	swait.ge [sflag:s20], $0x1400  }
0x485: {  	[sflag:s20] =	ssyncset.done $0x0  }
0x486: {  	s22 =	simm.s32 $0x4D80;
	[sflag:s20] =	ssyncadd.s32 $0xFFFFEC00  }
0x487: {  	[spmem:s19] =	stream.indirect.scatter.add.f32 [tilespmem:s17], [sflag:$0x3], $0x40, s22, s13, $0xb8;
	[tilespmem:$0x1F260] =	vst v63  }
0x488: {  	_ =	swait.ge [sflag:s11], $0x1400  }
0x489: {  	[sflag:s11] =	ssyncset.done $0x0  }
0x48a: {  	[sflag:s11] =	ssyncadd.s32 $0xFFFFEC00  }
0x48b: {  	_ =	swait.ge [sflag:s18], $0x1400  }
0x48c: {  	[sflag:s18] =	ssyncset.done $0x0  }
0x48d: {  	s23 =	simm.s32 $0x4DD0;
	[sflag:s18] =	ssyncadd.s32 $0xFFFFEC00  }
0x48e: {  	[spmem:s19] =	stream.indirect.scatter.add.f32 [tilespmem:s14], [sflag:$0x3], $0x40, s23, s13, $0xb8;
	[tilespmem:$0x1F260] =	vst v63  }
0x48f: {  	_ =	swait.ge [sflag:s11], $0x1400  }
0x490: {  	[sflag:s11] =	ssyncset.done $0x0  }
0x491: {  	[sflag:s11] =	ssyncadd.s32 $0xFFFFEC00  }
0x492: {  	[bflag:$0x0] =	sbarrier.arrive $0xFFFF  }
0x493: {  	[tilespmem:s14], [sflag:$0x3] =	stream.linear.gather [spmem:s26], $0x1400, $0x38;
	[tilespmem:$0x1F260] =	vst v63  }
0x494: {  	_ =	swait.ge [sflag:s11], $0x1400  }
0x495: {  	[sflag:s11] =	ssyncset.done $0x0  }
0x496: {  	[sflag:s11] =	ssyncadd.s32 $0xFFFFEC00  }
0x497: {  	[tilespmem:s17], [sflag:$0x3] =	stream.linear.gather [spmem:s25], $0x1400, $0x38;
	[tilespmem:$0x1F260] =	vst v63  }
0x498: {  	_ =	swait.ge [sflag:s11], $0x1400  }
0x499: {  	[sflag:s11] =	ssyncset.done $0x0  }
0x49a: {  	s10 =	simm.s32 $0x0;
	[sflag:s11] =	ssyncadd.s32 $0xFFFFEC00  }
0x49b: {  	v1 =	vld [tilespmem:s10+$0x4E50]  }
0x49c: {  	v5 =	vld [tilespmem:s10+$0x4E40]  }
0x49d: {  	v3 =	vld [tilespmem:s10+$0x4E30]  }
0x49e: {  	v2 =	vld [tilespmem:s10+$0x4E20]  }
0x49f: {  	v9 =	vld [tilespmem:s10+$0x6240]  }
0x4a0: {  	v6 =	vld [tilespmem:s10+$0x6250]  }
0x4a1: {  	s1 =	simm.s32 $0x8A20;
	v8 =	vld [tilespmem:s10+$0x6230]  }
0x4a2: {  	v4 =	vld [tilespmem:s1+$0x0]  }
0x4a3: {  	s22 =	simm.s32 $0x100;
	v7 =	vld [tilespmem:s10+$0x6220]  }
.LBB2_24:
0x4a4: {  	p0 =	sne.s32 s22, $0x4F00  }
0x4a5: {  	v9 =	vadd.f32 v5, v9;
	s1 =	sadd.s32 $0x10, s1;
	s23 =	smov.u32 s22;
	s22 =	sadd.s32 $0x100, s22  }
0x4a6: {  	s23 =	sshra.s32 s23, $0x2;
	v6 =	vadd.f32 v1, v6  }
0x4a7: {  	v1 =	vld [tilespmem:s23+$0x4E50];
	v8 =	vadd.f32 v3, v8  }
0x4a8: {  	v5 =	vld [tilespmem:s23+$0x4E40];
	v9 =	vmul.f32 v9, v4;
	v6 =	vmul.f32 v6, v4  }
0x4a9: {  	v3 =	vld [tilespmem:s23+$0x4E30];
	v7 =	vadd.f32 v2, v7;
	v8 =	vmul.f32 v8, v4  }
0x4aa: {  	v2 =	vld [tilespmem:s23+$0x4E20];
	[tilespmem:s10+$0x6240] =	vst v9  }
.Ltmp11:
0x4ab: {  	v9 =	vld [tilespmem:s23+$0x6240];
	v4 =	vmul.f32 v7, v4;
	[tilespmem:s10+$0x6250] =	vst v6;
	(pc) =	sbr.rel @p0 .LBB2_24-.Ltmp11, $4  }
0x4ac: {  	v6 =	vld [tilespmem:s23+$0x6250];
	[tilespmem:s10+$0x6230] =	vst v8  }
0x4ad: {  	v8 =	vld [tilespmem:s23+$0x6230];
	[tilespmem:s10+$0x6220] =	vst v4;
	s10 =	smov.u32 s23  }
0x4ae: {  	v4 =	vld [tilespmem:s1+$0x0]  }
0x4af: {  	v7 =	vld [tilespmem:s10+$0x6220]  }
0x4b0: {  	_ = 	snop  }
0x4b1: {  	v5 =	vadd.f32 v5, v9  }
0x4b2: {  	v1 =	vadd.f32 v1, v6  }
0x4b3: {  	v3 =	vadd.f32 v3, v8;
	v5 =	vmul.f32 v5, v4  }
0x4b4: {  	v1 =	vmul.f32 v1, v4;
	v2 =	vadd.f32 v2, v7  }
0x4b5: {  	v3 =	vmul.f32 v3, v4;
	[tilespmem:s10+$0x6240] =	vst v5  }
0x4b6: {  	[tilespmem:s10+$0x6250] =	vst v1;
	v2 =	vmul.f32 v2, v4  }
0x4b7: {  	[tilespmem:s10+$0x6230] =	vst v3  }
0x4b8: {  	s1 =	simm.s32 $0x0;
	s23 =	rddreg [dreg:$0xf];
	[tilespmem:s10+$0x6220] =	vst v2  }
0x4b9: {  	[hbm4b:s23+s1] =	stream.linear.scatter [tilespmem:s17], [sflag:$0x3], $0x1400, $0x38;
	[tilespmem:$0x1F260] =	vst v63  }
0x4ba: {  	_ =	swait.ge [sflag:s11], $0x1400  }
0x4bb: {  	[sflag:s11] =	ssyncset.done $0x0  }
0x4bc: {  	[sflag:s11] =	ssyncadd.s32 $0xFFFFEC00  }
0x4bd: {  	[tilespmem:s14], [sflag:$0x3] =	stream.linear.gather [spmem:s29], $0x1400, $0x38;
	[tilespmem:$0x1F260] =	vst v63  }
0x4be: {  	_ =	swait.ge [sflag:s11], $0x1400  }
0x4bf: {  	[sflag:s11] =	ssyncset.done $0x0  }
0x4c0: {  	[sflag:s11] =	ssyncadd.s32 $0xFFFFEC00  }
0x4c1: {  	[tilespmem:s17], [sflag:$0x3] =	stream.linear.gather [spmem:s28], $0x1400, $0x38;
	[tilespmem:$0x1F260] =	vst v63  }
0x4c2: {  	_ =	swait.ge [sflag:s11], $0x1400  }
0x4c3: {  	[sflag:s11] =	ssyncset.done $0x0  }
0x4c4: {  	s10 =	simm.s32 $0x0;
	[sflag:s11] =	ssyncadd.s32 $0xFFFFEC00  }
0x4c5: {  	v1 =	vld [tilespmem:s10+$0x4E50]  }
0x4c6: {  	v5 =	vld [tilespmem:s10+$0x4E40]  }
0x4c7: {  	v3 =	vld [tilespmem:s10+$0x4E30]  }
0x4c8: {  	v2 =	vld [tilespmem:s10+$0x4E20]  }
0x4c9: {  	v9 =	vld [tilespmem:s10+$0x6240]  }
0x4ca: {  	v6 =	vld [tilespmem:s10+$0x6250]  }
0x4cb: {  	s1 =	simm.s32 $0x8F20;
	v8 =	vld [tilespmem:s10+$0x6230]  }
0x4cc: {  	v4 =	vld [tilespmem:s1+$0x0]  }
0x4cd: {  	s22 =	simm.s32 $0x100;
	v7 =	vld [tilespmem:s10+$0x6220]  }
.LBB2_26:
0x4ce: {  	p0 =	sne.s32 s22, $0x4F00  }
0x4cf: {  	v9 =	vadd.f32 v5, v9;
	s1 =	sadd.s32 $0x10, s1;
	s23 =	smov.u32 s22;
	s22 =	sadd.s32 $0x100, s22  }
0x4d0: {  	s23 =	sshra.s32 s23, $0x2;
	v6 =	vadd.f32 v1, v6  }
0x4d1: {  	v1 =	vld [tilespmem:s23+$0x4E50];
	v8 =	vadd.f32 v3, v8  }
0x4d2: {  	v5 =	vld [tilespmem:s23+$0x4E40];
	v9 =	vmul.f32 v9, v4;
	v6 =	vmul.f32 v6, v4  }
0x4d3: {  	v3 =	vld [tilespmem:s23+$0x4E30];
	v7 =	vadd.f32 v2, v7;
	v8 =	vmul.f32 v8, v4  }
0x4d4: {  	v2 =	vld [tilespmem:s23+$0x4E20];
	[tilespmem:s10+$0x6240] =	vst v9  }
.Ltmp12:
0x4d5: {  	v9 =	vld [tilespmem:s23+$0x6240];
	v4 =	vmul.f32 v7, v4;
	[tilespmem:s10+$0x6250] =	vst v6;
	(pc) =	sbr.rel @p0 .LBB2_26-.Ltmp12, $4  }
0x4d6: {  	v6 =	vld [tilespmem:s23+$0x6250];
	[tilespmem:s10+$0x6230] =	vst v8  }
0x4d7: {  	v8 =	vld [tilespmem:s23+$0x6230];
	[tilespmem:s10+$0x6220] =	vst v4;
	s10 =	smov.u32 s23  }
0x4d8: {  	v4 =	vld [tilespmem:s1+$0x0]  }
0x4d9: {  	v7 =	vld [tilespmem:s10+$0x6220]  }
0x4da: {  	_ = 	snop  }
0x4db: {  	v5 =	vadd.f32 v5, v9  }
0x4dc: {  	v1 =	vadd.f32 v1, v6  }
0x4dd: {  	v3 =	vadd.f32 v3, v8;
	v5 =	vmul.f32 v5, v4  }
0x4de: {  	v1 =	vmul.f32 v1, v4;
	v2 =	vadd.f32 v2, v7  }
0x4df: {  	v3 =	vmul.f32 v3, v4;
	[tilespmem:s10+$0x6240] =	vst v5  }
0x4e0: {  	[tilespmem:s10+$0x6250] =	vst v1;
	v2 =	vmul.f32 v2, v4  }
0x4e1: {  	[tilespmem:s10+$0x6230] =	vst v3  }
0x4e2: {  	s1 =	simm.s32 $0x0;
	s23 =	rddreg [dreg:$0x10];
	[tilespmem:s10+$0x6220] =	vst v2  }
0x4e3: {  	[hbm4b:s23+s1] =	stream.linear.scatter [tilespmem:s17], [sflag:$0x3], $0x1400, $0x38;
	[tilespmem:$0x1F260] =	vst v63  }
0x4e4: {  	_ =	swait.ge [sflag:s11], $0x1400  }
0x4e5: {  	[sflag:s11] =	ssyncset.done $0x0  }
0x4e6: {  	[sflag:s11] =	ssyncadd.s32 $0xFFFFEC00  }
0x4e7: {  	[tilespmem:s14], [sflag:$0x3] =	stream.linear.gather [spmem:s31], $0x1400, $0x38;
	[tilespmem:$0x1F260] =	vst v63  }
0x4e8: {  	_ =	swait.ge [sflag:s11], $0x1400  }
0x4e9: {  	[sflag:s11] =	ssyncset.done $0x0  }
0x4ea: {  	[sflag:s11] =	ssyncadd.s32 $0xFFFFEC00  }
0x4eb: {  	[tilespmem:s17], [sflag:$0x3] =	stream.linear.gather [spmem:s30], $0x1400, $0x38;
	[tilespmem:$0x1F260] =	vst v63  }
0x4ec: {  	_ =	swait.ge [sflag:s11], $0x1400  }
0x4ed: {  	[sflag:s11] =	ssyncset.done $0x0  }
0x4ee: {  	s10 =	simm.s32 $0x0;
	[sflag:s11] =	ssyncadd.s32 $0xFFFFEC00  }
0x4ef: {  	v1 =	vld [tilespmem:s10+$0x4E50]  }
0x4f0: {  	v5 =	vld [tilespmem:s10+$0x4E40]  }
0x4f1: {  	v3 =	vld [tilespmem:s10+$0x4E30]  }
0x4f2: {  	v2 =	vld [tilespmem:s10+$0x4E20]  }
0x4f3: {  	v9 =	vld [tilespmem:s10+$0x6240]  }
0x4f4: {  	v6 =	vld [tilespmem:s10+$0x6250]  }
0x4f5: {  	s1 =	simm.s32 $0x9420;
	v8 =	vld [tilespmem:s10+$0x6230]  }
0x4f6: {  	v4 =	vld [tilespmem:s1+$0x0]  }
0x4f7: {  	s22 =	simm.s32 $0x100;
	v7 =	vld [tilespmem:s10+$0x6220]  }
.LBB2_28:
0x4f8: {  	p0 =	sne.s32 s22, $0x4F00  }
0x4f9: {  	v9 =	vadd.f32 v5, v9;
	s1 =	sadd.s32 $0x10, s1;
	s23 =	smov.u32 s22;
	s22 =	sadd.s32 $0x100, s22  }
0x4fa: {  	s23 =	sshra.s32 s23, $0x2;
	v6 =	vadd.f32 v1, v6  }
0x4fb: {  	v1 =	vld [tilespmem:s23+$0x4E50];
	v8 =	vadd.f32 v3, v8  }
0x4fc: {  	v5 =	vld [tilespmem:s23+$0x4E40];
	v9 =	vmul.f32 v9, v4;
	v6 =	vmul.f32 v6, v4  }
0x4fd: {  	v3 =	vld [tilespmem:s23+$0x4E30];
	v7 =	vadd.f32 v2, v7;
	v8 =	vmul.f32 v8, v4  }
0x4fe: {  	v2 =	vld [tilespmem:s23+$0x4E20];
	[tilespmem:s10+$0x6240] =	vst v9  }
.Ltmp13:
0x4ff: {  	v9 =	vld [tilespmem:s23+$0x6240];
	v4 =	vmul.f32 v7, v4;
	[tilespmem:s10+$0x6250] =	vst v6;
	(pc) =	sbr.rel @p0 .LBB2_28-.Ltmp13, $4  }
0x500: {  	v6 =	vld [tilespmem:s23+$0x6250];
	[tilespmem:s10+$0x6230] =	vst v8  }
0x501: {  	v8 =	vld [tilespmem:s23+$0x6230];
	[tilespmem:s10+$0x6220] =	vst v4;
	s10 =	smov.u32 s23  }
0x502: {  	v4 =	vld [tilespmem:s1+$0x0]  }
0x503: {  	v7 =	vld [tilespmem:s10+$0x6220]  }
0x504: {  	_ = 	snop  }
0x505: {  	v5 =	vadd.f32 v5, v9  }
0x506: {  	v1 =	vadd.f32 v1, v6  }
0x507: {  	v3 =	vadd.f32 v3, v8;
	v5 =	vmul.f32 v5, v4  }
0x508: {  	v1 =	vmul.f32 v1, v4;
	v2 =	vadd.f32 v2, v7  }
0x509: {  	v3 =	vmul.f32 v3, v4;
	[tilespmem:s10+$0x6240] =	vst v5  }
0x50a: {  	[tilespmem:s10+$0x6250] =	vst v1;
	v2 =	vmul.f32 v2, v4  }
0x50b: {  	[tilespmem:s10+$0x6230] =	vst v3  }
0x50c: {  	s1 =	simm.s32 $0x0;
	s23 =	rddreg [dreg:$0x11];
	[tilespmem:s10+$0x6220] =	vst v2  }
0x50d: {  	[hbm4b:s23+s1] =	stream.linear.scatter [tilespmem:s17], [sflag:$0x3], $0x1400, $0x38;
	[tilespmem:$0x1F260] =	vst v63  }
0x50e: {  	_ =	swait.ge [sflag:s11], $0x1400  }
0x50f: {  	[sflag:s11] =	ssyncset.done $0x0  }
0x510: {  	[sflag:s11] =	ssyncadd.s32 $0xFFFFEC00  }
0x511: {  	[tilespmem:s14], [sflag:$0x3] =	stream.linear.gather [spmem:s0], $0x1400, $0x38;
	[tilespmem:$0x1F260] =	vst v63  }
0x512: {  	_ =	swait.ge [sflag:s11], $0x1400  }
0x513: {  	[sflag:s11] =	ssyncset.done $0x0  }
0x514: {  	[sflag:s11] =	ssyncadd.s32 $0xFFFFEC00  }
0x515: {  	[tilespmem:s17], [sflag:$0x3] =	stream.linear.gather [spmem:s15], $0x1400, $0x38;
	[tilespmem:$0x1F260] =	vst v63  }
0x516: {  	_ =	swait.ge [sflag:s11], $0x1400  }
0x517: {  	[sflag:s11] =	ssyncset.done $0x0  }
0x518: {  	s10 =	simm.s32 $0x0;
	[sflag:s11] =	ssyncadd.s32 $0xFFFFEC00  }
0x519: {  	v1 =	vld [tilespmem:s10+$0x4E50]  }
0x51a: {  	v5 =	vld [tilespmem:s10+$0x4E40]  }
0x51b: {  	v3 =	vld [tilespmem:s10+$0x4E30]  }
0x51c: {  	v2 =	vld [tilespmem:s10+$0x4E20]  }
0x51d: {  	v9 =	vld [tilespmem:s10+$0x6240]  }
0x51e: {  	v6 =	vld [tilespmem:s10+$0x6250]  }
0x51f: {  	s1 =	simm.s32 $0x9920;
	v8 =	vld [tilespmem:s10+$0x6230]  }
0x520: {  	v4 =	vld [tilespmem:s1+$0x0]  }
0x521: {  	s22 =	simm.s32 $0x100;
	v7 =	vld [tilespmem:s10+$0x6220]  }
.LBB2_30:
0x522: {  	p0 =	sne.s32 s22, $0x4F00  }
0x523: {  	v9 =	vadd.f32 v5, v9;
	s1 =	sadd.s32 $0x10, s1;
	s23 =	smov.u32 s22;
	s22 =	sadd.s32 $0x100, s22  }
0x524: {  	s23 =	sshra.s32 s23, $0x2;
	v6 =	vadd.f32 v1, v6  }
0x525: {  	v1 =	vld [tilespmem:s23+$0x4E50];
	v8 =	vadd.f32 v3, v8  }
0x526: {  	v5 =	vld [tilespmem:s23+$0x4E40];
	v9 =	vmul.f32 v9, v4;
	v6 =	vmul.f32 v6, v4  }
0x527: {  	v3 =	vld [tilespmem:s23+$0x4E30];
	v7 =	vadd.f32 v2, v7;
	v8 =	vmul.f32 v8, v4  }
0x528: {  	v2 =	vld [tilespmem:s23+$0x4E20];
	[tilespmem:s10+$0x6240] =	vst v9  }
.Ltmp14:
0x529: {  	v9 =	vld [tilespmem:s23+$0x6240];
	v4 =	vmul.f32 v7, v4;
	[tilespmem:s10+$0x6250] =	vst v6;
	(pc) =	sbr.rel @p0 .LBB2_30-.Ltmp14, $4  }
0x52a: {  	v6 =	vld [tilespmem:s23+$0x6250];
	[tilespmem:s10+$0x6230] =	vst v8  }
0x52b: {  	v8 =	vld [tilespmem:s23+$0x6230];
	[tilespmem:s10+$0x6220] =	vst v4;
	s10 =	smov.u32 s23  }
0x52c: {  	v4 =	vld [tilespmem:s1+$0x0]  }
0x52d: {  	v7 =	vld [tilespmem:s10+$0x6220]  }
0x52e: {  	_ = 	snop  }
0x52f: {  	v5 =	vadd.f32 v5, v9  }
0x530: {  	v1 =	vadd.f32 v1, v6  }
0x531: {  	v3 =	vadd.f32 v3, v8;
	v5 =	vmul.f32 v5, v4  }
0x532: {  	v1 =	vmul.f32 v1, v4;
	v2 =	vadd.f32 v2, v7  }
0x533: {  	v3 =	vmul.f32 v3, v4;
	[tilespmem:s10+$0x6240] =	vst v5  }
0x534: {  	[tilespmem:s10+$0x6250] =	vst v1;
	v2 =	vmul.f32 v2, v4  }
0x535: {  	[tilespmem:s10+$0x6230] =	vst v3  }
0x536: {  	s1 =	simm.s32 $0x0;
	s23 =	rddreg [dreg:$0x12];
	[tilespmem:s10+$0x6220] =	vst v2  }
0x537: {  	[hbm4b:s23+s1] =	stream.linear.scatter [tilespmem:s17], [sflag:$0x3], $0x1400, $0x38;
	[tilespmem:$0x1F260] =	vst v63  }
0x538: {  	_ =	swait.ge [sflag:s11], $0x1400  }
0x539: {  	[sflag:s11] =	ssyncset.done $0x0  }
0x53a: {  	[sflag:s11] =	ssyncadd.s32 $0xFFFFEC00  }
0x53b: {  	[tilespmem:s14], [sflag:$0x3] =	stream.linear.gather [spmem:s3], $0x1400, $0x38;
	[tilespmem:$0x1F260] =	vst v63  }
0x53c: {  	_ =	swait.ge [sflag:s11], $0x1400  }
0x53d: {  	[sflag:s11] =	ssyncset.done $0x0  }
0x53e: {  	[sflag:s11] =	ssyncadd.s32 $0xFFFFEC00  }
0x53f: {  	[tilespmem:s17], [sflag:$0x3] =	stream.linear.gather [spmem:s2], $0x1400, $0x38;
	[tilespmem:$0x1F260] =	vst v63  }
0x540: {  	_ =	swait.ge [sflag:s11], $0x1400  }
0x541: {  	[sflag:s11] =	ssyncset.done $0x0  }
0x542: {  	s10 =	simm.s32 $0x0;
	[sflag:s11] =	ssyncadd.s32 $0xFFFFEC00  }
0x543: {  	v1 =	vld [tilespmem:s10+$0x4E50]  }
0x544: {  	v5 =	vld [tilespmem:s10+$0x4E40]  }
0x545: {  	v3 =	vld [tilespmem:s10+$0x4E30]  }
0x546: {  	v2 =	vld [tilespmem:s10+$0x4E20]  }
0x547: {  	v9 =	vld [tilespmem:s10+$0x6240]  }
0x548: {  	v6 =	vld [tilespmem:s10+$0x6250]  }
0x549: {  	s1 =	simm.s32 $0x9E20;
	v8 =	vld [tilespmem:s10+$0x6230]  }
0x54a: {  	v4 =	vld [tilespmem:s1+$0x0]  }
0x54b: {  	s22 =	simm.s32 $0x100;
	v7 =	vld [tilespmem:s10+$0x6220]  }
.LBB2_32:
0x54c: {  	p0 =	sne.s32 s22, $0x4F00  }
0x54d: {  	v9 =	vadd.f32 v5, v9;
	s1 =	sadd.s32 $0x10, s1;
	s23 =	smov.u32 s22;
	s22 =	sadd.s32 $0x100, s22  }
0x54e: {  	s23 =	sshra.s32 s23, $0x2;
	v6 =	vadd.f32 v1, v6  }
0x54f: {  	v1 =	vld [tilespmem:s23+$0x4E50];
	v8 =	vadd.f32 v3, v8  }
0x550: {  	v5 =	vld [tilespmem:s23+$0x4E40];
	v9 =	vmul.f32 v9, v4;
	v6 =	vmul.f32 v6, v4  }
0x551: {  	v3 =	vld [tilespmem:s23+$0x4E30];
	v7 =	vadd.f32 v2, v7;
	v8 =	vmul.f32 v8, v4  }
0x552: {  	v2 =	vld [tilespmem:s23+$0x4E20];
	[tilespmem:s10+$0x6240] =	vst v9  }
.Ltmp15:
0x553: {  	v9 =	vld [tilespmem:s23+$0x6240];
	v4 =	vmul.f32 v7, v4;
	[tilespmem:s10+$0x6250] =	vst v6;
	(pc) =	sbr.rel @p0 .LBB2_32-.Ltmp15, $4  }
0x554: {  	v6 =	vld [tilespmem:s23+$0x6250];
	[tilespmem:s10+$0x6230] =	vst v8  }
0x555: {  	v8 =	vld [tilespmem:s23+$0x6230];
	[tilespmem:s10+$0x6220] =	vst v4;
	s10 =	smov.u32 s23  }
0x556: {  	v4 =	vld [tilespmem:s1+$0x0]  }
0x557: {  	v7 =	vld [tilespmem:s10+$0x6220]  }
0x558: {  	_ = 	snop  }
0x559: {  	v5 =	vadd.f32 v5, v9  }
0x55a: {  	v1 =	vadd.f32 v1, v6  }
0x55b: {  	v3 =	vadd.f32 v3, v8;
	v5 =	vmul.f32 v5, v4  }
0x55c: {  	v1 =	vmul.f32 v1, v4;
	v2 =	vadd.f32 v2, v7  }
0x55d: {  	v3 =	vmul.f32 v3, v4;
	[tilespmem:s10+$0x6240] =	vst v5  }
0x55e: {  	[tilespmem:s10+$0x6250] =	vst v1;
	v2 =	vmul.f32 v2, v4  }
0x55f: {  	[tilespmem:s10+$0x6230] =	vst v3  }
0x560: {  	s1 =	simm.s32 $0x0;
	s23 =	rddreg [dreg:$0x13];
	[tilespmem:s10+$0x6220] =	vst v2  }
0x561: {  	[hbm4b:s23+s1] =	stream.linear.scatter [tilespmem:s17], [sflag:$0x3], $0x1400, $0x38;
	[tilespmem:$0x1F260] =	vst v63  }
0x562: {  	_ =	swait.ge [sflag:s11], $0x1400  }
0x563: {  	[sflag:s11] =	ssyncset.done $0x0  }
0x564: {  	[sflag:s11] =	ssyncadd.s32 $0xFFFFEC00  }
0x565: {  	[tilespmem:s14], [sflag:$0x3] =	stream.linear.gather [spmem:s5], $0x1400, $0x38;
	[tilespmem:$0x1F260] =	vst v63  }
0x566: {  	_ =	swait.ge [sflag:s11], $0x1400  }
0x567: {  	[sflag:s11] =	ssyncset.done $0x0  }
0x568: {  	[sflag:s11] =	ssyncadd.s32 $0xFFFFEC00  }
0x569: {  	[tilespmem:s17], [sflag:$0x3] =	stream.linear.gather [spmem:s4], $0x1400, $0x38;
	[tilespmem:$0x1F260] =	vst v63  }
0x56a: {  	_ =	swait.ge [sflag:s11], $0x1400  }
0x56b: {  	[sflag:s11] =	ssyncset.done $0x0  }
0x56c: {  	s10 =	simm.s32 $0x0;
	[sflag:s11] =	ssyncadd.s32 $0xFFFFEC00  }
0x56d: {  	v1 =	vld [tilespmem:s10+$0x4E50]  }
0x56e: {  	v5 =	vld [tilespmem:s10+$0x4E40]  }
0x56f: {  	v3 =	vld [tilespmem:s10+$0x4E30]  }
0x570: {  	v2 =	vld [tilespmem:s10+$0x4E20]  }
0x571: {  	v9 =	vld [tilespmem:s10+$0x6240]  }
0x572: {  	v6 =	vld [tilespmem:s10+$0x6250]  }
0x573: {  	s1 =	simm.s32 $0xA320;
	v8 =	vld [tilespmem:s10+$0x6230]  }
0x574: {  	v4 =	vld [tilespmem:s1+$0x0]  }
0x575: {  	s22 =	simm.s32 $0x100;
	v7 =	vld [tilespmem:s10+$0x6220]  }
.LBB2_34:
0x576: {  	p0 =	sne.s32 s22, $0x4F00  }
0x577: {  	v9 =	vadd.f32 v5, v9;
	s1 =	sadd.s32 $0x10, s1;
	s23 =	smov.u32 s22;
	s22 =	sadd.s32 $0x100, s22  }
0x578: {  	s23 =	sshra.s32 s23, $0x2;
	v6 =	vadd.f32 v1, v6  }
0x579: {  	v1 =	vld [tilespmem:s23+$0x4E50];
	v8 =	vadd.f32 v3, v8  }
0x57a: {  	v5 =	vld [tilespmem:s23+$0x4E40];
	v9 =	vmul.f32 v9, v4;
	v6 =	vmul.f32 v6, v4  }
0x57b: {  	v3 =	vld [tilespmem:s23+$0x4E30];
	v7 =	vadd.f32 v2, v7;
	v8 =	vmul.f32 v8, v4  }
0x57c: {  	v2 =	vld [tilespmem:s23+$0x4E20];
	[tilespmem:s10+$0x6240] =	vst v9  }
.Ltmp16:
0x57d: {  	v9 =	vld [tilespmem:s23+$0x6240];
	v4 =	vmul.f32 v7, v4;
	[tilespmem:s10+$0x6250] =	vst v6;
	(pc) =	sbr.rel @p0 .LBB2_34-.Ltmp16, $4  }
0x57e: {  	v6 =	vld [tilespmem:s23+$0x6250];
	[tilespmem:s10+$0x6230] =	vst v8  }
0x57f: {  	v8 =	vld [tilespmem:s23+$0x6230];
	[tilespmem:s10+$0x6220] =	vst v4;
	s10 =	smov.u32 s23  }
0x580: {  	v4 =	vld [tilespmem:s1+$0x0]  }
0x581: {  	v7 =	vld [tilespmem:s10+$0x6220]  }
0x582: {  	_ = 	snop  }
0x583: {  	v5 =	vadd.f32 v5, v9  }
0x584: {  	v1 =	vadd.f32 v1, v6  }
0x585: {  	v3 =	vadd.f32 v3, v8;
	v5 =	vmul.f32 v5, v4  }
0x586: {  	v1 =	vmul.f32 v1, v4;
	v2 =	vadd.f32 v2, v7  }
0x587: {  	v3 =	vmul.f32 v3, v4;
	[tilespmem:s10+$0x6240] =	vst v5  }
0x588: {  	[tilespmem:s10+$0x6250] =	vst v1;
	v2 =	vmul.f32 v2, v4  }
0x589: {  	[tilespmem:s10+$0x6230] =	vst v3  }
0x58a: {  	s1 =	simm.s32 $0x0;
	s23 =	rddreg [dreg:$0x14];
	[tilespmem:s10+$0x6220] =	vst v2  }
0x58b: {  	[hbm4b:s23+s1] =	stream.linear.scatter [tilespmem:s17], [sflag:$0x3], $0x1400, $0x38;
	[tilespmem:$0x1F260] =	vst v63  }
0x58c: {  	_ =	swait.ge [sflag:s11], $0x1400  }
0x58d: {  	[sflag:s11] =	ssyncset.done $0x0  }
0x58e: {  	[sflag:s11] =	ssyncadd.s32 $0xFFFFEC00  }
0x58f: {  	[tilespmem:s14], [sflag:$0x3] =	stream.linear.gather [spmem:s7], $0x1400, $0x38;
	[tilespmem:$0x1F260] =	vst v63  }
0x590: {  	_ =	swait.ge [sflag:s11], $0x1400  }
0x591: {  	[sflag:s11] =	ssyncset.done $0x0  }
0x592: {  	[sflag:s11] =	ssyncadd.s32 $0xFFFFEC00  }
0x593: {  	[tilespmem:s17], [sflag:$0x3] =	stream.linear.gather [spmem:s6], $0x1400, $0x38;
	[tilespmem:$0x1F260] =	vst v63  }
0x594: {  	_ =	swait.ge [sflag:s11], $0x1400  }
0x595: {  	[sflag:s11] =	ssyncset.done $0x0  }
0x596: {  	s10 =	simm.s32 $0x0;
	[sflag:s11] =	ssyncadd.s32 $0xFFFFEC00  }
0x597: {  	v1 =	vld [tilespmem:s10+$0x4E50]  }
0x598: {  	v5 =	vld [tilespmem:s10+$0x4E40]  }
0x599: {  	v3 =	vld [tilespmem:s10+$0x4E30]  }
0x59a: {  	v2 =	vld [tilespmem:s10+$0x4E20]  }
0x59b: {  	v9 =	vld [tilespmem:s10+$0x6240]  }
0x59c: {  	v6 =	vld [tilespmem:s10+$0x6250]  }
0x59d: {  	s1 =	simm.s32 $0xA820;
	v8 =	vld [tilespmem:s10+$0x6230]  }
0x59e: {  	v4 =	vld [tilespmem:s1+$0x0]  }
0x59f: {  	s22 =	simm.s32 $0x100;
	v7 =	vld [tilespmem:s10+$0x6220]  }
.LBB2_36:
0x5a0: {  	p0 =	sne.s32 s22, $0x4F00  }
0x5a1: {  	v9 =	vadd.f32 v5, v9;
	s1 =	sadd.s32 $0x10, s1;
	s23 =	smov.u32 s22;
	s22 =	sadd.s32 $0x100, s22  }
0x5a2: {  	s23 =	sshra.s32 s23, $0x2;
	v6 =	vadd.f32 v1, v6  }
0x5a3: {  	v1 =	vld [tilespmem:s23+$0x4E50];
	v8 =	vadd.f32 v3, v8  }
0x5a4: {  	v5 =	vld [tilespmem:s23+$0x4E40];
	v9 =	vmul.f32 v9, v4;
	v6 =	vmul.f32 v6, v4  }
0x5a5: {  	v3 =	vld [tilespmem:s23+$0x4E30];
	v7 =	vadd.f32 v2, v7;
	v8 =	vmul.f32 v8, v4  }
0x5a6: {  	v2 =	vld [tilespmem:s23+$0x4E20];
	[tilespmem:s10+$0x6240] =	vst v9  }
.Ltmp17:
0x5a7: {  	v9 =	vld [tilespmem:s23+$0x6240];
	v4 =	vmul.f32 v7, v4;
	[tilespmem:s10+$0x6250] =	vst v6;
	(pc) =	sbr.rel @p0 .LBB2_36-.Ltmp17, $4  }
0x5a8: {  	v6 =	vld [tilespmem:s23+$0x6250];
	[tilespmem:s10+$0x6230] =	vst v8  }
0x5a9: {  	v8 =	vld [tilespmem:s23+$0x6230];
	[tilespmem:s10+$0x6220] =	vst v4;
	s10 =	smov.u32 s23  }
0x5aa: {  	v4 =	vld [tilespmem:s1+$0x0]  }
0x5ab: {  	v7 =	vld [tilespmem:s10+$0x6220]  }
0x5ac: {  	_ = 	snop  }
0x5ad: {  	v5 =	vadd.f32 v5, v9  }
0x5ae: {  	v1 =	vadd.f32 v1, v6  }
0x5af: {  	v3 =	vadd.f32 v3, v8;
	v5 =	vmul.f32 v5, v4  }
0x5b0: {  	v1 =	vmul.f32 v1, v4;
	v2 =	vadd.f32 v2, v7  }
0x5b1: {  	v3 =	vmul.f32 v3, v4;
	[tilespmem:s10+$0x6240] =	vst v5  }
0x5b2: {  	[tilespmem:s10+$0x6250] =	vst v1;
	v2 =	vmul.f32 v2, v4  }
0x5b3: {  	[tilespmem:s10+$0x6230] =	vst v3  }
0x5b4: {  	s1 =	simm.s32 $0x0;
	s23 =	rddreg [dreg:$0x15];
	[tilespmem:s10+$0x6220] =	vst v2  }
0x5b5: {  	[hbm4b:s23+s1] =	stream.linear.scatter [tilespmem:s17], [sflag:$0x3], $0x1400, $0x38;
	[tilespmem:$0x1F260] =	vst v63  }
0x5b6: {  	_ =	swait.ge [sflag:s11], $0x1400  }
0x5b7: {  	[sflag:s11] =	ssyncset.done $0x0  }
0x5b8: {  	[sflag:s11] =	ssyncadd.s32 $0xFFFFEC00  }
0x5b9: {  	[tilespmem:s14], [sflag:$0x3] =	stream.linear.gather [spmem:s9], $0x1400, $0x38;
	[tilespmem:$0x1F260] =	vst v63  }
0x5ba: {  	_ =	swait.ge [sflag:s11], $0x1400  }
0x5bb: {  	[sflag:s11] =	ssyncset.done $0x0  }
0x5bc: {  	[sflag:s11] =	ssyncadd.s32 $0xFFFFEC00  }
0x5bd: {  	[tilespmem:s17], [sflag:$0x3] =	stream.linear.gather [spmem:s8], $0x1400, $0x38;
	[tilespmem:$0x1F260] =	vst v63  }
0x5be: {  	_ =	swait.ge [sflag:s11], $0x1400  }
0x5bf: {  	[sflag:s11] =	ssyncset.done $0x0  }
0x5c0: {  	s10 =	simm.s32 $0x0;
	[sflag:s11] =	ssyncadd.s32 $0xFFFFEC00  }
0x5c1: {  	v1 =	vld [tilespmem:s10+$0x4E50]  }
0x5c2: {  	v5 =	vld [tilespmem:s10+$0x4E40]  }
0x5c3: {  	v3 =	vld [tilespmem:s10+$0x4E30]  }
0x5c4: {  	v2 =	vld [tilespmem:s10+$0x4E20]  }
0x5c5: {  	v9 =	vld [tilespmem:s10+$0x6240]  }
0x5c6: {  	v6 =	vld [tilespmem:s10+$0x6250]  }
0x5c7: {  	s1 =	simm.s32 $0xAD20;
	v8 =	vld [tilespmem:s10+$0x6230]  }
0x5c8: {  	v4 =	vld [tilespmem:s1+$0x0]  }
0x5c9: {  	s22 =	simm.s32 $0x100;
	v7 =	vld [tilespmem:s10+$0x6220]  }
.LBB2_38:
0x5ca: {  	p0 =	sne.s32 s22, $0x4F00  }
0x5cb: {  	v9 =	vadd.f32 v5, v9;
	s1 =	sadd.s32 $0x10, s1;
	s23 =	smov.u32 s22;
	s22 =	sadd.s32 $0x100, s22  }
0x5cc: {  	s23 =	sshra.s32 s23, $0x2;
	v6 =	vadd.f32 v1, v6  }
0x5cd: {  	v1 =	vld [tilespmem:s23+$0x4E50];
	v8 =	vadd.f32 v3, v8  }
0x5ce: {  	v5 =	vld [tilespmem:s23+$0x4E40];
	v9 =	vmul.f32 v9, v4;
	v6 =	vmul.f32 v6, v4  }
0x5cf: {  	v3 =	vld [tilespmem:s23+$0x4E30];
	v7 =	vadd.f32 v2, v7;
	v8 =	vmul.f32 v8, v4  }
0x5d0: {  	v2 =	vld [tilespmem:s23+$0x4E20];
	[tilespmem:s10+$0x6240] =	vst v9  }
.Ltmp18:
0x5d1: {  	v9 =	vld [tilespmem:s23+$0x6240];
	v4 =	vmul.f32 v7, v4;
	[tilespmem:s10+$0x6250] =	vst v6;
	(pc) =	sbr.rel @p0 .LBB2_38-.Ltmp18, $4  }
0x5d2: {  	v6 =	vld [tilespmem:s23+$0x6250];
	[tilespmem:s10+$0x6230] =	vst v8  }
0x5d3: {  	v8 =	vld [tilespmem:s23+$0x6230];
	[tilespmem:s10+$0x6220] =	vst v4;
	s10 =	smov.u32 s23  }
0x5d4: {  	v4 =	vld [tilespmem:s1+$0x0]  }
0x5d5: {  	v7 =	vld [tilespmem:s10+$0x6220]  }
0x5d6: {  	_ = 	snop  }
0x5d7: {  	v5 =	vadd.f32 v5, v9  }
0x5d8: {  	v1 =	vadd.f32 v1, v6  }
0x5d9: {  	v3 =	vadd.f32 v3, v8;
	v5 =	vmul.f32 v5, v4  }
0x5da: {  	v1 =	vmul.f32 v1, v4;
	v2 =	vadd.f32 v2, v7  }
0x5db: {  	v3 =	vmul.f32 v3, v4;
	[tilespmem:s10+$0x6240] =	vst v5  }
0x5dc: {  	[tilespmem:s10+$0x6250] =	vst v1;
	v2 =	vmul.f32 v2, v4  }
0x5dd: {  	[tilespmem:s10+$0x6230] =	vst v3  }
0x5de: {  	s23 =	simm.s32 $0x0;
	s1 =	rddreg [dreg:$0x16];
	[tilespmem:s10+$0x6220] =	vst v2  }
0x5df: {  	[hbm4b:s1+s23] =	stream.linear.scatter [tilespmem:s17], [sflag:$0x3], $0x1400, $0x38;
	[tilespmem:$0x1F260] =	vst v63  }
0x5e0: {  	_ =	swait.ge [sflag:s11], $0x1400  }
0x5e1: {  	s21 =	sadd.s32 $0x1, s21;
	s22 =	rddreg [dreg:$0x1a]  }
0x5e2: {  	p0 =	sne.s32 s21, s22  }
.Ltmp19:
0x5e3: {  	_ = 	snop;
	(pc) =	sbr.rel @p0 .LBB2_1-.Ltmp19, $3  }
0x5e4: {  	_ =	sdelay $0x1  }
0x5e5: {  	[sflag:s11] =	ssyncset.done $0x0  }
0x5e6: {  	[sflag:s11] =	ssyncadd.s32 $0xFFFFEC00  }
0x5e7: {  	_ =	sfence.sel $0x180000  }
0x5e8: {  	[bflag:$0x0] =	sbarrier.arrive $0xFFFF  }
0x5e9: {  	_ =	strace $0x9000004A  }
0x5ea: {  	s0 =	stileid.u32;
	[bflag:$0x2] =	sbarrier.arrive $0xFFFF  }
0x5eb: {  	p0 =	sne.s32 s0, $0x0;
	s0 =	rddreg [dreg:$0x5]  }
0x5ec: {  	s0 =	sadd.s32 @!p0 $0x100000, s0  }
0x5ed: {  	[sflag:s0] =	ssyncadd.tile.s32 @!p0 $0x1;
	_ =	shalt  }
.Lfunc_end2:
_tile_overlayer_lowered:
.L_overlay_start_2:
0x5ee: {  	(tag) =	ssettag $0x2  }
0x5ef: {  	s0 =	rddreg [dreg:$0x0];
	s2 =	stileid.u32  }
0x5f0: {  	s1 =	rddreg [dreg:$0x1];
	p0 =	sne.s32 s2, $0x0  }
0x5f1: {  	s3 =	rddreg [dreg:$0x2];
	[bflag:$0x3] =	sbarrier.arrive $0xFFFF;
	s2 =	simm.s32 @!p0 $0x1C03  }
0x5f2: {  	[timem:s3], [sflag:s2] =	dma.local @!p0 [hbm:s0], s1  }
0x5f3: {  	s0 =	simm.s32 @!p0 $0x3  }
0x5f4: {  	_ =	swait.ge @!p0 [sflag:s0], s1  }
0x5f5: {  	s1 =	ssub.s32 @!p0 $0x0, s1;
	[sflag:s0] =	ssyncset.done @!p0 $0x0  }
0x5f6: {  	[sflag:s0] =	ssyncadd.s32 @!p0 s1  }
0x5f7: {  	[bflag:$0x3] =	sbarrier.arrive $0xFFFF  }
0x5f8: {  	_ =	shalt  }

</sc_bundles>
